<compile_context>
chip_gen: v7x
topology: tpu7x:2x2x1
jax: 0.10.2.dev20260603
libtpu: 0.0.44.dev20260713+nightly
codegen_flags: <defaults>
</compile_context>

<pallas_src>
import functools

import jax
import jax.numpy as jnp
from jax import lax
from jax.experimental import pallas as pl
from jax.experimental.pallas import tpu as pltpu
from jax.experimental.pallas import tpu_sc as plsc

N = 10000
E = 160000
D = 128
R = 16
G = 256
H = 3 * D

NC = 2
NS = 16
NW = NC * NS
C = 128
E_PAD = 163840
EW = E_PAD // NW
NCH = EW // C
N_PAD = 10240




def _bn_body(x_ref, w_ref, b_ref, o_ref):
    x = x_ref[...]
    mu = jnp.mean(x, axis=0, keepdims=True)
    var = jnp.mean(jnp.square(x - mu), axis=0, keepdims=True)
    o_ref[...] = (x - mu) * jax.lax.rsqrt(var + 1e-5) * w_ref[...] + b_ref[...]


def _batchnorm(x, w, b):
    n, d = x.shape
    return pl.pallas_call(
        _bn_body,
        out_shape=jax.ShapeDtypeStruct((n, d), jnp.float32),
    )(x, w.reshape(1, d), b.reshape(1, d))


def _transform_body(h_ref, w_ref, o_ref):
    o_ref[0, ...] = jax.lax.dot_general(
        h_ref[...], w_ref[0, ...], (((1,), (1,)), ((), ())),
        preferred_element_type=jnp.float32)


def _transform(h, W_r):
    NB = 10
    nb = N // NB
    return pl.pallas_call(
        _transform_body,
        grid=(R, NB),
        in_specs=[
            pl.BlockSpec((nb, D), lambda r, i: (i, 0)),
            pl.BlockSpec((1, D, D), lambda r, i: (r, 0, 0)),
        ],
        out_specs=pl.BlockSpec((1, nb, D), lambda r, i: (r, i, 0)),
        out_shape=jax.ShapeDtypeStruct((R, N, D), jnp.float32),
    )(h, W_r)


def _score_body(hs_ref, hd_ref, rel_ref, dst_ref, emb_ref,
                s_ref, v_ref, bidx_ref):
    rel = rel_ref[0, ...]
    onehot = (rel[:, None] == lax.broadcasted_iota(jnp.int32, (1, R), 1)
              ).astype(jnp.float32)
    e_r = jax.lax.dot_general(onehot, emb_ref[...], (((1,), (0,)), ((), ())),
                              preferred_element_type=jnp.float32,
                              precision=lax.Precision.HIGHEST)
    t = jnp.tanh(hs_ref[...] + e_r)
    s = jnp.sum(hd_ref[...] * t, axis=1)
    eb = s_ref.shape[1]
    i = pl.program_id(0)
    gidx = i * eb + lax.broadcasted_iota(jnp.int32, (1, eb), 1)[0]
    s = jnp.where(gidx < E, s, -1e30)
    s_ref[0, ...] = s
    k2 = s * 1.4426950408889634
    b = jnp.clip(jnp.floor(k2 * 0.03125), -8.0, 7.0)
    v_ref[0, ...] = jnp.exp2(k2 - 32.0 * b)
    bidx_ref[0, ...] = (b.astype(jnp.int32) + 8) * N + dst_ref[0, ...]


def _scores(h_src, h_dst, rel_p, dst_p, rel_emb):
    EB = 32
    eb = E_PAD // EB
    s, v, bidx = pl.pallas_call(
        _score_body,
        grid=(EB,),
        in_specs=[
            pl.BlockSpec((eb, D), lambda i: (i, 0)),
            pl.BlockSpec((eb, D), lambda i: (i, 0)),
            pl.BlockSpec((1, eb), lambda i: (0, i)),
            pl.BlockSpec((1, eb), lambda i: (0, i)),
            pl.BlockSpec((R, D), lambda i: (0, 0)),
        ],
        out_specs=[
            pl.BlockSpec((1, eb), lambda i: (0, i)),
            pl.BlockSpec((1, eb), lambda i: (0, i)),
            pl.BlockSpec((1, eb), lambda i: (0, i)),
        ],
        out_shape=[
            jax.ShapeDtypeStruct((1, E_PAD), jnp.float32),
            jax.ShapeDtypeStruct((1, E_PAD), jnp.float32),
            jax.ShapeDtypeStruct((1, E_PAD), jnp.int32),
        ],
    )(h_src, h_dst, rel_p.reshape(1, E_PAD), dst_p.reshape(1, E_PAD), rel_emb)
    return (s.reshape(NW, NCH, C), v.reshape(NW, NCH, C),
            bidx.reshape(NW, NCH, C))


NBAND = 16


def _sc_banded_denom(v3, bidx3):
    mesh = plsc.VectorSubcoreMesh(core_axis_name="c", subcore_axis_name="s")

    @functools.partial(
        pl.kernel, mesh=mesh,
        out_type=jax.ShapeDtypeStruct((NC * NBAND * N,), jnp.float32),
        scratch_types=[
            pltpu.VMEM((NCH, C), jnp.float32),
            pltpu.VMEM((NCH, C), jnp.int32),
            pltpu.VMEM((NBAND * N // NS,), jnp.float32),
            pltpu.VMEM_SHARED((NBAND * N,), jnp.float32),
        ],
    )
    def k(v_hbm, b_hbm, out_hbm, v_v, b_v, o_v, acc):
        cid = lax.axis_index("c")
        sid = lax.axis_index("s")
        wid = sid * NC + cid

        chunk = NBAND * N // NS

        def zbody(i, carry):
            o_v[pl.ds(i * 16, 16)] = jnp.zeros((16,), jnp.float32)
            return carry

        lax.fori_loop(0, chunk // 16, zbody, 0)
        pltpu.sync_copy(o_v, acc.at[pl.ds(sid * chunk, chunk)])
        plsc.subcore_barrier()

        pltpu.sync_copy(v_hbm.at[wid], v_v)
        pltpu.sync_copy(b_hbm.at[wid], b_v)

        def body(j, carry):
            pltpu.sync_copy(v_v.at[j], acc.at[b_v.at[j]], add=True)
            return carry

        lax.fori_loop(0, NCH, body, 0)
        plsc.subcore_barrier()
        pltpu.sync_copy(acc.at[pl.ds(sid * chunk, chunk)], o_v)
        pltpu.sync_copy(o_v, out_hbm.at[pl.ds(cid * (NBAND * N) + sid * chunk,
                                              chunk)])

    return k(v3, bidx3)


def _lse_body(a_ref, o_ref):
    at = a_ref[0, ...] + a_ref[1, ...]
    biota = lax.broadcasted_iota(jnp.int32, (NBAND, N), 0).astype(jnp.float32)
    btop = jnp.max(jnp.where(at > 0.0, biota, -1.0), axis=0)
    fac = jnp.exp2(32.0 * jnp.clip(biota - btop[None, :], -2.0, 0.0))
    denom = jnp.sum(at * fac, axis=0)
    lse = jnp.where(btop >= 0.0,
                    0.6931471805599453 * 32.0 * (btop - 8.0)
                    + jnp.log(jnp.maximum(denom, 1e-38)), 0.0)
    o_ref[0, ...] = lse


def _lse(A2):
    return pl.pallas_call(
        _lse_body,
        out_shape=jax.ShapeDtypeStruct((1, N), jnp.float32),
    )(A2.reshape(NC, NBAND, N)).reshape(N)


def _sc_weighted_agg(s3, src3, dst3, lse, h):
    mesh = plsc.VectorSubcoreMesh(core_axis_name="c", subcore_axis_name="s")
    ROWZ = 128

    @functools.partial(
        pl.kernel, mesh=mesh,
        compiler_params=pltpu.CompilerParams(needs_layout_passes=False),
        out_type=jax.ShapeDtypeStruct((NC, N_PAD, D), jnp.float32),
        scratch_types=[
            pltpu.VMEM((C,), jnp.float32),
            pltpu.VMEM((C,), jnp.int32),
            pltpu.VMEM((C,), jnp.int32),
            pltpu.VMEM((N,), jnp.float32),
            pltpu.VMEM((C, D), jnp.float32),
            pltpu.VMEM((C,), jnp.float32),
            pltpu.VMEM_SHARED((N_PAD, D), jnp.float32),
            pltpu.SemaphoreType.DMA,
        ],
    )
    def k(s_hbm, src_hbm, dst_hbm, lse_hbm, h_hbm, out_hbm,
          sc_v, srcc_v, dstc_v, lse_v, rows_v, w_v, acc, sem):
        cid = lax.axis_index("c")
        sid = lax.axis_index("s")
        wid = sid * NC + cid

        def zbody(i, carry):
            for kk in range(D // 16):
                rows_v[i, pl.ds(kk * 16, 16)] = jnp.zeros((16,), jnp.float32)
            return carry

        lax.fori_loop(0, ROWZ, zbody, 0)
        for t in range(5):
            pltpu.sync_copy(
                rows_v, acc.at[pl.ds(sid * (N_PAD // NS) + t * ROWZ, ROWZ)])
        plsc.subcore_barrier()

        pltpu.sync_copy(lse_hbm, lse_v)

        def body(j, carry):
            pltpu.sync_copy(s_hbm.at[wid, j], sc_v)
            pltpu.sync_copy(src_hbm.at[wid, j], srcc_v)
            pltpu.sync_copy(dst_hbm.at[wid, j], dstc_v)
            pltpu.async_copy(h_hbm.at[srcc_v], rows_v, sem).wait()
            for i in range(C // 16):
                dvec = dstc_v[pl.ds(i * 16, 16)]
                lg = plsc.load_gather(lse_v, [dvec])
                w_v[pl.ds(i * 16, 16)] = jnp.exp(sc_v[pl.ds(i * 16, 16)] - lg)

            def scale(e, carry2):
                wb = plsc.load_gather(w_v, [jnp.full((16,), e, jnp.int32)])
                row = rows_v.at[e]
                for kk in range(D // 16):
                    row[pl.ds(kk * 16, 16)] = row[pl.ds(kk * 16, 16)] * wb
                return carry2

            lax.fori_loop(0, C, scale, 0)
            pltpu.sync_copy(rows_v, acc.at[dstc_v], add=True)
            return carry

        lax.fori_loop(0, NCH, body, 0)
        plsc.subcore_barrier()
        for t in range(5):
            r0 = sid * (N_PAD // NS) + t * ROWZ
            pltpu.sync_copy(acc.at[pl.ds(r0, ROWZ)], rows_v)
            pltpu.sync_copy(rows_v, out_hbm.at[cid, pl.ds(r0, ROWZ)])

    return k(s3, src3, dst3, lse, h)


def _linear_body(sa_ref, sb_ref, w_ref, b_ref, o_ref):
    agg = sa_ref[0, ...] + sb_ref[0, ...]
    y = jax.lax.dot_general(agg, w_ref[...], (((1,), (1,)), ((), ())),
                            preferred_element_type=jnp.float32)
    o_ref[...] = jax.nn.relu(y + b_ref[...])


def _linear_relu(S2, Wl, bl):
    NB = 10
    nb = N // NB
    return pl.pallas_call(
        _linear_body,
        grid=(NB,),
        in_specs=[
            pl.BlockSpec((1, nb, D), lambda i: (0, i, 0)),
            pl.BlockSpec((1, nb, D), lambda i: (1, i, 0)),
            pl.BlockSpec((D, D), lambda i: (0, 0)),
            pl.BlockSpec((1, D), lambda i: (0, 0)),
        ],
        out_specs=pl.BlockSpec((nb, D), lambda i: (i, 0)),
        out_shape=jax.ShapeDtypeStruct((N, D), jnp.float32),
    )(S2, S2, Wl, bl.reshape(1, D))


def _head_body(cat_ref, batch_ref, w_ref, b_ref, pw1_ref, pb1_ref,
               pw2_ref, pb2_ref, o_ref):
    onehot = (batch_ref[0, :][:, None] ==
              lax.broadcasted_iota(jnp.int32, (1, G), 1)).astype(jnp.float32)
    sums = jax.lax.dot_general(onehot, cat_ref[...], (((0,), (0,)), ((), ())),
                               preferred_element_type=jnp.float32, precision=lax.Precision.HIGHEST)
    counts = jnp.sum(onehot, axis=0)
    pooled = sums / jnp.maximum(counts, 1.0)[:, None]
    mu = jnp.mean(pooled, axis=0, keepdims=True)
    var = jnp.mean(jnp.square(pooled - mu), axis=0, keepdims=True)
    pooled = (pooled - mu) * jax.lax.rsqrt(var + 1e-5) * w_ref[...] + b_ref[...]
    y = jax.nn.relu(
        jax.lax.dot_general(pooled, pw1_ref[...], (((1,), (1,)), ((), ())),
                            preferred_element_type=jnp.float32) + pb1_ref[...])
    o_ref[...] = jax.lax.dot_general(
        y, pw2_ref[...], (((1,), (1,)), ((), ())),
        preferred_element_type=jnp.float32) + pb2_ref[...]


def _pool_head(cat, batch, bnh_w, bnh_b, pW1, pb1, pW2, pb2):
    return pl.pallas_call(
        _head_body,
        out_shape=jax.ShapeDtypeStruct((G, H), jnp.float32),
    )(cat, batch.reshape(1, N), bnh_w.reshape(1, H), bnh_b.reshape(1, H),
      pW1, pb1.reshape(1, H), pW2, pb2.reshape(1, H))




def _sc_gather2(xt, idx_src3, idx_dst3):
    mesh = plsc.VectorSubcoreMesh(core_axis_name="c", subcore_axis_name="s")

    @functools.partial(
        pl.kernel, mesh=mesh,
        out_type=[jax.ShapeDtypeStruct((E_PAD, D), jnp.float32),
                  jax.ShapeDtypeStruct((E_PAD, D), jnp.float32)],
        scratch_types=[
            pltpu.VMEM((NCH, C), jnp.int32),
            pltpu.VMEM((NCH, C), jnp.int32),
            pltpu.VMEM((2, C, D), jnp.float32),
            pltpu.VMEM((2, C, D), jnp.float32),
            pltpu.SemaphoreType.DMA,
            pltpu.SemaphoreType.DMA,
            pltpu.SemaphoreType.DMA,
            pltpu.SemaphoreType.DMA,
        ],
    )
    def k(xt_hbm, is_hbm, id_hbm, os_hbm, od_hbm,
          is_v, id_v, rs_v, rd_v, sem_s0, sem_d0, sem_s1, sem_d1):
        wid = lax.axis_index("s") * NC + lax.axis_index("c")
        pltpu.sync_copy(is_hbm.at[wid], is_v)
        pltpu.sync_copy(id_hbm.at[wid], id_v)
        base = wid * EW

        def body(p, carry):
            j0 = 2 * p
            j1 = 2 * p + 1
            c0 = pltpu.async_copy(xt_hbm.at[is_v.at[j0]], rs_v.at[0], sem_s0)
            d0 = pltpu.async_copy(xt_hbm.at[id_v.at[j0]], rd_v.at[0], sem_d0)
            c1 = pltpu.async_copy(xt_hbm.at[is_v.at[j1]], rs_v.at[1], sem_s1)
            d1 = pltpu.async_copy(xt_hbm.at[id_v.at[j1]], rd_v.at[1], sem_d1)
            c0.wait()
            d0.wait()
            pltpu.sync_copy(rs_v.at[0], os_hbm.at[pl.ds(base + j0 * C, C)])
            pltpu.sync_copy(rd_v.at[0], od_hbm.at[pl.ds(base + j0 * C, C)])
            c1.wait()
            d1.wait()
            pltpu.sync_copy(rs_v.at[1], os_hbm.at[pl.ds(base + j1 * C, C)])
            pltpu.sync_copy(rd_v.at[1], od_hbm.at[pl.ds(base + j1 * C, C)])
            return carry

        lax.fori_loop(0, NCH // 2, body, 0)

    return k(xt, idx_src3, idx_dst3)




def _cagat_layer(h, s3_aux, W_r, rel_emb, Wl, bl):
    rel_p, dst_p, src3, dst3, idx_src3, idx_dst3 = s3_aux
    xt = _transform(h, W_r).reshape(R * N, D)
    hs_p, hd_p = _sc_gather2(xt, idx_src3, idx_dst3)
    s3, v3, bidx3 = _scores(hs_p, hd_p, rel_p, dst_p, rel_emb)
    A2 = _sc_banded_denom(v3, bidx3)
    lse = _lse(A2)
    S2 = _sc_weighted_agg(s3, src3, dst3, lse, h)
    return _linear_relu(S2, Wl, bl)


def kernel(x, edge_index, batch, edge_attr, W_r, relation_embedding,
           bn0_w, bn0_b, bn1_w, bn1_b, Wl0, bl0, Wl1, bl1,
           bnh_w, bnh_b, pW1, pb1, pW2, pb2):
    src = edge_index[0]
    dst = edge_index[1]
    rel = edge_attr

    def padf(a):
        return jnp.concatenate([a, jnp.zeros((E_PAD - E,), a.dtype)])

    def pad3(a):
        return padf(a).reshape(NW, NCH, C)

    src_p = padf(src)
    dst_p = padf(dst)
    rel_p = padf(rel)
    s3_aux = (rel_p, dst_p, src_p.reshape(NW, NCH, C),
              dst_p.reshape(NW, NCH, C), pad3(rel * N + src),
              pad3(rel * N + dst))

    h0 = _batchnorm(x, bn0_w, bn0_b)
    h1 = _cagat_layer(h0, s3_aux, W_r, relation_embedding, Wl0, bl0)
    h2in = _batchnorm(h1, bn1_w, bn1_b)
    h2 = _cagat_layer(h2in, s3_aux, W_r, relation_embedding, Wl1, bl1)

    cat = jnp.concatenate([x, h1, h2], axis=1)
    return _pool_head(cat, batch, bnh_w, bnh_b, pW1, pb1, pW2, pb2)

# --- scband reference (transcript-rebuilt; emitter-appended) ---
"""Pipeline reference for scband-pkgencoder-9105330668286 (READ-ONLY COPY).

The authoritative reference and input builder live on the scoring server;
editing this copy changes nothing except your own understanding.
"""

import jax, jax.numpy as jnp
import numpy as np

N = 10000
E = 160000
D = 128
R = 16
G = 256
H = 3 * D  # sum of gencoder_dim_list = 128+128+128


def setup_inputs(seed: int = 0) -> dict:
    key = jax.random.key(seed)
    ks = jax.random.split(key, 24)
    inp = {}
    inp["x"] = jax.random.normal(ks[0], (N, D), dtype=jnp.float32)
    inp["edge_index"] = jax.random.randint(ks[1], (2, E), 0, N)
    inp["batch"] = jnp.sort(jax.random.randint(ks[2], (N,), 0, G))
    inp["edge_attr"] = jax.random.randint(ks[3], (E,), 0, R)
    inp["W_r"] = 0.1 * jax.random.normal(ks[4], (R, D, D), dtype=jnp.float32)
    inp["relation_embedding"] = jax.random.normal(ks[5], (R, D), dtype=jnp.float32)
    # learned parameters (BatchNorm init per module: weight=1, bias=1e-4)
    inp["bn0_w"] = jnp.ones((D,), jnp.float32)
    inp["bn0_b"] = 1e-4 * jnp.ones((D,), jnp.float32)
    inp["bn1_w"] = jnp.ones((D,), jnp.float32)
    inp["bn1_b"] = 1e-4 * jnp.ones((D,), jnp.float32)
    inp["Wl0"] = 0.1 * jax.random.normal(ks[6], (D, D), dtype=jnp.float32)
    inp["bl0"] = jnp.zeros((D,), jnp.float32)
    inp["Wl1"] = 0.1 * jax.random.normal(ks[7], (D, D), dtype=jnp.float32)
    inp["bl1"] = jnp.zeros((D,), jnp.float32)
    inp["bnh_w"] = jnp.ones((H,), jnp.float32)
    inp["bnh_b"] = 1e-4 * jnp.ones((H,), jnp.float32)
    inp["pW1"] = 0.1 * jax.random.normal(ks[8], (H, H), dtype=jnp.float32)
    inp["pb1"] = jnp.zeros((H,), jnp.float32)
    inp["pW2"] = 0.1 * jax.random.normal(ks[9], (H, H), dtype=jnp.float32)
    inp["pb2"] = jnp.zeros((H,), jnp.float32)
    return inp


def _batchnorm(x, w, b, eps=1e-5):
    mu = jnp.mean(x, axis=0)
    var = jnp.var(x, axis=0)
    return (x - mu) / jnp.sqrt(var + eps) * w + b


def _cagat(x, src, dst, rel, W_r, rel_emb, Wl, bl, n):
    # relation-specific transform of all nodes: [R, N, D]
    xt = jnp.einsum('rij,nj->rni', W_r, x)
    h_src = xt[rel, src]
    h_dst = xt[rel, dst]
    e_r = rel_emb[rel]
    # KGAT-style context-aware attention score per edge
    score = jnp.sum(h_dst * jnp.tanh(h_src + e_r), axis=1)
    # segment softmax over incoming edges of each dst node
    smax = jax.ops.segment_max(score, dst, num_segments=n)
    sexp = jnp.exp(score - smax[dst])
    denom = jax.ops.segment_sum(sexp, dst, num_segments=n)
    alpha = sexp / (denom[dst] + 1e-16)
    agg = jax.ops.segment_sum(alpha[:, None] * x[src], dst, num_segments=n)
    return agg @ Wl.T + bl


def reference(x, edge_index, batch, edge_attr, W_r, relation_embedding,
              bn0_w, bn0_b, bn1_w, bn1_b, Wl0, bl0, Wl1, bl1,
              bnh_w, bnh_b, pW1, pb1, pW2, pb2):
    src = edge_index[0]
    dst = edge_index[1]
    all_embed = [x]
    h = _batchnorm(x, bn0_w, bn0_b)
    h = jax.nn.relu(_cagat(h, src, dst, edge_attr, W_r, relation_embedding, Wl0, bl0, N))
    all_embed.append(h)
    h2 = _batchnorm(h, bn1_w, bn1_b)
    h2 = jax.nn.relu(_cagat(h2, src, dst, edge_attr, W_r, relation_embedding, Wl1, bl1, N))
    all_embed.append(h2)
    cat = jnp.concatenate(all_embed, axis=1)  # [N, 384]
    # global mean pool over graphs
    sums = jax.ops.segment_sum(cat, batch, num_segments=G)
    counts = jax.ops.segment_sum(jnp.ones((cat.shape[0],), jnp.float32), batch, num_segments=G)
    pooled = sums / jnp.maximum(counts, 1.0)[:, None]
    pooled = _batchnorm(pooled, bnh_w, bnh_b)
    out = jax.nn.relu(pooled @ pW1.T + pb1) @ pW2.T + pb2
    return out

if __name__ == "__main__":
    import jax
    _d = setup_inputs()
    print(jax.jit(kernel)(*tuple(_d.values())))

</pallas_src>

<mosaic_0001>
#map = affine_map<(d0, d1) -> (0, 0)>
#map1 = affine_map<(d0, d1) -> (0, 0, 0)>
module attributes {stable_mosaic.version = 14 : i64} {
  func.func @k(%arg0: i32, %arg1: i32, %arg2: memref<160000x128xf32, #tpu.memory_space<hbm>>, %arg3: memref<32x40x128xi32, #tpu.memory_space<hbm>>, %arg4: memref<32x40x128xi32, #tpu.memory_space<hbm>>, %arg5: memref<163840x128xf32, #tpu.memory_space<hbm>>, %arg6: memref<163840x128xf32, #tpu.memory_space<hbm>>, %arg7: memref<40x128xi32, #tpu.memory_space<vmem>>, %arg8: memref<40x128xi32, #tpu.memory_space<vmem>>, %arg9: memref<2x128x128xf32, #tpu.memory_space<vmem>>, %arg10: memref<2x128x128xf32, #tpu.memory_space<vmem>>, %arg11: memref<!tpu.dma_semaphore, #tpu.memory_space<semaphore_mem>>, %arg12: memref<!tpu.dma_semaphore, #tpu.memory_space<semaphore_mem>>, %arg13: memref<!tpu.dma_semaphore, #tpu.memory_space<semaphore_mem>>, %arg14: memref<!tpu.dma_semaphore, #tpu.memory_space<semaphore_mem>>) attributes {dimension_semantics = [#tpu.dimension_semantics<core_parallel>, #tpu.dimension_semantics<subcore_parallel>], iteration_bounds = array<i64: 2, 16>, scalar_prefetch = 0 : i64, scratch_operands = 8 : i64, tpu.core_type = #tpu.core_type<sc_vector_subcore>, window_params = [{transform_indices = #map}, {transform_indices = #map1}, {transform_indices = #map1}, {transform_indices = #map}, {transform_indices = #map}]} {
    %mul3A = arith.constant 2 : i32
    %mul3A_0 = arith.muli %arg1, %mul3A : i32
    %add3A = arith.addi %mul3A_0, %arg0 : i32
    "tpu.region"() ({
      %run_scoped3A = tpu.sem_alloc : memref<!tpu.dma_semaphore, #tpu.memory_space<semaphore_mem>>
      %dma_start3A = arith.constant 0 : i32
      %dma_start3A_8 = arith.constant 0 : i32
      %dma_start3A_9 = tpu.memref_slice %arg3[%add3A, %dma_start3A, %dma_start3A_8] : memref<32x40x128xi32, #tpu.memory_space<hbm>> -> memref<1x40x128xi32, #tpu.memory_space<hbm>>
      %dma_start3A_10 = tpu.memref_squeeze %dma_start3A_9 : memref<1x40x128xi32, #tpu.memory_space<hbm>> -> memref<40x128xi32, #tpu.memory_space<hbm>>
      %dma_start3A_11 = arith.constant 0 : i32
      %dma_start3A_12 = arith.constant 0 : i32
      %dma_start3A_13 = tpu.memref_slice %arg3[%add3A, %dma_start3A_11, %dma_start3A_12] : memref<32x40x128xi32, #tpu.memory_space<hbm>> -> memref<1x40x128xi32, #tpu.memory_space<hbm>>
      %dma_start3A_14 = tpu.memref_squeeze %dma_start3A_13 : memref<1x40x128xi32, #tpu.memory_space<hbm>> -> memref<40x128xi32, #tpu.memory_space<hbm>>
      tpu.enqueue_dma source(%dma_start3A_14 : memref<40x128xi32, #tpu.memory_space<hbm>>) target(%arg7 : memref<40x128xi32, #tpu.memory_space<vmem>>) target_semaphore(%run_scoped3A : memref<!tpu.dma_semaphore, #tpu.memory_space<semaphore_mem>>)
      %dma_wait3A = arith.constant 0 : i32
      %dma_wait3A_15 = arith.constant 0 : i32
      %dma_wait3A_16 = tpu.memref_slice %arg3[%add3A, %dma_wait3A, %dma_wait3A_15] : memref<32x40x128xi32, #tpu.memory_space<hbm>> -> memref<1x40x128xi32, #tpu.memory_space<hbm>>
      %dma_wait3A_17 = tpu.memref_squeeze %dma_wait3A_16 : memref<1x40x128xi32, #tpu.memory_space<hbm>> -> memref<40x128xi32, #tpu.memory_space<hbm>>
      %dma_wait3A_18 = arith.constant 0 : i32
      %dma_wait3A_19 = arith.constant 0 : i32
      %dma_wait3A_20 = tpu.memref_slice %arg3[%add3A, %dma_wait3A_18, %dma_wait3A_19] : memref<32x40x128xi32, #tpu.memory_space<hbm>> -> memref<1x40x128xi32, #tpu.memory_space<hbm>>
      %dma_wait3A_21 = tpu.memref_squeeze %dma_wait3A_20 : memref<1x40x128xi32, #tpu.memory_space<hbm>> -> memref<40x128xi32, #tpu.memory_space<hbm>>
      tpu.wait_dma2 semaphore(%run_scoped3A : memref<!tpu.dma_semaphore, #tpu.memory_space<semaphore_mem>>) src(%dma_wait3A_21 : memref<40x128xi32, #tpu.memory_space<hbm>>) dst(%arg7 : memref<40x128xi32, #tpu.memory_space<vmem>>)
      tpu.yield
    }) : () -> ()
    "tpu.region"() ({
      %run_scoped3A = tpu.sem_alloc : memref<!tpu.dma_semaphore, #tpu.memory_space<semaphore_mem>>
      %dma_start3A = arith.constant 0 : i32
      %dma_start3A_8 = arith.constant 0 : i32
      %dma_start3A_9 = tpu.memref_slice %arg4[%add3A, %dma_start3A, %dma_start3A_8] : memref<32x40x128xi32, #tpu.memory_space<hbm>> -> memref<1x40x128xi32, #tpu.memory_space<hbm>>
      %dma_start3A_10 = tpu.memref_squeeze %dma_start3A_9 : memref<1x40x128xi32, #tpu.memory_space<hbm>> -> memref<40x128xi32, #tpu.memory_space<hbm>>
      %dma_start3A_11 = arith.constant 0 : i32
      %dma_start3A_12 = arith.constant 0 : i32
      %dma_start3A_13 = tpu.memref_slice %arg4[%add3A, %dma_start3A_11, %dma_start3A_12] : memref<32x40x128xi32, #tpu.memory_space<hbm>> -> memref<1x40x128xi32, #tpu.memory_space<hbm>>
      %dma_start3A_14 = tpu.memref_squeeze %dma_start3A_13 : memref<1x40x128xi32, #tpu.memory_space<hbm>> -> memref<40x128xi32, #tpu.memory_space<hbm>>
      tpu.enqueue_dma source(%dma_start3A_14 : memref<40x128xi32, #tpu.memory_space<hbm>>) target(%arg8 : memref<40x128xi32, #tpu.memory_space<vmem>>) target_semaphore(%run_scoped3A : memref<!tpu.dma_semaphore, #tpu.memory_space<semaphore_mem>>)
      %dma_wait3A = arith.constant 0 : i32
      %dma_wait3A_15 = arith.constant 0 : i32
      %dma_wait3A_16 = tpu.memref_slice %arg4[%add3A, %dma_wait3A, %dma_wait3A_15] : memref<32x40x128xi32, #tpu.memory_space<hbm>> -> memref<1x40x128xi32, #tpu.memory_space<hbm>>
      %dma_wait3A_17 = tpu.memref_squeeze %dma_wait3A_16 : memref<1x40x128xi32, #tpu.memory_space<hbm>> -> memref<40x128xi32, #tpu.memory_space<hbm>>
      %dma_wait3A_18 = arith.constant 0 : i32
      %dma_wait3A_19 = arith.constant 0 : i32
      %dma_wait3A_20 = tpu.memref_slice %arg4[%add3A, %dma_wait3A_18, %dma_wait3A_19] : memref<32x40x128xi32, #tpu.memory_space<hbm>> -> memref<1x40x128xi32, #tpu.memory_space<hbm>>
      %dma_wait3A_21 = tpu.memref_squeeze %dma_wait3A_20 : memref<1x40x128xi32, #tpu.memory_space<hbm>> -> memref<40x128xi32, #tpu.memory_space<hbm>>
      tpu.wait_dma2 semaphore(%run_scoped3A : memref<!tpu.dma_semaphore, #tpu.memory_space<semaphore_mem>>) src(%dma_wait3A_21 : memref<40x128xi32, #tpu.memory_space<hbm>>) dst(%arg8 : memref<40x128xi32, #tpu.memory_space<vmem>>)
      tpu.yield
    }) : () -> ()
    %mul3A_1 = arith.constant 5120 : i32
    %mul3A_2 = arith.muli %add3A, %mul3A_1 : i32
    %scan3A = arith.constant 0 : i32
    %scan3A_3 = arith.constant 0 : i32
    %scan3A_4 = arith.constant 20 : i32
    %scan3A_5 = arith.addi %scan3A_3, %scan3A_4 : i32
    %scan3A_6 = arith.constant 1 : i32
    scf.for %scan3A_8 = %scan3A_3 to %scan3A_5 step %scan3A_6  : i32 {
      %mul3A_9 = arith.constant 2 : i32
      %mul3A_10 = arith.muli %mul3A_9, %scan3A_8 : i32
      %mul3A_11 = arith.constant 2 : i32
      %mul3A_12 = arith.muli %mul3A_11, %scan3A_8 : i32
      %add3A_13 = arith.constant 1 : i32
      %add3A_14 = arith.addi %mul3A_12, %add3A_13 : i32
      %dma_start3A = arith.constant 0 : i32
      %dma_start3A_15 = arith.constant 0 : i32
      %dma_start3A_16 = arith.constant 0 : i32
      %dma_start3A_17 = tpu.memref_slice %arg9[%dma_start3A, %dma_start3A_15, %dma_start3A_16] : memref<2x128x128xf32, #tpu.memory_space<vmem>> -> memref<1x128x128xf32, #tpu.memory_space<vmem>>
      %dma_start3A_18 = tpu.memref_squeeze %dma_start3A_17 : memref<1x128x128xf32, #tpu.memory_space<vmem>> -> memref<128x128xf32, #tpu.memory_space<vmem>>
      %dma_start3A_19 = arith.constant 0 : i32
      %dma_start3A_20 = tpu.memref_slice %arg7[%mul3A_10, %dma_start3A_19] : memref<40x128xi32, #tpu.memory_space<vmem>> -> memref<1x128xi32, #tpu.memory_space<vmem>>
      %dma_start3A_21 = tpu.memref_squeeze %dma_start3A_20 : memref<1x128xi32, #tpu.memory_space<vmem>> -> memref<128xi32, #tpu.memory_space<vmem>>
      %dma_start3A_22 = arith.constant 0 : i32
      %dma_start3A_23 = arith.constant 0 : i32
      %dma_start3A_24 = tpu.memref_slice %arg2[%dma_start3A_22, %dma_start3A_23] : memref<160000x128xf32, #tpu.memory_space<hbm>> -> memref<160000x128xf32, #tpu.memory_space<hbm>>
      tpu.enqueue_indirect_dma source(%dma_start3A_24 : memref<160000x128xf32, #tpu.memory_space<hbm>>) target(%dma_start3A_18 : memref<128x128xf32, #tpu.memory_space<vmem>>) offsets(%dma_start3A_21 : memref<128xi32, #tpu.memory_space<vmem>>) semaphore(%arg11 : memref<!tpu.dma_semaphore, #tpu.memory_space<semaphore_mem>>)
      %dma_start3A_25 = arith.constant 0 : i32
      %dma_start3A_26 = arith.constant 0 : i32
      %dma_start3A_27 = arith.constant 0 : i32
      %dma_start3A_28 = tpu.memref_slice %arg10[%dma_start3A_25, %dma_start3A_26, %dma_start3A_27] : memref<2x128x128xf32, #tpu.memory_space<vmem>> -> memref<1x128x128xf32, #tpu.memory_space<vmem>>
      %dma_start3A_29 = tpu.memref_squeeze %dma_start3A_28 : memref<1x128x128xf32, #tpu.memory_space<vmem>> -> memref<128x128xf32, #tpu.memory_space<vmem>>
      %dma_start3A_30 = arith.constant 0 : i32
      %dma_start3A_31 = tpu.memref_slice %arg8[%mul3A_10, %dma_start3A_30] : memref<40x128xi32, #tpu.memory_space<vmem>> -> memref<1x128xi32, #tpu.memory_space<vmem>>
      %dma_start3A_32 = tpu.memref_squeeze %dma_start3A_31 : memref<1x128xi32, #tpu.memory_space<vmem>> -> memref<128xi32, #tpu.memory_space<vmem>>
      %dma_start3A_33 = arith.constant 0 : i32
      %dma_start3A_34 = arith.constant 0 : i32
      %dma_start3A_35 = tpu.memref_slice %arg2[%dma_start3A_33, %dma_start3A_34] : memref<160000x128xf32, #tpu.memory_space<hbm>> -> memref<160000x128xf32, #tpu.memory_space<hbm>>
      tpu.enqueue_indirect_dma source(%dma_start3A_35 : memref<160000x128xf32, #tpu.memory_space<hbm>>) target(%dma_start3A_29 : memref<128x128xf32, #tpu.memory_space<vmem>>) offsets(%dma_start3A_32 : memref<128xi32, #tpu.memory_space<vmem>>) semaphore(%arg12 : memref<!tpu.dma_semaphore, #tpu.memory_space<semaphore_mem>>)
      %dma_start3A_36 = arith.constant 1 : i32
      %dma_start3A_37 = arith.constant 0 : i32
      %dma_start3A_38 = arith.constant 0 : i32
      %dma_start3A_39 = tpu.memref_slice %arg9[%dma_start3A_36, %dma_start3A_37, %dma_start3A_38] : memref<2x128x128xf32, #tpu.memory_space<vmem>> -> memref<1x128x128xf32, #tpu.memory_space<vmem>>
      %dma_start3A_40 = tpu.memref_squeeze %dma_start3A_39 : memref<1x128x128xf32, #tpu.memory_space<vmem>> -> memref<128x128xf32, #tpu.memory_space<vmem>>
      %dma_start3A_41 = arith.constant 0 : i32
      %dma_start3A_42 = tpu.memref_slice %arg7[%add3A_14, %dma_start3A_41] : memref<40x128xi32, #tpu.memory_space<vmem>> -> memref<1x128xi32, #tpu.memory_space<vmem>>
      %dma_start3A_43 = tpu.memref_squeeze %dma_start3A_42 : memref<1x128xi32, #tpu.memory_space<vmem>> -> memref<128xi32, #tpu.memory_space<vmem>>
      %dma_start3A_44 = arith.constant 0 : i32
      %dma_start3A_45 = arith.constant 0 : i32
      %dma_start3A_46 = tpu.memref_slice %arg2[%dma_start3A_44, %dma_start3A_45] : memref<160000x128xf32, #tpu.memory_space<hbm>> -> memref<160000x128xf32, #tpu.memory_space<hbm>>
      tpu.enqueue_indirect_dma source(%dma_start3A_46 : memref<160000x128xf32, #tpu.memory_space<hbm>>) target(%dma_start3A_40 : memref<128x128xf32, #tpu.memory_space<vmem>>) offsets(%dma_start3A_43 : memref<128xi32, #tpu.memory_space<vmem>>) semaphore(%arg13 : memref<!tpu.dma_semaphore, #tpu.memory_space<semaphore_mem>>)
      %dma_start3A_47 = arith.constant 1 : i32
      %dma_start3A_48 = arith.constant 0 : i32
      %dma_start3A_49 = arith.constant 0 : i32
      %dma_start3A_50 = tpu.memref_slice %arg10[%dma_start3A_47, %dma_start3A_48, %dma_start3A_49] : memref<2x128x128xf32, #tpu.memory_space<vmem>> -> memref<1x128x128xf32, #tpu.memory_space<vmem>>
      %dma_start3A_51 = tpu.memref_squeeze %dma_start3A_50 : memref<1x128x128xf32, #tpu.memory_space<vmem>> -> memref<128x128xf32, #tpu.memory_space<vmem>>
      %dma_start3A_52 = arith.constant 0 : i32
      %dma_start3A_53 = tpu.memref_slice %arg8[%add3A_14, %dma_start3A_52] : memref<40x128xi32, #tpu.memory_space<vmem>> -> memref<1x128xi32, #tpu.memory_space<vmem>>
      %dma_start3A_54 = tpu.memref_squeeze %dma_start3A_53 : memref<1x128xi32, #tpu.memory_space<vmem>> -> memref<128xi32, #tpu.memory_space<vmem>>
      %dma_start3A_55 = arith.constant 0 : i32
      %dma_start3A_56 = arith.constant 0 : i32
      %dma_start3A_57 = tpu.memref_slice %arg2[%dma_start3A_55, %dma_start3A_56] : memref<160000x128xf32, #tpu.memory_space<hbm>> -> memref<160000x128xf32, #tpu.memory_space<hbm>>
      tpu.enqueue_indirect_dma source(%dma_start3A_57 : memref<160000x128xf32, #tpu.memory_space<hbm>>) target(%dma_start3A_51 : memref<128x128xf32, #tpu.memory_space<vmem>>) offsets(%dma_start3A_54 : memref<128xi32, #tpu.memory_space<vmem>>) semaphore(%arg14 : memref<!tpu.dma_semaphore, #tpu.memory_space<semaphore_mem>>)
      %dma_wait3A = arith.constant 0 : i32
      %dma_wait3A_58 = arith.constant 0 : i32
      %dma_wait3A_59 = arith.constant 0 : i32
      %dma_wait3A_60 = tpu.memref_slice %arg9[%dma_wait3A, %dma_wait3A_58, %dma_wait3A_59] : memref<2x128x128xf32, #tpu.memory_space<vmem>> -> memref<1x128x128xf32, #tpu.memory_space<vmem>>
      %dma_wait3A_61 = tpu.memref_squeeze %dma_wait3A_60 : memref<1x128x128xf32, #tpu.memory_space<vmem>> -> memref<128x128xf32, #tpu.memory_space<vmem>>
      %dma_wait3A_62 = arith.constant 0 : i32
      %dma_wait3A_63 = tpu.memref_slice %arg7[%mul3A_10, %dma_wait3A_62] : memref<40x128xi32, #tpu.memory_space<vmem>> -> memref<1x128xi32, #tpu.memory_space<vmem>>
      %dma_wait3A_64 = tpu.memref_squeeze %dma_wait3A_63 : memref<1x128xi32, #tpu.memory_space<vmem>> -> memref<128xi32, #tpu.memory_space<vmem>>
      %dma_wait3A_65 = arith.constant 0 : i32
      %dma_wait3A_66 = arith.constant 0 : i32
      %dma_wait3A_67 = tpu.memref_slice %arg2[%dma_wait3A_65, %dma_wait3A_66] : memref<160000x128xf32, #tpu.memory_space<hbm>> -> memref<160000x128xf32, #tpu.memory_space<hbm>>
      tpu.wait_indirect_dma semaphore(%arg11 : memref<!tpu.dma_semaphore, #tpu.memory_space<semaphore_mem>>) src(%dma_wait3A_67 : memref<160000x128xf32, #tpu.memory_space<hbm>>) dst(%dma_wait3A_61 : memref<128x128xf32, #tpu.memory_space<vmem>>)
      %dma_wait3A_68 = arith.constant 0 : i32
      %dma_wait3A_69 = arith.constant 0 : i32
      %dma_wait3A_70 = arith.constant 0 : i32
      %dma_wait3A_71 = tpu.memref_slice %arg10[%dma_wait3A_68, %dma_wait3A_69, %dma_wait3A_70] : memref<2x128x128xf32, #tpu.memory_space<vmem>> -> memref<1x128x128xf32, #tpu.memory_space<vmem>>
      %dma_wait3A_72 = tpu.memref_squeeze %dma_wait3A_71 : memref<1x128x128xf32, #tpu.memory_space<vmem>> -> memref<128x128xf32, #tpu.memory_space<vmem>>
      %dma_wait3A_73 = arith.constant 0 : i32
      %dma_wait3A_74 = tpu.memref_slice %arg8[%mul3A_10, %dma_wait3A_73] : memref<40x128xi32, #tpu.memory_space<vmem>> -> memref<1x128xi32, #tpu.memory_space<vmem>>
      %dma_wait3A_75 = tpu.memref_squeeze %dma_wait3A_74 : memref<1x128xi32, #tpu.memory_space<vmem>> -> memref<128xi32, #tpu.memory_space<vmem>>
      %dma_wait3A_76 = arith.constant 0 : i32
      %dma_wait3A_77 = arith.constant 0 : i32
      %dma_wait3A_78 = tpu.memref_slice %arg2[%dma_wait3A_76, %dma_wait3A_77] : memref<160000x128xf32, #tpu.memory_space<hbm>> -> memref<160000x128xf32, #tpu.memory_space<hbm>>
      tpu.wait_indirect_dma semaphore(%arg12 : memref<!tpu.dma_semaphore, #tpu.memory_space<semaphore_mem>>) src(%dma_wait3A_78 : memref<160000x128xf32, #tpu.memory_space<hbm>>) dst(%dma_wait3A_72 : memref<128x128xf32, #tpu.memory_space<vmem>>)
      %mul3A_79 = arith.constant 128 : i32
      %mul3A_80 = arith.muli %mul3A_10, %mul3A_79 : i32
      %add3A_81 = arith.addi %mul3A_2, %mul3A_80 : i32
      %run_scoped3A = arith.constant 0 : i32
      "tpu.region"() ({
        %run_scoped3A_116 = tpu.sem_alloc : memref<!tpu.dma_semaphore, #tpu.memory_space<semaphore_mem>>
        %dma_start3A_117 = arith.constant 0 : i32
        %dma_start3A_118 = arith.constant 0 : i32
        %dma_start3A_119 = tpu.memref_slice %arg9[%run_scoped3A, %dma_start3A_117, %dma_start3A_118] : memref<2x128x128xf32, #tpu.memory_space<vmem>> -> memref<1x128x128xf32, #tpu.memory_space<vmem>>
        %dma_start3A_120 = tpu.memref_squeeze %dma_start3A_119 : memref<1x128x128xf32, #tpu.memory_space<vmem>> -> memref<128x128xf32, #tpu.memory_space<vmem>>
        %dma_start3A_121 = arith.constant 0 : i32
        %dma_start3A_122 = tpu.memref_slice %arg5[%add3A_81, %dma_start3A_121] : memref<163840x128xf32, #tpu.memory_space<hbm>> -> memref<128x128xf32, #tpu.memory_space<hbm>>
        %dma_start3A_123 = arith.constant 0 : i32
        %dma_start3A_124 = tpu.memref_slice %arg5[%add3A_81, %dma_start3A_123] : memref<163840x128xf32, #tpu.memory_space<hbm>> -> memref<128x128xf32, #tpu.memory_space<hbm>>
        %dma_start3A_125 = arith.constant 0 : i32
        %dma_start3A_126 = arith.constant 0 : i32
        %dma_start3A_127 = tpu.memref_slice %arg9[%run_scoped3A, %dma_start3A_125, %dma_start3A_126] : memref<2x128x128xf32, #tpu.memory_space<vmem>> -> memref<1x128x128xf32, #tpu.memory_space<vmem>>
        %dma_start3A_128 = tpu.memref_squeeze %dma_start3A_127 : memref<1x128x128xf32, #tpu.memory_space<vmem>> -> memref<128x128xf32, #tpu.memory_space<vmem>>
        tpu.enqueue_dma source(%dma_start3A_128 : memref<128x128xf32, #tpu.memory_space<vmem>>) target(%dma_start3A_124 : memref<128x128xf32, #tpu.memory_space<hbm>>) target_semaphore(%run_scoped3A_116 : memref<!tpu.dma_semaphore, #tpu.memory_space<semaphore_mem>>)
        %dma_wait3A_129 = arith.constant 0 : i32
        %dma_wait3A_130 = arith.constant 0 : i32
        %dma_wait3A_131 = tpu.memref_slice %arg9[%run_scoped3A, %dma_wait3A_129, %dma_wait3A_130] : memref<2x128x128xf32, #tpu.memory_space<vmem>> -> memref<1x128x128xf32, #tpu.memory_space<vmem>>
        %dma_wait3A_132 = tpu.memref_squeeze %dma_wait3A_131 : memref<1x128x128xf32, #tpu.memory_space<vmem>> -> memref<128x128xf32, #tpu.memory_space<vmem>>
        %dma_wait3A_133 = arith.constant 0 : i32
        %dma_wait3A_134 = tpu.memref_slice %arg5[%add3A_81, %dma_wait3A_133] : memref<163840x128xf32, #tpu.memory_space<hbm>> -> memref<128x128xf32, #tpu.memory_space<hbm>>
        %dma_wait3A_135 = arith.constant 0 : i32
        %dma_wait3A_136 = tpu.memref_slice %arg5[%add3A_81, %dma_wait3A_135] : memref<163840x128xf32, #tpu.memory_space<hbm>> -> memref<128x128xf32, #tpu.memory_space<hbm>>
        %dma_wait3A_137 = arith.constant 0 : i32
        %dma_wait3A_138 = arith.constant 0 : i32
        %dma_wait3A_139 = tpu.memref_slice %arg9[%run_scoped3A, %dma_wait3A_137, %dma_wait3A_138] : memref<2x128x128xf32, #tpu.memory_space<vmem>> -> memref<1x128x128xf32, #tpu.memory_space<vmem>>
        %dma_wait3A_140 = tpu.memref_squeeze %dma_wait3A_139 : memref<1x128x128xf32, #tpu.memory_space<vmem>> -> memref<128x128xf32, #tpu.memory_space<vmem>>
        tpu.wait_dma2 semaphore(%run_scoped3A_116 : memref<!tpu.dma_semaphore, #tpu.memory_space<semaphore_mem>>) src(%dma_wait3A_140 : memref<128x128xf32, #tpu.memory_space<vmem>>) dst(%dma_wait3A_136 : memref<128x128xf32, #tpu.memory_space<hbm>>)
        tpu.yield
      }) : () -> ()
      %mul3A_82 = arith.constant 128 : i32
      %mul3A_83 = arith.muli %mul3A_10, %mul3A_82 : i32
      %add3A_84 = arith.addi %mul3A_2, %mul3A_83 : i32
      %run_scoped3A_85 = arith.constant 0 : i32
      "tpu.region"() ({
        %run_scoped3A_116 = tpu.sem_alloc : memref<!tpu.dma_semaphore, #tpu.memory_space<semaphore_mem>>
        %dma_start3A_117 = arith.constant 0 : i32
        %dma_start3A_118 = arith.constant 0 : i32
        %dma_start3A_119 = tpu.memref_slice %arg10[%run_scoped3A_85, %dma_start3A_117, %dma_start3A_118] : memref<2x128x128xf32, #tpu.memory_space<vmem>> -> memref<1x128x128xf32, #tpu.memory_space<vmem>>
        %dma_start3A_120 = tpu.memref_squeeze %dma_start3A_119 : memref<1x128x128xf32, #tpu.memory_space<vmem>> -> memref<128x128xf32, #tpu.memory_space<vmem>>
        %dma_start3A_121 = arith.constant 0 : i32
        %dma_start3A_122 = tpu.memref_slice %arg6[%add3A_84, %dma_start3A_121] : memref<163840x128xf32, #tpu.memory_space<hbm>> -> memref<128x128xf32, #tpu.memory_space<hbm>>
        %dma_start3A_123 = arith.constant 0 : i32
        %dma_start3A_124 = tpu.memref_slice %arg6[%add3A_84, %dma_start3A_123] : memref<163840x128xf32, #tpu.memory_space<hbm>> -> memref<128x128xf32, #tpu.memory_space<hbm>>
        %dma_start3A_125 = arith.constant 0 : i32
        %dma_start3A_126 = arith.constant 0 : i32
        %dma_start3A_127 = tpu.memref_slice %arg10[%run_scoped3A_85, %dma_start3A_125, %dma_start3A_126] : memref<2x128x128xf32, #tpu.memory_space<vmem>> -> memref<1x128x128xf32, #tpu.memory_space<vmem>>
        %dma_start3A_128 = tpu.memref_squeeze %dma_start3A_127 : memref<1x128x128xf32, #tpu.memory_space<vmem>> -> memref<128x128xf32, #tpu.memory_space<vmem>>
        tpu.enqueue_dma source(%dma_start3A_128 : memref<128x128xf32, #tpu.memory_space<vmem>>) target(%dma_start3A_124 : memref<128x128xf32, #tpu.memory_space<hbm>>) target_semaphore(%run_scoped3A_116 : memref<!tpu.dma_semaphore, #tpu.memory_space<semaphore_mem>>)
        %dma_wait3A_129 = arith.constant 0 : i32
        %dma_wait3A_130 = arith.constant 0 : i32
        %dma_wait3A_131 = tpu.memref_slice %arg10[%run_scoped3A_85, %dma_wait3A_129, %dma_wait3A_130] : memref<2x128x128xf32, #tpu.memory_space<vmem>> -> memref<1x128x128xf32, #tpu.memory_space<vmem>>
        %dma_wait3A_132 = tpu.memref_squeeze %dma_wait3A_131 : memref<1x128x128xf32, #tpu.memory_space<vmem>> -> memref<128x128xf32, #tpu.memory_space<vmem>>
        %dma_wait3A_133 = arith.constant 0 : i32
        %dma_wait3A_134 = tpu.memref_slice %arg6[%add3A_84, %dma_wait3A_133] : memref<163840x128xf32, #tpu.memory_space<hbm>> -> memref<128x128xf32, #tpu.memory_space<hbm>>
        %dma_wait3A_135 = arith.constant 0 : i32
        %dma_wait3A_136 = tpu.memref_slice %arg6[%add3A_84, %dma_wait3A_135] : memref<163840x128xf32, #tpu.memory_space<hbm>> -> memref<128x128xf32, #tpu.memory_space<hbm>>
        %dma_wait3A_137 = arith.constant 0 : i32
        %dma_wait3A_138 = arith.constant 0 : i32
        %dma_wait3A_139 = tpu.memref_slice %arg10[%run_scoped3A_85, %dma_wait3A_137, %dma_wait3A_138] : memref<2x128x128xf32, #tpu.memory_space<vmem>> -> memref<1x128x128xf32, #tpu.memory_space<vmem>>
        %dma_wait3A_140 = tpu.memref_squeeze %dma_wait3A_139 : memref<1x128x128xf32, #tpu.memory_space<vmem>> -> memref<128x128xf32, #tpu.memory_space<vmem>>
        tpu.wait_dma2 semaphore(%run_scoped3A_116 : memref<!tpu.dma_semaphore, #tpu.memory_space<semaphore_mem>>) src(%dma_wait3A_140 : memref<128x128xf32, #tpu.memory_space<vmem>>) dst(%dma_wait3A_136 : memref<128x128xf32, #tpu.memory_space<hbm>>)
        tpu.yield
      }) : () -> ()
      %dma_wait3A_86 = arith.constant 1 : i32
      %dma_wait3A_87 = arith.constant 0 : i32
      %dma_wait3A_88 = arith.constant 0 : i32
      %dma_wait3A_89 = tpu.memref_slice %arg9[%dma_wait3A_86, %dma_wait3A_87, %dma_wait3A_88] : memref<2x128x128xf32, #tpu.memory_space<vmem>> -> memref<1x128x128xf32, #tpu.memory_space<vmem>>
      %dma_wait3A_90 = tpu.memref_squeeze %dma_wait3A_89 : memref<1x128x128xf32, #tpu.memory_space<vmem>> -> memref<128x128xf32, #tpu.memory_space<vmem>>
      %dma_wait3A_91 = arith.constant 0 : i32
      %dma_wait3A_92 = tpu.memref_slice %arg7[%add3A_14, %dma_wait3A_91] : memref<40x128xi32, #tpu.memory_space<vmem>> -> memref<1x128xi32, #tpu.memory_space<vmem>>
      %dma_wait3A_93 = tpu.memref_squeeze %dma_wait3A_92 : memref<1x128xi32, #tpu.memory_space<vmem>> -> memref<128xi32, #tpu.memory_space<vmem>>
      %dma_wait3A_94 = arith.constant 0 : i32
      %dma_wait3A_95 = arith.constant 0 : i32
      %dma_wait3A_96 = tpu.memref_slice %arg2[%dma_wait3A_94, %dma_wait3A_95] : memref<160000x128xf32, #tpu.memory_space<hbm>> -> memref<160000x128xf32, #tpu.memory_space<hbm>>
      tpu.wait_indirect_dma semaphore(%arg13 : memref<!tpu.dma_semaphore, #tpu.memory_space<semaphore_mem>>) src(%dma_wait3A_96 : memref<160000x128xf32, #tpu.memory_space<hbm>>) dst(%dma_wait3A_90 : memref<128x128xf32, #tpu.memory_space<vmem>>)
      %dma_wait3A_97 = arith.constant 1 : i32
      %dma_wait3A_98 = arith.constant 0 : i32
      %dma_wait3A_99 = arith.constant 0 : i32
      %dma_wait3A_100 = tpu.memref_slice %arg10[%dma_wait3A_97, %dma_wait3A_98, %dma_wait3A_99] : memref<2x128x128xf32, #tpu.memory_space<vmem>> -> memref<1x128x128xf32, #tpu.memory_space<vmem>>
      %dma_wait3A_101 = tpu.memref_squeeze %dma_wait3A_100 : memref<1x128x128xf32, #tpu.memory_space<vmem>> -> memref<128x128xf32, #tpu.memory_space<vmem>>
      %dma_wait3A_102 = arith.constant 0 : i32
      %dma_wait3A_103 = tpu.memref_slice %arg8[%add3A_14, %dma_wait3A_102] : memref<40x128xi32, #tpu.memory_space<vmem>> -> memref<1x128xi32, #tpu.memory_space<vmem>>
      %dma_wait3A_104 = tpu.memref_squeeze %dma_wait3A_103 : memref<1x128xi32, #tpu.memory_space<vmem>> -> memref<128xi32, #tpu.memory_space<vmem>>
      %dma_wait3A_105 = arith.constant 0 : i32
      %dma_wait3A_106 = arith.constant 0 : i32
      %dma_wait3A_107 = tpu.memref_slice %arg2[%dma_wait3A_105, %dma_wait3A_106] : memref<160000x128xf32, #tpu.memory_space<hbm>> -> memref<160000x128xf32, #tpu.memory_space<hbm>>
      tpu.wait_indirect_dma semaphore(%arg14 : memref<!tpu.dma_semaphore, #tpu.memory_space<semaphore_mem>>) src(%dma_wait3A_107 : memref<160000x128xf32, #tpu.memory_space<hbm>>) dst(%dma_wait3A_101 : memref<128x128xf32, #tpu.memory_space<vmem>>)
      %mul3A_108 = arith.constant 128 : i32
      %mul3A_109 = arith.muli %add3A_14, %mul3A_108 : i32
      %add3A_110 = arith.addi %mul3A_2, %mul3A_109 : i32
      %run_scoped3A_111 = arith.constant 1 : i32
      "tpu.region"() ({
        %run_scoped3A_116 = tpu.sem_alloc : memref<!tpu.dma_semaphore, #tpu.memory_space<semaphore_mem>>
        %dma_start3A_117 = arith.constant 0 : i32
        %dma_start3A_118 = arith.constant 0 : i32
        %dma_start3A_119 = tpu.memref_slice %arg9[%run_scoped3A_111, %dma_start3A_117, %dma_start3A_118] : memref<2x128x128xf32, #tpu.memory_space<vmem>> -> memref<1x128x128xf32, #tpu.memory_space<vmem>>
        %dma_start3A_120 = tpu.memref_squeeze %dma_start3A_119 : memref<1x128x128xf32, #tpu.memory_space<vmem>> -> memref<128x128xf32, #tpu.memory_space<vmem>>
        %dma_start3A_121 = arith.constant 0 : i32
        %dma_start3A_122 = tpu.memref_slice %arg5[%add3A_110, %dma_start3A_121] : memref<163840x128xf32, #tpu.memory_space<hbm>> -> memref<128x128xf32, #tpu.memory_space<hbm>>
        %dma_start3A_123 = arith.constant 0 : i32
        %dma_start3A_124 = tpu.memref_slice %arg5[%add3A_110, %dma_start3A_123] : memref<163840x128xf32, #tpu.memory_space<hbm>> -> memref<128x128xf32, #tpu.memory_space<hbm>>
        %dma_start3A_125 = arith.constant 0 : i32
        %dma_start3A_126 = arith.constant 0 : i32
        %dma_start3A_127 = tpu.memref_slice %arg9[%run_scoped3A_111, %dma_start3A_125, %dma_start3A_126] : memref<2x128x128xf32, #tpu.memory_space<vmem>> -> memref<1x128x128xf32, #tpu.memory_space<vmem>>
        %dma_start3A_128 = tpu.memref_squeeze %dma_start3A_127 : memref<1x128x128xf32, #tpu.memory_space<vmem>> -> memref<128x128xf32, #tpu.memory_space<vmem>>
        tpu.enqueue_dma source(%dma_start3A_128 : memref<128x128xf32, #tpu.memory_space<vmem>>) target(%dma_start3A_124 : memref<128x128xf32, #tpu.memory_space<hbm>>) target_semaphore(%run_scoped3A_116 : memref<!tpu.dma_semaphore, #tpu.memory_space<semaphore_mem>>)
        %dma_wait3A_129 = arith.constant 0 : i32
        %dma_wait3A_130 = arith.constant 0 : i32
        %dma_wait3A_131 = tpu.memref_slice %arg9[%run_scoped3A_111, %dma_wait3A_129, %dma_wait3A_130] : memref<2x128x128xf32, #tpu.memory_space<vmem>> -> memref<1x128x128xf32, #tpu.memory_space<vmem>>
        %dma_wait3A_132 = tpu.memref_squeeze %dma_wait3A_131 : memref<1x128x128xf32, #tpu.memory_space<vmem>> -> memref<128x128xf32, #tpu.memory_space<vmem>>
        %dma_wait3A_133 = arith.constant 0 : i32
        %dma_wait3A_134 = tpu.memref_slice %arg5[%add3A_110, %dma_wait3A_133] : memref<163840x128xf32, #tpu.memory_space<hbm>> -> memref<128x128xf32, #tpu.memory_space<hbm>>
        %dma_wait3A_135 = arith.constant 0 : i32
        %dma_wait3A_136 = tpu.memref_slice %arg5[%add3A_110, %dma_wait3A_135] : memref<163840x128xf32, #tpu.memory_space<hbm>> -> memref<128x128xf32, #tpu.memory_space<hbm>>
        %dma_wait3A_137 = arith.constant 0 : i32
        %dma_wait3A_138 = arith.constant 0 : i32
        %dma_wait3A_139 = tpu.memref_slice %arg9[%run_scoped3A_111, %dma_wait3A_137, %dma_wait3A_138] : memref<2x128x128xf32, #tpu.memory_space<vmem>> -> memref<1x128x128xf32, #tpu.memory_space<vmem>>
        %dma_wait3A_140 = tpu.memref_squeeze %dma_wait3A_139 : memref<1x128x128xf32, #tpu.memory_space<vmem>> -> memref<128x128xf32, #tpu.memory_space<vmem>>
        tpu.wait_dma2 semaphore(%run_scoped3A_116 : memref<!tpu.dma_semaphore, #tpu.memory_space<semaphore_mem>>) src(%dma_wait3A_140 : memref<128x128xf32, #tpu.memory_space<vmem>>) dst(%dma_wait3A_136 : memref<128x128xf32, #tpu.memory_space<hbm>>)
        tpu.yield
      }) : () -> ()
      %mul3A_112 = arith.constant 128 : i32
      %mul3A_113 = arith.muli %add3A_14, %mul3A_112 : i32
      %add3A_114 = arith.addi %mul3A_2, %mul3A_113 : i32
      %run_scoped3A_115 = arith.constant 1 : i32
      "tpu.region"() ({
        %run_scoped3A_116 = tpu.sem_alloc : memref<!tpu.dma_semaphore, #tpu.memory_space<semaphore_mem>>
        %dma_start3A_117 = arith.constant 0 : i32
        %dma_start3A_118 = arith.constant 0 : i32
        %dma_start3A_119 = tpu.memref_slice %arg10[%run_scoped3A_115, %dma_start3A_117, %dma_start3A_118] : memref<2x128x128xf32, #tpu.memory_space<vmem>> -> memref<1x128x128xf32, #tpu.memory_space<vmem>>
        %dma_start3A_120 = tpu.memref_squeeze %dma_start3A_119 : memref<1x128x128xf32, #tpu.memory_space<vmem>> -> memref<128x128xf32, #tpu.memory_space<vmem>>
        %dma_start3A_121 = arith.constant 0 : i32
        %dma_start3A_122 = tpu.memref_slice %arg6[%add3A_114, %dma_start3A_121] : memref<163840x128xf32, #tpu.memory_space<hbm>> -> memref<128x128xf32, #tpu.memory_space<hbm>>
        %dma_start3A_123 = arith.constant 0 : i32
        %dma_start3A_124 = tpu.memref_slice %arg6[%add3A_114, %dma_start3A_123] : memref<163840x128xf32, #tpu.memory_space<hbm>> -> memref<128x128xf32, #tpu.memory_space<hbm>>
        %dma_start3A_125 = arith.constant 0 : i32
        %dma_start3A_126 = arith.constant 0 : i32
        %dma_start3A_127 = tpu.memref_slice %arg10[%run_scoped3A_115, %dma_start3A_125, %dma_start3A_126] : memref<2x128x128xf32, #tpu.memory_space<vmem>> -> memref<1x128x128xf32, #tpu.memory_space<vmem>>
        %dma_start3A_128 = tpu.memref_squeeze %dma_start3A_127 : memref<1x128x128xf32, #tpu.memory_space<vmem>> -> memref<128x128xf32, #tpu.memory_space<vmem>>
        tpu.enqueue_dma source(%dma_start3A_128 : memref<128x128xf32, #tpu.memory_space<vmem>>) target(%dma_start3A_124 : memref<128x128xf32, #tpu.memory_space<hbm>>) target_semaphore(%run_scoped3A_116 : memref<!tpu.dma_semaphore, #tpu.memory_space<semaphore_mem>>)
        %dma_wait3A_129 = arith.constant 0 : i32
        %dma_wait3A_130 = arith.constant 0 : i32
        %dma_wait3A_131 = tpu.memref_slice %arg10[%run_scoped3A_115, %dma_wait3A_129, %dma_wait3A_130] : memref<2x128x128xf32, #tpu.memory_space<vmem>> -> memref<1x128x128xf32, #tpu.memory_space<vmem>>
        %dma_wait3A_132 = tpu.memref_squeeze %dma_wait3A_131 : memref<1x128x128xf32, #tpu.memory_space<vmem>> -> memref<128x128xf32, #tpu.memory_space<vmem>>
        %dma_wait3A_133 = arith.constant 0 : i32
        %dma_wait3A_134 = tpu.memref_slice %arg6[%add3A_114, %dma_wait3A_133] : memref<163840x128xf32, #tpu.memory_space<hbm>> -> memref<128x128xf32, #tpu.memory_space<hbm>>
        %dma_wait3A_135 = arith.constant 0 : i32
        %dma_wait3A_136 = tpu.memref_slice %arg6[%add3A_114, %dma_wait3A_135] : memref<163840x128xf32, #tpu.memory_space<hbm>> -> memref<128x128xf32, #tpu.memory_space<hbm>>
        %dma_wait3A_137 = arith.constant 0 : i32
        %dma_wait3A_138 = arith.constant 0 : i32
        %dma_wait3A_139 = tpu.memref_slice %arg10[%run_scoped3A_115, %dma_wait3A_137, %dma_wait3A_138] : memref<2x128x128xf32, #tpu.memory_space<vmem>> -> memref<1x128x128xf32, #tpu.memory_space<vmem>>
        %dma_wait3A_140 = tpu.memref_squeeze %dma_wait3A_139 : memref<1x128x128xf32, #tpu.memory_space<vmem>> -> memref<128x128xf32, #tpu.memory_space<vmem>>
        tpu.wait_dma2 semaphore(%run_scoped3A_116 : memref<!tpu.dma_semaphore, #tpu.memory_space<semaphore_mem>>) src(%dma_wait3A_140 : memref<128x128xf32, #tpu.memory_space<vmem>>) dst(%dma_wait3A_136 : memref<128x128xf32, #tpu.memory_space<hbm>>)
        tpu.yield
      }) : () -> ()
    }
    %scan3A_7 = arith.constant 20 : i32
    return
  }
}

#map = affine_map<(d0, d1) -> (0, 0)>
#map1 = affine_map<(d0, d1) -> (0, 0, 0)>
module attributes {stable_mosaic.version = 14 : i64} {
  func.func @k(%arg0: i32, %arg1: i32, %arg2: memref<160000x128xf32, #tpu.memory_space<hbm>>, %arg3: memref<32x40x128xi32, #tpu.memory_space<hbm>>, %arg4: memref<32x40x128xi32, #tpu.memory_space<hbm>>, %arg5: memref<163840x128xf32, #tpu.memory_space<hbm>>, %arg6: memref<163840x128xf32, #tpu.memory_space<hbm>>, %arg7: memref<40x128xi32, #tpu.memory_space<vmem>>, %arg8: memref<40x128xi32, #tpu.memory_space<vmem>>, %arg9: memref<2x128x128xf32, #tpu.memory_space<vmem>>, %arg10: memref<2x128x128xf32, #tpu.memory_space<vmem>>, %arg11: memref<!tpu.dma_semaphore, #tpu.memory_space<semaphore_mem>>, %arg12: memref<!tpu.dma_semaphore, #tpu.memory_space<semaphore_mem>>, %arg13: memref<!tpu.dma_semaphore, #tpu.memory_space<semaphore_mem>>, %arg14: memref<!tpu.dma_semaphore, #tpu.memory_space<semaphore_mem>>) attributes {dimension_semantics = [#tpu.dimension_semantics<core_parallel>, #tpu.dimension_semantics<subcore_parallel>], iteration_bounds = array<i64: 2, 16>, scalar_prefetch = 0 : i64, scratch_operands = 8 : i64, tpu.core_type = #tpu.core_type<sc_vector_subcore>, window_params = [{transform_indices = #map}, {transform_indices = #map1}, {transform_indices = #map1}, {transform_indices = #map}, {transform_indices = #map}]} {
    %mul3A = arith.constant 2 : i32
    %mul3A_0 = arith.muli %arg1, %mul3A : i32
    %add3A = arith.addi %mul3A_0, %arg0 : i32
    "tpu.region"() ({
      %run_scoped3A = tpu.sem_alloc : memref<!tpu.dma_semaphore, #tpu.memory_space<semaphore_mem>>
      %dma_start3A = arith.constant 0 : i32
      %dma_start3A_8 = arith.constant 0 : i32
      %dma_start3A_9 = tpu.memref_slice %arg3[%add3A, %dma_start3A, %dma_start3A_8] : memref<32x40x128xi32, #tpu.memory_space<hbm>> -> memref<1x40x128xi32, #tpu.memory_space<hbm>>
      %dma_start3A_10 = tpu.memref_squeeze %dma_start3A_9 : memref<1x40x128xi32, #tpu.memory_space<hbm>> -> memref<40x128xi32, #tpu.memory_space<hbm>>
      %dma_start3A_11 = arith.constant 0 : i32
      %dma_start3A_12 = arith.constant 0 : i32
      %dma_start3A_13 = tpu.memref_slice %arg3[%add3A, %dma_start3A_11, %dma_start3A_12] : memref<32x40x128xi32, #tpu.memory_space<hbm>> -> memref<1x40x128xi32, #tpu.memory_space<hbm>>
      %dma_start3A_14 = tpu.memref_squeeze %dma_start3A_13 : memref<1x40x128xi32, #tpu.memory_space<hbm>> -> memref<40x128xi32, #tpu.memory_space<hbm>>
      tpu.enqueue_dma source(%dma_start3A_14 : memref<40x128xi32, #tpu.memory_space<hbm>>) target(%arg7 : memref<40x128xi32, #tpu.memory_space<vmem>>) target_semaphore(%run_scoped3A : memref<!tpu.dma_semaphore, #tpu.memory_space<semaphore_mem>>)
      %dma_wait3A = arith.constant 0 : i32
      %dma_wait3A_15 = arith.constant 0 : i32
      %dma_wait3A_16 = tpu.memref_slice %arg3[%add3A, %dma_wait3A, %dma_wait3A_15] : memref<32x40x128xi32, #tpu.memory_space<hbm>> -> memref<1x40x128xi32, #tpu.memory_space<hbm>>
      %dma_wait3A_17 = tpu.memref_squeeze %dma_wait3A_16 : memref<1x40x128xi32, #tpu.memory_space<hbm>> -> memref<40x128xi32, #tpu.memory_space<hbm>>
      %dma_wait3A_18 = arith.constant 0 : i32
      %dma_wait3A_19 = arith.constant 0 : i32
      %dma_wait3A_20 = tpu.memref_slice %arg3[%add3A, %dma_wait3A_18, %dma_wait3A_19] : memref<32x40x128xi32, #tpu.memory_space<hbm>> -> memref<1x40x128xi32, #tpu.memory_space<hbm>>
      %dma_wait3A_21 = tpu.memref_squeeze %dma_wait3A_20 : memref<1x40x128xi32, #tpu.memory_space<hbm>> -> memref<40x128xi32, #tpu.memory_space<hbm>>
      tpu.wait_dma2 semaphore(%run_scoped3A : memref<!tpu.dma_semaphore, #tpu.memory_space<semaphore_mem>>) src(%dma_wait3A_21 : memref<40x128xi32, #tpu.memory_space<hbm>>) dst(%arg7 : memref<40x128xi32, #tpu.memory_space<vmem>>)
      tpu.yield
    }) : () -> ()
    "tpu.region"() ({
      %run_scoped3A = tpu.sem_alloc : memref<!tpu.dma_semaphore, #tpu.memory_space<semaphore_mem>>
      %dma_start3A = arith.constant 0 : i32
      %dma_start3A_8 = arith.constant 0 : i32
      %dma_start3A_9 = tpu.memref_slice %arg4[%add3A, %dma_start3A, %dma_start3A_8] : memref<32x40x128xi32, #tpu.memory_space<hbm>> -> memref<1x40x128xi32, #tpu.memory_space<hbm>>
      %dma_start3A_10 = tpu.memref_squeeze %dma_start3A_9 : memref<1x40x128xi32, #tpu.memory_space<hbm>> -> memref<40x128xi32, #tpu.memory_space<hbm>>
      %dma_start3A_11 = arith.constant 0 : i32
      %dma_start3A_12 = arith.constant 0 : i32
      %dma_start3A_13 = tpu.memref_slice %arg4[%add3A, %dma_start3A_11, %dma_start3A_12] : memref<32x40x128xi32, #tpu.memory_space<hbm>> -> memref<1x40x128xi32, #tpu.memory_space<hbm>>
      %dma_start3A_14 = tpu.memref_squeeze %dma_start3A_13 : memref<1x40x128xi32, #tpu.memory_space<hbm>> -> memref<40x128xi32, #tpu.memory_space<hbm>>
      tpu.enqueue_dma source(%dma_start3A_14 : memref<40x128xi32, #tpu.memory_space<hbm>>) target(%arg8 : memref<40x128xi32, #tpu.memory_space<vmem>>) target_semaphore(%run_scoped3A : memref<!tpu.dma_semaphore, #tpu.memory_space<semaphore_mem>>)
      %dma_wait3A = arith.constant 0 : i32
      %dma_wait3A_15 = arith.constant 0 : i32
      %dma_wait3A_16 = tpu.memref_slice %arg4[%add3A, %dma_wait3A, %dma_wait3A_15] : memref<32x40x128xi32, #tpu.memory_space<hbm>> -> memref<1x40x128xi32, #tpu.memory_space<hbm>>
      %dma_wait3A_17 = tpu.memref_squeeze %dma_wait3A_16 : memref<1x40x128xi32, #tpu.memory_space<hbm>> -> memref<40x128xi32, #tpu.memory_space<hbm>>
      %dma_wait3A_18 = arith.constant 0 : i32
      %dma_wait3A_19 = arith.constant 0 : i32
      %dma_wait3A_20 = tpu.memref_slice %arg4[%add3A, %dma_wait3A_18, %dma_wait3A_19] : memref<32x40x128xi32, #tpu.memory_space<hbm>> -> memref<1x40x128xi32, #tpu.memory_space<hbm>>
      %dma_wait3A_21 = tpu.memref_squeeze %dma_wait3A_20 : memref<1x40x128xi32, #tpu.memory_space<hbm>> -> memref<40x128xi32, #tpu.memory_space<hbm>>
      tpu.wait_dma2 semaphore(%run_scoped3A : memref<!tpu.dma_semaphore, #tpu.memory_space<semaphore_mem>>) src(%dma_wait3A_21 : memref<40x128xi32, #tpu.memory_space<hbm>>) dst(%arg8 : memref<40x128xi32, #tpu.memory_space<vmem>>)
      tpu.yield
    }) : () -> ()
    %mul3A_1 = arith.constant 5120 : i32
    %mul3A_2 = arith.muli %add3A, %mul3A_1 : i32
    %scan3A = arith.constant 0 : i32
    %scan3A_3 = arith.constant 0 : i32
    %scan3A_4 = arith.constant 20 : i32
    %scan3A_5 = arith.addi %scan3A_3, %scan3A_4 : i32
    %scan3A_6 = arith.constant 1 : i32
    scf.for %scan3A_8 = %scan3A_3 to %scan3A_5 step %scan3A_6  : i32 {
      %mul3A_9 = arith.constant 2 : i32
      %mul3A_10 = arith.muli %mul3A_9, %scan3A_8 : i32
      %mul3A_11 = arith.constant 2 : i32
      %mul3A_12 = arith.muli %mul3A_11, %scan3A_8 : i32
      %add3A_13 = arith.constant 1 : i32
      %add3A_14 = arith.addi %mul3A_12, %add3A_13 : i32
      %dma_start3A = arith.constant 0 : i32
      %dma_start3A_15 = arith.constant 0 : i32
      %dma_start3A_16 = arith.constant 0 : i32
      %dma_start3A_17 = tpu.memref_slice %arg9[%dma_start3A, %dma_start3A_15, %dma_start3A_16] : memref<2x128x128xf32, #tpu.memory_space<vmem>> -> memref<1x128x128xf32, #tpu.memory_space<vmem>>
      %dma_start3A_18 = tpu.memref_squeeze %dma_start3A_17 : memref<1x128x128xf32, #tpu.memory_space<vmem>> -> memref<128x128xf32, #tpu.memory_space<vmem>>
      %dma_start3A_19 = arith.constant 0 : i32
      %dma_start3A_20 = tpu.memref_slice %arg7[%mul3A_10, %dma_start3A_19] : memref<40x128xi32, #tpu.memory_space<vmem>> -> memref<1x128xi32, #tpu.memory_space<vmem>>
      %dma_start3A_21 = tpu.memref_squeeze %dma_start3A_20 : memref<1x128xi32, #tpu.memory_space<vmem>> -> memref<128xi32, #tpu.memory_space<vmem>>
      %dma_start3A_22 = arith.constant 0 : i32
      %dma_start3A_23 = arith.constant 0 : i32
      %dma_start3A_24 = tpu.memref_slice %arg2[%dma_start3A_22, %dma_start3A_23] : memref<160000x128xf32, #tpu.memory_space<hbm>> -> memref<160000x128xf32, #tpu.memory_space<hbm>>
      tpu.enqueue_indirect_dma source(%dma_start3A_24 : memref<160000x128xf32, #tpu.memory_space<hbm>>) target(%dma_start3A_18 : memref<128x128xf32, #tpu.memory_space<vmem>>) offsets(%dma_start3A_21 : memref<128xi32, #tpu.memory_space<vmem>>) semaphore(%arg11 : memref<!tpu.dma_semaphore, #tpu.memory_space<semaphore_mem>>)
      %dma_start3A_25 = arith.constant 0 : i32
      %dma_start3A_26 = arith.constant 0 : i32
      %dma_start3A_27 = arith.constant 0 : i32
      %dma_start3A_28 = tpu.memref_slice %arg10[%dma_start3A_25, %dma_start3A_26, %dma_start3A_27] : memref<2x128x128xf32, #tpu.memory_space<vmem>> -> memref<1x128x128xf32, #tpu.memory_space<vmem>>
      %dma_start3A_29 = tpu.memref_squeeze %dma_start3A_28 : memref<1x128x128xf32, #tpu.memory_space<vmem>> -> memref<128x128xf32, #tpu.memory_space<vmem>>
      %dma_start3A_30 = arith.constant 0 : i32
      %dma_start3A_31 = tpu.memref_slice %arg8[%mul3A_10, %dma_start3A_30] : memref<40x128xi32, #tpu.memory_space<vmem>> -> memref<1x128xi32, #tpu.memory_space<vmem>>
      %dma_start3A_32 = tpu.memref_squeeze %dma_start3A_31 : memref<1x128xi32, #tpu.memory_space<vmem>> -> memref<128xi32, #tpu.memory_space<vmem>>
      %dma_start3A_33 = arith.constant 0 : i32
      %dma_start3A_34 = arith.constant 0 : i32
      %dma_start3A_35 = tpu.memref_slice %arg2[%dma_start3A_33, %dma_start3A_34] : memref<160000x128xf32, #tpu.memory_space<hbm>> -> memref<160000x128xf32, #tpu.memory_space<hbm>>
      tpu.enqueue_indirect_dma source(%dma_start3A_35 : memref<160000x128xf32, #tpu.memory_space<hbm>>) target(%dma_start3A_29 : memref<128x128xf32, #tpu.memory_space<vmem>>) offsets(%dma_start3A_32 : memref<128xi32, #tpu.memory_space<vmem>>) semaphore(%arg12 : memref<!tpu.dma_semaphore, #tpu.memory_space<semaphore_mem>>)
      %dma_start3A_36 = arith.constant 1 : i32
      %dma_start3A_37 = arith.constant 0 : i32
      %dma_start3A_38 = arith.constant 0 : i32
      %dma_start3A_39 = tpu.memref_slice %arg9[%dma_start3A_36, %dma_start3A_37, %dma_start3A_38] : memref<2x128x128xf32, #tpu.memory_space<vmem>> -> memref<1x128x128xf32, #tpu.memory_space<vmem>>
      %dma_start3A_40 = tpu.memref_squeeze %dma_start3A_39 : memref<1x128x128xf32, #tpu.memory_space<vmem>> -> memref<128x128xf32, #tpu.memory_space<vmem>>
      %dma_start3A_41 = arith.constant 0 : i32
      %dma_start3A_42 = tpu.memref_slice %arg7[%add3A_14, %dma_start3A_41] : memref<40x128xi32, #tpu.memory_space<vmem>> -> memref<1x128xi32, #tpu.memory_space<vmem>>
      %dma_start3A_43 = tpu.memref_squeeze %dma_start3A_42 : memref<1x128xi32, #tpu.memory_space<vmem>> -> memref<128xi32, #tpu.memory_space<vmem>>
      %dma_start3A_44 = arith.constant 0 : i32
      %dma_start3A_45 = arith.constant 0 : i32
      %dma_start3A_46 = tpu.memref_slice %arg2[%dma_start3A_44, %dma_start3A_45] : memref<160000x128xf32, #tpu.memory_space<hbm>> -> memref<160000x128xf32, #tpu.memory_space<hbm>>
      tpu.enqueue_indirect_dma source(%dma_start3A_46 : memref<160000x128xf32, #tpu.memory_space<hbm>>) target(%dma_start3A_40 : memref<128x128xf32, #tpu.memory_space<vmem>>) offsets(%dma_start3A_43 : memref<128xi32, #tpu.memory_space<vmem>>) semaphore(%arg13 : memref<!tpu.dma_semaphore, #tpu.memory_space<semaphore_mem>>)
      %dma_start3A_47 = arith.constant 1 : i32
      %dma_start3A_48 = arith.constant 0 : i32
      %dma_start3A_49 = arith.constant 0 : i32
      %dma_start3A_50 = tpu.memref_slice %arg10[%dma_start3A_47, %dma_start3A_48, %dma_start3A_49] : memref<2x128x128xf32, #tpu.memory_space<vmem>> -> memref<1x128x128xf32, #tpu.memory_space<vmem>>
      %dma_start3A_51 = tpu.memref_squeeze %dma_start3A_50 : memref<1x128x128xf32, #tpu.memory_space<vmem>> -> memref<128x128xf32, #tpu.memory_space<vmem>>
      %dma_start3A_52 = arith.constant 0 : i32
      %dma_start3A_53 = tpu.memref_slice %arg8[%add3A_14, %dma_start3A_52] : memref<40x128xi32, #tpu.memory_space<vmem>> -> memref<1x128xi32, #tpu.memory_space<vmem>>
      %dma_start3A_54 = tpu.memref_squeeze %dma_start3A_53 : memref<1x128xi32, #tpu.memory_space<vmem>> -> memref<128xi32, #tpu.memory_space<vmem>>
      %dma_start3A_55 = arith.constant 0 : i32
      %dma_start3A_56 = arith.constant 0 : i32
      %dma_start3A_57 = tpu.memref_slice %arg2[%dma_start3A_55, %dma_start3A_56] : memref<160000x128xf32, #tpu.memory_space<hbm>> -> memref<160000x128xf32, #tpu.memory_space<hbm>>
      tpu.enqueue_indirect_dma source(%dma_start3A_57 : memref<160000x128xf32, #tpu.memory_space<hbm>>) target(%dma_start3A_51 : memref<128x128xf32, #tpu.memory_space<vmem>>) offsets(%dma_start3A_54 : memref<128xi32, #tpu.memory_space<vmem>>) semaphore(%arg14 : memref<!tpu.dma_semaphore, #tpu.memory_space<semaphore_mem>>)
      %dma_wait3A = arith.constant 0 : i32
      %dma_wait3A_58 = arith.constant 0 : i32
      %dma_wait3A_59 = arith.constant 0 : i32
      %dma_wait3A_60 = tpu.memref_slice %arg9[%dma_wait3A, %dma_wait3A_58, %dma_wait3A_59] : memref<2x128x128xf32, #tpu.memory_space<vmem>> -> memref<1x128x128xf32, #tpu.memory_space<vmem>>
      %dma_wait3A_61 = tpu.memref_squeeze %dma_wait3A_60 : memref<1x128x128xf32, #tpu.memory_space<vmem>> -> memref<128x128xf32, #tpu.memory_space<vmem>>
      %dma_wait3A_62 = arith.constant 0 : i32
      %dma_wait3A_63 = tpu.memref_slice %arg7[%mul3A_10, %dma_wait3A_62] : memref<40x128xi32, #tpu.memory_space<vmem>> -> memref<1x128xi32, #tpu.memory_space<vmem>>
      %dma_wait3A_64 = tpu.memref_squeeze %dma_wait3A_63 : memref<1x128xi32, #tpu.memory_space<vmem>> -> memref<128xi32, #tpu.memory_space<vmem>>
      %dma_wait3A_65 = arith.constant 0 : i32
      %dma_wait3A_66 = arith.constant 0 : i32
      %dma_wait3A_67 = tpu.memref_slice %arg2[%dma_wait3A_65, %dma_wait3A_66] : memref<160000x128xf32, #tpu.memory_space<hbm>> -> memref<160000x128xf32, #tpu.memory_space<hbm>>
      tpu.wait_indirect_dma semaphore(%arg11 : memref<!tpu.dma_semaphore, #tpu.memory_space<semaphore_mem>>) src(%dma_wait3A_67 : memref<160000x128xf32, #tpu.memory_space<hbm>>) dst(%dma_wait3A_61 : memref<128x128xf32, #tpu.memory_space<vmem>>)
      %dma_wait3A_68 = arith.constant 0 : i32
      %dma_wait3A_69 = arith.constant 0 : i32
      %dma_wait3A_70 = arith.constant 0 : i32
      %dma_wait3A_71 = tpu.memref_slice %arg10[%dma_wait3A_68, %dma_wait3A_69, %dma_wait3A_70] : memref<2x128x128xf32, #tpu.memory_space<vmem>> -> memref<1x128x128xf32, #tpu.memory_space<vmem>>
      %dma_wait3A_72 = tpu.memref_squeeze %dma_wait3A_71 : memref<1x128x128xf32, #tpu.memory_space<vmem>> -> memref<128x128xf32, #tpu.memory_space<vmem>>
      %dma_wait3A_73 = arith.constant 0 : i32
      %dma_wait3A_74 = tpu.memref_slice %arg8[%mul3A_10, %dma_wait3A_73] : memref<40x128xi32, #tpu.memory_space<vmem>> -> memref<1x128xi32, #tpu.memory_space<vmem>>
      %dma_wait3A_75 = tpu.memref_squeeze %dma_wait3A_74 : memref<1x128xi32, #tpu.memory_space<vmem>> -> memref<128xi32, #tpu.memory_space<vmem>>
      %dma_wait3A_76 = arith.constant 0 : i32
      %dma_wait3A_77 = arith.constant 0 : i32
      %dma_wait3A_78 = tpu.memref_slice %arg2[%dma_wait3A_76, %dma_wait3A_77] : memref<160000x128xf32, #tpu.memory_space<hbm>> -> memref<160000x128xf32, #tpu.memory_space<hbm>>
      tpu.wait_indirect_dma semaphore(%arg12 : memref<!tpu.dma_semaphore, #tpu.memory_space<semaphore_mem>>) src(%dma_wait3A_78 : memref<160000x128xf32, #tpu.memory_space<hbm>>) dst(%dma_wait3A_72 : memref<128x128xf32, #tpu.memory_space<vmem>>)
      %mul3A_79 = arith.constant 128 : i32
      %mul3A_80 = arith.muli %mul3A_10, %mul3A_79 : i32
      %add3A_81 = arith.addi %mul3A_2, %mul3A_80 : i32
      %run_scoped3A = arith.constant 0 : i32
      "tpu.region"() ({
        %run_scoped3A_116 = tpu.sem_alloc : memref<!tpu.dma_semaphore, #tpu.memory_space<semaphore_mem>>
        %dma_start3A_117 = arith.constant 0 : i32
        %dma_start3A_118 = arith.constant 0 : i32
        %dma_start3A_119 = tpu.memref_slice %arg9[%run_scoped3A, %dma_start3A_117, %dma_start3A_118] : memref<2x128x128xf32, #tpu.memory_space<vmem>> -> memref<1x128x128xf32, #tpu.memory_space<vmem>>
        %dma_start3A_120 = tpu.memref_squeeze %dma_start3A_119 : memref<1x128x128xf32, #tpu.memory_space<vmem>> -> memref<128x128xf32, #tpu.memory_space<vmem>>
        %dma_start3A_121 = arith.constant 0 : i32
        %dma_start3A_122 = tpu.memref_slice %arg5[%add3A_81, %dma_start3A_121] : memref<163840x128xf32, #tpu.memory_space<hbm>> -> memref<128x128xf32, #tpu.memory_space<hbm>>
        %dma_start3A_123 = arith.constant 0 : i32
        %dma_start3A_124 = tpu.memref_slice %arg5[%add3A_81, %dma_start3A_123] : memref<163840x128xf32, #tpu.memory_space<hbm>> -> memref<128x128xf32, #tpu.memory_space<hbm>>
        %dma_start3A_125 = arith.constant 0 : i32
        %dma_start3A_126 = arith.constant 0 : i32
        %dma_start3A_127 = tpu.memref_slice %arg9[%run_scoped3A, %dma_start3A_125, %dma_start3A_126] : memref<2x128x128xf32, #tpu.memory_space<vmem>> -> memref<1x128x128xf32, #tpu.memory_space<vmem>>
        %dma_start3A_128 = tpu.memref_squeeze %dma_start3A_127 : memref<1x128x128xf32, #tpu.memory_space<vmem>> -> memref<128x128xf32, #tpu.memory_space<vmem>>
        tpu.enqueue_dma source(%dma_start3A_128 : memref<128x128xf32, #tpu.memory_space<vmem>>) target(%dma_start3A_124 : memref<128x128xf32, #tpu.memory_space<hbm>>) target_semaphore(%run_scoped3A_116 : memref<!tpu.dma_semaphore, #tpu.memory_space<semaphore_mem>>)
        %dma_wait3A_129 = arith.constant 0 : i32
        %dma_wait3A_130 = arith.constant 0 : i32
        %dma_wait3A_131 = tpu.memref_slice %arg9[%run_scoped3A, %dma_wait3A_129, %dma_wait3A_130] : memref<2x128x128xf32, #tpu.memory_space<vmem>> -> memref<1x128x128xf32, #tpu.memory_space<vmem>>
        %dma_wait3A_132 = tpu.memref_squeeze %dma_wait3A_131 : memref<1x128x128xf32, #tpu.memory_space<vmem>> -> memref<128x128xf32, #tpu.memory_space<vmem>>
        %dma_wait3A_133 = arith.constant 0 : i32
        %dma_wait3A_134 = tpu.memref_slice %arg5[%add3A_81, %dma_wait3A_133] : memref<163840x128xf32, #tpu.memory_space<hbm>> -> memref<128x128xf32, #tpu.memory_space<hbm>>
        %dma_wait3A_135 = arith.constant 0 : i32
        %dma_wait3A_136 = tpu.memref_slice %arg5[%add3A_81, %dma_wait3A_135] : memref<163840x128xf32, #tpu.memory_space<hbm>> -> memref<128x128xf32, #tpu.memory_space<hbm>>
        %dma_wait3A_137 = arith.constant 0 : i32
        %dma_wait3A_138 = arith.constant 0 : i32
        %dma_wait3A_139 = tpu.memref_slice %arg9[%run_scoped3A, %dma_wait3A_137, %dma_wait3A_138] : memref<2x128x128xf32, #tpu.memory_space<vmem>> -> memref<1x128x128xf32, #tpu.memory_space<vmem>>
        %dma_wait3A_140 = tpu.memref_squeeze %dma_wait3A_139 : memref<1x128x128xf32, #tpu.memory_space<vmem>> -> memref<128x128xf32, #tpu.memory_space<vmem>>
        tpu.wait_dma2 semaphore(%run_scoped3A_116 : memref<!tpu.dma_semaphore, #tpu.memory_space<semaphore_mem>>) src(%dma_wait3A_140 : memref<128x128xf32, #tpu.memory_space<vmem>>) dst(%dma_wait3A_136 : memref<128x128xf32, #tpu.memory_space<hbm>>)
        tpu.yield
      }) : () -> ()
      %mul3A_82 = arith.constant 128 : i32
      %mul3A_83 = arith.muli %mul3A_10, %mul3A_82 : i32
      %add3A_84 = arith.addi %mul3A_2, %mul3A_83 : i32
      %run_scoped3A_85 = arith.constant 0 : i32
      "tpu.region"() ({
        %run_scoped3A_116 = tpu.sem_alloc : memref<!tpu.dma_semaphore, #tpu.memory_space<semaphore_mem>>
        %dma_start3A_117 = arith.constant 0 : i32
        %dma_start3A_118 = arith.constant 0 : i32
        %dma_start3A_119 = tpu.memref_slice %arg10[%run_scoped3A_85, %dma_start3A_117, %dma_start3A_118] : memref<2x128x128xf32, #tpu.memory_space<vmem>> -> memref<1x128x128xf32, #tpu.memory_space<vmem>>
        %dma_start3A_120 = tpu.memref_squeeze %dma_start3A_119 : memref<1x128x128xf32, #tpu.memory_space<vmem>> -> memref<128x128xf32, #tpu.memory_space<vmem>>
        %dma_start3A_121 = arith.constant 0 : i32
        %dma_start3A_122 = tpu.memref_slice %arg6[%add3A_84, %dma_start3A_121] : memref<163840x128xf32, #tpu.memory_space<hbm>> -> memref<128x128xf32, #tpu.memory_space<hbm>>
        %dma_start3A_123 = arith.constant 0 : i32
        %dma_start3A_124 = tpu.memref_slice %arg6[%add3A_84, %dma_start3A_123] : memref<163840x128xf32, #tpu.memory_space<hbm>> -> memref<128x128xf32, #tpu.memory_space<hbm>>
        %dma_start3A_125 = arith.constant 0 : i32
        %dma_start3A_126 = arith.constant 0 : i32
        %dma_start3A_127 = tpu.memref_slice %arg10[%run_scoped3A_85, %dma_start3A_125, %dma_start3A_126] : memref<2x128x128xf32, #tpu.memory_space<vmem>> -> memref<1x128x128xf32, #tpu.memory_space<vmem>>
        %dma_start3A_128 = tpu.memref_squeeze %dma_start3A_127 : memref<1x128x128xf32, #tpu.memory_space<vmem>> -> memref<128x128xf32, #tpu.memory_space<vmem>>
        tpu.enqueue_dma source(%dma_start3A_128 : memref<128x128xf32, #tpu.memory_space<vmem>>) target(%dma_start3A_124 : memref<128x128xf32, #tpu.memory_space<hbm>>) target_semaphore(%run_scoped3A_116 : memref<!tpu.dma_semaphore, #tpu.memory_space<semaphore_mem>>)
        %dma_wait3A_129 = arith.constant 0 : i32
        %dma_wait3A_130 = arith.constant 0 : i32
        %dma_wait3A_131 = tpu.memref_slice %arg10[%run_scoped3A_85, %dma_wait3A_129, %dma_wait3A_130] : memref<2x128x128xf32, #tpu.memory_space<vmem>> -> memref<1x128x128xf32, #tpu.memory_space<vmem>>
        %dma_wait3A_132 = tpu.memref_squeeze %dma_wait3A_131 : memref<1x128x128xf32, #tpu.memory_space<vmem>> -> memref<128x128xf32, #tpu.memory_space<vmem>>
        %dma_wait3A_133 = arith.constant 0 : i32
        %dma_wait3A_134 = tpu.memref_slice %arg6[%add3A_84, %dma_wait3A_133] : memref<163840x128xf32, #tpu.memory_space<hbm>> -> memref<128x128xf32, #tpu.memory_space<hbm>>
        %dma_wait3A_135 = arith.constant 0 : i32
        %dma_wait3A_136 = tpu.memref_slice %arg6[%add3A_84, %dma_wait3A_135] : memref<163840x128xf32, #tpu.memory_space<hbm>> -> memref<128x128xf32, #tpu.memory_space<hbm>>
        %dma_wait3A_137 = arith.constant 0 : i32
        %dma_wait3A_138 = arith.constant 0 : i32
        %dma_wait3A_139 = tpu.memref_slice %arg10[%run_scoped3A_85, %dma_wait3A_137, %dma_wait3A_138] : memref<2x128x128xf32, #tpu.memory_space<vmem>> -> memref<1x128x128xf32, #tpu.memory_space<vmem>>
        %dma_wait3A_140 = tpu.memref_squeeze %dma_wait3A_139 : memref<1x128x128xf32, #tpu.memory_space<vmem>> -> memref<128x128xf32, #tpu.memory_space<vmem>>
        tpu.wait_dma2 semaphore(%run_scoped3A_116 : memref<!tpu.dma_semaphore, #tpu.memory_space<semaphore_mem>>) src(%dma_wait3A_140 : memref<128x128xf32, #tpu.memory_space<vmem>>) dst(%dma_wait3A_136 : memref<128x128xf32, #tpu.memory_space<hbm>>)
        tpu.yield
      }) : () -> ()
      %dma_wait3A_86 = arith.constant 1 : i32
      %dma_wait3A_87 = arith.constant 0 : i32
      %dma_wait3A_88 = arith.constant 0 : i32
      %dma_wait3A_89 = tpu.memref_slice %arg9[%dma_wait3A_86, %dma_wait3A_87, %dma_wait3A_88] : memref<2x128x128xf32, #tpu.memory_space<vmem>> -> memref<1x128x128xf32, #tpu.memory_space<vmem>>
      %dma_wait3A_90 = tpu.memref_squeeze %dma_wait3A_89 : memref<1x128x128xf32, #tpu.memory_space<vmem>> -> memref<128x128xf32, #tpu.memory_space<vmem>>
      %dma_wait3A_91 = arith.constant 0 : i32
      %dma_wait3A_92 = tpu.memref_slice %arg7[%add3A_14, %dma_wait3A_91] : memref<40x128xi32, #tpu.memory_space<vmem>> -> memref<1x128xi32, #tpu.memory_space<vmem>>
      %dma_wait3A_93 = tpu.memref_squeeze %dma_wait3A_92 : memref<1x128xi32, #tpu.memory_space<vmem>> -> memref<128xi32, #tpu.memory_space<vmem>>
      %dma_wait3A_94 = arith.constant 0 : i32
      %dma_wait3A_95 = arith.constant 0 : i32
      %dma_wait3A_96 = tpu.memref_slice %arg2[%dma_wait3A_94, %dma_wait3A_95] : memref<160000x128xf32, #tpu.memory_space<hbm>> -> memref<160000x128xf32, #tpu.memory_space<hbm>>
      tpu.wait_indirect_dma semaphore(%arg13 : memref<!tpu.dma_semaphore, #tpu.memory_space<semaphore_mem>>) src(%dma_wait3A_96 : memref<160000x128xf32, #tpu.memory_space<hbm>>) dst(%dma_wait3A_90 : memref<128x128xf32, #tpu.memory_space<vmem>>)
      %dma_wait3A_97 = arith.constant 1 : i32
      %dma_wait3A_98 = arith.constant 0 : i32
      %dma_wait3A_99 = arith.constant 0 : i32
      %dma_wait3A_100 = tpu.memref_slice %arg10[%dma_wait3A_97, %dma_wait3A_98, %dma_wait3A_99] : memref<2x128x128xf32, #tpu.memory_space<vmem>> -> memref<1x128x128xf32, #tpu.memory_space<vmem>>
      %dma_wait3A_101 = tpu.memref_squeeze %dma_wait3A_100 : memref<1x128x128xf32, #tpu.memory_space<vmem>> -> memref<128x128xf32, #tpu.memory_space<vmem>>
      %dma_wait3A_102 = arith.constant 0 : i32
      %dma_wait3A_103 = tpu.memref_slice %arg8[%add3A_14, %dma_wait3A_102] : memref<40x128xi32, #tpu.memory_space<vmem>> -> memref<1x128xi32, #tpu.memory_space<vmem>>
      %dma_wait3A_104 = tpu.memref_squeeze %dma_wait3A_103 : memref<1x128xi32, #tpu.memory_space<vmem>> -> memref<128xi32, #tpu.memory_space<vmem>>
      %dma_wait3A_105 = arith.constant 0 : i32
      %dma_wait3A_106 = arith.constant 0 : i32
      %dma_wait3A_107 = tpu.memref_slice %arg2[%dma_wait3A_105, %dma_wait3A_106] : memref<160000x128xf32, #tpu.memory_space<hbm>> -> memref<160000x128xf32, #tpu.memory_space<hbm>>
      tpu.wait_indirect_dma semaphore(%arg14 : memref<!tpu.dma_semaphore, #tpu.memory_space<semaphore_mem>>) src(%dma_wait3A_107 : memref<160000x128xf32, #tpu.memory_space<hbm>>) dst(%dma_wait3A_101 : memref<128x128xf32, #tpu.memory_space<vmem>>)
      %mul3A_108 = arith.constant 128 : i32
      %mul3A_109 = arith.muli %add3A_14, %mul3A_108 : i32
      %add3A_110 = arith.addi %mul3A_2, %mul3A_109 : i32
      %run_scoped3A_111 = arith.constant 1 : i32
      "tpu.region"() ({
        %run_scoped3A_116 = tpu.sem_alloc : memref<!tpu.dma_semaphore, #tpu.memory_space<semaphore_mem>>
        %dma_start3A_117 = arith.constant 0 : i32
        %dma_start3A_118 = arith.constant 0 : i32
        %dma_start3A_119 = tpu.memref_slice %arg9[%run_scoped3A_111, %dma_start3A_117, %dma_start3A_118] : memref<2x128x128xf32, #tpu.memory_space<vmem>> -> memref<1x128x128xf32, #tpu.memory_space<vmem>>
        %dma_start3A_120 = tpu.memref_squeeze %dma_start3A_119 : memref<1x128x128xf32, #tpu.memory_space<vmem>> -> memref<128x128xf32, #tpu.memory_space<vmem>>
        %dma_start3A_121 = arith.constant 0 : i32
        %dma_start3A_122 = tpu.memref_slice %arg5[%add3A_110, %dma_start3A_121] : memref<163840x128xf32, #tpu.memory_space<hbm>> -> memref<128x128xf32, #tpu.memory_space<hbm>>
        %dma_start3A_123 = arith.constant 0 : i32
        %dma_start3A_124 = tpu.memref_slice %arg5[%add3A_110, %dma_start3A_123] : memref<163840x128xf32, #tpu.memory_space<hbm>> -> memref<128x128xf32, #tpu.memory_space<hbm>>
        %dma_start3A_125 = arith.constant 0 : i32
        %dma_start3A_126 = arith.constant 0 : i32
        %dma_start3A_127 = tpu.memref_slice %arg9[%run_scoped3A_111, %dma_start3A_125, %dma_start3A_126] : memref<2x128x128xf32, #tpu.memory_space<vmem>> -> memref<1x128x128xf32, #tpu.memory_space<vmem>>
        %dma_start3A_128 = tpu.memref_squeeze %dma_start3A_127 : memref<1x128x128xf32, #tpu.memory_space<vmem>> -> memref<128x128xf32, #tpu.memory_space<vmem>>
        tpu.enqueue_dma source(%dma_start3A_128 : memref<128x128xf32, #tpu.memory_space<vmem>>) target(%dma_start3A_124 : memref<128x128xf32, #tpu.memory_space<hbm>>) target_semaphore(%run_scoped3A_116 : memref<!tpu.dma_semaphore, #tpu.memory_space<semaphore_mem>>)
        %dma_wait3A_129 = arith.constant 0 : i32
        %dma_wait3A_130 = arith.constant 0 : i32
        %dma_wait3A_131 = tpu.memref_slice %arg9[%run_scoped3A_111, %dma_wait3A_129, %dma_wait3A_130] : memref<2x128x128xf32, #tpu.memory_space<vmem>> -> memref<1x128x128xf32, #tpu.memory_space<vmem>>
        %dma_wait3A_132 = tpu.memref_squeeze %dma_wait3A_131 : memref<1x128x128xf32, #tpu.memory_space<vmem>> -> memref<128x128xf32, #tpu.memory_space<vmem>>
        %dma_wait3A_133 = arith.constant 0 : i32
        %dma_wait3A_134 = tpu.memref_slice %arg5[%add3A_110, %dma_wait3A_133] : memref<163840x128xf32, #tpu.memory_space<hbm>> -> memref<128x128xf32, #tpu.memory_space<hbm>>
        %dma_wait3A_135 = arith.constant 0 : i32
        %dma_wait3A_136 = tpu.memref_slice %arg5[%add3A_110, %dma_wait3A_135] : memref<163840x128xf32, #tpu.memory_space<hbm>> -> memref<128x128xf32, #tpu.memory_space<hbm>>
        %dma_wait3A_137 = arith.constant 0 : i32
        %dma_wait3A_138 = arith.constant 0 : i32
        %dma_wait3A_139 = tpu.memref_slice %arg9[%run_scoped3A_111, %dma_wait3A_137, %dma_wait3A_138] : memref<2x128x128xf32, #tpu.memory_space<vmem>> -> memref<1x128x128xf32, #tpu.memory_space<vmem>>
        %dma_wait3A_140 = tpu.memref_squeeze %dma_wait3A_139 : memref<1x128x128xf32, #tpu.memory_space<vmem>> -> memref<128x128xf32, #tpu.memory_space<vmem>>
        tpu.wait_dma2 semaphore(%run_scoped3A_116 : memref<!tpu.dma_semaphore, #tpu.memory_space<semaphore_mem>>) src(%dma_wait3A_140 : memref<128x128xf32, #tpu.memory_space<vmem>>) dst(%dma_wait3A_136 : memref<128x128xf32, #tpu.memory_space<hbm>>)
        tpu.yield
      }) : () -> ()
      %mul3A_112 = arith.constant 128 : i32
      %mul3A_113 = arith.muli %add3A_14, %mul3A_112 : i32
      %add3A_114 = arith.addi %mul3A_2, %mul3A_113 : i32
      %run_scoped3A_115 = arith.constant 1 : i32
      "tpu.region"() ({
        %run_scoped3A_116 = tpu.sem_alloc : memref<!tpu.dma_semaphore, #tpu.memory_space<semaphore_mem>>
        %dma_start3A_117 = arith.constant 0 : i32
        %dma_start3A_118 = arith.constant 0 : i32
        %dma_start3A_119 = tpu.memref_slice %arg10[%run_scoped3A_115, %dma_start3A_117, %dma_start3A_118] : memref<2x128x128xf32, #tpu.memory_space<vmem>> -> memref<1x128x128xf32, #tpu.memory_space<vmem>>
        %dma_start3A_120 = tpu.memref_squeeze %dma_start3A_119 : memref<1x128x128xf32, #tpu.memory_space<vmem>> -> memref<128x128xf32, #tpu.memory_space<vmem>>
        %dma_start3A_121 = arith.constant 0 : i32
        %dma_start3A_122 = tpu.memref_slice %arg6[%add3A_114, %dma_start3A_121] : memref<163840x128xf32, #tpu.memory_space<hbm>> -> memref<128x128xf32, #tpu.memory_space<hbm>>
        %dma_start3A_123 = arith.constant 0 : i32
        %dma_start3A_124 = tpu.memref_slice %arg6[%add3A_114, %dma_start3A_123] : memref<163840x128xf32, #tpu.memory_space<hbm>> -> memref<128x128xf32, #tpu.memory_space<hbm>>
        %dma_start3A_125 = arith.constant 0 : i32
        %dma_start3A_126 = arith.constant 0 : i32
        %dma_start3A_127 = tpu.memref_slice %arg10[%run_scoped3A_115, %dma_start3A_125, %dma_start3A_126] : memref<2x128x128xf32, #tpu.memory_space<vmem>> -> memref<1x128x128xf32, #tpu.memory_space<vmem>>
        %dma_start3A_128 = tpu.memref_squeeze %dma_start3A_127 : memref<1x128x128xf32, #tpu.memory_space<vmem>> -> memref<128x128xf32, #tpu.memory_space<vmem>>
        tpu.enqueue_dma source(%dma_start3A_128 : memref<128x128xf32, #tpu.memory_space<vmem>>) target(%dma_start3A_124 : memref<128x128xf32, #tpu.memory_space<hbm>>) target_semaphore(%run_scoped3A_116 : memref<!tpu.dma_semaphore, #tpu.memory_space<semaphore_mem>>)
        %dma_wait3A_129 = arith.constant 0 : i32
        %dma_wait3A_130 = arith.constant 0 : i32
        %dma_wait3A_131 = tpu.memref_slice %arg10[%run_scoped3A_115, %dma_wait3A_129, %dma_wait3A_130] : memref<2x128x128xf32, #tpu.memory_space<vmem>> -> memref<1x128x128xf32, #tpu.memory_space<vmem>>
        %dma_wait3A_132 = tpu.memref_squeeze %dma_wait3A_131 : memref<1x128x128xf32, #tpu.memory_space<vmem>> -> memref<128x128xf32, #tpu.memory_space<vmem>>
        %dma_wait3A_133 = arith.constant 0 : i32
        %dma_wait3A_134 = tpu.memref_slice %arg6[%add3A_114, %dma_wait3A_133] : memref<163840x128xf32, #tpu.memory_space<hbm>> -> memref<128x128xf32, #tpu.memory_space<hbm>>
        %dma_wait3A_135 = arith.constant 0 : i32
        %dma_wait3A_136 = tpu.memref_slice %arg6[%add3A_114, %dma_wait3A_135] : memref<163840x128xf32, #tpu.memory_space<hbm>> -> memref<128x128xf32, #tpu.memory_space<hbm>>
        %dma_wait3A_137 = arith.constant 0 : i32
        %dma_wait3A_138 = arith.constant 0 : i32
        %dma_wait3A_139 = tpu.memref_slice %arg10[%run_scoped3A_115, %dma_wait3A_137, %dma_wait3A_138] : memref<2x128x128xf32, #tpu.memory_space<vmem>> -> memref<1x128x128xf32, #tpu.memory_space<vmem>>
        %dma_wait3A_140 = tpu.memref_squeeze %dma_wait3A_139 : memref<1x128x128xf32, #tpu.memory_space<vmem>> -> memref<128x128xf32, #tpu.memory_space<vmem>>
        tpu.wait_dma2 semaphore(%run_scoped3A_116 : memref<!tpu.dma_semaphore, #tpu.memory_space<semaphore_mem>>) src(%dma_wait3A_140 : memref<128x128xf32, #tpu.memory_space<vmem>>) dst(%dma_wait3A_136 : memref<128x128xf32, #tpu.memory_space<hbm>>)
        tpu.yield
      }) : () -> ()
    }
    %scan3A_7 = arith.constant 20 : i32
    return
  }
}

#map = affine_map<(d0, d1) -> (0, 0, 0)>
#map1 = affine_map<(d0, d1) -> (0)>
#map2 = affine_map<(d0, d1) -> (0, 0)>
module attributes {stable_mosaic.version = 14 : i64} {
  func.func @k(%arg0: i32, %arg1: i32, %arg2: memref<32x40x128xf32, #tpu.memory_space<hbm>>, %arg3: memref<32x40x128xi32, #tpu.memory_space<hbm>>, %arg4: memref<32x40x128xi32, #tpu.memory_space<hbm>>, %arg5: memref<10000xf32, #tpu.memory_space<hbm>>, %arg6: memref<10000x128xf32, #tpu.memory_space<hbm>>, %arg7: memref<2x10240x128xf32, #tpu.memory_space<hbm>>, %arg8: memref<128xf32, #tpu.memory_space<vmem>>, %arg9: memref<128xi32, #tpu.memory_space<vmem>>, %arg10: memref<128xi32, #tpu.memory_space<vmem>>, %arg11: memref<10000xf32, #tpu.memory_space<vmem>>, %arg12: memref<128x128xf32, #tpu.memory_space<vmem>>, %arg13: memref<128xf32, #tpu.memory_space<vmem>>, %arg14: memref<10240x128xf32, #tpu.memory_space<vmem_shared>>, %arg15: memref<!tpu.dma_semaphore, #tpu.memory_space<semaphore_mem>>) attributes {dimension_semantics = [#tpu.dimension_semantics<core_parallel>, #tpu.dimension_semantics<subcore_parallel>], iteration_bounds = array<i64: 2, 16>, scalar_prefetch = 0 : i64, scratch_operands = 8 : i64, tpu.core_type = #tpu.core_type<sc_vector_subcore>, window_params = [{transform_indices = #map}, {transform_indices = #map}, {transform_indices = #map}, {transform_indices = #map1}, {transform_indices = #map2}, {transform_indices = #map}]} {
    %mul3A = arith.constant 2 : i32
    %mul3A_0 = arith.muli %arg1, %mul3A : i32
    %add3A = arith.addi %mul3A_0, %arg0 : i32
    %scan3A = arith.constant 0 : i32
    %scan3A_1 = arith.constant 0 : i32
    %scan3A_2 = arith.constant 128 : i32
    %scan3A_3 = arith.addi %scan3A_1, %scan3A_2 : i32
    %scan3A_4 = arith.constant 1 : i32
    scf.for %scan3A_53 = %scan3A_1 to %scan3A_3 step %scan3A_4  : i32 {
      %broadcast_in_dim3A = arith.constant 0.000000e+00 : f32
      %broadcast_in_dim3A_54 = vector.broadcast %broadcast_in_dim3A : f32 to vector<16xf32>
      %swap3A = arith.index_cast %scan3A_53 : i32 to index
      %swap3A_55 = arith.constant 0 : index
      %swap3A_56 = tpu.vector_load %arg12[%swap3A, %swap3A_55] {strides = array<i32>} : memref<128x128xf32, #tpu.memory_space<vmem>>, vector<16xf32>,
      tpu.vector_store %arg12[%swap3A, %swap3A_55], %broadcast_in_dim3A_54 {strides = array<i32>} : memref<128x128xf32, #tpu.memory_space<vmem>>, vector<16xf32>,
      %broadcast_in_dim3A_57 = arith.constant 0.000000e+00 : f32
      %broadcast_in_dim3A_58 = vector.broadcast %broadcast_in_dim3A_57 : f32 to vector<16xf32>
      %swap3A_59 = arith.index_cast %scan3A_53 : i32 to index
      %swap3A_60 = arith.constant 16 : index
      %swap3A_61 = tpu.vector_load %arg12[%swap3A_59, %swap3A_60] {strides = array<i32>} : memref<128x128xf32, #tpu.memory_space<vmem>>, vector<16xf32>,
      tpu.vector_store %arg12[%swap3A_59, %swap3A_60], %broadcast_in_dim3A_58 {strides = array<i32>} : memref<128x128xf32, #tpu.memory_space<vmem>>, vector<16xf32>,
      %broadcast_in_dim3A_62 = arith.constant 0.000000e+00 : f32
      %broadcast_in_dim3A_63 = vector.broadcast %broadcast_in_dim3A_62 : f32 to vector<16xf32>
      %swap3A_64 = arith.index_cast %scan3A_53 : i32 to index
      %swap3A_65 = arith.constant 32 : index
      %swap3A_66 = tpu.vector_load %arg12[%swap3A_64, %swap3A_65] {strides = array<i32>} : memref<128x128xf32, #tpu.memory_space<vmem>>, vector<16xf32>,
      tpu.vector_store %arg12[%swap3A_64, %swap3A_65], %broadcast_in_dim3A_63 {strides = array<i32>} : memref<128x128xf32, #tpu.memory_space<vmem>>, vector<16xf32>,
      %broadcast_in_dim3A_67 = arith.constant 0.000000e+00 : f32
      %broadcast_in_dim3A_68 = vector.broadcast %broadcast_in_dim3A_67 : f32 to vector<16xf32>
      %swap3A_69 = arith.index_cast %scan3A_53 : i32 to index
      %swap3A_70 = arith.constant 48 : index
      %swap3A_71 = tpu.vector_load %arg12[%swap3A_69, %swap3A_70] {strides = array<i32>} : memref<128x128xf32, #tpu.memory_space<vmem>>, vector<16xf32>,
      tpu.vector_store %arg12[%swap3A_69, %swap3A_70], %broadcast_in_dim3A_68 {strides = array<i32>} : memref<128x128xf32, #tpu.memory_space<vmem>>, vector<16xf32>,
      %broadcast_in_dim3A_72 = arith.constant 0.000000e+00 : f32
      %broadcast_in_dim3A_73 = vector.broadcast %broadcast_in_dim3A_72 : f32 to vector<16xf32>
      %swap3A_74 = arith.index_cast %scan3A_53 : i32 to index
      %swap3A_75 = arith.constant 64 : index
      %swap3A_76 = tpu.vector_load %arg12[%swap3A_74, %swap3A_75] {strides = array<i32>} : memref<128x128xf32, #tpu.memory_space<vmem>>, vector<16xf32>,
      tpu.vector_store %arg12[%swap3A_74, %swap3A_75], %broadcast_in_dim3A_73 {strides = array<i32>} : memref<128x128xf32, #tpu.memory_space<vmem>>, vector<16xf32>,
      %broadcast_in_dim3A_77 = arith.constant 0.000000e+00 : f32
      %broadcast_in_dim3A_78 = vector.broadcast %broadcast_in_dim3A_77 : f32 to vector<16xf32>
      %swap3A_79 = arith.index_cast %scan3A_53 : i32 to index
      %swap3A_80 = arith.constant 80 : index
      %swap3A_81 = tpu.vector_load %arg12[%swap3A_79, %swap3A_80] {strides = array<i32>} : memref<128x128xf32, #tpu.memory_space<vmem>>, vector<16xf32>,
      tpu.vector_store %arg12[%swap3A_79, %swap3A_80], %broadcast_in_dim3A_78 {strides = array<i32>} : memref<128x128xf32, #tpu.memory_space<vmem>>, vector<16xf32>,
      %broadcast_in_dim3A_82 = arith.constant 0.000000e+00 : f32
      %broadcast_in_dim3A_83 = vector.broadcast %broadcast_in_dim3A_82 : f32 to vector<16xf32>
      %swap3A_84 = arith.index_cast %scan3A_53 : i32 to index
      %swap3A_85 = arith.constant 96 : index
      %swap3A_86 = tpu.vector_load %arg12[%swap3A_84, %swap3A_85] {strides = array<i32>} : memref<128x128xf32, #tpu.memory_space<vmem>>, vector<16xf32>,
      tpu.vector_store %arg12[%swap3A_84, %swap3A_85], %broadcast_in_dim3A_83 {strides = array<i32>} : memref<128x128xf32, #tpu.memory_space<vmem>>, vector<16xf32>,
      %broadcast_in_dim3A_87 = arith.constant 0.000000e+00 : f32
      %broadcast_in_dim3A_88 = vector.broadcast %broadcast_in_dim3A_87 : f32 to vector<16xf32>
      %swap3A_89 = arith.index_cast %scan3A_53 : i32 to index
      %swap3A_90 = arith.constant 112 : index
      %swap3A_91 = tpu.vector_load %arg12[%swap3A_89, %swap3A_90] {strides = array<i32>} : memref<128x128xf32, #tpu.memory_space<vmem>>, vector<16xf32>,
      tpu.vector_store %arg12[%swap3A_89, %swap3A_90], %broadcast_in_dim3A_88 {strides = array<i32>} : memref<128x128xf32, #tpu.memory_space<vmem>>, vector<16xf32>,
    }
    %scan3A_5 = arith.constant 128 : i32
    %mul3A_6 = arith.constant 640 : i32
    %mul3A_7 = arith.muli %arg1, %mul3A_6 : i32
    %add3A_8 = arith.constant 0 : i32
    %add3A_9 = arith.addi %mul3A_7, %add3A_8 : i32
    "tpu.region"() ({
      %run_scoped3A = tpu.sem_alloc : memref<!tpu.dma_semaphore, #tpu.memory_space<semaphore_mem>>
      %dma_start3A = arith.constant 0 : i32
      %dma_start3A_53 = tpu.memref_slice %arg14[%add3A_9, %dma_start3A] : memref<10240x128xf32, #tpu.memory_space<vmem_shared>> -> memref<128x128xf32, #tpu.memory_space<vmem_shared>>
      %dma_start3A_54 = arith.constant 0 : i32
      %dma_start3A_55 = tpu.memref_slice %arg14[%add3A_9, %dma_start3A_54] : memref<10240x128xf32, #tpu.memory_space<vmem_shared>> -> memref<128x128xf32, #tpu.memory_space<vmem_shared>>
      tpu.enqueue_dma source(%arg12 : memref<128x128xf32, #tpu.memory_space<vmem>>) target(%dma_start3A_55 : memref<128x128xf32, #tpu.memory_space<vmem_shared>>) target_semaphore(%run_scoped3A : memref<!tpu.dma_semaphore, #tpu.memory_space<semaphore_mem>>)
      %dma_wait3A = arith.constant 0 : i32
      %dma_wait3A_56 = tpu.memref_slice %arg14[%add3A_9, %dma_wait3A] : memref<10240x128xf32, #tpu.memory_space<vmem_shared>> -> memref<128x128xf32, #tpu.memory_space<vmem_shared>>
      %dma_wait3A_57 = arith.constant 0 : i32
      %dma_wait3A_58 = tpu.memref_slice %arg14[%add3A_9, %dma_wait3A_57] : memref<10240x128xf32, #tpu.memory_space<vmem_shared>> -> memref<128x128xf32, #tpu.memory_space<vmem_shared>>
      tpu.wait_dma2 semaphore(%run_scoped3A : memref<!tpu.dma_semaphore, #tpu.memory_space<semaphore_mem>>) src(%arg12 : memref<128x128xf32, #tpu.memory_space<vmem>>) dst(%dma_wait3A_58 : memref<128x128xf32, #tpu.memory_space<vmem_shared>>)
      tpu.yield
    }) : () -> ()
    %mul3A_10 = arith.constant 640 : i32
    %mul3A_11 = arith.muli %arg1, %mul3A_10 : i32
    %add3A_12 = arith.constant 128 : i32
    %add3A_13 = arith.addi %mul3A_11, %add3A_12 : i32
    "tpu.region"() ({
      %run_scoped3A = tpu.sem_alloc : memref<!tpu.dma_semaphore, #tpu.memory_space<semaphore_mem>>
      %dma_start3A = arith.constant 0 : i32
      %dma_start3A_53 = tpu.memref_slice %arg14[%add3A_13, %dma_start3A] : memref<10240x128xf32, #tpu.memory_space<vmem_shared>> -> memref<128x128xf32, #tpu.memory_space<vmem_shared>>
      %dma_start3A_54 = arith.constant 0 : i32
      %dma_start3A_55 = tpu.memref_slice %arg14[%add3A_13, %dma_start3A_54] : memref<10240x128xf32, #tpu.memory_space<vmem_shared>> -> memref<128x128xf32, #tpu.memory_space<vmem_shared>>
      tpu.enqueue_dma source(%arg12 : memref<128x128xf32, #tpu.memory_space<vmem>>) target(%dma_start3A_55 : memref<128x128xf32, #tpu.memory_space<vmem_shared>>) target_semaphore(%run_scoped3A : memref<!tpu.dma_semaphore, #tpu.memory_space<semaphore_mem>>)
      %dma_wait3A = arith.constant 0 : i32
      %dma_wait3A_56 = tpu.memref_slice %arg14[%add3A_13, %dma_wait3A] : memref<10240x128xf32, #tpu.memory_space<vmem_shared>> -> memref<128x128xf32, #tpu.memory_space<vmem_shared>>
      %dma_wait3A_57 = arith.constant 0 : i32
      %dma_wait3A_58 = tpu.memref_slice %arg14[%add3A_13, %dma_wait3A_57] : memref<10240x128xf32, #tpu.memory_space<vmem_shared>> -> memref<128x128xf32, #tpu.memory_space<vmem_shared>>
      tpu.wait_dma2 semaphore(%run_scoped3A : memref<!tpu.dma_semaphore, #tpu.memory_space<semaphore_mem>>) src(%arg12 : memref<128x128xf32, #tpu.memory_space<vmem>>) dst(%dma_wait3A_58 : memref<128x128xf32, #tpu.memory_space<vmem_shared>>)
      tpu.yield
    }) : () -> ()
    %mul3A_14 = arith.constant 640 : i32
    %mul3A_15 = arith.muli %arg1, %mul3A_14 : i32
    %add3A_16 = arith.constant 256 : i32
    %add3A_17 = arith.addi %mul3A_15, %add3A_16 : i32
    "tpu.region"() ({
      %run_scoped3A = tpu.sem_alloc : memref<!tpu.dma_semaphore, #tpu.memory_space<semaphore_mem>>
      %dma_start3A = arith.constant 0 : i32
      %dma_start3A_53 = tpu.memref_slice %arg14[%add3A_17, %dma_start3A] : memref<10240x128xf32, #tpu.memory_space<vmem_shared>> -> memref<128x128xf32, #tpu.memory_space<vmem_shared>>
      %dma_start3A_54 = arith.constant 0 : i32
      %dma_start3A_55 = tpu.memref_slice %arg14[%add3A_17, %dma_start3A_54] : memref<10240x128xf32, #tpu.memory_space<vmem_shared>> -> memref<128x128xf32, #tpu.memory_space<vmem_shared>>
      tpu.enqueue_dma source(%arg12 : memref<128x128xf32, #tpu.memory_space<vmem>>) target(%dma_start3A_55 : memref<128x128xf32, #tpu.memory_space<vmem_shared>>) target_semaphore(%run_scoped3A : memref<!tpu.dma_semaphore, #tpu.memory_space<semaphore_mem>>)
      %dma_wait3A = arith.constant 0 : i32
      %dma_wait3A_56 = tpu.memref_slice %arg14[%add3A_17, %dma_wait3A] : memref<10240x128xf32, #tpu.memory_space<vmem_shared>> -> memref<128x128xf32, #tpu.memory_space<vmem_shared>>
      %dma_wait3A_57 = arith.constant 0 : i32
      %dma_wait3A_58 = tpu.memref_slice %arg14[%add3A_17, %dma_wait3A_57] : memref<10240x128xf32, #tpu.memory_space<vmem_shared>> -> memref<128x128xf32, #tpu.memory_space<vmem_shared>>
      tpu.wait_dma2 semaphore(%run_scoped3A : memref<!tpu.dma_semaphore, #tpu.memory_space<semaphore_mem>>) src(%arg12 : memref<128x128xf32, #tpu.memory_space<vmem>>) dst(%dma_wait3A_58 : memref<128x128xf32, #tpu.memory_space<vmem_shared>>)
      tpu.yield
    }) : () -> ()
    %mul3A_18 = arith.constant 640 : i32
    %mul3A_19 = arith.muli %arg1, %mul3A_18 : i32
    %add3A_20 = arith.constant 384 : i32
    %add3A_21 = arith.addi %mul3A_19, %add3A_20 : i32
    "tpu.region"() ({
      %run_scoped3A = tpu.sem_alloc : memref<!tpu.dma_semaphore, #tpu.memory_space<semaphore_mem>>
      %dma_start3A = arith.constant 0 : i32
      %dma_start3A_53 = tpu.memref_slice %arg14[%add3A_21, %dma_start3A] : memref<10240x128xf32, #tpu.memory_space<vmem_shared>> -> memref<128x128xf32, #tpu.memory_space<vmem_shared>>
      %dma_start3A_54 = arith.constant 0 : i32
      %dma_start3A_55 = tpu.memref_slice %arg14[%add3A_21, %dma_start3A_54] : memref<10240x128xf32, #tpu.memory_space<vmem_shared>> -> memref<128x128xf32, #tpu.memory_space<vmem_shared>>
      tpu.enqueue_dma source(%arg12 : memref<128x128xf32, #tpu.memory_space<vmem>>) target(%dma_start3A_55 : memref<128x128xf32, #tpu.memory_space<vmem_shared>>) target_semaphore(%run_scoped3A : memref<!tpu.dma_semaphore, #tpu.memory_space<semaphore_mem>>)
      %dma_wait3A = arith.constant 0 : i32
      %dma_wait3A_56 = tpu.memref_slice %arg14[%add3A_21, %dma_wait3A] : memref<10240x128xf32, #tpu.memory_space<vmem_shared>> -> memref<128x128xf32, #tpu.memory_space<vmem_shared>>
      %dma_wait3A_57 = arith.constant 0 : i32
      %dma_wait3A_58 = tpu.memref_slice %arg14[%add3A_21, %dma_wait3A_57] : memref<10240x128xf32, #tpu.memory_space<vmem_shared>> -> memref<128x128xf32, #tpu.memory_space<vmem_shared>>
      tpu.wait_dma2 semaphore(%run_scoped3A : memref<!tpu.dma_semaphore, #tpu.memory_space<semaphore_mem>>) src(%arg12 : memref<128x128xf32, #tpu.memory_space<vmem>>) dst(%dma_wait3A_58 : memref<128x128xf32, #tpu.memory_space<vmem_shared>>)
      tpu.yield
    }) : () -> ()
    %mul3A_22 = arith.constant 640 : i32
    %mul3A_23 = arith.muli %arg1, %mul3A_22 : i32
    %add3A_24 = arith.constant 512 : i32
    %add3A_25 = arith.addi %mul3A_23, %add3A_24 : i32
    "tpu.region"() ({
      %run_scoped3A = tpu.sem_alloc : memref<!tpu.dma_semaphore, #tpu.memory_space<semaphore_mem>>
      %dma_start3A = arith.constant 0 : i32
      %dma_start3A_53 = tpu.memref_slice %arg14[%add3A_25, %dma_start3A] : memref<10240x128xf32, #tpu.memory_space<vmem_shared>> -> memref<128x128xf32, #tpu.memory_space<vmem_shared>>
      %dma_start3A_54 = arith.constant 0 : i32
      %dma_start3A_55 = tpu.memref_slice %arg14[%add3A_25, %dma_start3A_54] : memref<10240x128xf32, #tpu.memory_space<vmem_shared>> -> memref<128x128xf32, #tpu.memory_space<vmem_shared>>
      tpu.enqueue_dma source(%arg12 : memref<128x128xf32, #tpu.memory_space<vmem>>) target(%dma_start3A_55 : memref<128x128xf32, #tpu.memory_space<vmem_shared>>) target_semaphore(%run_scoped3A : memref<!tpu.dma_semaphore, #tpu.memory_space<semaphore_mem>>)
      %dma_wait3A = arith.constant 0 : i32
      %dma_wait3A_56 = tpu.memref_slice %arg14[%add3A_25, %dma_wait3A] : memref<10240x128xf32, #tpu.memory_space<vmem_shared>> -> memref<128x128xf32, #tpu.memory_space<vmem_shared>>
      %dma_wait3A_57 = arith.constant 0 : i32
      %dma_wait3A_58 = tpu.memref_slice %arg14[%add3A_25, %dma_wait3A_57] : memref<10240x128xf32, #tpu.memory_space<vmem_shared>> -> memref<128x128xf32, #tpu.memory_space<vmem_shared>>
      tpu.wait_dma2 semaphore(%run_scoped3A : memref<!tpu.dma_semaphore, #tpu.memory_space<semaphore_mem>>) src(%arg12 : memref<128x128xf32, #tpu.memory_space<vmem>>) dst(%dma_wait3A_58 : memref<128x128xf32, #tpu.memory_space<vmem_shared>>)
      tpu.yield
    }) : () -> ()
    %barrier3A = arith.constant 0 : index
    tpu.barrier barrier_id(%barrier3A)
    "tpu.region"() ({
      %run_scoped3A = tpu.sem_alloc : memref<!tpu.dma_semaphore, #tpu.memory_space<semaphore_mem>>
      tpu.enqueue_dma source(%arg5 : memref<10000xf32, #tpu.memory_space<hbm>>) target(%arg11 : memref<10000xf32, #tpu.memory_space<vmem>>) target_semaphore(%run_scoped3A : memref<!tpu.dma_semaphore, #tpu.memory_space<semaphore_mem>>)
      tpu.wait_dma2 semaphore(%run_scoped3A : memref<!tpu.dma_semaphore, #tpu.memory_space<semaphore_mem>>) src(%arg5 : memref<10000xf32, #tpu.memory_space<hbm>>) dst(%arg11 : memref<10000xf32, #tpu.memory_space<vmem>>)
      tpu.yield
    }) : () -> ()
    %scan3A_26 = arith.constant 0 : i32
    %scan3A_27 = arith.constant 0 : i32
    %scan3A_28 = arith.constant 40 : i32
    %scan3A_29 = arith.addi %scan3A_27, %scan3A_28 : i32
    %scan3A_30 = arith.constant 1 : i32
    scf.for %scan3A_53 = %scan3A_27 to %scan3A_29 step %scan3A_30  : i32 {
      "tpu.region"() ({
        %run_scoped3A = tpu.sem_alloc : memref<!tpu.dma_semaphore, #tpu.memory_space<semaphore_mem>>
        %dma_start3A_131 = arith.constant 0 : i32
        %dma_start3A_132 = tpu.memref_slice %arg2[%add3A, %scan3A_53, %dma_start3A_131] : memref<32x40x128xf32, #tpu.memory_space<hbm>> -> memref<1x1x128xf32, #tpu.memory_space<hbm>>
        %dma_start3A_133 = tpu.memref_squeeze %dma_start3A_132 : memref<1x1x128xf32, #tpu.memory_space<hbm>> -> memref<128xf32, #tpu.memory_space<hbm>>
        %dma_start3A_134 = arith.constant 0 : i32
        %dma_start3A_135 = tpu.memref_slice %arg2[%add3A, %scan3A_53, %dma_start3A_134] : memref<32x40x128xf32, #tpu.memory_space<hbm>> -> memref<1x1x128xf32, #tpu.memory_space<hbm>>
        %dma_start3A_136 = tpu.memref_squeeze %dma_start3A_135 : memref<1x1x128xf32, #tpu.memory_space<hbm>> -> memref<128xf32, #tpu.memory_space<hbm>>
        tpu.enqueue_dma source(%dma_start3A_136 : memref<128xf32, #tpu.memory_space<hbm>>) target(%arg8 : memref<128xf32, #tpu.memory_space<vmem>>) target_semaphore(%run_scoped3A : memref<!tpu.dma_semaphore, #tpu.memory_space<semaphore_mem>>)
        %dma_wait3A_137 = arith.constant 0 : i32
        %dma_wait3A_138 = tpu.memref_slice %arg2[%add3A, %scan3A_53, %dma_wait3A_137] : memref<32x40x128xf32, #tpu.memory_space<hbm>> -> memref<1x1x128xf32, #tpu.memory_space<hbm>>
        %dma_wait3A_139 = tpu.memref_squeeze %dma_wait3A_138 : memref<1x1x128xf32, #tpu.memory_space<hbm>> -> memref<128xf32, #tpu.memory_space<hbm>>
        %dma_wait3A_140 = arith.constant 0 : i32
        %dma_wait3A_141 = tpu.memref_slice %arg2[%add3A, %scan3A_53, %dma_wait3A_140] : memref<32x40x128xf32, #tpu.memory_space<hbm>> -> memref<1x1x128xf32, #tpu.memory_space<hbm>>
        %dma_wait3A_142 = tpu.memref_squeeze %dma_wait3A_141 : memref<1x1x128xf32, #tpu.memory_space<hbm>> -> memref<128xf32, #tpu.memory_space<hbm>>
        tpu.wait_dma2 semaphore(%run_scoped3A : memref<!tpu.dma_semaphore, #tpu.memory_space<semaphore_mem>>) src(%dma_wait3A_142 : memref<128xf32, #tpu.memory_space<hbm>>) dst(%arg8 : memref<128xf32, #tpu.memory_space<vmem>>)
        tpu.yield
      }) : () -> ()
      "tpu.region"() ({
        %run_scoped3A = tpu.sem_alloc : memref<!tpu.dma_semaphore, #tpu.memory_space<semaphore_mem>>
        %dma_start3A_131 = arith.constant 0 : i32
        %dma_start3A_132 = tpu.memref_slice %arg3[%add3A, %scan3A_53, %dma_start3A_131] : memref<32x40x128xi32, #tpu.memory_space<hbm>> -> memref<1x1x128xi32, #tpu.memory_space<hbm>>
        %dma_start3A_133 = tpu.memref_squeeze %dma_start3A_132 : memref<1x1x128xi32, #tpu.memory_space<hbm>> -> memref<128xi32, #tpu.memory_space<hbm>>
        %dma_start3A_134 = arith.constant 0 : i32
        %dma_start3A_135 = tpu.memref_slice %arg3[%add3A, %scan3A_53, %dma_start3A_134] : memref<32x40x128xi32, #tpu.memory_space<hbm>> -> memref<1x1x128xi32, #tpu.memory_space<hbm>>
        %dma_start3A_136 = tpu.memref_squeeze %dma_start3A_135 : memref<1x1x128xi32, #tpu.memory_space<hbm>> -> memref<128xi32, #tpu.memory_space<hbm>>
        tpu.enqueue_dma source(%dma_start3A_136 : memref<128xi32, #tpu.memory_space<hbm>>) target(%arg9 : memref<128xi32, #tpu.memory_space<vmem>>) target_semaphore(%run_scoped3A : memref<!tpu.dma_semaphore, #tpu.memory_space<semaphore_mem>>)
        %dma_wait3A_137 = arith.constant 0 : i32
        %dma_wait3A_138 = tpu.memref_slice %arg3[%add3A, %scan3A_53, %dma_wait3A_137] : memref<32x40x128xi32, #tpu.memory_space<hbm>> -> memref<1x1x128xi32, #tpu.memory_space<hbm>>
        %dma_wait3A_139 = tpu.memref_squeeze %dma_wait3A_138 : memref<1x1x128xi32, #tpu.memory_space<hbm>> -> memref<128xi32, #tpu.memory_space<hbm>>
        %dma_wait3A_140 = arith.constant 0 : i32
        %dma_wait3A_141 = tpu.memref_slice %arg3[%add3A, %scan3A_53, %dma_wait3A_140] : memref<32x40x128xi32, #tpu.memory_space<hbm>> -> memref<1x1x128xi32, #tpu.memory_space<hbm>>
        %dma_wait3A_142 = tpu.memref_squeeze %dma_wait3A_141 : memref<1x1x128xi32, #tpu.memory_space<hbm>> -> memref<128xi32, #tpu.memory_space<hbm>>
        tpu.wait_dma2 semaphore(%run_scoped3A : memref<!tpu.dma_semaphore, #tpu.memory_space<semaphore_mem>>) src(%dma_wait3A_142 : memref<128xi32, #tpu.memory_space<hbm>>) dst(%arg9 : memref<128xi32, #tpu.memory_space<vmem>>)
        tpu.yield
      }) : () -> ()
      "tpu.region"() ({
        %run_scoped3A = tpu.sem_alloc : memref<!tpu.dma_semaphore, #tpu.memory_space<semaphore_mem>>
        %dma_start3A_131 = arith.constant 0 : i32
        %dma_start3A_132 = tpu.memref_slice %arg4[%add3A, %scan3A_53, %dma_start3A_131] : memref<32x40x128xi32, #tpu.memory_space<hbm>> -> memref<1x1x128xi32, #tpu.memory_space<hbm>>
        %dma_start3A_133 = tpu.memref_squeeze %dma_start3A_132 : memref<1x1x128xi32, #tpu.memory_space<hbm>> -> memref<128xi32, #tpu.memory_space<hbm>>
        %dma_start3A_134 = arith.constant 0 : i32
        %dma_start3A_135 = tpu.memref_slice %arg4[%add3A, %scan3A_53, %dma_start3A_134] : memref<32x40x128xi32, #tpu.memory_space<hbm>> -> memref<1x1x128xi32, #tpu.memory_space<hbm>>
        %dma_start3A_136 = tpu.memref_squeeze %dma_start3A_135 : memref<1x1x128xi32, #tpu.memory_space<hbm>> -> memref<128xi32, #tpu.memory_space<hbm>>
        tpu.enqueue_dma source(%dma_start3A_136 : memref<128xi32, #tpu.memory_space<hbm>>) target(%arg10 : memref<128xi32, #tpu.memory_space<vmem>>) target_semaphore(%run_scoped3A : memref<!tpu.dma_semaphore, #tpu.memory_space<semaphore_mem>>)
        %dma_wait3A_137 = arith.constant 0 : i32
        %dma_wait3A_138 = tpu.memref_slice %arg4[%add3A, %scan3A_53, %dma_wait3A_137] : memref<32x40x128xi32, #tpu.memory_space<hbm>> -> memref<1x1x128xi32, #tpu.memory_space<hbm>>
        %dma_wait3A_139 = tpu.memref_squeeze %dma_wait3A_138 : memref<1x1x128xi32, #tpu.memory_space<hbm>> -> memref<128xi32, #tpu.memory_space<hbm>>
        %dma_wait3A_140 = arith.constant 0 : i32
        %dma_wait3A_141 = tpu.memref_slice %arg4[%add3A, %scan3A_53, %dma_wait3A_140] : memref<32x40x128xi32, #tpu.memory_space<hbm>> -> memref<1x1x128xi32, #tpu.memory_space<hbm>>
        %dma_wait3A_142 = tpu.memref_squeeze %dma_wait3A_141 : memref<1x1x128xi32, #tpu.memory_space<hbm>> -> memref<128xi32, #tpu.memory_space<hbm>>
        tpu.wait_dma2 semaphore(%run_scoped3A : memref<!tpu.dma_semaphore, #tpu.memory_space<semaphore_mem>>) src(%dma_wait3A_142 : memref<128xi32, #tpu.memory_space<hbm>>) dst(%arg10 : memref<128xi32, #tpu.memory_space<vmem>>)
        tpu.yield
      }) : () -> ()
      %dma_start3A = arith.constant 0 : i32
      %dma_start3A_54 = arith.constant 0 : i32
      %dma_start3A_55 = tpu.memref_slice %arg6[%dma_start3A, %dma_start3A_54] : memref<10000x128xf32, #tpu.memory_space<hbm>> -> memref<10000x128xf32, #tpu.memory_space<hbm>>
      tpu.enqueue_indirect_dma source(%dma_start3A_55 : memref<10000x128xf32, #tpu.memory_space<hbm>>) target(%arg12 : memref<128x128xf32, #tpu.memory_space<vmem>>) offsets(%arg9 : memref<128xi32, #tpu.memory_space<vmem>>) semaphore(%arg15 : memref<!tpu.dma_semaphore, #tpu.memory_space<semaphore_mem>>)
      %dma_wait3A = arith.constant 0 : i32
      %dma_wait3A_56 = arith.constant 0 : i32
      %dma_wait3A_57 = tpu.memref_slice %arg6[%dma_wait3A, %dma_wait3A_56] : memref<10000x128xf32, #tpu.memory_space<hbm>> -> memref<10000x128xf32, #tpu.memory_space<hbm>>
      tpu.wait_indirect_dma semaphore(%arg15 : memref<!tpu.dma_semaphore, #tpu.memory_space<semaphore_mem>>) src(%dma_wait3A_57 : memref<10000x128xf32, #tpu.memory_space<hbm>>) dst(%arg12 : memref<128x128xf32, #tpu.memory_space<vmem>>)
      %get3A = arith.constant 0 : index
      %get3A_58 = tpu.vector_load %arg10[%get3A] {strides = array<i32>} : memref<128xi32, #tpu.memory_space<vmem>>, vector<16xi32>,
      %gather3A = tpu.vector_load_idx %arg11[%get3A_58] : memref<10000xf32, #tpu.memory_space<vmem>>[vector<16xi32>], vector<16xf32>,
      %get3A_59 = arith.constant 0 : index
      %get3A_60 = tpu.vector_load %arg8[%get3A_59] {strides = array<i32>} : memref<128xf32, #tpu.memory_space<vmem>>, vector<16xf32>,
      %sub3A = arith.subf %get3A_60, %gather3A : vector<16xf32>
      %exp3A = math.exp %sub3A : vector<16xf32>
      %swap3A = arith.constant 0 : index
      %swap3A_61 = tpu.vector_load %arg13[%swap3A] {strides = array<i32>} : memref<128xf32, #tpu.memory_space<vmem>>, vector<16xf32>,
      tpu.vector_store %arg13[%swap3A], %exp3A {strides = array<i32>} : memref<128xf32, #tpu.memory_space<vmem>>, vector<16xf32>,
      %get3A_62 = arith.constant 16 : index
      %get3A_63 = tpu.vector_load %arg10[%get3A_62] {strides = array<i32>} : memref<128xi32, #tpu.memory_space<vmem>>, vector<16xi32>,
      %gather3A_64 = tpu.vector_load_idx %arg11[%get3A_63] : memref<10000xf32, #tpu.memory_space<vmem>>[vector<16xi32>], vector<16xf32>,
      %get3A_65 = arith.constant 16 : index
      %get3A_66 = tpu.vector_load %arg8[%get3A_65] {strides = array<i32>} : memref<128xf32, #tpu.memory_space<vmem>>, vector<16xf32>,
      %sub3A_67 = arith.subf %get3A_66, %gather3A_64 : vector<16xf32>
      %exp3A_68 = math.exp %sub3A_67 : vector<16xf32>
      %swap3A_69 = arith.constant 16 : index
      %swap3A_70 = tpu.vector_load %arg13[%swap3A_69] {strides = array<i32>} : memref<128xf32, #tpu.memory_space<vmem>>, vector<16xf32>,
      tpu.vector_store %arg13[%swap3A_69], %exp3A_68 {strides = array<i32>} : memref<128xf32, #tpu.memory_space<vmem>>, vector<16xf32>,
      %get3A_71 = arith.constant 32 : index
      %get3A_72 = tpu.vector_load %arg10[%get3A_71] {strides = array<i32>} : memref<128xi32, #tpu.memory_space<vmem>>, vector<16xi32>,
      %gather3A_73 = tpu.vector_load_idx %arg11[%get3A_72] : memref<10000xf32, #tpu.memory_space<vmem>>[vector<16xi32>], vector<16xf32>,
      %get3A_74 = arith.constant 32 : index
      %get3A_75 = tpu.vector_load %arg8[%get3A_74] {strides = array<i32>} : memref<128xf32, #tpu.memory_space<vmem>>, vector<16xf32>,
      %sub3A_76 = arith.subf %get3A_75, %gather3A_73 : vector<16xf32>
      %exp3A_77 = math.exp %sub3A_76 : vector<16xf32>
      %swap3A_78 = arith.constant 32 : index
      %swap3A_79 = tpu.vector_load %arg13[%swap3A_78] {strides = array<i32>} : memref<128xf32, #tpu.memory_space<vmem>>, vector<16xf32>,
      tpu.vector_store %arg13[%swap3A_78], %exp3A_77 {strides = array<i32>} : memref<128xf32, #tpu.memory_space<vmem>>, vector<16xf32>,
      %get3A_80 = arith.constant 48 : index
      %get3A_81 = tpu.vector_load %arg10[%get3A_80] {strides = array<i32>} : memref<128xi32, #tpu.memory_space<vmem>>, vector<16xi32>,
      %gather3A_82 = tpu.vector_load_idx %arg11[%get3A_81] : memref<10000xf32, #tpu.memory_space<vmem>>[vector<16xi32>], vector<16xf32>,
      %get3A_83 = arith.constant 48 : index
      %get3A_84 = tpu.vector_load %arg8[%get3A_83] {strides = array<i32>} : memref<128xf32, #tpu.memory_space<vmem>>, vector<16xf32>,
      %sub3A_85 = arith.subf %get3A_84, %gather3A_82 : vector<16xf32>
      %exp3A_86 = math.exp %sub3A_85 : vector<16xf32>
      %swap3A_87 = arith.constant 48 : index
      %swap3A_88 = tpu.vector_load %arg13[%swap3A_87] {strides = array<i32>} : memref<128xf32, #tpu.memory_space<vmem>>, vector<16xf32>,
      tpu.vector_store %arg13[%swap3A_87], %exp3A_86 {strides = array<i32>} : memref<128xf32, #tpu.memory_space<vmem>>, vector<16xf32>,
      %get3A_89 = arith.constant 64 : index
      %get3A_90 = tpu.vector_load %arg10[%get3A_89] {strides = array<i32>} : memref<128xi32, #tpu.memory_space<vmem>>, vector<16xi32>,
      %gather3A_91 = tpu.vector_load_idx %arg11[%get3A_90] : memref<10000xf32, #tpu.memory_space<vmem>>[vector<16xi32>], vector<16xf32>,
      %get3A_92 = arith.constant 64 : index
      %get3A_93 = tpu.vector_load %arg8[%get3A_92] {strides = array<i32>} : memref<128xf32, #tpu.memory_space<vmem>>, vector<16xf32>,
      %sub3A_94 = arith.subf %get3A_93, %gather3A_91 : vector<16xf32>
      %exp3A_95 = math.exp %sub3A_94 : vector<16xf32>
      %swap3A_96 = arith.constant 64 : index
      %swap3A_97 = tpu.vector_load %arg13[%swap3A_96] {strides = array<i32>} : memref<128xf32, #tpu.memory_space<vmem>>, vector<16xf32>,
      tpu.vector_store %arg13[%swap3A_96], %exp3A_95 {strides = array<i32>} : memref<128xf32, #tpu.memory_space<vmem>>, vector<16xf32>,
      %get3A_98 = arith.constant 80 : index
      %get3A_99 = tpu.vector_load %arg10[%get3A_98] {strides = array<i32>} : memref<128xi32, #tpu.memory_space<vmem>>, vector<16xi32>,
      %gather3A_100 = tpu.vector_load_idx %arg11[%get3A_99] : memref<10000xf32, #tpu.memory_space<vmem>>[vector<16xi32>], vector<16xf32>,
      %get3A_101 = arith.constant 80 : index
      %get3A_102 = tpu.vector_load %arg8[%get3A_101] {strides = array<i32>} : memref<128xf32, #tpu.memory_space<vmem>>, vector<16xf32>,
      %sub3A_103 = arith.subf %get3A_102, %gather3A_100 : vector<16xf32>
      %exp3A_104 = math.exp %sub3A_103 : vector<16xf32>
      %swap3A_105 = arith.constant 80 : index
      %swap3A_106 = tpu.vector_load %arg13[%swap3A_105] {strides = array<i32>} : memref<128xf32, #tpu.memory_space<vmem>>, vector<16xf32>,
      tpu.vector_store %arg13[%swap3A_105], %exp3A_104 {strides = array<i32>} : memref<128xf32, #tpu.memory_space<vmem>>, vector<16xf32>,
      %get3A_107 = arith.constant 96 : index
      %get3A_108 = tpu.vector_load %arg10[%get3A_107] {strides = array<i32>} : memref<128xi32, #tpu.memory_space<vmem>>, vector<16xi32>,
      %gather3A_109 = tpu.vector_load_idx %arg11[%get3A_108] : memref<10000xf32, #tpu.memory_space<vmem>>[vector<16xi32>], vector<16xf32>,
      %get3A_110 = arith.constant 96 : index
      %get3A_111 = tpu.vector_load %arg8[%get3A_110] {strides = array<i32>} : memref<128xf32, #tpu.memory_space<vmem>>, vector<16xf32>,
      %sub3A_112 = arith.subf %get3A_111, %gather3A_109 : vector<16xf32>
      %exp3A_113 = math.exp %sub3A_112 : vector<16xf32>
      %swap3A_114 = arith.constant 96 : index
      %swap3A_115 = tpu.vector_load %arg13[%swap3A_114] {strides = array<i32>} : memref<128xf32, #tpu.memory_space<vmem>>, vector<16xf32>,
      tpu.vector_store %arg13[%swap3A_114], %exp3A_113 {strides = array<i32>} : memref<128xf32, #tpu.memory_space<vmem>>, vector<16xf32>,
      %get3A_116 = arith.constant 112 : index
      %get3A_117 = tpu.vector_load %arg10[%get3A_116] {strides = array<i32>} : memref<128xi32, #tpu.memory_space<vmem>>, vector<16xi32>,
      %gather3A_118 = tpu.vector_load_idx %arg11[%get3A_117] : memref<10000xf32, #tpu.memory_space<vmem>>[vector<16xi32>], vector<16xf32>,
      %get3A_119 = arith.constant 112 : index
      %get3A_120 = tpu.vector_load %arg8[%get3A_119] {strides = array<i32>} : memref<128xf32, #tpu.memory_space<vmem>>, vector<16xf32>,
      %sub3A_121 = arith.subf %get3A_120, %gather3A_118 : vector<16xf32>
      %exp3A_122 = math.exp %sub3A_121 : vector<16xf32>
      %swap3A_123 = arith.constant 112 : index
      %swap3A_124 = tpu.vector_load %arg13[%swap3A_123] {strides = array<i32>} : memref<128xf32, #tpu.memory_space<vmem>>, vector<16xf32>,
      tpu.vector_store %arg13[%swap3A_123], %exp3A_122 {strides = array<i32>} : memref<128xf32, #tpu.memory_space<vmem>>, vector<16xf32>,
      %scan3A_125 = arith.constant 0 : i32
      %scan3A_126 = arith.constant 0 : i32
      %scan3A_127 = arith.constant 128 : i32
      %scan3A_128 = arith.addi %scan3A_126, %scan3A_127 : i32
      %scan3A_129 = arith.constant 1 : i32
      scf.for %scan3A_131 = %scan3A_126 to %scan3A_128 step %scan3A_129  : i32 {
        %broadcast_in_dim3A = vector.broadcast %scan3A_131 : i32 to vector<16xi32>
        %gather3A_132 = tpu.vector_load_idx %arg13[%broadcast_in_dim3A] : memref<128xf32, #tpu.memory_space<vmem>>[vector<16xi32>], vector<16xf32>,
        %get3A_133 = arith.constant 0 : i32
        %get3A_134 = tpu.memref_slice %arg12[%scan3A_131, %get3A_133] : memref<128x128xf32, #tpu.memory_space<vmem>> -> memref<1x128xf32, #tpu.memory_space<vmem>>
        %get3A_135 = tpu.memref_squeeze %get3A_134 : memref<1x128xf32, #tpu.memory_space<vmem>> -> memref<128xf32, #tpu.memory_space<vmem>>
        %get3A_136 = arith.constant 0 : index
        %get3A_137 = tpu.vector_load %get3A_135[%get3A_136] {strides = array<i32>} : memref<128xf32, #tpu.memory_space<vmem>>, vector<16xf32>,
        %mul3A_138 = arith.mulf %get3A_137, %gather3A_132 : vector<16xf32>
        %swap3A_139 = arith.constant 0 : i32
        %swap3A_140 = tpu.memref_slice %arg12[%scan3A_131, %swap3A_139] : memref<128x128xf32, #tpu.memory_space<vmem>> -> memref<1x128xf32, #tpu.memory_space<vmem>>
        %swap3A_141 = tpu.memref_squeeze %swap3A_140 : memref<1x128xf32, #tpu.memory_space<vmem>> -> memref<128xf32, #tpu.memory_space<vmem>>
        %swap3A_142 = arith.constant 0 : index
        %swap3A_143 = tpu.vector_load %swap3A_141[%swap3A_142] {strides = array<i32>} : memref<128xf32, #tpu.memory_space<vmem>>, vector<16xf32>,
        tpu.vector_store %swap3A_141[%swap3A_142], %mul3A_138 {strides = array<i32>} : memref<128xf32, #tpu.memory_space<vmem>>, vector<16xf32>,
        %get3A_144 = arith.constant 0 : i32
        %get3A_145 = tpu.memref_slice %arg12[%scan3A_131, %get3A_144] : memref<128x128xf32, #tpu.memory_space<vmem>> -> memref<1x128xf32, #tpu.memory_space<vmem>>
        %get3A_146 = tpu.memref_squeeze %get3A_145 : memref<1x128xf32, #tpu.memory_space<vmem>> -> memref<128xf32, #tpu.memory_space<vmem>>
        %get3A_147 = arith.constant 16 : index
        %get3A_148 = tpu.vector_load %get3A_146[%get3A_147] {strides = array<i32>} : memref<128xf32, #tpu.memory_space<vmem>>, vector<16xf32>,
        %mul3A_149 = arith.mulf %get3A_148, %gather3A_132 : vector<16xf32>
        %swap3A_150 = arith.constant 0 : i32
        %swap3A_151 = tpu.memref_slice %arg12[%scan3A_131, %swap3A_150] : memref<128x128xf32, #tpu.memory_space<vmem>> -> memref<1x128xf32, #tpu.memory_space<vmem>>
        %swap3A_152 = tpu.memref_squeeze %swap3A_151 : memref<1x128xf32, #tpu.memory_space<vmem>> -> memref<128xf32, #tpu.memory_space<vmem>>
        %swap3A_153 = arith.constant 16 : index
        %swap3A_154 = tpu.vector_load %swap3A_152[%swap3A_153] {strides = array<i32>} : memref<128xf32, #tpu.memory_space<vmem>>, vector<16xf32>,
        tpu.vector_store %swap3A_152[%swap3A_153], %mul3A_149 {strides = array<i32>} : memref<128xf32, #tpu.memory_space<vmem>>, vector<16xf32>,
        %get3A_155 = arith.constant 0 : i32
        %get3A_156 = tpu.memref_slice %arg12[%scan3A_131, %get3A_155] : memref<128x128xf32, #tpu.memory_space<vmem>> -> memref<1x128xf32, #tpu.memory_space<vmem>>
        %get3A_157 = tpu.memref_squeeze %get3A_156 : memref<1x128xf32, #tpu.memory_space<vmem>> -> memref<128xf32, #tpu.memory_space<vmem>>
        %get3A_158 = arith.constant 32 : index
        %get3A_159 = tpu.vector_load %get3A_157[%get3A_158] {strides = array<i32>} : memref<128xf32, #tpu.memory_space<vmem>>, vector<16xf32>,
        %mul3A_160 = arith.mulf %get3A_159, %gather3A_132 : vector<16xf32>
        %swap3A_161 = arith.constant 0 : i32
        %swap3A_162 = tpu.memref_slice %arg12[%scan3A_131, %swap3A_161] : memref<128x128xf32, #tpu.memory_space<vmem>> -> memref<1x128xf32, #tpu.memory_space<vmem>>
        %swap3A_163 = tpu.memref_squeeze %swap3A_162 : memref<1x128xf32, #tpu.memory_space<vmem>> -> memref<128xf32, #tpu.memory_space<vmem>>
        %swap3A_164 = arith.constant 32 : index
        %swap3A_165 = tpu.vector_load %swap3A_163[%swap3A_164] {strides = array<i32>} : memref<128xf32, #tpu.memory_space<vmem>>, vector<16xf32>,
        tpu.vector_store %swap3A_163[%swap3A_164], %mul3A_160 {strides = array<i32>} : memref<128xf32, #tpu.memory_space<vmem>>, vector<16xf32>,
        %get3A_166 = arith.constant 0 : i32
        %get3A_167 = tpu.memref_slice %arg12[%scan3A_131, %get3A_166] : memref<128x128xf32, #tpu.memory_space<vmem>> -> memref<1x128xf32, #tpu.memory_space<vmem>>
        %get3A_168 = tpu.memref_squeeze %get3A_167 : memref<1x128xf32, #tpu.memory_space<vmem>> -> memref<128xf32, #tpu.memory_space<vmem>>
        %get3A_169 = arith.constant 48 : index
        %get3A_170 = tpu.vector_load %get3A_168[%get3A_169] {strides = array<i32>} : memref<128xf32, #tpu.memory_space<vmem>>, vector<16xf32>,
        %mul3A_171 = arith.mulf %get3A_170, %gather3A_132 : vector<16xf32>
        %swap3A_172 = arith.constant 0 : i32
        %swap3A_173 = tpu.memref_slice %arg12[%scan3A_131, %swap3A_172] : memref<128x128xf32, #tpu.memory_space<vmem>> -> memref<1x128xf32, #tpu.memory_space<vmem>>
        %swap3A_174 = tpu.memref_squeeze %swap3A_173 : memref<1x128xf32, #tpu.memory_space<vmem>> -> memref<128xf32, #tpu.memory_space<vmem>>
        %swap3A_175 = arith.constant 48 : index
        %swap3A_176 = tpu.vector_load %swap3A_174[%swap3A_175] {strides = array<i32>} : memref<128xf32, #tpu.memory_space<vmem>>, vector<16xf32>,
        tpu.vector_store %swap3A_174[%swap3A_175], %mul3A_171 {strides = array<i32>} : memref<128xf32, #tpu.memory_space<vmem>>, vector<16xf32>,
        %get3A_177 = arith.constant 0 : i32
        %get3A_178 = tpu.memref_slice %arg12[%scan3A_131, %get3A_177] : memref<128x128xf32, #tpu.memory_space<vmem>> -> memref<1x128xf32, #tpu.memory_space<vmem>>
        %get3A_179 = tpu.memref_squeeze %get3A_178 : memref<1x128xf32, #tpu.memory_space<vmem>> -> memref<128xf32, #tpu.memory_space<vmem>>
        %get3A_180 = arith.constant 64 : index
        %get3A_181 = tpu.vector_load %get3A_179[%get3A_180] {strides = array<i32>} : memref<128xf32, #tpu.memory_space<vmem>>, vector<16xf32>,
        %mul3A_182 = arith.mulf %get3A_181, %gather3A_132 : vector<16xf32>
        %swap3A_183 = arith.constant 0 : i32
        %swap3A_184 = tpu.memref_slice %arg12[%scan3A_131, %swap3A_183] : memref<128x128xf32, #tpu.memory_space<vmem>> -> memref<1x128xf32, #tpu.memory_space<vmem>>
        %swap3A_185 = tpu.memref_squeeze %swap3A_184 : memref<1x128xf32, #tpu.memory_space<vmem>> -> memref<128xf32, #tpu.memory_space<vmem>>
        %swap3A_186 = arith.constant 64 : index
        %swap3A_187 = tpu.vector_load %swap3A_185[%swap3A_186] {strides = array<i32>} : memref<128xf32, #tpu.memory_space<vmem>>, vector<16xf32>,
        tpu.vector_store %swap3A_185[%swap3A_186], %mul3A_182 {strides = array<i32>} : memref<128xf32, #tpu.memory_space<vmem>>, vector<16xf32>,
        %get3A_188 = arith.constant 0 : i32
        %get3A_189 = tpu.memref_slice %arg12[%scan3A_131, %get3A_188] : memref<128x128xf32, #tpu.memory_space<vmem>> -> memref<1x128xf32, #tpu.memory_space<vmem>>
        %get3A_190 = tpu.memref_squeeze %get3A_189 : memref<1x128xf32, #tpu.memory_space<vmem>> -> memref<128xf32, #tpu.memory_space<vmem>>
        %get3A_191 = arith.constant 80 : index
        %get3A_192 = tpu.vector_load %get3A_190[%get3A_191] {strides = array<i32>} : memref<128xf32, #tpu.memory_space<vmem>>, vector<16xf32>,
        %mul3A_193 = arith.mulf %get3A_192, %gather3A_132 : vector<16xf32>
        %swap3A_194 = arith.constant 0 : i32
        %swap3A_195 = tpu.memref_slice %arg12[%scan3A_131, %swap3A_194] : memref<128x128xf32, #tpu.memory_space<vmem>> -> memref<1x128xf32, #tpu.memory_space<vmem>>
        %swap3A_196 = tpu.memref_squeeze %swap3A_195 : memref<1x128xf32, #tpu.memory_space<vmem>> -> memref<128xf32, #tpu.memory_space<vmem>>
        %swap3A_197 = arith.constant 80 : index
        %swap3A_198 = tpu.vector_load %swap3A_196[%swap3A_197] {strides = array<i32>} : memref<128xf32, #tpu.memory_space<vmem>>, vector<16xf32>,
        tpu.vector_store %swap3A_196[%swap3A_197], %mul3A_193 {strides = array<i32>} : memref<128xf32, #tpu.memory_space<vmem>>, vector<16xf32>,
        %get3A_199 = arith.constant 0 : i32
        %get3A_200 = tpu.memref_slice %arg12[%scan3A_131, %get3A_199] : memref<128x128xf32, #tpu.memory_space<vmem>> -> memref<1x128xf32, #tpu.memory_space<vmem>>
        %get3A_201 = tpu.memref_squeeze %get3A_200 : memref<1x128xf32, #tpu.memory_space<vmem>> -> memref<128xf32, #tpu.memory_space<vmem>>
        %get3A_202 = arith.constant 96 : index
        %get3A_203 = tpu.vector_load %get3A_201[%get3A_202] {strides = array<i32>} : memref<128xf32, #tpu.memory_space<vmem>>, vector<16xf32>,
        %mul3A_204 = arith.mulf %get3A_203, %gather3A_132 : vector<16xf32>
        %swap3A_205 = arith.constant 0 : i32
        %swap3A_206 = tpu.memref_slice %arg12[%scan3A_131, %swap3A_205] : memref<128x128xf32, #tpu.memory_space<vmem>> -> memref<1x128xf32, #tpu.memory_space<vmem>>
        %swap3A_207 = tpu.memref_squeeze %swap3A_206 : memref<1x128xf32, #tpu.memory_space<vmem>> -> memref<128xf32, #tpu.memory_space<vmem>>
        %swap3A_208 = arith.constant 96 : index
        %swap3A_209 = tpu.vector_load %swap3A_207[%swap3A_208] {strides = array<i32>} : memref<128xf32, #tpu.memory_space<vmem>>, vector<16xf32>,
        tpu.vector_store %swap3A_207[%swap3A_208], %mul3A_204 {strides = array<i32>} : memref<128xf32, #tpu.memory_space<vmem>>, vector<16xf32>,
        %get3A_210 = arith.constant 0 : i32
        %get3A_211 = tpu.memref_slice %arg12[%scan3A_131, %get3A_210] : memref<128x128xf32, #tpu.memory_space<vmem>> -> memref<1x128xf32, #tpu.memory_space<vmem>>
        %get3A_212 = tpu.memref_squeeze %get3A_211 : memref<1x128xf32, #tpu.memory_space<vmem>> -> memref<128xf32, #tpu.memory_space<vmem>>
        %get3A_213 = arith.constant 112 : index
        %get3A_214 = tpu.vector_load %get3A_212[%get3A_213] {strides = array<i32>} : memref<128xf32, #tpu.memory_space<vmem>>, vector<16xf32>,
        %mul3A_215 = arith.mulf %get3A_214, %gather3A_132 : vector<16xf32>
        %swap3A_216 = arith.constant 0 : i32
        %swap3A_217 = tpu.memref_slice %arg12[%scan3A_131, %swap3A_216] : memref<128x128xf32, #tpu.memory_space<vmem>> -> memref<1x128xf32, #tpu.memory_space<vmem>>
        %swap3A_218 = tpu.memref_squeeze %swap3A_217 : memref<1x128xf32, #tpu.memory_space<vmem>> -> memref<128xf32, #tpu.memory_space<vmem>>
        %swap3A_219 = arith.constant 112 : index
        %swap3A_220 = tpu.vector_load %swap3A_218[%swap3A_219] {strides = array<i32>} : memref<128xf32, #tpu.memory_space<vmem>>, vector<16xf32>,
        tpu.vector_store %swap3A_218[%swap3A_219], %mul3A_215 {strides = array<i32>} : memref<128xf32, #tpu.memory_space<vmem>>, vector<16xf32>,
      }
      %scan3A_130 = arith.constant 128 : i32
      "tpu.region"() ({
        %run_scoped3A = tpu.sem_alloc : memref<!tpu.dma_semaphore, #tpu.memory_space<semaphore_mem>>
        %dma_start3A_131 = arith.constant 0 : i32
        %dma_start3A_132 = arith.constant 0 : i32
        %dma_start3A_133 = tpu.memref_slice %arg14[%dma_start3A_131, %dma_start3A_132] : memref<10240x128xf32, #tpu.memory_space<vmem_shared>> -> memref<10240x128xf32, #tpu.memory_space<vmem_shared>>
        tpu.enqueue_indirect_dma source(%arg12 : memref<128x128xf32, #tpu.memory_space<vmem>>) target(%dma_start3A_133 : memref<10240x128xf32, #tpu.memory_space<vmem_shared>>) offsets(%arg10 : memref<128xi32, #tpu.memory_space<vmem>>) semaphore(%run_scoped3A : memref<!tpu.dma_semaphore, #tpu.memory_space<semaphore_mem>>) {add = true}
        %dma_wait3A_134 = arith.constant 0 : i32
        %dma_wait3A_135 = arith.constant 0 : i32
        %dma_wait3A_136 = tpu.memref_slice %arg14[%dma_wait3A_134, %dma_wait3A_135] : memref<10240x128xf32, #tpu.memory_space<vmem_shared>> -> memref<10240x128xf32, #tpu.memory_space<vmem_shared>>
        tpu.wait_indirect_dma semaphore(%run_scoped3A : memref<!tpu.dma_semaphore, #tpu.memory_space<semaphore_mem>>) src(%arg12 : memref<128x128xf32, #tpu.memory_space<vmem>>) dst(%dma_wait3A_136 : memref<10240x128xf32, #tpu.memory_space<vmem_shared>>)
        tpu.yield
      }) : () -> ()
    }
    %scan3A_31 = arith.constant 40 : i32
    %barrier3A_32 = arith.constant 0 : index
    tpu.barrier barrier_id(%barrier3A_32)
    %mul3A_33 = arith.constant 640 : i32
    %mul3A_34 = arith.muli %arg1, %mul3A_33 : i32
    %add3A_35 = arith.constant 0 : i32
    %add3A_36 = arith.addi %mul3A_34, %add3A_35 : i32
    "tpu.region"() ({
      %run_scoped3A = tpu.sem_alloc : memref<!tpu.dma_semaphore, #tpu.memory_space<semaphore_mem>>
      %dma_start3A = arith.constant 0 : i32
      %dma_start3A_53 = tpu.memref_slice %arg14[%add3A_36, %dma_start3A] : memref<10240x128xf32, #tpu.memory_space<vmem_shared>> -> memref<128x128xf32, #tpu.memory_space<vmem_shared>>
      %dma_start3A_54 = arith.constant 0 : i32
      %dma_start3A_55 = tpu.memref_slice %arg14[%add3A_36, %dma_start3A_54] : memref<10240x128xf32, #tpu.memory_space<vmem_shared>> -> memref<128x128xf32, #tpu.memory_space<vmem_shared>>
      tpu.enqueue_dma source(%dma_start3A_55 : memref<128x128xf32, #tpu.memory_space<vmem_shared>>) target(%arg12 : memref<128x128xf32, #tpu.memory_space<vmem>>) target_semaphore(%run_scoped3A : memref<!tpu.dma_semaphore, #tpu.memory_space<semaphore_mem>>)
      %dma_wait3A = arith.constant 0 : i32
      %dma_wait3A_56 = tpu.memref_slice %arg14[%add3A_36, %dma_wait3A] : memref<10240x128xf32, #tpu.memory_space<vmem_shared>> -> memref<128x128xf32, #tpu.memory_space<vmem_shared>>
      %dma_wait3A_57 = arith.constant 0 : i32
      %dma_wait3A_58 = tpu.memref_slice %arg14[%add3A_36, %dma_wait3A_57] : memref<10240x128xf32, #tpu.memory_space<vmem_shared>> -> memref<128x128xf32, #tpu.memory_space<vmem_shared>>
      tpu.wait_dma2 semaphore(%run_scoped3A : memref<!tpu.dma_semaphore, #tpu.memory_space<semaphore_mem>>) src(%dma_wait3A_58 : memref<128x128xf32, #tpu.memory_space<vmem_shared>>) dst(%arg12 : memref<128x128xf32, #tpu.memory_space<vmem>>)
      tpu.yield
    }) : () -> ()
    "tpu.region"() ({
      %run_scoped3A = tpu.sem_alloc : memref<!tpu.dma_semaphore, #tpu.memory_space<semaphore_mem>>
      %dma_start3A = arith.constant 0 : i32
      %dma_start3A_53 = tpu.memref_slice %arg7[%arg0, %add3A_36, %dma_start3A] : memref<2x10240x128xf32, #tpu.memory_space<hbm>> -> memref<1x128x128xf32, #tpu.memory_space<hbm>>
      %dma_start3A_54 = tpu.memref_squeeze %dma_start3A_53 : memref<1x128x128xf32, #tpu.memory_space<hbm>> -> memref<128x128xf32, #tpu.memory_space<hbm>>
      %dma_start3A_55 = arith.constant 0 : i32
      %dma_start3A_56 = tpu.memref_slice %arg7[%arg0, %add3A_36, %dma_start3A_55] : memref<2x10240x128xf32, #tpu.memory_space<hbm>> -> memref<1x128x128xf32, #tpu.memory_space<hbm>>
      %dma_start3A_57 = tpu.memref_squeeze %dma_start3A_56 : memref<1x128x128xf32, #tpu.memory_space<hbm>> -> memref<128x128xf32, #tpu.memory_space<hbm>>
      tpu.enqueue_dma source(%arg12 : memref<128x128xf32, #tpu.memory_space<vmem>>) target(%dma_start3A_57 : memref<128x128xf32, #tpu.memory_space<hbm>>) target_semaphore(%run_scoped3A : memref<!tpu.dma_semaphore, #tpu.memory_space<semaphore_mem>>)
      %dma_wait3A = arith.constant 0 : i32
      %dma_wait3A_58 = tpu.memref_slice %arg7[%arg0, %add3A_36, %dma_wait3A] : memref<2x10240x128xf32, #tpu.memory_space<hbm>> -> memref<1x128x128xf32, #tpu.memory_space<hbm>>
      %dma_wait3A_59 = tpu.memref_squeeze %dma_wait3A_58 : memref<1x128x128xf32, #tpu.memory_space<hbm>> -> memref<128x128xf32, #tpu.memory_space<hbm>>
      %dma_wait3A_60 = arith.constant 0 : i32
      %dma_wait3A_61 = tpu.memref_slice %arg7[%arg0, %add3A_36, %dma_wait3A_60] : memref<2x10240x128xf32, #tpu.memory_space<hbm>> -> memref<1x128x128xf32, #tpu.memory_space<hbm>>
      %dma_wait3A_62 = tpu.memref_squeeze %dma_wait3A_61 : memref<1x128x128xf32, #tpu.memory_space<hbm>> -> memref<128x128xf32, #tpu.memory_space<hbm>>
      tpu.wait_dma2 semaphore(%run_scoped3A : memref<!tpu.dma_semaphore, #tpu.memory_space<semaphore_mem>>) src(%arg12 : memref<128x128xf32, #tpu.memory_space<vmem>>) dst(%dma_wait3A_62 : memref<128x128xf32, #tpu.memory_space<hbm>>)
      tpu.yield
    }) : () -> ()
    %mul3A_37 = arith.constant 640 : i32
    %mul3A_38 = arith.muli %arg1, %mul3A_37 : i32
    %add3A_39 = arith.constant 128 : i32
    %add3A_40 = arith.addi %mul3A_38, %add3A_39 : i32
    "tpu.region"() ({
      %run_scoped3A = tpu.sem_alloc : memref<!tpu.dma_semaphore, #tpu.memory_space<semaphore_mem>>
      %dma_start3A = arith.constant 0 : i32
      %dma_start3A_53 = tpu.memref_slice %arg14[%add3A_40, %dma_start3A] : memref<10240x128xf32, #tpu.memory_space<vmem_shared>> -> memref<128x128xf32, #tpu.memory_space<vmem_shared>>
      %dma_start3A_54 = arith.constant 0 : i32
      %dma_start3A_55 = tpu.memref_slice %arg14[%add3A_40, %dma_start3A_54] : memref<10240x128xf32, #tpu.memory_space<vmem_shared>> -> memref<128x128xf32, #tpu.memory_space<vmem_shared>>
      tpu.enqueue_dma source(%dma_start3A_55 : memref<128x128xf32, #tpu.memory_space<vmem_shared>>) target(%arg12 : memref<128x128xf32, #tpu.memory_space<vmem>>) target_semaphore(%run_scoped3A : memref<!tpu.dma_semaphore, #tpu.memory_space<semaphore_mem>>)
      %dma_wait3A = arith.constant 0 : i32
      %dma_wait3A_56 = tpu.memref_slice %arg14[%add3A_40, %dma_wait3A] : memref<10240x128xf32, #tpu.memory_space<vmem_shared>> -> memref<128x128xf32, #tpu.memory_space<vmem_shared>>
      %dma_wait3A_57 = arith.constant 0 : i32
      %dma_wait3A_58 = tpu.memref_slice %arg14[%add3A_40, %dma_wait3A_57] : memref<10240x128xf32, #tpu.memory_space<vmem_shared>> -> memref<128x128xf32, #tpu.memory_space<vmem_shared>>
      tpu.wait_dma2 semaphore(%run_scoped3A : memref<!tpu.dma_semaphore, #tpu.memory_space<semaphore_mem>>) src(%dma_wait3A_58 : memref<128x128xf32, #tpu.memory_space<vmem_shared>>) dst(%arg12 : memref<128x128xf32, #tpu.memory_space<vmem>>)
      tpu.yield
    }) : () -> ()
    "tpu.region"() ({
      %run_scoped3A = tpu.sem_alloc : memref<!tpu.dma_semaphore, #tpu.memory_space<semaphore_mem>>
      %dma_start3A = arith.constant 0 : i32
      %dma_start3A_53 = tpu.memref_slice %arg7[%arg0, %add3A_40, %dma_start3A] : memref<2x10240x128xf32, #tpu.memory_space<hbm>> -> memref<1x128x128xf32, #tpu.memory_space<hbm>>
      %dma_start3A_54 = tpu.memref_squeeze %dma_start3A_53 : memref<1x128x128xf32, #tpu.memory_space<hbm>> -> memref<128x128xf32, #tpu.memory_space<hbm>>
      %dma_start3A_55 = arith.constant 0 : i32
      %dma_start3A_56 = tpu.memref_slice %arg7[%arg0, %add3A_40, %dma_start3A_55] : memref<2x10240x128xf32, #tpu.memory_space<hbm>> -> memref<1x128x128xf32, #tpu.memory_space<hbm>>
      %dma_start3A_57 = tpu.memref_squeeze %dma_start3A_56 : memref<1x128x128xf32, #tpu.memory_space<hbm>> -> memref<128x128xf32, #tpu.memory_space<hbm>>
      tpu.enqueue_dma source(%arg12 : memref<128x128xf32, #tpu.memory_space<vmem>>) target(%dma_start3A_57 : memref<128x128xf32, #tpu.memory_space<hbm>>) target_semaphore(%run_scoped3A : memref<!tpu.dma_semaphore, #tpu.memory_space<semaphore_mem>>)
      %dma_wait3A = arith.constant 0 : i32
      %dma_wait3A_58 = tpu.memref_slice %arg7[%arg0, %add3A_40, %dma_wait3A] : memref<2x10240x128xf32, #tpu.memory_space<hbm>> -> memref<1x128x128xf32, #tpu.memory_space<hbm>>
      %dma_wait3A_59 = tpu.memref_squeeze %dma_wait3A_58 : memref<1x128x128xf32, #tpu.memory_space<hbm>> -> memref<128x128xf32, #tpu.memory_space<hbm>>
      %dma_wait3A_60 = arith.constant 0 : i32
      %dma_wait3A_61 = tpu.memref_slice %arg7[%arg0, %add3A_40, %dma_wait3A_60] : memref<2x10240x128xf32, #tpu.memory_space<hbm>> -> memref<1x128x128xf32, #tpu.memory_space<hbm>>
      %dma_wait3A_62 = tpu.memref_squeeze %dma_wait3A_61 : memref<1x128x128xf32, #tpu.memory_space<hbm>> -> memref<128x128xf32, #tpu.memory_space<hbm>>
      tpu.wait_dma2 semaphore(%run_scoped3A : memref<!tpu.dma_semaphore, #tpu.memory_space<semaphore_mem>>) src(%arg12 : memref<128x128xf32, #tpu.memory_space<vmem>>) dst(%dma_wait3A_62 : memref<128x128xf32, #tpu.memory_space<hbm>>)
      tpu.yield
    }) : () -> ()
    %mul3A_41 = arith.constant 640 : i32
    %mul3A_42 = arith.muli %arg1, %mul3A_41 : i32
    %add3A_43 = arith.constant 256 : i32
    %add3A_44 = arith.addi %mul3A_42, %add3A_43 : i32
    "tpu.region"() ({
      %run_scoped3A = tpu.sem_alloc : memref<!tpu.dma_semaphore, #tpu.memory_space<semaphore_mem>>
      %dma_start3A = arith.constant 0 : i32
      %dma_start3A_53 = tpu.memref_slice %arg14[%add3A_44, %dma_start3A] : memref<10240x128xf32, #tpu.memory_space<vmem_shared>> -> memref<128x128xf32, #tpu.memory_space<vmem_shared>>
      %dma_start3A_54 = arith.constant 0 : i32
      %dma_start3A_55 = tpu.memref_slice %arg14[%add3A_44, %dma_start3A_54] : memref<10240x128xf32, #tpu.memory_space<vmem_shared>> -> memref<128x128xf32, #tpu.memory_space<vmem_shared>>
      tpu.enqueue_dma source(%dma_start3A_55 : memref<128x128xf32, #tpu.memory_space<vmem_shared>>) target(%arg12 : memref<128x128xf32, #tpu.memory_space<vmem>>) target_semaphore(%run_scoped3A : memref<!tpu.dma_semaphore, #tpu.memory_space<semaphore_mem>>)
      %dma_wait3A = arith.constant 0 : i32
      %dma_wait3A_56 = tpu.memref_slice %arg14[%add3A_44, %dma_wait3A] : memref<10240x128xf32, #tpu.memory_space<vmem_shared>> -> memref<128x128xf32, #tpu.memory_space<vmem_shared>>
      %dma_wait3A_57 = arith.constant 0 : i32
      %dma_wait3A_58 = tpu.memref_slice %arg14[%add3A_44, %dma_wait3A_57] : memref<10240x128xf32, #tpu.memory_space<vmem_shared>> -> memref<128x128xf32, #tpu.memory_space<vmem_shared>>
      tpu.wait_dma2 semaphore(%run_scoped3A : memref<!tpu.dma_semaphore, #tpu.memory_space<semaphore_mem>>) src(%dma_wait3A_58 : memref<128x128xf32, #tpu.memory_space<vmem_shared>>) dst(%arg12 : memref<128x128xf32, #tpu.memory_space<vmem>>)
      tpu.yield
    }) : () -> ()
    "tpu.region"() ({
      %run_scoped3A = tpu.sem_alloc : memref<!tpu.dma_semaphore, #tpu.memory_space<semaphore_mem>>
      %dma_start3A = arith.constant 0 : i32
      %dma_start3A_53 = tpu.memref_slice %arg7[%arg0, %add3A_44, %dma_start3A] : memref<2x10240x128xf32, #tpu.memory_space<hbm>> -> memref<1x128x128xf32, #tpu.memory_space<hbm>>
      %dma_start3A_54 = tpu.memref_squeeze %dma_start3A_53 : memref<1x128x128xf32, #tpu.memory_space<hbm>> -> memref<128x128xf32, #tpu.memory_space<hbm>>
      %dma_start3A_55 = arith.constant 0 : i32
      %dma_start3A_56 = tpu.memref_slice %arg7[%arg0, %add3A_44, %dma_start3A_55] : memref<2x10240x128xf32, #tpu.memory_space<hbm>> -> memref<1x128x128xf32, #tpu.memory_space<hbm>>
      %dma_start3A_57 = tpu.memref_squeeze %dma_start3A_56 : memref<1x128x128xf32, #tpu.memory_space<hbm>> -> memref<128x128xf32, #tpu.memory_space<hbm>>
      tpu.enqueue_dma source(%arg12 : memref<128x128xf32, #tpu.memory_space<vmem>>) target(%dma_start3A_57 : memref<128x128xf32, #tpu.memory_space<hbm>>) target_semaphore(%run_scoped3A : memref<!tpu.dma_semaphore, #tpu.memory_space<semaphore_mem>>)
      %dma_wait3A = arith.constant 0 : i32
      %dma_wait3A_58 = tpu.memref_slice %arg7[%arg0, %add3A_44, %dma_wait3A] : memref<2x10240x128xf32, #tpu.memory_space<hbm>> -> memref<1x128x128xf32, #tpu.memory_space<hbm>>
      %dma_wait3A_59 = tpu.memref_squeeze %dma_wait3A_58 : memref<1x128x128xf32, #tpu.memory_space<hbm>> -> memref<128x128xf32, #tpu.memory_space<hbm>>
      %dma_wait3A_60 = arith.constant 0 : i32
      %dma_wait3A_61 = tpu.memref_slice %arg7[%arg0, %add3A_44, %dma_wait3A_60] : memref<2x10240x128xf32, #tpu.memory_space<hbm>> -> memref<1x128x128xf32, #tpu.memory_space<hbm>>
      %dma_wait3A_62 = tpu.memref_squeeze %dma_wait3A_61 : memref<1x128x128xf32, #tpu.memory_space<hbm>> -> memref<128x128xf32, #tpu.memory_space<hbm>>
      tpu.wait_dma2 semaphore(%run_scoped3A : memref<!tpu.dma_semaphore, #tpu.memory_space<semaphore_mem>>) src(%arg12 : memref<128x128xf32, #tpu.memory_space<vmem>>) dst(%dma_wait3A_62 : memref<128x128xf32, #tpu.memory_space<hbm>>)
      tpu.yield
    }) : () -> ()
    %mul3A_45 = arith.constant 640 : i32
    %mul3A_46 = arith.muli %arg1, %mul3A_45 : i32
    %add3A_47 = arith.constant 384 : i32
    %add3A_48 = arith.addi %mul3A_46, %add3A_47 : i32
    "tpu.region"() ({
      %run_scoped3A = tpu.sem_alloc : memref<!tpu.dma_semaphore, #tpu.memory_space<semaphore_mem>>
      %dma_start3A = arith.constant 0 : i32
      %dma_start3A_53 = tpu.memref_slice %arg14[%add3A_48, %dma_start3A] : memref<10240x128xf32, #tpu.memory_space<vmem_shared>> -> memref<128x128xf32, #tpu.memory_space<vmem_shared>>
      %dma_start3A_54 = arith.constant 0 : i32
      %dma_start3A_55 = tpu.memref_slice %arg14[%add3A_48, %dma_start3A_54] : memref<10240x128xf32, #tpu.memory_space<vmem_shared>> -> memref<128x128xf32, #tpu.memory_space<vmem_shared>>
      tpu.enqueue_dma source(%dma_start3A_55 : memref<128x128xf32, #tpu.memory_space<vmem_shared>>) target(%arg12 : memref<128x128xf32, #tpu.memory_space<vmem>>) target_semaphore(%run_scoped3A : memref<!tpu.dma_semaphore, #tpu.memory_space<semaphore_mem>>)
      %dma_wait3A = arith.constant 0 : i32
      %dma_wait3A_56 = tpu.memref_slice %arg14[%add3A_48, %dma_wait3A] : memref<10240x128xf32, #tpu.memory_space<vmem_shared>> -> memref<128x128xf32, #tpu.memory_space<vmem_shared>>
      %dma_wait3A_57 = arith.constant 0 : i32
      %dma_wait3A_58 = tpu.memref_slice %arg14[%add3A_48, %dma_wait3A_57] : memref<10240x128xf32, #tpu.memory_space<vmem_shared>> -> memref<128x128xf32, #tpu.memory_space<vmem_shared>>
      tpu.wait_dma2 semaphore(%run_scoped3A : memref<!tpu.dma_semaphore, #tpu.memory_space<semaphore_mem>>) src(%dma_wait3A_58 : memref<128x128xf32, #tpu.memory_space<vmem_shared>>) dst(%arg12 : memref<128x128xf32, #tpu.memory_space<vmem>>)
      tpu.yield
    }) : () -> ()
    "tpu.region"() ({
      %run_scoped3A = tpu.sem_alloc : memref<!tpu.dma_semaphore, #tpu.memory_space<semaphore_mem>>
      %dma_start3A = arith.constant 0 : i32
      %dma_start3A_53 = tpu.memref_slice %arg7[%arg0, %add3A_48, %dma_start3A] : memref<2x10240x128xf32, #tpu.memory_space<hbm>> -> memref<1x128x128xf32, #tpu.memory_space<hbm>>
      %dma_start3A_54 = tpu.memref_squeeze %dma_start3A_53 : memref<1x128x128xf32, #tpu.memory_space<hbm>> -> memref<128x128xf32, #tpu.memory_space<hbm>>
      %dma_start3A_55 = arith.constant 0 : i32
      %dma_start3A_56 = tpu.memref_slice %arg7[%arg0, %add3A_48, %dma_start3A_55] : memref<2x10240x128xf32, #tpu.memory_space<hbm>> -> memref<1x128x128xf32, #tpu.memory_space<hbm>>
      %dma_start3A_57 = tpu.memref_squeeze %dma_start3A_56 : memref<1x128x128xf32, #tpu.memory_space<hbm>> -> memref<128x128xf32, #tpu.memory_space<hbm>>
      tpu.enqueue_dma source(%arg12 : memref<128x128xf32, #tpu.memory_space<vmem>>) target(%dma_start3A_57 : memref<128x128xf32, #tpu.memory_space<hbm>>) target_semaphore(%run_scoped3A : memref<!tpu.dma_semaphore, #tpu.memory_space<semaphore_mem>>)
      %dma_wait3A = arith.constant 0 : i32
      %dma_wait3A_58 = tpu.memref_slice %arg7[%arg0, %add3A_48, %dma_wait3A] : memref<2x10240x128xf32, #tpu.memory_space<hbm>> -> memref<1x128x128xf32, #tpu.memory_space<hbm>>
      %dma_wait3A_59 = tpu.memref_squeeze %dma_wait3A_58 : memref<1x128x128xf32, #tpu.memory_space<hbm>> -> memref<128x128xf32, #tpu.memory_space<hbm>>
      %dma_wait3A_60 = arith.constant 0 : i32
      %dma_wait3A_61 = tpu.memref_slice %arg7[%arg0, %add3A_48, %dma_wait3A_60] : memref<2x10240x128xf32, #tpu.memory_space<hbm>> -> memref<1x128x128xf32, #tpu.memory_space<hbm>>
      %dma_wait3A_62 = tpu.memref_squeeze %dma_wait3A_61 : memref<1x128x128xf32, #tpu.memory_space<hbm>> -> memref<128x128xf32, #tpu.memory_space<hbm>>
      tpu.wait_dma2 semaphore(%run_scoped3A : memref<!tpu.dma_semaphore, #tpu.memory_space<semaphore_mem>>) src(%arg12 : memref<128x128xf32, #tpu.memory_space<vmem>>) dst(%dma_wait3A_62 : memref<128x128xf32, #tpu.memory_space<hbm>>)
      tpu.yield
    }) : () -> ()
    %mul3A_49 = arith.constant 640 : i32
    %mul3A_50 = arith.muli %arg1, %mul3A_49 : i32
    %add3A_51 = arith.constant 512 : i32
    %add3A_52 = arith.addi %mul3A_50, %add3A_51 : i32
    "tpu.region"() ({
      %run_scoped3A = tpu.sem_alloc : memref<!tpu.dma_semaphore, #tpu.memory_space<semaphore_mem>>
      %dma_start3A = arith.constant 0 : i32
      %dma_start3A_53 = tpu.memref_slice %arg14[%add3A_52, %dma_start3A] : memref<10240x128xf32, #tpu.memory_space<vmem_shared>> -> memref<128x128xf32, #tpu.memory_space<vmem_shared>>
      %dma_start3A_54 = arith.constant 0 : i32
      %dma_start3A_55 = tpu.memref_slice %arg14[%add3A_52, %dma_start3A_54] : memref<10240x128xf32, #tpu.memory_space<vmem_shared>> -> memref<128x128xf32, #tpu.memory_space<vmem_shared>>
      tpu.enqueue_dma source(%dma_start3A_55 : memref<128x128xf32, #tpu.memory_space<vmem_shared>>) target(%arg12 : memref<128x128xf32, #tpu.memory_space<vmem>>) target_semaphore(%run_scoped3A : memref<!tpu.dma_semaphore, #tpu.memory_space<semaphore_mem>>)
      %dma_wait3A = arith.constant 0 : i32
      %dma_wait3A_56 = tpu.memref_slice %arg14[%add3A_52, %dma_wait3A] : memref<10240x128xf32, #tpu.memory_space<vmem_shared>> -> memref<128x128xf32, #tpu.memory_space<vmem_shared>>
      %dma_wait3A_57 = arith.constant 0 : i32
      %dma_wait3A_58 = tpu.memref_slice %arg14[%add3A_52, %dma_wait3A_57] : memref<10240x128xf32, #tpu.memory_space<vmem_shared>> -> memref<128x128xf32, #tpu.memory_space<vmem_shared>>
      tpu.wait_dma2 semaphore(%run_scoped3A : memref<!tpu.dma_semaphore, #tpu.memory_space<semaphore_mem>>) src(%dma_wait3A_58 : memref<128x128xf32, #tpu.memory_space<vmem_shared>>) dst(%arg12 : memref<128x128xf32, #tpu.memory_space<vmem>>)
      tpu.yield
    }) : () -> ()
    "tpu.region"() ({
      %run_scoped3A = tpu.sem_alloc : memref<!tpu.dma_semaphore, #tpu.memory_space<semaphore_mem>>
      %dma_start3A = arith.constant 0 : i32
      %dma_start3A_53 = tpu.memref_slice %arg7[%arg0, %add3A_52, %dma_start3A] : memref<2x10240x128xf32, #tpu.memory_space<hbm>> -> memref<1x128x128xf32, #tpu.memory_space<hbm>>
      %dma_start3A_54 = tpu.memref_squeeze %dma_start3A_53 : memref<1x128x128xf32, #tpu.memory_space<hbm>> -> memref<128x128xf32, #tpu.memory_space<hbm>>
      %dma_start3A_55 = arith.constant 0 : i32
      %dma_start3A_56 = tpu.memref_slice %arg7[%arg0, %add3A_52, %dma_start3A_55] : memref<2x10240x128xf32, #tpu.memory_space<hbm>> -> memref<1x128x128xf32, #tpu.memory_space<hbm>>
      %dma_start3A_57 = tpu.memref_squeeze %dma_start3A_56 : memref<1x128x128xf32, #tpu.memory_space<hbm>> -> memref<128x128xf32, #tpu.memory_space<hbm>>
      tpu.enqueue_dma source(%arg12 : memref<128x128xf32, #tpu.memory_space<vmem>>) target(%dma_start3A_57 : memref<128x128xf32, #tpu.memory_space<hbm>>) target_semaphore(%run_scoped3A : memref<!tpu.dma_semaphore, #tpu.memory_space<semaphore_mem>>)
      %dma_wait3A = arith.constant 0 : i32
      %dma_wait3A_58 = tpu.memref_slice %arg7[%arg0, %add3A_52, %dma_wait3A] : memref<2x10240x128xf32, #tpu.memory_space<hbm>> -> memref<1x128x128xf32, #tpu.memory_space<hbm>>
      %dma_wait3A_59 = tpu.memref_squeeze %dma_wait3A_58 : memref<1x128x128xf32, #tpu.memory_space<hbm>> -> memref<128x128xf32, #tpu.memory_space<hbm>>
      %dma_wait3A_60 = arith.constant 0 : i32
      %dma_wait3A_61 = tpu.memref_slice %arg7[%arg0, %add3A_52, %dma_wait3A_60] : memref<2x10240x128xf32, #tpu.memory_space<hbm>> -> memref<1x128x128xf32, #tpu.memory_space<hbm>>
      %dma_wait3A_62 = tpu.memref_squeeze %dma_wait3A_61 : memref<1x128x128xf32, #tpu.memory_space<hbm>> -> memref<128x128xf32, #tpu.memory_space<hbm>>
      tpu.wait_dma2 semaphore(%run_scoped3A : memref<!tpu.dma_semaphore, #tpu.memory_space<semaphore_mem>>) src(%arg12 : memref<128x128xf32, #tpu.memory_space<vmem>>) dst(%dma_wait3A_62 : memref<128x128xf32, #tpu.memory_space<hbm>>)
      tpu.yield
    }) : () -> ()
    return
  }
}

#map = affine_map<(d0, d1) -> (0, 0, 0)>
#map1 = affine_map<(d0, d1) -> (0)>
module attributes {stable_mosaic.version = 14 : i64} {
  func.func @k(%arg0: i32, %arg1: i32, %arg2: memref<32x40x128xf32, #tpu.memory_space<hbm>>, %arg3: memref<32x40x128xi32, #tpu.memory_space<hbm>>, %arg4: memref<320000xf32, #tpu.memory_space<hbm>>, %arg5: memref<40x128xf32, #tpu.memory_space<vmem>>, %arg6: memref<40x128xi32, #tpu.memory_space<vmem>>, %arg7: memref<10000xf32, #tpu.memory_space<vmem>>, %arg8: memref<160000xf32, #tpu.memory_space<vmem_shared>>) attributes {dimension_semantics = [#tpu.dimension_semantics<core_parallel>, #tpu.dimension_semantics<subcore_parallel>], iteration_bounds = array<i64: 2, 16>, scalar_prefetch = 0 : i64, scratch_operands = 4 : i64, tpu.core_type = #tpu.core_type<sc_vector_subcore>, window_params = [{transform_indices = #map}, {transform_indices = #map}, {transform_indices = #map1}]} {
    %mul3A = arith.constant 2 : i32
    %mul3A_0 = arith.muli %arg1, %mul3A : i32
    %add3A = arith.addi %mul3A_0, %arg0 : i32
    %scan3A = arith.constant 0 : i32
    %scan3A_1 = arith.constant 0 : i32
    %scan3A_2 = arith.constant 625 : i32
    %scan3A_3 = arith.addi %scan3A_1, %scan3A_2 : i32
    %scan3A_4 = arith.constant 1 : i32
    scf.for %scan3A_22 = %scan3A_1 to %scan3A_3 step %scan3A_4  : i32 {
      %broadcast_in_dim3A = arith.constant 0.000000e+00 : f32
      %broadcast_in_dim3A_23 = vector.broadcast %broadcast_in_dim3A : f32 to vector<16xf32>
      %mul3A_24 = arith.constant 16 : i32
      %mul3A_25 = arith.muli %scan3A_22, %mul3A_24 : i32
      %swap3A = arith.index_cast %mul3A_25 : i32 to index
      %swap3A_26 = tpu.vector_load %arg7[%swap3A] {strides = array<i32>} : memref<10000xf32, #tpu.memory_space<vmem>>, vector<16xf32>,
      %swap3A_27 = vector.shape_cast %swap3A_26 : vector<16xf32> to vector<16xf32>
      %swap3A_28 = vector.shape_cast %broadcast_in_dim3A_23 : vector<16xf32> to vector<16xf32>
      tpu.vector_store %arg7[%swap3A], %swap3A_28 {strides = array<i32>} : memref<10000xf32, #tpu.memory_space<vmem>>, vector<16xf32>,
    }
    %scan3A_5 = arith.constant 625 : i32
    %mul3A_6 = arith.constant 10000 : i32
    %mul3A_7 = arith.muli %arg1, %mul3A_6 : i32
    "tpu.region"() ({
      %run_scoped3A = tpu.sem_alloc : memref<!tpu.dma_semaphore, #tpu.memory_space<semaphore_mem>>
      %dma_start3A = tpu.memref_slice %arg8[%mul3A_7] : memref<160000xf32, #tpu.memory_space<vmem_shared>> -> memref<10000xf32, #tpu.memory_space<vmem_shared>>
      %dma_start3A_22 = tpu.memref_slice %arg8[%mul3A_7] : memref<160000xf32, #tpu.memory_space<vmem_shared>> -> memref<10000xf32, #tpu.memory_space<vmem_shared>>
      tpu.enqueue_dma source(%arg7 : memref<10000xf32, #tpu.memory_space<vmem>>) target(%dma_start3A_22 : memref<10000xf32, #tpu.memory_space<vmem_shared>>) target_semaphore(%run_scoped3A : memref<!tpu.dma_semaphore, #tpu.memory_space<semaphore_mem>>)
      %dma_wait3A = tpu.memref_slice %arg8[%mul3A_7] : memref<160000xf32, #tpu.memory_space<vmem_shared>> -> memref<10000xf32, #tpu.memory_space<vmem_shared>>
      %dma_wait3A_23 = tpu.memref_slice %arg8[%mul3A_7] : memref<160000xf32, #tpu.memory_space<vmem_shared>> -> memref<10000xf32, #tpu.memory_space<vmem_shared>>
      tpu.wait_dma2 semaphore(%run_scoped3A : memref<!tpu.dma_semaphore, #tpu.memory_space<semaphore_mem>>) src(%arg7 : memref<10000xf32, #tpu.memory_space<vmem>>) dst(%dma_wait3A_23 : memref<10000xf32, #tpu.memory_space<vmem_shared>>)
      tpu.yield
    }) : () -> ()
    %barrier3A = arith.constant 0 : index
    tpu.barrier barrier_id(%barrier3A)
    "tpu.region"() ({
      %run_scoped3A = tpu.sem_alloc : memref<!tpu.dma_semaphore, #tpu.memory_space<semaphore_mem>>
      %dma_start3A = arith.constant 0 : i32
      %dma_start3A_22 = arith.constant 0 : i32
      %dma_start3A_23 = tpu.memref_slice %arg2[%add3A, %dma_start3A, %dma_start3A_22] : memref<32x40x128xf32, #tpu.memory_space<hbm>> -> memref<1x40x128xf32, #tpu.memory_space<hbm>>
      %dma_start3A_24 = tpu.memref_squeeze %dma_start3A_23 : memref<1x40x128xf32, #tpu.memory_space<hbm>> -> memref<40x128xf32, #tpu.memory_space<hbm>>
      %dma_start3A_25 = arith.constant 0 : i32
      %dma_start3A_26 = arith.constant 0 : i32
      %dma_start3A_27 = tpu.memref_slice %arg2[%add3A, %dma_start3A_25, %dma_start3A_26] : memref<32x40x128xf32, #tpu.memory_space<hbm>> -> memref<1x40x128xf32, #tpu.memory_space<hbm>>
      %dma_start3A_28 = tpu.memref_squeeze %dma_start3A_27 : memref<1x40x128xf32, #tpu.memory_space<hbm>> -> memref<40x128xf32, #tpu.memory_space<hbm>>
      tpu.enqueue_dma source(%dma_start3A_28 : memref<40x128xf32, #tpu.memory_space<hbm>>) target(%arg5 : memref<40x128xf32, #tpu.memory_space<vmem>>) target_semaphore(%run_scoped3A : memref<!tpu.dma_semaphore, #tpu.memory_space<semaphore_mem>>)
      %dma_wait3A = arith.constant 0 : i32
      %dma_wait3A_29 = arith.constant 0 : i32
      %dma_wait3A_30 = tpu.memref_slice %arg2[%add3A, %dma_wait3A, %dma_wait3A_29] : memref<32x40x128xf32, #tpu.memory_space<hbm>> -> memref<1x40x128xf32, #tpu.memory_space<hbm>>
      %dma_wait3A_31 = tpu.memref_squeeze %dma_wait3A_30 : memref<1x40x128xf32, #tpu.memory_space<hbm>> -> memref<40x128xf32, #tpu.memory_space<hbm>>
      %dma_wait3A_32 = arith.constant 0 : i32
      %dma_wait3A_33 = arith.constant 0 : i32
      %dma_wait3A_34 = tpu.memref_slice %arg2[%add3A, %dma_wait3A_32, %dma_wait3A_33] : memref<32x40x128xf32, #tpu.memory_space<hbm>> -> memref<1x40x128xf32, #tpu.memory_space<hbm>>
      %dma_wait3A_35 = tpu.memref_squeeze %dma_wait3A_34 : memref<1x40x128xf32, #tpu.memory_space<hbm>> -> memref<40x128xf32, #tpu.memory_space<hbm>>
      tpu.wait_dma2 semaphore(%run_scoped3A : memref<!tpu.dma_semaphore, #tpu.memory_space<semaphore_mem>>) src(%dma_wait3A_35 : memref<40x128xf32, #tpu.memory_space<hbm>>) dst(%arg5 : memref<40x128xf32, #tpu.memory_space<vmem>>)
      tpu.yield
    }) : () -> ()
    "tpu.region"() ({
      %run_scoped3A = tpu.sem_alloc : memref<!tpu.dma_semaphore, #tpu.memory_space<semaphore_mem>>
      %dma_start3A = arith.constant 0 : i32
      %dma_start3A_22 = arith.constant 0 : i32
      %dma_start3A_23 = tpu.memref_slice %arg3[%add3A, %dma_start3A, %dma_start3A_22] : memref<32x40x128xi32, #tpu.memory_space<hbm>> -> memref<1x40x128xi32, #tpu.memory_space<hbm>>
      %dma_start3A_24 = tpu.memref_squeeze %dma_start3A_23 : memref<1x40x128xi32, #tpu.memory_space<hbm>> -> memref<40x128xi32, #tpu.memory_space<hbm>>
      %dma_start3A_25 = arith.constant 0 : i32
      %dma_start3A_26 = arith.constant 0 : i32
      %dma_start3A_27 = tpu.memref_slice %arg3[%add3A, %dma_start3A_25, %dma_start3A_26] : memref<32x40x128xi32, #tpu.memory_space<hbm>> -> memref<1x40x128xi32, #tpu.memory_space<hbm>>
      %dma_start3A_28 = tpu.memref_squeeze %dma_start3A_27 : memref<1x40x128xi32, #tpu.memory_space<hbm>> -> memref<40x128xi32, #tpu.memory_space<hbm>>
      tpu.enqueue_dma source(%dma_start3A_28 : memref<40x128xi32, #tpu.memory_space<hbm>>) target(%arg6 : memref<40x128xi32, #tpu.memory_space<vmem>>) target_semaphore(%run_scoped3A : memref<!tpu.dma_semaphore, #tpu.memory_space<semaphore_mem>>)
      %dma_wait3A = arith.constant 0 : i32
      %dma_wait3A_29 = arith.constant 0 : i32
      %dma_wait3A_30 = tpu.memref_slice %arg3[%add3A, %dma_wait3A, %dma_wait3A_29] : memref<32x40x128xi32, #tpu.memory_space<hbm>> -> memref<1x40x128xi32, #tpu.memory_space<hbm>>
      %dma_wait3A_31 = tpu.memref_squeeze %dma_wait3A_30 : memref<1x40x128xi32, #tpu.memory_space<hbm>> -> memref<40x128xi32, #tpu.memory_space<hbm>>
      %dma_wait3A_32 = arith.constant 0 : i32
      %dma_wait3A_33 = arith.constant 0 : i32
      %dma_wait3A_34 = tpu.memref_slice %arg3[%add3A, %dma_wait3A_32, %dma_wait3A_33] : memref<32x40x128xi32, #tpu.memory_space<hbm>> -> memref<1x40x128xi32, #tpu.memory_space<hbm>>
      %dma_wait3A_35 = tpu.memref_squeeze %dma_wait3A_34 : memref<1x40x128xi32, #tpu.memory_space<hbm>> -> memref<40x128xi32, #tpu.memory_space<hbm>>
      tpu.wait_dma2 semaphore(%run_scoped3A : memref<!tpu.dma_semaphore, #tpu.memory_space<semaphore_mem>>) src(%dma_wait3A_35 : memref<40x128xi32, #tpu.memory_space<hbm>>) dst(%arg6 : memref<40x128xi32, #tpu.memory_space<vmem>>)
      tpu.yield
    }) : () -> ()
    %scan3A_8 = arith.constant 0 : i32
    %scan3A_9 = arith.constant 0 : i32
    %scan3A_10 = arith.constant 40 : i32
    %scan3A_11 = arith.addi %scan3A_9, %scan3A_10 : i32
    %scan3A_12 = arith.constant 1 : i32
    scf.for %scan3A_22 = %scan3A_9 to %scan3A_11 step %scan3A_12  : i32 {
      "tpu.region"() ({
        %run_scoped3A = tpu.sem_alloc : memref<!tpu.dma_semaphore, #tpu.memory_space<semaphore_mem>>
        %dma_start3A = arith.constant 0 : i32
        %dma_start3A_23 = tpu.memref_slice %arg5[%scan3A_22, %dma_start3A] : memref<40x128xf32, #tpu.memory_space<vmem>> -> memref<1x128xf32, #tpu.memory_space<vmem>>
        %dma_start3A_24 = tpu.memref_squeeze %dma_start3A_23 : memref<1x128xf32, #tpu.memory_space<vmem>> -> memref<128xf32, #tpu.memory_space<vmem>>
        %dma_start3A_25 = arith.constant 0 : i32
        %dma_start3A_26 = tpu.memref_slice %arg6[%scan3A_22, %dma_start3A_25] : memref<40x128xi32, #tpu.memory_space<vmem>> -> memref<1x128xi32, #tpu.memory_space<vmem>>
        %dma_start3A_27 = tpu.memref_squeeze %dma_start3A_26 : memref<1x128xi32, #tpu.memory_space<vmem>> -> memref<128xi32, #tpu.memory_space<vmem>>
        %dma_start3A_28 = arith.constant 0 : i32
        %dma_start3A_29 = tpu.memref_slice %arg8[%dma_start3A_28] : memref<160000xf32, #tpu.memory_space<vmem_shared>> -> memref<160000xf32, #tpu.memory_space<vmem_shared>>
        tpu.enqueue_indirect_dma source(%dma_start3A_24 : memref<128xf32, #tpu.memory_space<vmem>>) target(%dma_start3A_29 : memref<160000xf32, #tpu.memory_space<vmem_shared>>) offsets(%dma_start3A_27 : memref<128xi32, #tpu.memory_space<vmem>>) semaphore(%run_scoped3A : memref<!tpu.dma_semaphore, #tpu.memory_space<semaphore_mem>>) {add = true}
        %dma_wait3A = arith.constant 0 : i32
        %dma_wait3A_30 = tpu.memref_slice %arg5[%scan3A_22, %dma_wait3A] : memref<40x128xf32, #tpu.memory_space<vmem>> -> memref<1x128xf32, #tpu.memory_space<vmem>>
        %dma_wait3A_31 = tpu.memref_squeeze %dma_wait3A_30 : memref<1x128xf32, #tpu.memory_space<vmem>> -> memref<128xf32, #tpu.memory_space<vmem>>
        %dma_wait3A_32 = arith.constant 0 : i32
        %dma_wait3A_33 = tpu.memref_slice %arg6[%scan3A_22, %dma_wait3A_32] : memref<40x128xi32, #tpu.memory_space<vmem>> -> memref<1x128xi32, #tpu.memory_space<vmem>>
        %dma_wait3A_34 = tpu.memref_squeeze %dma_wait3A_33 : memref<1x128xi32, #tpu.memory_space<vmem>> -> memref<128xi32, #tpu.memory_space<vmem>>
        %dma_wait3A_35 = arith.constant 0 : i32
        %dma_wait3A_36 = tpu.memref_slice %arg8[%dma_wait3A_35] : memref<160000xf32, #tpu.memory_space<vmem_shared>> -> memref<160000xf32, #tpu.memory_space<vmem_shared>>
        tpu.wait_indirect_dma semaphore(%run_scoped3A : memref<!tpu.dma_semaphore, #tpu.memory_space<semaphore_mem>>) src(%dma_wait3A_31 : memref<128xf32, #tpu.memory_space<vmem>>) dst(%dma_wait3A_36 : memref<160000xf32, #tpu.memory_space<vmem_shared>>)
        tpu.yield
      }) : () -> ()
    }
    %scan3A_13 = arith.constant 40 : i32
    %barrier3A_14 = arith.constant 0 : index
    tpu.barrier barrier_id(%barrier3A_14)
    %mul3A_15 = arith.constant 10000 : i32
    %mul3A_16 = arith.muli %arg1, %mul3A_15 : i32
    "tpu.region"() ({
      %run_scoped3A = tpu.sem_alloc : memref<!tpu.dma_semaphore, #tpu.memory_space<semaphore_mem>>
      %dma_start3A = tpu.memref_slice %arg8[%mul3A_16] : memref<160000xf32, #tpu.memory_space<vmem_shared>> -> memref<10000xf32, #tpu.memory_space<vmem_shared>>
      %dma_start3A_22 = tpu.memref_slice %arg8[%mul3A_16] : memref<160000xf32, #tpu.memory_space<vmem_shared>> -> memref<10000xf32, #tpu.memory_space<vmem_shared>>
      tpu.enqueue_dma source(%dma_start3A_22 : memref<10000xf32, #tpu.memory_space<vmem_shared>>) target(%arg7 : memref<10000xf32, #tpu.memory_space<vmem>>) target_semaphore(%run_scoped3A : memref<!tpu.dma_semaphore, #tpu.memory_space<semaphore_mem>>)
      %dma_wait3A = tpu.memref_slice %arg8[%mul3A_16] : memref<160000xf32, #tpu.memory_space<vmem_shared>> -> memref<10000xf32, #tpu.memory_space<vmem_shared>>
      %dma_wait3A_23 = tpu.memref_slice %arg8[%mul3A_16] : memref<160000xf32, #tpu.memory_space<vmem_shared>> -> memref<10000xf32, #tpu.memory_space<vmem_shared>>
      tpu.wait_dma2 semaphore(%run_scoped3A : memref<!tpu.dma_semaphore, #tpu.memory_space<semaphore_mem>>) src(%dma_wait3A_23 : memref<10000xf32, #tpu.memory_space<vmem_shared>>) dst(%arg7 : memref<10000xf32, #tpu.memory_space<vmem>>)
      tpu.yield
    }) : () -> ()
    %mul3A_17 = arith.constant 160000 : i32
    %mul3A_18 = arith.muli %arg0, %mul3A_17 : i32
    %mul3A_19 = arith.constant 10000 : i32
    %mul3A_20 = arith.muli %arg1, %mul3A_19 : i32
    %add3A_21 = arith.addi %mul3A_18, %mul3A_20 : i32
    "tpu.region"() ({
      %run_scoped3A = tpu.sem_alloc : memref<!tpu.dma_semaphore, #tpu.memory_space<semaphore_mem>>
      %dma_start3A = tpu.memref_slice %arg4[%add3A_21] : memref<320000xf32, #tpu.memory_space<hbm>> -> memref<10000xf32, #tpu.memory_space<hbm>>
      %dma_start3A_22 = tpu.memref_slice %arg4[%add3A_21] : memref<320000xf32, #tpu.memory_space<hbm>> -> memref<10000xf32, #tpu.memory_space<hbm>>
      tpu.enqueue_dma source(%arg7 : memref<10000xf32, #tpu.memory_space<vmem>>) target(%dma_start3A_22 : memref<10000xf32, #tpu.memory_space<hbm>>) target_semaphore(%run_scoped3A : memref<!tpu.dma_semaphore, #tpu.memory_space<semaphore_mem>>)
      %dma_wait3A = tpu.memref_slice %arg4[%add3A_21] : memref<320000xf32, #tpu.memory_space<hbm>> -> memref<10000xf32, #tpu.memory_space<hbm>>
      %dma_wait3A_23 = tpu.memref_slice %arg4[%add3A_21] : memref<320000xf32, #tpu.memory_space<hbm>> -> memref<10000xf32, #tpu.memory_space<hbm>>
      tpu.wait_dma2 semaphore(%run_scoped3A : memref<!tpu.dma_semaphore, #tpu.memory_space<semaphore_mem>>) src(%arg7 : memref<10000xf32, #tpu.memory_space<vmem>>) dst(%dma_wait3A_23 : memref<10000xf32, #tpu.memory_space<hbm>>)
      tpu.yield
    }) : () -> ()
    return
  }
}

#map = affine_map<(d0, d1) -> (0, 0, 0)>
#map1 = affine_map<(d0, d1) -> (0)>
module attributes {stable_mosaic.version = 14 : i64} {
  func.func @k(%arg0: i32, %arg1: i32, %arg2: memref<32x40x128xf32, #tpu.memory_space<hbm>>, %arg3: memref<32x40x128xi32, #tpu.memory_space<hbm>>, %arg4: memref<320000xf32, #tpu.memory_space<hbm>>, %arg5: memref<40x128xf32, #tpu.memory_space<vmem>>, %arg6: memref<40x128xi32, #tpu.memory_space<vmem>>, %arg7: memref<10000xf32, #tpu.memory_space<vmem>>, %arg8: memref<160000xf32, #tpu.memory_space<vmem_shared>>) attributes {dimension_semantics = [#tpu.dimension_semantics<core_parallel>, #tpu.dimension_semantics<subcore_parallel>], iteration_bounds = array<i64: 2, 16>, scalar_prefetch = 0 : i64, scratch_operands = 4 : i64, tpu.core_type = #tpu.core_type<sc_vector_subcore>, window_params = [{transform_indices = #map}, {transform_indices = #map}, {transform_indices = #map1}]} {
    %mul3A = arith.constant 2 : i32
    %mul3A_0 = arith.muli %arg1, %mul3A : i32
    %add3A = arith.addi %mul3A_0, %arg0 : i32
    %scan3A = arith.constant 0 : i32
    %scan3A_1 = arith.constant 0 : i32
    %scan3A_2 = arith.constant 625 : i32
    %scan3A_3 = arith.addi %scan3A_1, %scan3A_2 : i32
    %scan3A_4 = arith.constant 1 : i32
    scf.for %scan3A_22 = %scan3A_1 to %scan3A_3 step %scan3A_4  : i32 {
      %broadcast_in_dim3A = arith.constant 0.000000e+00 : f32
      %broadcast_in_dim3A_23 = vector.broadcast %broadcast_in_dim3A : f32 to vector<16xf32>
      %mul3A_24 = arith.constant 16 : i32
      %mul3A_25 = arith.muli %scan3A_22, %mul3A_24 : i32
      %swap3A = arith.index_cast %mul3A_25 : i32 to index
      %swap3A_26 = tpu.vector_load %arg7[%swap3A] {strides = array<i32>} : memref<10000xf32, #tpu.memory_space<vmem>>, vector<16xf32>,
      %swap3A_27 = vector.shape_cast %swap3A_26 : vector<16xf32> to vector<16xf32>
      %swap3A_28 = vector.shape_cast %broadcast_in_dim3A_23 : vector<16xf32> to vector<16xf32>
      tpu.vector_store %arg7[%swap3A], %swap3A_28 {strides = array<i32>} : memref<10000xf32, #tpu.memory_space<vmem>>, vector<16xf32>,
    }
    %scan3A_5 = arith.constant 625 : i32
    %mul3A_6 = arith.constant 10000 : i32
    %mul3A_7 = arith.muli %arg1, %mul3A_6 : i32
    "tpu.region"() ({
      %run_scoped3A = tpu.sem_alloc : memref<!tpu.dma_semaphore, #tpu.memory_space<semaphore_mem>>
      %dma_start3A = tpu.memref_slice %arg8[%mul3A_7] : memref<160000xf32, #tpu.memory_space<vmem_shared>> -> memref<10000xf32, #tpu.memory_space<vmem_shared>>
      %dma_start3A_22 = tpu.memref_slice %arg8[%mul3A_7] : memref<160000xf32, #tpu.memory_space<vmem_shared>> -> memref<10000xf32, #tpu.memory_space<vmem_shared>>
      tpu.enqueue_dma source(%arg7 : memref<10000xf32, #tpu.memory_space<vmem>>) target(%dma_start3A_22 : memref<10000xf32, #tpu.memory_space<vmem_shared>>) target_semaphore(%run_scoped3A : memref<!tpu.dma_semaphore, #tpu.memory_space<semaphore_mem>>)
      %dma_wait3A = tpu.memref_slice %arg8[%mul3A_7] : memref<160000xf32, #tpu.memory_space<vmem_shared>> -> memref<10000xf32, #tpu.memory_space<vmem_shared>>
      %dma_wait3A_23 = tpu.memref_slice %arg8[%mul3A_7] : memref<160000xf32, #tpu.memory_space<vmem_shared>> -> memref<10000xf32, #tpu.memory_space<vmem_shared>>
      tpu.wait_dma2 semaphore(%run_scoped3A : memref<!tpu.dma_semaphore, #tpu.memory_space<semaphore_mem>>) src(%arg7 : memref<10000xf32, #tpu.memory_space<vmem>>) dst(%dma_wait3A_23 : memref<10000xf32, #tpu.memory_space<vmem_shared>>)
      tpu.yield
    }) : () -> ()
    %barrier3A = arith.constant 0 : index
    tpu.barrier barrier_id(%barrier3A)
    "tpu.region"() ({
      %run_scoped3A = tpu.sem_alloc : memref<!tpu.dma_semaphore, #tpu.memory_space<semaphore_mem>>
      %dma_start3A = arith.constant 0 : i32
      %dma_start3A_22 = arith.constant 0 : i32
      %dma_start3A_23 = tpu.memref_slice %arg2[%add3A, %dma_start3A, %dma_start3A_22] : memref<32x40x128xf32, #tpu.memory_space<hbm>> -> memref<1x40x128xf32, #tpu.memory_space<hbm>>
      %dma_start3A_24 = tpu.memref_squeeze %dma_start3A_23 : memref<1x40x128xf32, #tpu.memory_space<hbm>> -> memref<40x128xf32, #tpu.memory_space<hbm>>
      %dma_start3A_25 = arith.constant 0 : i32
      %dma_start3A_26 = arith.constant 0 : i32
      %dma_start3A_27 = tpu.memref_slice %arg2[%add3A, %dma_start3A_25, %dma_start3A_26] : memref<32x40x128xf32, #tpu.memory_space<hbm>> -> memref<1x40x128xf32, #tpu.memory_space<hbm>>
      %dma_start3A_28 = tpu.memref_squeeze %dma_start3A_27 : memref<1x40x128xf32, #tpu.memory_space<hbm>> -> memref<40x128xf32, #tpu.memory_space<hbm>>
      tpu.enqueue_dma source(%dma_start3A_28 : memref<40x128xf32, #tpu.memory_space<hbm>>) target(%arg5 : memref<40x128xf32, #tpu.memory_space<vmem>>) target_semaphore(%run_scoped3A : memref<!tpu.dma_semaphore, #tpu.memory_space<semaphore_mem>>)
      %dma_wait3A = arith.constant 0 : i32
      %dma_wait3A_29 = arith.constant 0 : i32
      %dma_wait3A_30 = tpu.memref_slice %arg2[%add3A, %dma_wait3A, %dma_wait3A_29] : memref<32x40x128xf32, #tpu.memory_space<hbm>> -> memref<1x40x128xf32, #tpu.memory_space<hbm>>
      %dma_wait3A_31 = tpu.memref_squeeze %dma_wait3A_30 : memref<1x40x128xf32, #tpu.memory_space<hbm>> -> memref<40x128xf32, #tpu.memory_space<hbm>>
      %dma_wait3A_32 = arith.constant 0 : i32
      %dma_wait3A_33 = arith.constant 0 : i32
      %dma_wait3A_34 = tpu.memref_slice %arg2[%add3A, %dma_wait3A_32, %dma_wait3A_33] : memref<32x40x128xf32, #tpu.memory_space<hbm>> -> memref<1x40x128xf32, #tpu.memory_space<hbm>>
      %dma_wait3A_35 = tpu.memref_squeeze %dma_wait3A_34 : memref<1x40x128xf32, #tpu.memory_space<hbm>> -> memref<40x128xf32, #tpu.memory_space<hbm>>
      tpu.wait_dma2 semaphore(%run_scoped3A : memref<!tpu.dma_semaphore, #tpu.memory_space<semaphore_mem>>) src(%dma_wait3A_35 : memref<40x128xf32, #tpu.memory_space<hbm>>) dst(%arg5 : memref<40x128xf32, #tpu.memory_space<vmem>>)
      tpu.yield
    }) : () -> ()
    "tpu.region"() ({
      %run_scoped3A = tpu.sem_alloc : memref<!tpu.dma_semaphore, #tpu.memory_space<semaphore_mem>>
      %dma_start3A = arith.constant 0 : i32
      %dma_start3A_22 = arith.constant 0 : i32
      %dma_start3A_23 = tpu.memref_slice %arg3[%add3A, %dma_start3A, %dma_start3A_22] : memref<32x40x128xi32, #tpu.memory_space<hbm>> -> memref<1x40x128xi32, #tpu.memory_space<hbm>>
      %dma_start3A_24 = tpu.memref_squeeze %dma_start3A_23 : memref<1x40x128xi32, #tpu.memory_space<hbm>> -> memref<40x128xi32, #tpu.memory_space<hbm>>
      %dma_start3A_25 = arith.constant 0 : i32
      %dma_start3A_26 = arith.constant 0 : i32
      %dma_start3A_27 = tpu.memref_slice %arg3[%add3A, %dma_start3A_25, %dma_start3A_26] : memref<32x40x128xi32, #tpu.memory_space<hbm>> -> memref<1x40x128xi32, #tpu.memory_space<hbm>>
      %dma_start3A_28 = tpu.memref_squeeze %dma_start3A_27 : memref<1x40x128xi32, #tpu.memory_space<hbm>> -> memref<40x128xi32, #tpu.memory_space<hbm>>
      tpu.enqueue_dma source(%dma_start3A_28 : memref<40x128xi32, #tpu.memory_space<hbm>>) target(%arg6 : memref<40x128xi32, #tpu.memory_space<vmem>>) target_semaphore(%run_scoped3A : memref<!tpu.dma_semaphore, #tpu.memory_space<semaphore_mem>>)
      %dma_wait3A = arith.constant 0 : i32
      %dma_wait3A_29 = arith.constant 0 : i32
      %dma_wait3A_30 = tpu.memref_slice %arg3[%add3A, %dma_wait3A, %dma_wait3A_29] : memref<32x40x128xi32, #tpu.memory_space<hbm>> -> memref<1x40x128xi32, #tpu.memory_space<hbm>>
      %dma_wait3A_31 = tpu.memref_squeeze %dma_wait3A_30 : memref<1x40x128xi32, #tpu.memory_space<hbm>> -> memref<40x128xi32, #tpu.memory_space<hbm>>
      %dma_wait3A_32 = arith.constant 0 : i32
      %dma_wait3A_33 = arith.constant 0 : i32
      %dma_wait3A_34 = tpu.memref_slice %arg3[%add3A, %dma_wait3A_32, %dma_wait3A_33] : memref<32x40x128xi32, #tpu.memory_space<hbm>> -> memref<1x40x128xi32, #tpu.memory_space<hbm>>
      %dma_wait3A_35 = tpu.memref_squeeze %dma_wait3A_34 : memref<1x40x128xi32, #tpu.memory_space<hbm>> -> memref<40x128xi32, #tpu.memory_space<hbm>>
      tpu.wait_dma2 semaphore(%run_scoped3A : memref<!tpu.dma_semaphore, #tpu.memory_space<semaphore_mem>>) src(%dma_wait3A_35 : memref<40x128xi32, #tpu.memory_space<hbm>>) dst(%arg6 : memref<40x128xi32, #tpu.memory_space<vmem>>)
      tpu.yield
    }) : () -> ()
    %scan3A_8 = arith.constant 0 : i32
    %scan3A_9 = arith.constant 0 : i32
    %scan3A_10 = arith.constant 40 : i32
    %scan3A_11 = arith.addi %scan3A_9, %scan3A_10 : i32
    %scan3A_12 = arith.constant 1 : i32
    scf.for %scan3A_22 = %scan3A_9 to %scan3A_11 step %scan3A_12  : i32 {
      "tpu.region"() ({
        %run_scoped3A = tpu.sem_alloc : memref<!tpu.dma_semaphore, #tpu.memory_space<semaphore_mem>>
        %dma_start3A = arith.constant 0 : i32
        %dma_start3A_23 = tpu.memref_slice %arg5[%scan3A_22, %dma_start3A] : memref<40x128xf32, #tpu.memory_space<vmem>> -> memref<1x128xf32, #tpu.memory_space<vmem>>
        %dma_start3A_24 = tpu.memref_squeeze %dma_start3A_23 : memref<1x128xf32, #tpu.memory_space<vmem>> -> memref<128xf32, #tpu.memory_space<vmem>>
        %dma_start3A_25 = arith.constant 0 : i32
        %dma_start3A_26 = tpu.memref_slice %arg6[%scan3A_22, %dma_start3A_25] : memref<40x128xi32, #tpu.memory_space<vmem>> -> memref<1x128xi32, #tpu.memory_space<vmem>>
        %dma_start3A_27 = tpu.memref_squeeze %dma_start3A_26 : memref<1x128xi32, #tpu.memory_space<vmem>> -> memref<128xi32, #tpu.memory_space<vmem>>
        %dma_start3A_28 = arith.constant 0 : i32
        %dma_start3A_29 = tpu.memref_slice %arg8[%dma_start3A_28] : memref<160000xf32, #tpu.memory_space<vmem_shared>> -> memref<160000xf32, #tpu.memory_space<vmem_shared>>
        tpu.enqueue_indirect_dma source(%dma_start3A_24 : memref<128xf32, #tpu.memory_space<vmem>>) target(%dma_start3A_29 : memref<160000xf32, #tpu.memory_space<vmem_shared>>) offsets(%dma_start3A_27 : memref<128xi32, #tpu.memory_space<vmem>>) semaphore(%run_scoped3A : memref<!tpu.dma_semaphore, #tpu.memory_space<semaphore_mem>>) {add = true}
        %dma_wait3A = arith.constant 0 : i32
        %dma_wait3A_30 = tpu.memref_slice %arg5[%scan3A_22, %dma_wait3A] : memref<40x128xf32, #tpu.memory_space<vmem>> -> memref<1x128xf32, #tpu.memory_space<vmem>>
        %dma_wait3A_31 = tpu.memref_squeeze %dma_wait3A_30 : memref<1x128xf32, #tpu.memory_space<vmem>> -> memref<128xf32, #tpu.memory_space<vmem>>
        %dma_wait3A_32 = arith.constant 0 : i32
        %dma_wait3A_33 = tpu.memref_slice %arg6[%scan3A_22, %dma_wait3A_32] : memref<40x128xi32, #tpu.memory_space<vmem>> -> memref<1x128xi32, #tpu.memory_space<vmem>>
        %dma_wait3A_34 = tpu.memref_squeeze %dma_wait3A_33 : memref<1x128xi32, #tpu.memory_space<vmem>> -> memref<128xi32, #tpu.memory_space<vmem>>
        %dma_wait3A_35 = arith.constant 0 : i32
        %dma_wait3A_36 = tpu.memref_slice %arg8[%dma_wait3A_35] : memref<160000xf32, #tpu.memory_space<vmem_shared>> -> memref<160000xf32, #tpu.memory_space<vmem_shared>>
        tpu.wait_indirect_dma semaphore(%run_scoped3A : memref<!tpu.dma_semaphore, #tpu.memory_space<semaphore_mem>>) src(%dma_wait3A_31 : memref<128xf32, #tpu.memory_space<vmem>>) dst(%dma_wait3A_36 : memref<160000xf32, #tpu.memory_space<vmem_shared>>)
        tpu.yield
      }) : () -> ()
    }
    %scan3A_13 = arith.constant 40 : i32
    %barrier3A_14 = arith.constant 0 : index
    tpu.barrier barrier_id(%barrier3A_14)
    %mul3A_15 = arith.constant 10000 : i32
    %mul3A_16 = arith.muli %arg1, %mul3A_15 : i32
    "tpu.region"() ({
      %run_scoped3A = tpu.sem_alloc : memref<!tpu.dma_semaphore, #tpu.memory_space<semaphore_mem>>
      %dma_start3A = tpu.memref_slice %arg8[%mul3A_16] : memref<160000xf32, #tpu.memory_space<vmem_shared>> -> memref<10000xf32, #tpu.memory_space<vmem_shared>>
      %dma_start3A_22 = tpu.memref_slice %arg8[%mul3A_16] : memref<160000xf32, #tpu.memory_space<vmem_shared>> -> memref<10000xf32, #tpu.memory_space<vmem_shared>>
      tpu.enqueue_dma source(%dma_start3A_22 : memref<10000xf32, #tpu.memory_space<vmem_shared>>) target(%arg7 : memref<10000xf32, #tpu.memory_space<vmem>>) target_semaphore(%run_scoped3A : memref<!tpu.dma_semaphore, #tpu.memory_space<semaphore_mem>>)
      %dma_wait3A = tpu.memref_slice %arg8[%mul3A_16] : memref<160000xf32, #tpu.memory_space<vmem_shared>> -> memref<10000xf32, #tpu.memory_space<vmem_shared>>
      %dma_wait3A_23 = tpu.memref_slice %arg8[%mul3A_16] : memref<160000xf32, #tpu.memory_space<vmem_shared>> -> memref<10000xf32, #tpu.memory_space<vmem_shared>>
      tpu.wait_dma2 semaphore(%run_scoped3A : memref<!tpu.dma_semaphore, #tpu.memory_space<semaphore_mem>>) src(%dma_wait3A_23 : memref<10000xf32, #tpu.memory_space<vmem_shared>>) dst(%arg7 : memref<10000xf32, #tpu.memory_space<vmem>>)
      tpu.yield
    }) : () -> ()
    %mul3A_17 = arith.constant 160000 : i32
    %mul3A_18 = arith.muli %arg0, %mul3A_17 : i32
    %mul3A_19 = arith.constant 10000 : i32
    %mul3A_20 = arith.muli %arg1, %mul3A_19 : i32
    %add3A_21 = arith.addi %mul3A_18, %mul3A_20 : i32
    "tpu.region"() ({
      %run_scoped3A = tpu.sem_alloc : memref<!tpu.dma_semaphore, #tpu.memory_space<semaphore_mem>>
      %dma_start3A = tpu.memref_slice %arg4[%add3A_21] : memref<320000xf32, #tpu.memory_space<hbm>> -> memref<10000xf32, #tpu.memory_space<hbm>>
      %dma_start3A_22 = tpu.memref_slice %arg4[%add3A_21] : memref<320000xf32, #tpu.memory_space<hbm>> -> memref<10000xf32, #tpu.memory_space<hbm>>
      tpu.enqueue_dma source(%arg7 : memref<10000xf32, #tpu.memory_space<vmem>>) target(%dma_start3A_22 : memref<10000xf32, #tpu.memory_space<hbm>>) target_semaphore(%run_scoped3A : memref<!tpu.dma_semaphore, #tpu.memory_space<semaphore_mem>>)
      %dma_wait3A = tpu.memref_slice %arg4[%add3A_21] : memref<320000xf32, #tpu.memory_space<hbm>> -> memref<10000xf32, #tpu.memory_space<hbm>>
      %dma_wait3A_23 = tpu.memref_slice %arg4[%add3A_21] : memref<320000xf32, #tpu.memory_space<hbm>> -> memref<10000xf32, #tpu.memory_space<hbm>>
      tpu.wait_dma2 semaphore(%run_scoped3A : memref<!tpu.dma_semaphore, #tpu.memory_space<semaphore_mem>>) src(%arg7 : memref<10000xf32, #tpu.memory_space<vmem>>) dst(%dma_wait3A_23 : memref<10000xf32, #tpu.memory_space<hbm>>)
      tpu.yield
    }) : () -> ()
    return
  }
}

#map = affine_map<(d0, d1) -> (0, 0, 0)>
#map1 = affine_map<(d0, d1) -> (0)>
#map2 = affine_map<(d0, d1) -> (0, 0)>
module attributes {stable_mosaic.version = 14 : i64} {
  func.func @k(%arg0: i32, %arg1: i32, %arg2: memref<32x40x128xf32, #tpu.memory_space<hbm>>, %arg3: memref<32x40x128xi32, #tpu.memory_space<hbm>>, %arg4: memref<32x40x128xi32, #tpu.memory_space<hbm>>, %arg5: memref<10000xf32, #tpu.memory_space<hbm>>, %arg6: memref<10000x128xf32, #tpu.memory_space<hbm>>, %arg7: memref<2x10240x128xf32, #tpu.memory_space<hbm>>, %arg8: memref<128xf32, #tpu.memory_space<vmem>>, %arg9: memref<128xi32, #tpu.memory_space<vmem>>, %arg10: memref<128xi32, #tpu.memory_space<vmem>>, %arg11: memref<10000xf32, #tpu.memory_space<vmem>>, %arg12: memref<128x128xf32, #tpu.memory_space<vmem>>, %arg13: memref<128xf32, #tpu.memory_space<vmem>>, %arg14: memref<10240x128xf32, #tpu.memory_space<vmem_shared>>, %arg15: memref<!tpu.dma_semaphore, #tpu.memory_space<semaphore_mem>>) attributes {dimension_semantics = [#tpu.dimension_semantics<core_parallel>, #tpu.dimension_semantics<subcore_parallel>], iteration_bounds = array<i64: 2, 16>, scalar_prefetch = 0 : i64, scratch_operands = 8 : i64, tpu.core_type = #tpu.core_type<sc_vector_subcore>, window_params = [{transform_indices = #map}, {transform_indices = #map}, {transform_indices = #map}, {transform_indices = #map1}, {transform_indices = #map2}, {transform_indices = #map}]} {
    %mul3A = arith.constant 2 : i32
    %mul3A_0 = arith.muli %arg1, %mul3A : i32
    %add3A = arith.addi %mul3A_0, %arg0 : i32
    %scan3A = arith.constant 0 : i32
    %scan3A_1 = arith.constant 0 : i32
    %scan3A_2 = arith.constant 128 : i32
    %scan3A_3 = arith.addi %scan3A_1, %scan3A_2 : i32
    %scan3A_4 = arith.constant 1 : i32
    scf.for %scan3A_53 = %scan3A_1 to %scan3A_3 step %scan3A_4  : i32 {
      %broadcast_in_dim3A = arith.constant 0.000000e+00 : f32
      %broadcast_in_dim3A_54 = vector.broadcast %broadcast_in_dim3A : f32 to vector<16xf32>
      %swap3A = arith.index_cast %scan3A_53 : i32 to index
      %swap3A_55 = arith.constant 0 : index
      %swap3A_56 = tpu.vector_load %arg12[%swap3A, %swap3A_55] {strides = array<i32>} : memref<128x128xf32, #tpu.memory_space<vmem>>, vector<16xf32>,
      tpu.vector_store %arg12[%swap3A, %swap3A_55], %broadcast_in_dim3A_54 {strides = array<i32>} : memref<128x128xf32, #tpu.memory_space<vmem>>, vector<16xf32>,
      %broadcast_in_dim3A_57 = arith.constant 0.000000e+00 : f32
      %broadcast_in_dim3A_58 = vector.broadcast %broadcast_in_dim3A_57 : f32 to vector<16xf32>
      %swap3A_59 = arith.index_cast %scan3A_53 : i32 to index
      %swap3A_60 = arith.constant 16 : index
      %swap3A_61 = tpu.vector_load %arg12[%swap3A_59, %swap3A_60] {strides = array<i32>} : memref<128x128xf32, #tpu.memory_space<vmem>>, vector<16xf32>,
      tpu.vector_store %arg12[%swap3A_59, %swap3A_60], %broadcast_in_dim3A_58 {strides = array<i32>} : memref<128x128xf32, #tpu.memory_space<vmem>>, vector<16xf32>,
      %broadcast_in_dim3A_62 = arith.constant 0.000000e+00 : f32
      %broadcast_in_dim3A_63 = vector.broadcast %broadcast_in_dim3A_62 : f32 to vector<16xf32>
      %swap3A_64 = arith.index_cast %scan3A_53 : i32 to index
      %swap3A_65 = arith.constant 32 : index
      %swap3A_66 = tpu.vector_load %arg12[%swap3A_64, %swap3A_65] {strides = array<i32>} : memref<128x128xf32, #tpu.memory_space<vmem>>, vector<16xf32>,
      tpu.vector_store %arg12[%swap3A_64, %swap3A_65], %broadcast_in_dim3A_63 {strides = array<i32>} : memref<128x128xf32, #tpu.memory_space<vmem>>, vector<16xf32>,
      %broadcast_in_dim3A_67 = arith.constant 0.000000e+00 : f32
      %broadcast_in_dim3A_68 = vector.broadcast %broadcast_in_dim3A_67 : f32 to vector<16xf32>
      %swap3A_69 = arith.index_cast %scan3A_53 : i32 to index
      %swap3A_70 = arith.constant 48 : index
      %swap3A_71 = tpu.vector_load %arg12[%swap3A_69, %swap3A_70] {strides = array<i32>} : memref<128x128xf32, #tpu.memory_space<vmem>>, vector<16xf32>,
      tpu.vector_store %arg12[%swap3A_69, %swap3A_70], %broadcast_in_dim3A_68 {strides = array<i32>} : memref<128x128xf32, #tpu.memory_space<vmem>>, vector<16xf32>,
      %broadcast_in_dim3A_72 = arith.constant 0.000000e+00 : f32
      %broadcast_in_dim3A_73 = vector.broadcast %broadcast_in_dim3A_72 : f32 to vector<16xf32>
      %swap3A_74 = arith.index_cast %scan3A_53 : i32 to index
      %swap3A_75 = arith.constant 64 : index
      %swap3A_76 = tpu.vector_load %arg12[%swap3A_74, %swap3A_75] {strides = array<i32>} : memref<128x128xf32, #tpu.memory_space<vmem>>, vector<16xf32>,
      tpu.vector_store %arg12[%swap3A_74, %swap3A_75], %broadcast_in_dim3A_73 {strides = array<i32>} : memref<128x128xf32, #tpu.memory_space<vmem>>, vector<16xf32>,
      %broadcast_in_dim3A_77 = arith.constant 0.000000e+00 : f32
      %broadcast_in_dim3A_78 = vector.broadcast %broadcast_in_dim3A_77 : f32 to vector<16xf32>
      %swap3A_79 = arith.index_cast %scan3A_53 : i32 to index
      %swap3A_80 = arith.constant 80 : index
      %swap3A_81 = tpu.vector_load %arg12[%swap3A_79, %swap3A_80] {strides = array<i32>} : memref<128x128xf32, #tpu.memory_space<vmem>>, vector<16xf32>,
      tpu.vector_store %arg12[%swap3A_79, %swap3A_80], %broadcast_in_dim3A_78 {strides = array<i32>} : memref<128x128xf32, #tpu.memory_space<vmem>>, vector<16xf32>,
      %broadcast_in_dim3A_82 = arith.constant 0.000000e+00 : f32
      %broadcast_in_dim3A_83 = vector.broadcast %broadcast_in_dim3A_82 : f32 to vector<16xf32>
      %swap3A_84 = arith.index_cast %scan3A_53 : i32 to index
      %swap3A_85 = arith.constant 96 : index
      %swap3A_86 = tpu.vector_load %arg12[%swap3A_84, %swap3A_85] {strides = array<i32>} : memref<128x128xf32, #tpu.memory_space<vmem>>, vector<16xf32>,
      tpu.vector_store %arg12[%swap3A_84, %swap3A_85], %broadcast_in_dim3A_83 {strides = array<i32>} : memref<128x128xf32, #tpu.memory_space<vmem>>, vector<16xf32>,
      %broadcast_in_dim3A_87 = arith.constant 0.000000e+00 : f32
      %broadcast_in_dim3A_88 = vector.broadcast %broadcast_in_dim3A_87 : f32 to vector<16xf32>
      %swap3A_89 = arith.index_cast %scan3A_53 : i32 to index
      %swap3A_90 = arith.constant 112 : index
      %swap3A_91 = tpu.vector_load %arg12[%swap3A_89, %swap3A_90] {strides = array<i32>} : memref<128x128xf32, #tpu.memory_space<vmem>>, vector<16xf32>,
      tpu.vector_store %arg12[%swap3A_89, %swap3A_90], %broadcast_in_dim3A_88 {strides = array<i32>} : memref<128x128xf32, #tpu.memory_space<vmem>>, vector<16xf32>,
    }
    %scan3A_5 = arith.constant 128 : i32
    %mul3A_6 = arith.constant 640 : i32
    %mul3A_7 = arith.muli %arg1, %mul3A_6 : i32
    %add3A_8 = arith.constant 0 : i32
    %add3A_9 = arith.addi %mul3A_7, %add3A_8 : i32
    "tpu.region"() ({
      %run_scoped3A = tpu.sem_alloc : memref<!tpu.dma_semaphore, #tpu.memory_space<semaphore_mem>>
      %dma_start3A = arith.constant 0 : i32
      %dma_start3A_53 = tpu.memref_slice %arg14[%add3A_9, %dma_start3A] : memref<10240x128xf32, #tpu.memory_space<vmem_shared>> -> memref<128x128xf32, #tpu.memory_space<vmem_shared>>
      %dma_start3A_54 = arith.constant 0 : i32
      %dma_start3A_55 = tpu.memref_slice %arg14[%add3A_9, %dma_start3A_54] : memref<10240x128xf32, #tpu.memory_space<vmem_shared>> -> memref<128x128xf32, #tpu.memory_space<vmem_shared>>
      tpu.enqueue_dma source(%arg12 : memref<128x128xf32, #tpu.memory_space<vmem>>) target(%dma_start3A_55 : memref<128x128xf32, #tpu.memory_space<vmem_shared>>) target_semaphore(%run_scoped3A : memref<!tpu.dma_semaphore, #tpu.memory_space<semaphore_mem>>)
      %dma_wait3A = arith.constant 0 : i32
      %dma_wait3A_56 = tpu.memref_slice %arg14[%add3A_9, %dma_wait3A] : memref<10240x128xf32, #tpu.memory_space<vmem_shared>> -> memref<128x128xf32, #tpu.memory_space<vmem_shared>>
      %dma_wait3A_57 = arith.constant 0 : i32
      %dma_wait3A_58 = tpu.memref_slice %arg14[%add3A_9, %dma_wait3A_57] : memref<10240x128xf32, #tpu.memory_space<vmem_shared>> -> memref<128x128xf32, #tpu.memory_space<vmem_shared>>
      tpu.wait_dma2 semaphore(%run_scoped3A : memref<!tpu.dma_semaphore, #tpu.memory_space<semaphore_mem>>) src(%arg12 : memref<128x128xf32, #tpu.memory_space<vmem>>) dst(%dma_wait3A_58 : memref<128x128xf32, #tpu.memory_space<vmem_shared>>)
      tpu.yield
    }) : () -> ()
    %mul3A_10 = arith.constant 640 : i32
    %mul3A_11 = arith.muli %arg1, %mul3A_10 : i32
    %add3A_12 = arith.constant 128 : i32
    %add3A_13 = arith.addi %mul3A_11, %add3A_12 : i32
    "tpu.region"() ({
      %run_scoped3A = tpu.sem_alloc : memref<!tpu.dma_semaphore, #tpu.memory_space<semaphore_mem>>
      %dma_start3A = arith.constant 0 : i32
      %dma_start3A_53 = tpu.memref_slice %arg14[%add3A_13, %dma_start3A] : memref<10240x128xf32, #tpu.memory_space<vmem_shared>> -> memref<128x128xf32, #tpu.memory_space<vmem_shared>>
      %dma_start3A_54 = arith.constant 0 : i32
      %dma_start3A_55 = tpu.memref_slice %arg14[%add3A_13, %dma_start3A_54] : memref<10240x128xf32, #tpu.memory_space<vmem_shared>> -> memref<128x128xf32, #tpu.memory_space<vmem_shared>>
      tpu.enqueue_dma source(%arg12 : memref<128x128xf32, #tpu.memory_space<vmem>>) target(%dma_start3A_55 : memref<128x128xf32, #tpu.memory_space<vmem_shared>>) target_semaphore(%run_scoped3A : memref<!tpu.dma_semaphore, #tpu.memory_space<semaphore_mem>>)
      %dma_wait3A = arith.constant 0 : i32
      %dma_wait3A_56 = tpu.memref_slice %arg14[%add3A_13, %dma_wait3A] : memref<10240x128xf32, #tpu.memory_space<vmem_shared>> -> memref<128x128xf32, #tpu.memory_space<vmem_shared>>
      %dma_wait3A_57 = arith.constant 0 : i32
      %dma_wait3A_58 = tpu.memref_slice %arg14[%add3A_13, %dma_wait3A_57] : memref<10240x128xf32, #tpu.memory_space<vmem_shared>> -> memref<128x128xf32, #tpu.memory_space<vmem_shared>>
      tpu.wait_dma2 semaphore(%run_scoped3A : memref<!tpu.dma_semaphore, #tpu.memory_space<semaphore_mem>>) src(%arg12 : memref<128x128xf32, #tpu.memory_space<vmem>>) dst(%dma_wait3A_58 : memref<128x128xf32, #tpu.memory_space<vmem_shared>>)
      tpu.yield
    }) : () -> ()
    %mul3A_14 = arith.constant 640 : i32
    %mul3A_15 = arith.muli %arg1, %mul3A_14 : i32
    %add3A_16 = arith.constant 256 : i32
    %add3A_17 = arith.addi %mul3A_15, %add3A_16 : i32
    "tpu.region"() ({
      %run_scoped3A = tpu.sem_alloc : memref<!tpu.dma_semaphore, #tpu.memory_space<semaphore_mem>>
      %dma_start3A = arith.constant 0 : i32
      %dma_start3A_53 = tpu.memref_slice %arg14[%add3A_17, %dma_start3A] : memref<10240x128xf32, #tpu.memory_space<vmem_shared>> -> memref<128x128xf32, #tpu.memory_space<vmem_shared>>
      %dma_start3A_54 = arith.constant 0 : i32
      %dma_start3A_55 = tpu.memref_slice %arg14[%add3A_17, %dma_start3A_54] : memref<10240x128xf32, #tpu.memory_space<vmem_shared>> -> memref<128x128xf32, #tpu.memory_space<vmem_shared>>
      tpu.enqueue_dma source(%arg12 : memref<128x128xf32, #tpu.memory_space<vmem>>) target(%dma_start3A_55 : memref<128x128xf32, #tpu.memory_space<vmem_shared>>) target_semaphore(%run_scoped3A : memref<!tpu.dma_semaphore, #tpu.memory_space<semaphore_mem>>)
      %dma_wait3A = arith.constant 0 : i32
      %dma_wait3A_56 = tpu.memref_slice %arg14[%add3A_17, %dma_wait3A] : memref<10240x128xf32, #tpu.memory_space<vmem_shared>> -> memref<128x128xf32, #tpu.memory_space<vmem_shared>>
      %dma_wait3A_57 = arith.constant 0 : i32
      %dma_wait3A_58 = tpu.memref_slice %arg14[%add3A_17, %dma_wait3A_57] : memref<10240x128xf32, #tpu.memory_space<vmem_shared>> -> memref<128x128xf32, #tpu.memory_space<vmem_shared>>
      tpu.wait_dma2 semaphore(%run_scoped3A : memref<!tpu.dma_semaphore, #tpu.memory_space<semaphore_mem>>) src(%arg12 : memref<128x128xf32, #tpu.memory_space<vmem>>) dst(%dma_wait3A_58 : memref<128x128xf32, #tpu.memory_space<vmem_shared>>)
      tpu.yield
    }) : () -> ()
    %mul3A_18 = arith.constant 640 : i32
    %mul3A_19 = arith.muli %arg1, %mul3A_18 : i32
    %add3A_20 = arith.constant 384 : i32
    %add3A_21 = arith.addi %mul3A_19, %add3A_20 : i32
    "tpu.region"() ({
      %run_scoped3A = tpu.sem_alloc : memref<!tpu.dma_semaphore, #tpu.memory_space<semaphore_mem>>
      %dma_start3A = arith.constant 0 : i32
      %dma_start3A_53 = tpu.memref_slice %arg14[%add3A_21, %dma_start3A] : memref<10240x128xf32, #tpu.memory_space<vmem_shared>> -> memref<128x128xf32, #tpu.memory_space<vmem_shared>>
      %dma_start3A_54 = arith.constant 0 : i32
      %dma_start3A_55 = tpu.memref_slice %arg14[%add3A_21, %dma_start3A_54] : memref<10240x128xf32, #tpu.memory_space<vmem_shared>> -> memref<128x128xf32, #tpu.memory_space<vmem_shared>>
      tpu.enqueue_dma source(%arg12 : memref<128x128xf32, #tpu.memory_space<vmem>>) target(%dma_start3A_55 : memref<128x128xf32, #tpu.memory_space<vmem_shared>>) target_semaphore(%run_scoped3A : memref<!tpu.dma_semaphore, #tpu.memory_space<semaphore_mem>>)
      %dma_wait3A = arith.constant 0 : i32
      %dma_wait3A_56 = tpu.memref_slice %arg14[%add3A_21, %dma_wait3A] : memref<10240x128xf32, #tpu.memory_space<vmem_shared>> -> memref<128x128xf32, #tpu.memory_space<vmem_shared>>
      %dma_wait3A_57 = arith.constant 0 : i32
      %dma_wait3A_58 = tpu.memref_slice %arg14[%add3A_21, %dma_wait3A_57] : memref<10240x128xf32, #tpu.memory_space<vmem_shared>> -> memref<128x128xf32, #tpu.memory_space<vmem_shared>>
      tpu.wait_dma2 semaphore(%run_scoped3A : memref<!tpu.dma_semaphore, #tpu.memory_space<semaphore_mem>>) src(%arg12 : memref<128x128xf32, #tpu.memory_space<vmem>>) dst(%dma_wait3A_58 : memref<128x128xf32, #tpu.memory_space<vmem_shared>>)
      tpu.yield
    }) : () -> ()
    %mul3A_22 = arith.constant 640 : i32
    %mul3A_23 = arith.muli %arg1, %mul3A_22 : i32
    %add3A_24 = arith.constant 512 : i32
    %add3A_25 = arith.addi %mul3A_23, %add3A_24 : i32
    "tpu.region"() ({
      %run_scoped3A = tpu.sem_alloc : memref<!tpu.dma_semaphore, #tpu.memory_space<semaphore_mem>>
      %dma_start3A = arith.constant 0 : i32
      %dma_start3A_53 = tpu.memref_slice %arg14[%add3A_25, %dma_start3A] : memref<10240x128xf32, #tpu.memory_space<vmem_shared>> -> memref<128x128xf32, #tpu.memory_space<vmem_shared>>
      %dma_start3A_54 = arith.constant 0 : i32
      %dma_start3A_55 = tpu.memref_slice %arg14[%add3A_25, %dma_start3A_54] : memref<10240x128xf32, #tpu.memory_space<vmem_shared>> -> memref<128x128xf32, #tpu.memory_space<vmem_shared>>
      tpu.enqueue_dma source(%arg12 : memref<128x128xf32, #tpu.memory_space<vmem>>) target(%dma_start3A_55 : memref<128x128xf32, #tpu.memory_space<vmem_shared>>) target_semaphore(%run_scoped3A : memref<!tpu.dma_semaphore, #tpu.memory_space<semaphore_mem>>)
      %dma_wait3A = arith.constant 0 : i32
      %dma_wait3A_56 = tpu.memref_slice %arg14[%add3A_25, %dma_wait3A] : memref<10240x128xf32, #tpu.memory_space<vmem_shared>> -> memref<128x128xf32, #tpu.memory_space<vmem_shared>>
      %dma_wait3A_57 = arith.constant 0 : i32
      %dma_wait3A_58 = tpu.memref_slice %arg14[%add3A_25, %dma_wait3A_57] : memref<10240x128xf32, #tpu.memory_space<vmem_shared>> -> memref<128x128xf32, #tpu.memory_space<vmem_shared>>
      tpu.wait_dma2 semaphore(%run_scoped3A : memref<!tpu.dma_semaphore, #tpu.memory_space<semaphore_mem>>) src(%arg12 : memref<128x128xf32, #tpu.memory_space<vmem>>) dst(%dma_wait3A_58 : memref<128x128xf32, #tpu.memory_space<vmem_shared>>)
      tpu.yield
    }) : () -> ()
    %barrier3A = arith.constant 0 : index
    tpu.barrier barrier_id(%barrier3A)
    "tpu.region"() ({
      %run_scoped3A = tpu.sem_alloc : memref<!tpu.dma_semaphore, #tpu.memory_space<semaphore_mem>>
      tpu.enqueue_dma source(%arg5 : memref<10000xf32, #tpu.memory_space<hbm>>) target(%arg11 : memref<10000xf32, #tpu.memory_space<vmem>>) target_semaphore(%run_scoped3A : memref<!tpu.dma_semaphore, #tpu.memory_space<semaphore_mem>>)
      tpu.wait_dma2 semaphore(%run_scoped3A : memref<!tpu.dma_semaphore, #tpu.memory_space<semaphore_mem>>) src(%arg5 : memref<10000xf32, #tpu.memory_space<hbm>>) dst(%arg11 : memref<10000xf32, #tpu.memory_space<vmem>>)
      tpu.yield
    }) : () -> ()
    %scan3A_26 = arith.constant 0 : i32
    %scan3A_27 = arith.constant 0 : i32
    %scan3A_28 = arith.constant 40 : i32
    %scan3A_29 = arith.addi %scan3A_27, %scan3A_28 : i32
    %scan3A_30 = arith.constant 1 : i32
    scf.for %scan3A_53 = %scan3A_27 to %scan3A_29 step %scan3A_30  : i32 {
      "tpu.region"() ({
        %run_scoped3A = tpu.sem_alloc : memref<!tpu.dma_semaphore, #tpu.memory_space<semaphore_mem>>
        %dma_start3A_131 = arith.constant 0 : i32
        %dma_start3A_132 = tpu.memref_slice %arg2[%add3A, %scan3A_53, %dma_start3A_131] : memref<32x40x128xf32, #tpu.memory_space<hbm>> -> memref<1x1x128xf32, #tpu.memory_space<hbm>>
        %dma_start3A_133 = tpu.memref_squeeze %dma_start3A_132 : memref<1x1x128xf32, #tpu.memory_space<hbm>> -> memref<128xf32, #tpu.memory_space<hbm>>
        %dma_start3A_134 = arith.constant 0 : i32
        %dma_start3A_135 = tpu.memref_slice %arg2[%add3A, %scan3A_53, %dma_start3A_134] : memref<32x40x128xf32, #tpu.memory_space<hbm>> -> memref<1x1x128xf32, #tpu.memory_space<hbm>>
        %dma_start3A_136 = tpu.memref_squeeze %dma_start3A_135 : memref<1x1x128xf32, #tpu.memory_space<hbm>> -> memref<128xf32, #tpu.memory_space<hbm>>
        tpu.enqueue_dma source(%dma_start3A_136 : memref<128xf32, #tpu.memory_space<hbm>>) target(%arg8 : memref<128xf32, #tpu.memory_space<vmem>>) target_semaphore(%run_scoped3A : memref<!tpu.dma_semaphore, #tpu.memory_space<semaphore_mem>>)
        %dma_wait3A_137 = arith.constant 0 : i32
        %dma_wait3A_138 = tpu.memref_slice %arg2[%add3A, %scan3A_53, %dma_wait3A_137] : memref<32x40x128xf32, #tpu.memory_space<hbm>> -> memref<1x1x128xf32, #tpu.memory_space<hbm>>
        %dma_wait3A_139 = tpu.memref_squeeze %dma_wait3A_138 : memref<1x1x128xf32, #tpu.memory_space<hbm>> -> memref<128xf32, #tpu.memory_space<hbm>>
        %dma_wait3A_140 = arith.constant 0 : i32
        %dma_wait3A_141 = tpu.memref_slice %arg2[%add3A, %scan3A_53, %dma_wait3A_140] : memref<32x40x128xf32, #tpu.memory_space<hbm>> -> memref<1x1x128xf32, #tpu.memory_space<hbm>>
        %dma_wait3A_142 = tpu.memref_squeeze %dma_wait3A_141 : memref<1x1x128xf32, #tpu.memory_space<hbm>> -> memref<128xf32, #tpu.memory_space<hbm>>
        tpu.wait_dma2 semaphore(%run_scoped3A : memref<!tpu.dma_semaphore, #tpu.memory_space<semaphore_mem>>) src(%dma_wait3A_142 : memref<128xf32, #tpu.memory_space<hbm>>) dst(%arg8 : memref<128xf32, #tpu.memory_space<vmem>>)
        tpu.yield
      }) : () -> ()
      "tpu.region"() ({
        %run_scoped3A = tpu.sem_alloc : memref<!tpu.dma_semaphore, #tpu.memory_space<semaphore_mem>>
        %dma_start3A_131 = arith.constant 0 : i32
        %dma_start3A_132 = tpu.memref_slice %arg3[%add3A, %scan3A_53, %dma_start3A_131] : memref<32x40x128xi32, #tpu.memory_space<hbm>> -> memref<1x1x128xi32, #tpu.memory_space<hbm>>
        %dma_start3A_133 = tpu.memref_squeeze %dma_start3A_132 : memref<1x1x128xi32, #tpu.memory_space<hbm>> -> memref<128xi32, #tpu.memory_space<hbm>>
        %dma_start3A_134 = arith.constant 0 : i32
        %dma_start3A_135 = tpu.memref_slice %arg3[%add3A, %scan3A_53, %dma_start3A_134] : memref<32x40x128xi32, #tpu.memory_space<hbm>> -> memref<1x1x128xi32, #tpu.memory_space<hbm>>
        %dma_start3A_136 = tpu.memref_squeeze %dma_start3A_135 : memref<1x1x128xi32, #tpu.memory_space<hbm>> -> memref<128xi32, #tpu.memory_space<hbm>>
        tpu.enqueue_dma source(%dma_start3A_136 : memref<128xi32, #tpu.memory_space<hbm>>) target(%arg9 : memref<128xi32, #tpu.memory_space<vmem>>) target_semaphore(%run_scoped3A : memref<!tpu.dma_semaphore, #tpu.memory_space<semaphore_mem>>)
        %dma_wait3A_137 = arith.constant 0 : i32
        %dma_wait3A_138 = tpu.memref_slice %arg3[%add3A, %scan3A_53, %dma_wait3A_137] : memref<32x40x128xi32, #tpu.memory_space<hbm>> -> memref<1x1x128xi32, #tpu.memory_space<hbm>>
        %dma_wait3A_139 = tpu.memref_squeeze %dma_wait3A_138 : memref<1x1x128xi32, #tpu.memory_space<hbm>> -> memref<128xi32, #tpu.memory_space<hbm>>
        %dma_wait3A_140 = arith.constant 0 : i32
        %dma_wait3A_141 = tpu.memref_slice %arg3[%add3A, %scan3A_53, %dma_wait3A_140] : memref<32x40x128xi32, #tpu.memory_space<hbm>> -> memref<1x1x128xi32, #tpu.memory_space<hbm>>
        %dma_wait3A_142 = tpu.memref_squeeze %dma_wait3A_141 : memref<1x1x128xi32, #tpu.memory_space<hbm>> -> memref<128xi32, #tpu.memory_space<hbm>>
        tpu.wait_dma2 semaphore(%run_scoped3A : memref<!tpu.dma_semaphore, #tpu.memory_space<semaphore_mem>>) src(%dma_wait3A_142 : memref<128xi32, #tpu.memory_space<hbm>>) dst(%arg9 : memref<128xi32, #tpu.memory_space<vmem>>)
        tpu.yield
      }) : () -> ()
      "tpu.region"() ({
        %run_scoped3A = tpu.sem_alloc : memref<!tpu.dma_semaphore, #tpu.memory_space<semaphore_mem>>
        %dma_start3A_131 = arith.constant 0 : i32
        %dma_start3A_132 = tpu.memref_slice %arg4[%add3A, %scan3A_53, %dma_start3A_131] : memref<32x40x128xi32, #tpu.memory_space<hbm>> -> memref<1x1x128xi32, #tpu.memory_space<hbm>>
        %dma_start3A_133 = tpu.memref_squeeze %dma_start3A_132 : memref<1x1x128xi32, #tpu.memory_space<hbm>> -> memref<128xi32, #tpu.memory_space<hbm>>
        %dma_start3A_134 = arith.constant 0 : i32
        %dma_start3A_135 = tpu.memref_slice %arg4[%add3A, %scan3A_53, %dma_start3A_134] : memref<32x40x128xi32, #tpu.memory_space<hbm>> -> memref<1x1x128xi32, #tpu.memory_space<hbm>>
        %dma_start3A_136 = tpu.memref_squeeze %dma_start3A_135 : memref<1x1x128xi32, #tpu.memory_space<hbm>> -> memref<128xi32, #tpu.memory_space<hbm>>
        tpu.enqueue_dma source(%dma_start3A_136 : memref<128xi32, #tpu.memory_space<hbm>>) target(%arg10 : memref<128xi32, #tpu.memory_space<vmem>>) target_semaphore(%run_scoped3A : memref<!tpu.dma_semaphore, #tpu.memory_space<semaphore_mem>>)
        %dma_wait3A_137 = arith.constant 0 : i32
        %dma_wait3A_138 = tpu.memref_slice %arg4[%add3A, %scan3A_53, %dma_wait3A_137] : memref<32x40x128xi32, #tpu.memory_space<hbm>> -> memref<1x1x128xi32, #tpu.memory_space<hbm>>
        %dma_wait3A_139 = tpu.memref_squeeze %dma_wait3A_138 : memref<1x1x128xi32, #tpu.memory_space<hbm>> -> memref<128xi32, #tpu.memory_space<hbm>>
        %dma_wait3A_140 = arith.constant 0 : i32
        %dma_wait3A_141 = tpu.memref_slice %arg4[%add3A, %scan3A_53, %dma_wait3A_140] : memref<32x40x128xi32, #tpu.memory_space<hbm>> -> memref<1x1x128xi32, #tpu.memory_space<hbm>>
        %dma_wait3A_142 = tpu.memref_squeeze %dma_wait3A_141 : memref<1x1x128xi32, #tpu.memory_space<hbm>> -> memref<128xi32, #tpu.memory_space<hbm>>
        tpu.wait_dma2 semaphore(%run_scoped3A : memref<!tpu.dma_semaphore, #tpu.memory_space<semaphore_mem>>) src(%dma_wait3A_142 : memref<128xi32, #tpu.memory_space<hbm>>) dst(%arg10 : memref<128xi32, #tpu.memory_space<vmem>>)
        tpu.yield
      }) : () -> ()
      %dma_start3A = arith.constant 0 : i32
      %dma_start3A_54 = arith.constant 0 : i32
      %dma_start3A_55 = tpu.memref_slice %arg6[%dma_start3A, %dma_start3A_54] : memref<10000x128xf32, #tpu.memory_space<hbm>> -> memref<10000x128xf32, #tpu.memory_space<hbm>>
      tpu.enqueue_indirect_dma source(%dma_start3A_55 : memref<10000x128xf32, #tpu.memory_space<hbm>>) target(%arg12 : memref<128x128xf32, #tpu.memory_space<vmem>>) offsets(%arg9 : memref<128xi32, #tpu.memory_space<vmem>>) semaphore(%arg15 : memref<!tpu.dma_semaphore, #tpu.memory_space<semaphore_mem>>)
      %dma_wait3A = arith.constant 0 : i32
      %dma_wait3A_56 = arith.constant 0 : i32
      %dma_wait3A_57 = tpu.memref_slice %arg6[%dma_wait3A, %dma_wait3A_56] : memref<10000x128xf32, #tpu.memory_space<hbm>> -> memref<10000x128xf32, #tpu.memory_space<hbm>>
      tpu.wait_indirect_dma semaphore(%arg15 : memref<!tpu.dma_semaphore, #tpu.memory_space<semaphore_mem>>) src(%dma_wait3A_57 : memref<10000x128xf32, #tpu.memory_space<hbm>>) dst(%arg12 : memref<128x128xf32, #tpu.memory_space<vmem>>)
      %get3A = arith.constant 0 : index
      %get3A_58 = tpu.vector_load %arg10[%get3A] {strides = array<i32>} : memref<128xi32, #tpu.memory_space<vmem>>, vector<16xi32>,
      %gather3A = tpu.vector_load_idx %arg11[%get3A_58] : memref<10000xf32, #tpu.memory_space<vmem>>[vector<16xi32>], vector<16xf32>,
      %get3A_59 = arith.constant 0 : index
      %get3A_60 = tpu.vector_load %arg8[%get3A_59] {strides = array<i32>} : memref<128xf32, #tpu.memory_space<vmem>>, vector<16xf32>,
      %sub3A = arith.subf %get3A_60, %gather3A : vector<16xf32>
      %exp3A = math.exp %sub3A : vector<16xf32>
      %swap3A = arith.constant 0 : index
      %swap3A_61 = tpu.vector_load %arg13[%swap3A] {strides = array<i32>} : memref<128xf32, #tpu.memory_space<vmem>>, vector<16xf32>,
      tpu.vector_store %arg13[%swap3A], %exp3A {strides = array<i32>} : memref<128xf32, #tpu.memory_space<vmem>>, vector<16xf32>,
      %get3A_62 = arith.constant 16 : index
      %get3A_63 = tpu.vector_load %arg10[%get3A_62] {strides = array<i32>} : memref<128xi32, #tpu.memory_space<vmem>>, vector<16xi32>,
      %gather3A_64 = tpu.vector_load_idx %arg11[%get3A_63] : memref<10000xf32, #tpu.memory_space<vmem>>[vector<16xi32>], vector<16xf32>,
      %get3A_65 = arith.constant 16 : index
      %get3A_66 = tpu.vector_load %arg8[%get3A_65] {strides = array<i32>} : memref<128xf32, #tpu.memory_space<vmem>>, vector<16xf32>,
      %sub3A_67 = arith.subf %get3A_66, %gather3A_64 : vector<16xf32>
      %exp3A_68 = math.exp %sub3A_67 : vector<16xf32>
      %swap3A_69 = arith.constant 16 : index
      %swap3A_70 = tpu.vector_load %arg13[%swap3A_69] {strides = array<i32>} : memref<128xf32, #tpu.memory_space<vmem>>, vector<16xf32>,
      tpu.vector_store %arg13[%swap3A_69], %exp3A_68 {strides = array<i32>} : memref<128xf32, #tpu.memory_space<vmem>>, vector<16xf32>,
      %get3A_71 = arith.constant 32 : index
      %get3A_72 = tpu.vector_load %arg10[%get3A_71] {strides = array<i32>} : memref<128xi32, #tpu.memory_space<vmem>>, vector<16xi32>,
      %gather3A_73 = tpu.vector_load_idx %arg11[%get3A_72] : memref<10000xf32, #tpu.memory_space<vmem>>[vector<16xi32>], vector<16xf32>,
      %get3A_74 = arith.constant 32 : index
      %get3A_75 = tpu.vector_load %arg8[%get3A_74] {strides = array<i32>} : memref<128xf32, #tpu.memory_space<vmem>>, vector<16xf32>,
      %sub3A_76 = arith.subf %get3A_75, %gather3A_73 : vector<16xf32>
      %exp3A_77 = math.exp %sub3A_76 : vector<16xf32>
      %swap3A_78 = arith.constant 32 : index
      %swap3A_79 = tpu.vector_load %arg13[%swap3A_78] {strides = array<i32>} : memref<128xf32, #tpu.memory_space<vmem>>, vector<16xf32>,
      tpu.vector_store %arg13[%swap3A_78], %exp3A_77 {strides = array<i32>} : memref<128xf32, #tpu.memory_space<vmem>>, vector<16xf32>,
      %get3A_80 = arith.constant 48 : index
      %get3A_81 = tpu.vector_load %arg10[%get3A_80] {strides = array<i32>} : memref<128xi32, #tpu.memory_space<vmem>>, vector<16xi32>,
      %gather3A_82 = tpu.vector_load_idx %arg11[%get3A_81] : memref<10000xf32, #tpu.memory_space<vmem>>[vector<16xi32>], vector<16xf32>,
      %get3A_83 = arith.constant 48 : index
      %get3A_84 = tpu.vector_load %arg8[%get3A_83] {strides = array<i32>} : memref<128xf32, #tpu.memory_space<vmem>>, vector<16xf32>,
      %sub3A_85 = arith.subf %get3A_84, %gather3A_82 : vector<16xf32>
      %exp3A_86 = math.exp %sub3A_85 : vector<16xf32>
      %swap3A_87 = arith.constant 48 : index
      %swap3A_88 = tpu.vector_load %arg13[%swap3A_87] {strides = array<i32>} : memref<128xf32, #tpu.memory_space<vmem>>, vector<16xf32>,
      tpu.vector_store %arg13[%swap3A_87], %exp3A_86 {strides = array<i32>} : memref<128xf32, #tpu.memory_space<vmem>>, vector<16xf32>,
      %get3A_89 = arith.constant 64 : index
      %get3A_90 = tpu.vector_load %arg10[%get3A_89] {strides = array<i32>} : memref<128xi32, #tpu.memory_space<vmem>>, vector<16xi32>,
      %gather3A_91 = tpu.vector_load_idx %arg11[%get3A_90] : memref<10000xf32, #tpu.memory_space<vmem>>[vector<16xi32>], vector<16xf32>,
      %get3A_92 = arith.constant 64 : index
      %get3A_93 = tpu.vector_load %arg8[%get3A_92] {strides = array<i32>} : memref<128xf32, #tpu.memory_space<vmem>>, vector<16xf32>,
      %sub3A_94 = arith.subf %get3A_93, %gather3A_91 : vector<16xf32>
      %exp3A_95 = math.exp %sub3A_94 : vector<16xf32>
      %swap3A_96 = arith.constant 64 : index
      %swap3A_97 = tpu.vector_load %arg13[%swap3A_96] {strides = array<i32>} : memref<128xf32, #tpu.memory_space<vmem>>, vector<16xf32>,
      tpu.vector_store %arg13[%swap3A_96], %exp3A_95 {strides = array<i32>} : memref<128xf32, #tpu.memory_space<vmem>>, vector<16xf32>,
      %get3A_98 = arith.constant 80 : index
      %get3A_99 = tpu.vector_load %arg10[%get3A_98] {strides = array<i32>} : memref<128xi32, #tpu.memory_space<vmem>>, vector<16xi32>,
      %gather3A_100 = tpu.vector_load_idx %arg11[%get3A_99] : memref<10000xf32, #tpu.memory_space<vmem>>[vector<16xi32>], vector<16xf32>,
      %get3A_101 = arith.constant 80 : index
      %get3A_102 = tpu.vector_load %arg8[%get3A_101] {strides = array<i32>} : memref<128xf32, #tpu.memory_space<vmem>>, vector<16xf32>,
      %sub3A_103 = arith.subf %get3A_102, %gather3A_100 : vector<16xf32>
      %exp3A_104 = math.exp %sub3A_103 : vector<16xf32>
      %swap3A_105 = arith.constant 80 : index
      %swap3A_106 = tpu.vector_load %arg13[%swap3A_105] {strides = array<i32>} : memref<128xf32, #tpu.memory_space<vmem>>, vector<16xf32>,
      tpu.vector_store %arg13[%swap3A_105], %exp3A_104 {strides = array<i32>} : memref<128xf32, #tpu.memory_space<vmem>>, vector<16xf32>,
      %get3A_107 = arith.constant 96 : index
      %get3A_108 = tpu.vector_load %arg10[%get3A_107] {strides = array<i32>} : memref<128xi32, #tpu.memory_space<vmem>>, vector<16xi32>,
      %gather3A_109 = tpu.vector_load_idx %arg11[%get3A_108] : memref<10000xf32, #tpu.memory_space<vmem>>[vector<16xi32>], vector<16xf32>,
      %get3A_110 = arith.constant 96 : index
      %get3A_111 = tpu.vector_load %arg8[%get3A_110] {strides = array<i32>} : memref<128xf32, #tpu.memory_space<vmem>>, vector<16xf32>,
      %sub3A_112 = arith.subf %get3A_111, %gather3A_109 : vector<16xf32>
      %exp3A_113 = math.exp %sub3A_112 : vector<16xf32>
      %swap3A_114 = arith.constant 96 : index
      %swap3A_115 = tpu.vector_load %arg13[%swap3A_114] {strides = array<i32>} : memref<128xf32, #tpu.memory_space<vmem>>, vector<16xf32>,
      tpu.vector_store %arg13[%swap3A_114], %exp3A_113 {strides = array<i32>} : memref<128xf32, #tpu.memory_space<vmem>>, vector<16xf32>,
      %get3A_116 = arith.constant 112 : index
      %get3A_117 = tpu.vector_load %arg10[%get3A_116] {strides = array<i32>} : memref<128xi32, #tpu.memory_space<vmem>>, vector<16xi32>,
      %gather3A_118 = tpu.vector_load_idx %arg11[%get3A_117] : memref<10000xf32, #tpu.memory_space<vmem>>[vector<16xi32>], vector<16xf32>,
      %get3A_119 = arith.constant 112 : index
      %get3A_120 = tpu.vector_load %arg8[%get3A_119] {strides = array<i32>} : memref<128xf32, #tpu.memory_space<vmem>>, vector<16xf32>,
      %sub3A_121 = arith.subf %get3A_120, %gather3A_118 : vector<16xf32>
      %exp3A_122 = math.exp %sub3A_121 : vector<16xf32>
      %swap3A_123 = arith.constant 112 : index
      %swap3A_124 = tpu.vector_load %arg13[%swap3A_123] {strides = array<i32>} : memref<128xf32, #tpu.memory_space<vmem>>, vector<16xf32>,
      tpu.vector_store %arg13[%swap3A_123], %exp3A_122 {strides = array<i32>} : memref<128xf32, #tpu.memory_space<vmem>>, vector<16xf32>,
      %scan3A_125 = arith.constant 0 : i32
      %scan3A_126 = arith.constant 0 : i32
      %scan3A_127 = arith.constant 128 : i32
      %scan3A_128 = arith.addi %scan3A_126, %scan3A_127 : i32
      %scan3A_129 = arith.constant 1 : i32
      scf.for %scan3A_131 = %scan3A_126 to %scan3A_128 step %scan3A_129  : i32 {
        %broadcast_in_dim3A = vector.broadcast %scan3A_131 : i32 to vector<16xi32>
        %gather3A_132 = tpu.vector_load_idx %arg13[%broadcast_in_dim3A] : memref<128xf32, #tpu.memory_space<vmem>>[vector<16xi32>], vector<16xf32>,
        %get3A_133 = arith.constant 0 : i32
        %get3A_134 = tpu.memref_slice %arg12[%scan3A_131, %get3A_133] : memref<128x128xf32, #tpu.memory_space<vmem>> -> memref<1x128xf32, #tpu.memory_space<vmem>>
        %get3A_135 = tpu.memref_squeeze %get3A_134 : memref<1x128xf32, #tpu.memory_space<vmem>> -> memref<128xf32, #tpu.memory_space<vmem>>
        %get3A_136 = arith.constant 0 : index
        %get3A_137 = tpu.vector_load %get3A_135[%get3A_136] {strides = array<i32>} : memref<128xf32, #tpu.memory_space<vmem>>, vector<16xf32>,
        %mul3A_138 = arith.mulf %get3A_137, %gather3A_132 : vector<16xf32>
        %swap3A_139 = arith.constant 0 : i32
        %swap3A_140 = tpu.memref_slice %arg12[%scan3A_131, %swap3A_139] : memref<128x128xf32, #tpu.memory_space<vmem>> -> memref<1x128xf32, #tpu.memory_space<vmem>>
        %swap3A_141 = tpu.memref_squeeze %swap3A_140 : memref<1x128xf32, #tpu.memory_space<vmem>> -> memref<128xf32, #tpu.memory_space<vmem>>
        %swap3A_142 = arith.constant 0 : index
        %swap3A_143 = tpu.vector_load %swap3A_141[%swap3A_142] {strides = array<i32>} : memref<128xf32, #tpu.memory_space<vmem>>, vector<16xf32>,
        tpu.vector_store %swap3A_141[%swap3A_142], %mul3A_138 {strides = array<i32>} : memref<128xf32, #tpu.memory_space<vmem>>, vector<16xf32>,
        %get3A_144 = arith.constant 0 : i32
        %get3A_145 = tpu.memref_slice %arg12[%scan3A_131, %get3A_144] : memref<128x128xf32, #tpu.memory_space<vmem>> -> memref<1x128xf32, #tpu.memory_space<vmem>>
        %get3A_146 = tpu.memref_squeeze %get3A_145 : memref<1x128xf32, #tpu.memory_space<vmem>> -> memref<128xf32, #tpu.memory_space<vmem>>
        %get3A_147 = arith.constant 16 : index
        %get3A_148 = tpu.vector_load %get3A_146[%get3A_147] {strides = array<i32>} : memref<128xf32, #tpu.memory_space<vmem>>, vector<16xf32>,
        %mul3A_149 = arith.mulf %get3A_148, %gather3A_132 : vector<16xf32>
        %swap3A_150 = arith.constant 0 : i32
        %swap3A_151 = tpu.memref_slice %arg12[%scan3A_131, %swap3A_150] : memref<128x128xf32, #tpu.memory_space<vmem>> -> memref<1x128xf32, #tpu.memory_space<vmem>>
        %swap3A_152 = tpu.memref_squeeze %swap3A_151 : memref<1x128xf32, #tpu.memory_space<vmem>> -> memref<128xf32, #tpu.memory_space<vmem>>
        %swap3A_153 = arith.constant 16 : index
        %swap3A_154 = tpu.vector_load %swap3A_152[%swap3A_153] {strides = array<i32>} : memref<128xf32, #tpu.memory_space<vmem>>, vector<16xf32>,
        tpu.vector_store %swap3A_152[%swap3A_153], %mul3A_149 {strides = array<i32>} : memref<128xf32, #tpu.memory_space<vmem>>, vector<16xf32>,
        %get3A_155 = arith.constant 0 : i32
        %get3A_156 = tpu.memref_slice %arg12[%scan3A_131, %get3A_155] : memref<128x128xf32, #tpu.memory_space<vmem>> -> memref<1x128xf32, #tpu.memory_space<vmem>>
        %get3A_157 = tpu.memref_squeeze %get3A_156 : memref<1x128xf32, #tpu.memory_space<vmem>> -> memref<128xf32, #tpu.memory_space<vmem>>
        %get3A_158 = arith.constant 32 : index
        %get3A_159 = tpu.vector_load %get3A_157[%get3A_158] {strides = array<i32>} : memref<128xf32, #tpu.memory_space<vmem>>, vector<16xf32>,
        %mul3A_160 = arith.mulf %get3A_159, %gather3A_132 : vector<16xf32>
        %swap3A_161 = arith.constant 0 : i32
        %swap3A_162 = tpu.memref_slice %arg12[%scan3A_131, %swap3A_161] : memref<128x128xf32, #tpu.memory_space<vmem>> -> memref<1x128xf32, #tpu.memory_space<vmem>>
        %swap3A_163 = tpu.memref_squeeze %swap3A_162 : memref<1x128xf32, #tpu.memory_space<vmem>> -> memref<128xf32, #tpu.memory_space<vmem>>
        %swap3A_164 = arith.constant 32 : index
        %swap3A_165 = tpu.vector_load %swap3A_163[%swap3A_164] {strides = array<i32>} : memref<128xf32, #tpu.memory_space<vmem>>, vector<16xf32>,
        tpu.vector_store %swap3A_163[%swap3A_164], %mul3A_160 {strides = array<i32>} : memref<128xf32, #tpu.memory_space<vmem>>, vector<16xf32>,
        %get3A_166 = arith.constant 0 : i32
        %get3A_167 = tpu.memref_slice %arg12[%scan3A_131, %get3A_166] : memref<128x128xf32, #tpu.memory_space<vmem>> -> memref<1x128xf32, #tpu.memory_space<vmem>>
        %get3A_168 = tpu.memref_squeeze %get3A_167 : memref<1x128xf32, #tpu.memory_space<vmem>> -> memref<128xf32, #tpu.memory_space<vmem>>
        %get3A_169 = arith.constant 48 : index
        %get3A_170 = tpu.vector_load %get3A_168[%get3A_169] {strides = array<i32>} : memref<128xf32, #tpu.memory_space<vmem>>, vector<16xf32>,
        %mul3A_171 = arith.mulf %get3A_170, %gather3A_132 : vector<16xf32>
        %swap3A_172 = arith.constant 0 : i32
        %swap3A_173 = tpu.memref_slice %arg12[%scan3A_131, %swap3A_172] : memref<128x128xf32, #tpu.memory_space<vmem>> -> memref<1x128xf32, #tpu.memory_space<vmem>>
        %swap3A_174 = tpu.memref_squeeze %swap3A_173 : memref<1x128xf32, #tpu.memory_space<vmem>> -> memref<128xf32, #tpu.memory_space<vmem>>
        %swap3A_175 = arith.constant 48 : index
        %swap3A_176 = tpu.vector_load %swap3A_174[%swap3A_175] {strides = array<i32>} : memref<128xf32, #tpu.memory_space<vmem>>, vector<16xf32>,
        tpu.vector_store %swap3A_174[%swap3A_175], %mul3A_171 {strides = array<i32>} : memref<128xf32, #tpu.memory_space<vmem>>, vector<16xf32>,
        %get3A_177 = arith.constant 0 : i32
        %get3A_178 = tpu.memref_slice %arg12[%scan3A_131, %get3A_177] : memref<128x128xf32, #tpu.memory_space<vmem>> -> memref<1x128xf32, #tpu.memory_space<vmem>>
        %get3A_179 = tpu.memref_squeeze %get3A_178 : memref<1x128xf32, #tpu.memory_space<vmem>> -> memref<128xf32, #tpu.memory_space<vmem>>
        %get3A_180 = arith.constant 64 : index
        %get3A_181 = tpu.vector_load %get3A_179[%get3A_180] {strides = array<i32>} : memref<128xf32, #tpu.memory_space<vmem>>, vector<16xf32>,
        %mul3A_182 = arith.mulf %get3A_181, %gather3A_132 : vector<16xf32>
        %swap3A_183 = arith.constant 0 : i32
        %swap3A_184 = tpu.memref_slice %arg12[%scan3A_131, %swap3A_183] : memref<128x128xf32, #tpu.memory_space<vmem>> -> memref<1x128xf32, #tpu.memory_space<vmem>>
        %swap3A_185 = tpu.memref_squeeze %swap3A_184 : memref<1x128xf32, #tpu.memory_space<vmem>> -> memref<128xf32, #tpu.memory_space<vmem>>
        %swap3A_186 = arith.constant 64 : index
        %swap3A_187 = tpu.vector_load %swap3A_185[%swap3A_186] {strides = array<i32>} : memref<128xf32, #tpu.memory_space<vmem>>, vector<16xf32>,
        tpu.vector_store %swap3A_185[%swap3A_186], %mul3A_182 {strides = array<i32>} : memref<128xf32, #tpu.memory_space<vmem>>, vector<16xf32>,
        %get3A_188 = arith.constant 0 : i32
        %get3A_189 = tpu.memref_slice %arg12[%scan3A_131, %get3A_188] : memref<128x128xf32, #tpu.memory_space<vmem>> -> memref<1x128xf32, #tpu.memory_space<vmem>>
        %get3A_190 = tpu.memref_squeeze %get3A_189 : memref<1x128xf32, #tpu.memory_space<vmem>> -> memref<128xf32, #tpu.memory_space<vmem>>
        %get3A_191 = arith.constant 80 : index
        %get3A_192 = tpu.vector_load %get3A_190[%get3A_191] {strides = array<i32>} : memref<128xf32, #tpu.memory_space<vmem>>, vector<16xf32>,
        %mul3A_193 = arith.mulf %get3A_192, %gather3A_132 : vector<16xf32>
        %swap3A_194 = arith.constant 0 : i32
        %swap3A_195 = tpu.memref_slice %arg12[%scan3A_131, %swap3A_194] : memref<128x128xf32, #tpu.memory_space<vmem>> -> memref<1x128xf32, #tpu.memory_space<vmem>>
        %swap3A_196 = tpu.memref_squeeze %swap3A_195 : memref<1x128xf32, #tpu.memory_space<vmem>> -> memref<128xf32, #tpu.memory_space<vmem>>
        %swap3A_197 = arith.constant 80 : index
        %swap3A_198 = tpu.vector_load %swap3A_196[%swap3A_197] {strides = array<i32>} : memref<128xf32, #tpu.memory_space<vmem>>, vector<16xf32>,
        tpu.vector_store %swap3A_196[%swap3A_197], %mul3A_193 {strides = array<i32>} : memref<128xf32, #tpu.memory_space<vmem>>, vector<16xf32>,
        %get3A_199 = arith.constant 0 : i32
        %get3A_200 = tpu.memref_slice %arg12[%scan3A_131, %get3A_199] : memref<128x128xf32, #tpu.memory_space<vmem>> -> memref<1x128xf32, #tpu.memory_space<vmem>>
        %get3A_201 = tpu.memref_squeeze %get3A_200 : memref<1x128xf32, #tpu.memory_space<vmem>> -> memref<128xf32, #tpu.memory_space<vmem>>
        %get3A_202 = arith.constant 96 : index
        %get3A_203 = tpu.vector_load %get3A_201[%get3A_202] {strides = array<i32>} : memref<128xf32, #tpu.memory_space<vmem>>, vector<16xf32>,
        %mul3A_204 = arith.mulf %get3A_203, %gather3A_132 : vector<16xf32>
        %swap3A_205 = arith.constant 0 : i32
        %swap3A_206 = tpu.memref_slice %arg12[%scan3A_131, %swap3A_205] : memref<128x128xf32, #tpu.memory_space<vmem>> -> memref<1x128xf32, #tpu.memory_space<vmem>>
        %swap3A_207 = tpu.memref_squeeze %swap3A_206 : memref<1x128xf32, #tpu.memory_space<vmem>> -> memref<128xf32, #tpu.memory_space<vmem>>
        %swap3A_208 = arith.constant 96 : index
        %swap3A_209 = tpu.vector_load %swap3A_207[%swap3A_208] {strides = array<i32>} : memref<128xf32, #tpu.memory_space<vmem>>, vector<16xf32>,
        tpu.vector_store %swap3A_207[%swap3A_208], %mul3A_204 {strides = array<i32>} : memref<128xf32, #tpu.memory_space<vmem>>, vector<16xf32>,
        %get3A_210 = arith.constant 0 : i32
        %get3A_211 = tpu.memref_slice %arg12[%scan3A_131, %get3A_210] : memref<128x128xf32, #tpu.memory_space<vmem>> -> memref<1x128xf32, #tpu.memory_space<vmem>>
        %get3A_212 = tpu.memref_squeeze %get3A_211 : memref<1x128xf32, #tpu.memory_space<vmem>> -> memref<128xf32, #tpu.memory_space<vmem>>
        %get3A_213 = arith.constant 112 : index
        %get3A_214 = tpu.vector_load %get3A_212[%get3A_213] {strides = array<i32>} : memref<128xf32, #tpu.memory_space<vmem>>, vector<16xf32>,
        %mul3A_215 = arith.mulf %get3A_214, %gather3A_132 : vector<16xf32>
        %swap3A_216 = arith.constant 0 : i32
        %swap3A_217 = tpu.memref_slice %arg12[%scan3A_131, %swap3A_216] : memref<128x128xf32, #tpu.memory_space<vmem>> -> memref<1x128xf32, #tpu.memory_space<vmem>>
        %swap3A_218 = tpu.memref_squeeze %swap3A_217 : memref<1x128xf32, #tpu.memory_space<vmem>> -> memref<128xf32, #tpu.memory_space<vmem>>
        %swap3A_219 = arith.constant 112 : index
        %swap3A_220 = tpu.vector_load %swap3A_218[%swap3A_219] {strides = array<i32>} : memref<128xf32, #tpu.memory_space<vmem>>, vector<16xf32>,
        tpu.vector_store %swap3A_218[%swap3A_219], %mul3A_215 {strides = array<i32>} : memref<128xf32, #tpu.memory_space<vmem>>, vector<16xf32>,
      }
      %scan3A_130 = arith.constant 128 : i32
      "tpu.region"() ({
        %run_scoped3A = tpu.sem_alloc : memref<!tpu.dma_semaphore, #tpu.memory_space<semaphore_mem>>
        %dma_start3A_131 = arith.constant 0 : i32
        %dma_start3A_132 = arith.constant 0 : i32
        %dma_start3A_133 = tpu.memref_slice %arg14[%dma_start3A_131, %dma_start3A_132] : memref<10240x128xf32, #tpu.memory_space<vmem_shared>> -> memref<10240x128xf32, #tpu.memory_space<vmem_shared>>
        tpu.enqueue_indirect_dma source(%arg12 : memref<128x128xf32, #tpu.memory_space<vmem>>) target(%dma_start3A_133 : memref<10240x128xf32, #tpu.memory_space<vmem_shared>>) offsets(%arg10 : memref<128xi32, #tpu.memory_space<vmem>>) semaphore(%run_scoped3A : memref<!tpu.dma_semaphore, #tpu.memory_space<semaphore_mem>>) {add = true}
        %dma_wait3A_134 = arith.constant 0 : i32
        %dma_wait3A_135 = arith.constant 0 : i32
        %dma_wait3A_136 = tpu.memref_slice %arg14[%dma_wait3A_134, %dma_wait3A_135] : memref<10240x128xf32, #tpu.memory_space<vmem_shared>> -> memref<10240x128xf32, #tpu.memory_space<vmem_shared>>
        tpu.wait_indirect_dma semaphore(%run_scoped3A : memref<!tpu.dma_semaphore, #tpu.memory_space<semaphore_mem>>) src(%arg12 : memref<128x128xf32, #tpu.memory_space<vmem>>) dst(%dma_wait3A_136 : memref<10240x128xf32, #tpu.memory_space<vmem_shared>>)
        tpu.yield
      }) : () -> ()
    }
    %scan3A_31 = arith.constant 40 : i32
    %barrier3A_32 = arith.constant 0 : index
    tpu.barrier barrier_id(%barrier3A_32)
    %mul3A_33 = arith.constant 640 : i32
    %mul3A_34 = arith.muli %arg1, %mul3A_33 : i32
    %add3A_35 = arith.constant 0 : i32
    %add3A_36 = arith.addi %mul3A_34, %add3A_35 : i32
    "tpu.region"() ({
      %run_scoped3A = tpu.sem_alloc : memref<!tpu.dma_semaphore, #tpu.memory_space<semaphore_mem>>
      %dma_start3A = arith.constant 0 : i32
      %dma_start3A_53 = tpu.memref_slice %arg14[%add3A_36, %dma_start3A] : memref<10240x128xf32, #tpu.memory_space<vmem_shared>> -> memref<128x128xf32, #tpu.memory_space<vmem_shared>>
      %dma_start3A_54 = arith.constant 0 : i32
      %dma_start3A_55 = tpu.memref_slice %arg14[%add3A_36, %dma_start3A_54] : memref<10240x128xf32, #tpu.memory_space<vmem_shared>> -> memref<128x128xf32, #tpu.memory_space<vmem_shared>>
      tpu.enqueue_dma source(%dma_start3A_55 : memref<128x128xf32, #tpu.memory_space<vmem_shared>>) target(%arg12 : memref<128x128xf32, #tpu.memory_space<vmem>>) target_semaphore(%run_scoped3A : memref<!tpu.dma_semaphore, #tpu.memory_space<semaphore_mem>>)
      %dma_wait3A = arith.constant 0 : i32
      %dma_wait3A_56 = tpu.memref_slice %arg14[%add3A_36, %dma_wait3A] : memref<10240x128xf32, #tpu.memory_space<vmem_shared>> -> memref<128x128xf32, #tpu.memory_space<vmem_shared>>
      %dma_wait3A_57 = arith.constant 0 : i32
      %dma_wait3A_58 = tpu.memref_slice %arg14[%add3A_36, %dma_wait3A_57] : memref<10240x128xf32, #tpu.memory_space<vmem_shared>> -> memref<128x128xf32, #tpu.memory_space<vmem_shared>>
      tpu.wait_dma2 semaphore(%run_scoped3A : memref<!tpu.dma_semaphore, #tpu.memory_space<semaphore_mem>>) src(%dma_wait3A_58 : memref<128x128xf32, #tpu.memory_space<vmem_shared>>) dst(%arg12 : memref<128x128xf32, #tpu.memory_space<vmem>>)
      tpu.yield
    }) : () -> ()
    "tpu.region"() ({
      %run_scoped3A = tpu.sem_alloc : memref<!tpu.dma_semaphore, #tpu.memory_space<semaphore_mem>>
      %dma_start3A = arith.constant 0 : i32
      %dma_start3A_53 = tpu.memref_slice %arg7[%arg0, %add3A_36, %dma_start3A] : memref<2x10240x128xf32, #tpu.memory_space<hbm>> -> memref<1x128x128xf32, #tpu.memory_space<hbm>>
      %dma_start3A_54 = tpu.memref_squeeze %dma_start3A_53 : memref<1x128x128xf32, #tpu.memory_space<hbm>> -> memref<128x128xf32, #tpu.memory_space<hbm>>
      %dma_start3A_55 = arith.constant 0 : i32
      %dma_start3A_56 = tpu.memref_slice %arg7[%arg0, %add3A_36, %dma_start3A_55] : memref<2x10240x128xf32, #tpu.memory_space<hbm>> -> memref<1x128x128xf32, #tpu.memory_space<hbm>>
      %dma_start3A_57 = tpu.memref_squeeze %dma_start3A_56 : memref<1x128x128xf32, #tpu.memory_space<hbm>> -> memref<128x128xf32, #tpu.memory_space<hbm>>
      tpu.enqueue_dma source(%arg12 : memref<128x128xf32, #tpu.memory_space<vmem>>) target(%dma_start3A_57 : memref<128x128xf32, #tpu.memory_space<hbm>>) target_semaphore(%run_scoped3A : memref<!tpu.dma_semaphore, #tpu.memory_space<semaphore_mem>>)
      %dma_wait3A = arith.constant 0 : i32
      %dma_wait3A_58 = tpu.memref_slice %arg7[%arg0, %add3A_36, %dma_wait3A] : memref<2x10240x128xf32, #tpu.memory_space<hbm>> -> memref<1x128x128xf32, #tpu.memory_space<hbm>>
      %dma_wait3A_59 = tpu.memref_squeeze %dma_wait3A_58 : memref<1x128x128xf32, #tpu.memory_space<hbm>> -> memref<128x128xf32, #tpu.memory_space<hbm>>
      %dma_wait3A_60 = arith.constant 0 : i32
      %dma_wait3A_61 = tpu.memref_slice %arg7[%arg0, %add3A_36, %dma_wait3A_60] : memref<2x10240x128xf32, #tpu.memory_space<hbm>> -> memref<1x128x128xf32, #tpu.memory_space<hbm>>
      %dma_wait3A_62 = tpu.memref_squeeze %dma_wait3A_61 : memref<1x128x128xf32, #tpu.memory_space<hbm>> -> memref<128x128xf32, #tpu.memory_space<hbm>>
      tpu.wait_dma2 semaphore(%run_scoped3A : memref<!tpu.dma_semaphore, #tpu.memory_space<semaphore_mem>>) src(%arg12 : memref<128x128xf32, #tpu.memory_space<vmem>>) dst(%dma_wait3A_62 : memref<128x128xf32, #tpu.memory_space<hbm>>)
      tpu.yield
    }) : () -> ()
    %mul3A_37 = arith.constant 640 : i32
    %mul3A_38 = arith.muli %arg1, %mul3A_37 : i32
    %add3A_39 = arith.constant 128 : i32
    %add3A_40 = arith.addi %mul3A_38, %add3A_39 : i32
    "tpu.region"() ({
      %run_scoped3A = tpu.sem_alloc : memref<!tpu.dma_semaphore, #tpu.memory_space<semaphore_mem>>
      %dma_start3A = arith.constant 0 : i32
      %dma_start3A_53 = tpu.memref_slice %arg14[%add3A_40, %dma_start3A] : memref<10240x128xf32, #tpu.memory_space<vmem_shared>> -> memref<128x128xf32, #tpu.memory_space<vmem_shared>>
      %dma_start3A_54 = arith.constant 0 : i32
      %dma_start3A_55 = tpu.memref_slice %arg14[%add3A_40, %dma_start3A_54] : memref<10240x128xf32, #tpu.memory_space<vmem_shared>> -> memref<128x128xf32, #tpu.memory_space<vmem_shared>>
      tpu.enqueue_dma source(%dma_start3A_55 : memref<128x128xf32, #tpu.memory_space<vmem_shared>>) target(%arg12 : memref<128x128xf32, #tpu.memory_space<vmem>>) target_semaphore(%run_scoped3A : memref<!tpu.dma_semaphore, #tpu.memory_space<semaphore_mem>>)
      %dma_wait3A = arith.constant 0 : i32
      %dma_wait3A_56 = tpu.memref_slice %arg14[%add3A_40, %dma_wait3A] : memref<10240x128xf32, #tpu.memory_space<vmem_shared>> -> memref<128x128xf32, #tpu.memory_space<vmem_shared>>
      %dma_wait3A_57 = arith.constant 0 : i32
      %dma_wait3A_58 = tpu.memref_slice %arg14[%add3A_40, %dma_wait3A_57] : memref<10240x128xf32, #tpu.memory_space<vmem_shared>> -> memref<128x128xf32, #tpu.memory_space<vmem_shared>>
      tpu.wait_dma2 semaphore(%run_scoped3A : memref<!tpu.dma_semaphore, #tpu.memory_space<semaphore_mem>>) src(%dma_wait3A_58 : memref<128x128xf32, #tpu.memory_space<vmem_shared>>) dst(%arg12 : memref<128x128xf32, #tpu.memory_space<vmem>>)
      tpu.yield
    }) : () -> ()
    "tpu.region"() ({
      %run_scoped3A = tpu.sem_alloc : memref<!tpu.dma_semaphore, #tpu.memory_space<semaphore_mem>>
      %dma_start3A = arith.constant 0 : i32
      %dma_start3A_53 = tpu.memref_slice %arg7[%arg0, %add3A_40, %dma_start3A] : memref<2x10240x128xf32, #tpu.memory_space<hbm>> -> memref<1x128x128xf32, #tpu.memory_space<hbm>>
      %dma_start3A_54 = tpu.memref_squeeze %dma_start3A_53 : memref<1x128x128xf32, #tpu.memory_space<hbm>> -> memref<128x128xf32, #tpu.memory_space<hbm>>
      %dma_start3A_55 = arith.constant 0 : i32
      %dma_start3A_56 = tpu.memref_slice %arg7[%arg0, %add3A_40, %dma_start3A_55] : memref<2x10240x128xf32, #tpu.memory_space<hbm>> -> memref<1x128x128xf32, #tpu.memory_space<hbm>>
      %dma_start3A_57 = tpu.memref_squeeze %dma_start3A_56 : memref<1x128x128xf32, #tpu.memory_space<hbm>> -> memref<128x128xf32, #tpu.memory_space<hbm>>
      tpu.enqueue_dma source(%arg12 : memref<128x128xf32, #tpu.memory_space<vmem>>) target(%dma_start3A_57 : memref<128x128xf32, #tpu.memory_space<hbm>>) target_semaphore(%run_scoped3A : memref<!tpu.dma_semaphore, #tpu.memory_space<semaphore_mem>>)
      %dma_wait3A = arith.constant 0 : i32
      %dma_wait3A_58 = tpu.memref_slice %arg7[%arg0, %add3A_40, %dma_wait3A] : memref<2x10240x128xf32, #tpu.memory_space<hbm>> -> memref<1x128x128xf32, #tpu.memory_space<hbm>>
      %dma_wait3A_59 = tpu.memref_squeeze %dma_wait3A_58 : memref<1x128x128xf32, #tpu.memory_space<hbm>> -> memref<128x128xf32, #tpu.memory_space<hbm>>
      %dma_wait3A_60 = arith.constant 0 : i32
      %dma_wait3A_61 = tpu.memref_slice %arg7[%arg0, %add3A_40, %dma_wait3A_60] : memref<2x10240x128xf32, #tpu.memory_space<hbm>> -> memref<1x128x128xf32, #tpu.memory_space<hbm>>
      %dma_wait3A_62 = tpu.memref_squeeze %dma_wait3A_61 : memref<1x128x128xf32, #tpu.memory_space<hbm>> -> memref<128x128xf32, #tpu.memory_space<hbm>>
      tpu.wait_dma2 semaphore(%run_scoped3A : memref<!tpu.dma_semaphore, #tpu.memory_space<semaphore_mem>>) src(%arg12 : memref<128x128xf32, #tpu.memory_space<vmem>>) dst(%dma_wait3A_62 : memref<128x128xf32, #tpu.memory_space<hbm>>)
      tpu.yield
    }) : () -> ()
    %mul3A_41 = arith.constant 640 : i32
    %mul3A_42 = arith.muli %arg1, %mul3A_41 : i32
    %add3A_43 = arith.constant 256 : i32
    %add3A_44 = arith.addi %mul3A_42, %add3A_43 : i32
    "tpu.region"() ({
      %run_scoped3A = tpu.sem_alloc : memref<!tpu.dma_semaphore, #tpu.memory_space<semaphore_mem>>
      %dma_start3A = arith.constant 0 : i32
      %dma_start3A_53 = tpu.memref_slice %arg14[%add3A_44, %dma_start3A] : memref<10240x128xf32, #tpu.memory_space<vmem_shared>> -> memref<128x128xf32, #tpu.memory_space<vmem_shared>>
      %dma_start3A_54 = arith.constant 0 : i32
      %dma_start3A_55 = tpu.memref_slice %arg14[%add3A_44, %dma_start3A_54] : memref<10240x128xf32, #tpu.memory_space<vmem_shared>> -> memref<128x128xf32, #tpu.memory_space<vmem_shared>>
      tpu.enqueue_dma source(%dma_start3A_55 : memref<128x128xf32, #tpu.memory_space<vmem_shared>>) target(%arg12 : memref<128x128xf32, #tpu.memory_space<vmem>>) target_semaphore(%run_scoped3A : memref<!tpu.dma_semaphore, #tpu.memory_space<semaphore_mem>>)
      %dma_wait3A = arith.constant 0 : i32
      %dma_wait3A_56 = tpu.memref_slice %arg14[%add3A_44, %dma_wait3A] : memref<10240x128xf32, #tpu.memory_space<vmem_shared>> -> memref<128x128xf32, #tpu.memory_space<vmem_shared>>
      %dma_wait3A_57 = arith.constant 0 : i32
      %dma_wait3A_58 = tpu.memref_slice %arg14[%add3A_44, %dma_wait3A_57] : memref<10240x128xf32, #tpu.memory_space<vmem_shared>> -> memref<128x128xf32, #tpu.memory_space<vmem_shared>>
      tpu.wait_dma2 semaphore(%run_scoped3A : memref<!tpu.dma_semaphore, #tpu.memory_space<semaphore_mem>>) src(%dma_wait3A_58 : memref<128x128xf32, #tpu.memory_space<vmem_shared>>) dst(%arg12 : memref<128x128xf32, #tpu.memory_space<vmem>>)
      tpu.yield
    }) : () -> ()
    "tpu.region"() ({
      %run_scoped3A = tpu.sem_alloc : memref<!tpu.dma_semaphore, #tpu.memory_space<semaphore_mem>>
      %dma_start3A = arith.constant 0 : i32
      %dma_start3A_53 = tpu.memref_slice %arg7[%arg0, %add3A_44, %dma_start3A] : memref<2x10240x128xf32, #tpu.memory_space<hbm>> -> memref<1x128x128xf32, #tpu.memory_space<hbm>>
      %dma_start3A_54 = tpu.memref_squeeze %dma_start3A_53 : memref<1x128x128xf32, #tpu.memory_space<hbm>> -> memref<128x128xf32, #tpu.memory_space<hbm>>
      %dma_start3A_55 = arith.constant 0 : i32
      %dma_start3A_56 = tpu.memref_slice %arg7[%arg0, %add3A_44, %dma_start3A_55] : memref<2x10240x128xf32, #tpu.memory_space<hbm>> -> memref<1x128x128xf32, #tpu.memory_space<hbm>>
      %dma_start3A_57 = tpu.memref_squeeze %dma_start3A_56 : memref<1x128x128xf32, #tpu.memory_space<hbm>> -> memref<128x128xf32, #tpu.memory_space<hbm>>
      tpu.enqueue_dma source(%arg12 : memref<128x128xf32, #tpu.memory_space<vmem>>) target(%dma_start3A_57 : memref<128x128xf32, #tpu.memory_space<hbm>>) target_semaphore(%run_scoped3A : memref<!tpu.dma_semaphore, #tpu.memory_space<semaphore_mem>>)
      %dma_wait3A = arith.constant 0 : i32
      %dma_wait3A_58 = tpu.memref_slice %arg7[%arg0, %add3A_44, %dma_wait3A] : memref<2x10240x128xf32, #tpu.memory_space<hbm>> -> memref<1x128x128xf32, #tpu.memory_space<hbm>>
      %dma_wait3A_59 = tpu.memref_squeeze %dma_wait3A_58 : memref<1x128x128xf32, #tpu.memory_space<hbm>> -> memref<128x128xf32, #tpu.memory_space<hbm>>
      %dma_wait3A_60 = arith.constant 0 : i32
      %dma_wait3A_61 = tpu.memref_slice %arg7[%arg0, %add3A_44, %dma_wait3A_60] : memref<2x10240x128xf32, #tpu.memory_space<hbm>> -> memref<1x128x128xf32, #tpu.memory_space<hbm>>
      %dma_wait3A_62 = tpu.memref_squeeze %dma_wait3A_61 : memref<1x128x128xf32, #tpu.memory_space<hbm>> -> memref<128x128xf32, #tpu.memory_space<hbm>>
      tpu.wait_dma2 semaphore(%run_scoped3A : memref<!tpu.dma_semaphore, #tpu.memory_space<semaphore_mem>>) src(%arg12 : memref<128x128xf32, #tpu.memory_space<vmem>>) dst(%dma_wait3A_62 : memref<128x128xf32, #tpu.memory_space<hbm>>)
      tpu.yield
    }) : () -> ()
    %mul3A_45 = arith.constant 640 : i32
    %mul3A_46 = arith.muli %arg1, %mul3A_45 : i32
    %add3A_47 = arith.constant 384 : i32
    %add3A_48 = arith.addi %mul3A_46, %add3A_47 : i32
    "tpu.region"() ({
      %run_scoped3A = tpu.sem_alloc : memref<!tpu.dma_semaphore, #tpu.memory_space<semaphore_mem>>
      %dma_start3A = arith.constant 0 : i32
      %dma_start3A_53 = tpu.memref_slice %arg14[%add3A_48, %dma_start3A] : memref<10240x128xf32, #tpu.memory_space<vmem_shared>> -> memref<128x128xf32, #tpu.memory_space<vmem_shared>>
      %dma_start3A_54 = arith.constant 0 : i32
      %dma_start3A_55 = tpu.memref_slice %arg14[%add3A_48, %dma_start3A_54] : memref<10240x128xf32, #tpu.memory_space<vmem_shared>> -> memref<128x128xf32, #tpu.memory_space<vmem_shared>>
      tpu.enqueue_dma source(%dma_start3A_55 : memref<128x128xf32, #tpu.memory_space<vmem_shared>>) target(%arg12 : memref<128x128xf32, #tpu.memory_space<vmem>>) target_semaphore(%run_scoped3A : memref<!tpu.dma_semaphore, #tpu.memory_space<semaphore_mem>>)
      %dma_wait3A = arith.constant 0 : i32
      %dma_wait3A_56 = tpu.memref_slice %arg14[%add3A_48, %dma_wait3A] : memref<10240x128xf32, #tpu.memory_space<vmem_shared>> -> memref<128x128xf32, #tpu.memory_space<vmem_shared>>
      %dma_wait3A_57 = arith.constant 0 : i32
      %dma_wait3A_58 = tpu.memref_slice %arg14[%add3A_48, %dma_wait3A_57] : memref<10240x128xf32, #tpu.memory_space<vmem_shared>> -> memref<128x128xf32, #tpu.memory_space<vmem_shared>>
      tpu.wait_dma2 semaphore(%run_scoped3A : memref<!tpu.dma_semaphore, #tpu.memory_space<semaphore_mem>>) src(%dma_wait3A_58 : memref<128x128xf32, #tpu.memory_space<vmem_shared>>) dst(%arg12 : memref<128x128xf32, #tpu.memory_space<vmem>>)
      tpu.yield
    }) : () -> ()
    "tpu.region"() ({
      %run_scoped3A = tpu.sem_alloc : memref<!tpu.dma_semaphore, #tpu.memory_space<semaphore_mem>>
      %dma_start3A = arith.constant 0 : i32
      %dma_start3A_53 = tpu.memref_slice %arg7[%arg0, %add3A_48, %dma_start3A] : memref<2x10240x128xf32, #tpu.memory_space<hbm>> -> memref<1x128x128xf32, #tpu.memory_space<hbm>>
      %dma_start3A_54 = tpu.memref_squeeze %dma_start3A_53 : memref<1x128x128xf32, #tpu.memory_space<hbm>> -> memref<128x128xf32, #tpu.memory_space<hbm>>
      %dma_start3A_55 = arith.constant 0 : i32
      %dma_start3A_56 = tpu.memref_slice %arg7[%arg0, %add3A_48, %dma_start3A_55] : memref<2x10240x128xf32, #tpu.memory_space<hbm>> -> memref<1x128x128xf32, #tpu.memory_space<hbm>>
      %dma_start3A_57 = tpu.memref_squeeze %dma_start3A_56 : memref<1x128x128xf32, #tpu.memory_space<hbm>> -> memref<128x128xf32, #tpu.memory_space<hbm>>
      tpu.enqueue_dma source(%arg12 : memref<128x128xf32, #tpu.memory_space<vmem>>) target(%dma_start3A_57 : memref<128x128xf32, #tpu.memory_space<hbm>>) target_semaphore(%run_scoped3A : memref<!tpu.dma_semaphore, #tpu.memory_space<semaphore_mem>>)
      %dma_wait3A = arith.constant 0 : i32
      %dma_wait3A_58 = tpu.memref_slice %arg7[%arg0, %add3A_48, %dma_wait3A] : memref<2x10240x128xf32, #tpu.memory_space<hbm>> -> memref<1x128x128xf32, #tpu.memory_space<hbm>>
      %dma_wait3A_59 = tpu.memref_squeeze %dma_wait3A_58 : memref<1x128x128xf32, #tpu.memory_space<hbm>> -> memref<128x128xf32, #tpu.memory_space<hbm>>
      %dma_wait3A_60 = arith.constant 0 : i32
      %dma_wait3A_61 = tpu.memref_slice %arg7[%arg0, %add3A_48, %dma_wait3A_60] : memref<2x10240x128xf32, #tpu.memory_space<hbm>> -> memref<1x128x128xf32, #tpu.memory_space<hbm>>
      %dma_wait3A_62 = tpu.memref_squeeze %dma_wait3A_61 : memref<1x128x128xf32, #tpu.memory_space<hbm>> -> memref<128x128xf32, #tpu.memory_space<hbm>>
      tpu.wait_dma2 semaphore(%run_scoped3A : memref<!tpu.dma_semaphore, #tpu.memory_space<semaphore_mem>>) src(%arg12 : memref<128x128xf32, #tpu.memory_space<vmem>>) dst(%dma_wait3A_62 : memref<128x128xf32, #tpu.memory_space<hbm>>)
      tpu.yield
    }) : () -> ()
    %mul3A_49 = arith.constant 640 : i32
    %mul3A_50 = arith.muli %arg1, %mul3A_49 : i32
    %add3A_51 = arith.constant 512 : i32
    %add3A_52 = arith.addi %mul3A_50, %add3A_51 : i32
    "tpu.region"() ({
      %run_scoped3A = tpu.sem_alloc : memref<!tpu.dma_semaphore, #tpu.memory_space<semaphore_mem>>
      %dma_start3A = arith.constant 0 : i32
      %dma_start3A_53 = tpu.memref_slice %arg14[%add3A_52, %dma_start3A] : memref<10240x128xf32, #tpu.memory_space<vmem_shared>> -> memref<128x128xf32, #tpu.memory_space<vmem_shared>>
      %dma_start3A_54 = arith.constant 0 : i32
      %dma_start3A_55 = tpu.memref_slice %arg14[%add3A_52, %dma_start3A_54] : memref<10240x128xf32, #tpu.memory_space<vmem_shared>> -> memref<128x128xf32, #tpu.memory_space<vmem_shared>>
      tpu.enqueue_dma source(%dma_start3A_55 : memref<128x128xf32, #tpu.memory_space<vmem_shared>>) target(%arg12 : memref<128x128xf32, #tpu.memory_space<vmem>>) target_semaphore(%run_scoped3A : memref<!tpu.dma_semaphore, #tpu.memory_space<semaphore_mem>>)
      %dma_wait3A = arith.constant 0 : i32
      %dma_wait3A_56 = tpu.memref_slice %arg14[%add3A_52, %dma_wait3A] : memref<10240x128xf32, #tpu.memory_space<vmem_shared>> -> memref<128x128xf32, #tpu.memory_space<vmem_shared>>
      %dma_wait3A_57 = arith.constant 0 : i32
      %dma_wait3A_58 = tpu.memref_slice %arg14[%add3A_52, %dma_wait3A_57] : memref<10240x128xf32, #tpu.memory_space<vmem_shared>> -> memref<128x128xf32, #tpu.memory_space<vmem_shared>>
      tpu.wait_dma2 semaphore(%run_scoped3A : memref<!tpu.dma_semaphore, #tpu.memory_space<semaphore_mem>>) src(%dma_wait3A_58 : memref<128x128xf32, #tpu.memory_space<vmem_shared>>) dst(%arg12 : memref<128x128xf32, #tpu.memory_space<vmem>>)
      tpu.yield
    }) : () -> ()
    "tpu.region"() ({
      %run_scoped3A = tpu.sem_alloc : memref<!tpu.dma_semaphore, #tpu.memory_space<semaphore_mem>>
      %dma_start3A = arith.constant 0 : i32
      %dma_start3A_53 = tpu.memref_slice %arg7[%arg0, %add3A_52, %dma_start3A] : memref<2x10240x128xf32, #tpu.memory_space<hbm>> -> memref<1x128x128xf32, #tpu.memory_space<hbm>>
      %dma_start3A_54 = tpu.memref_squeeze %dma_start3A_53 : memref<1x128x128xf32, #tpu.memory_space<hbm>> -> memref<128x128xf32, #tpu.memory_space<hbm>>
      %dma_start3A_55 = arith.constant 0 : i32
      %dma_start3A_56 = tpu.memref_slice %arg7[%arg0, %add3A_52, %dma_start3A_55] : memref<2x10240x128xf32, #tpu.memory_space<hbm>> -> memref<1x128x128xf32, #tpu.memory_space<hbm>>
      %dma_start3A_57 = tpu.memref_squeeze %dma_start3A_56 : memref<1x128x128xf32, #tpu.memory_space<hbm>> -> memref<128x128xf32, #tpu.memory_space<hbm>>
      tpu.enqueue_dma source(%arg12 : memref<128x128xf32, #tpu.memory_space<vmem>>) target(%dma_start3A_57 : memref<128x128xf32, #tpu.memory_space<hbm>>) target_semaphore(%run_scoped3A : memref<!tpu.dma_semaphore, #tpu.memory_space<semaphore_mem>>)
      %dma_wait3A = arith.constant 0 : i32
      %dma_wait3A_58 = tpu.memref_slice %arg7[%arg0, %add3A_52, %dma_wait3A] : memref<2x10240x128xf32, #tpu.memory_space<hbm>> -> memref<1x128x128xf32, #tpu.memory_space<hbm>>
      %dma_wait3A_59 = tpu.memref_squeeze %dma_wait3A_58 : memref<1x128x128xf32, #tpu.memory_space<hbm>> -> memref<128x128xf32, #tpu.memory_space<hbm>>
      %dma_wait3A_60 = arith.constant 0 : i32
      %dma_wait3A_61 = tpu.memref_slice %arg7[%arg0, %add3A_52, %dma_wait3A_60] : memref<2x10240x128xf32, #tpu.memory_space<hbm>> -> memref<1x128x128xf32, #tpu.memory_space<hbm>>
      %dma_wait3A_62 = tpu.memref_squeeze %dma_wait3A_61 : memref<1x128x128xf32, #tpu.memory_space<hbm>> -> memref<128x128xf32, #tpu.memory_space<hbm>>
      tpu.wait_dma2 semaphore(%run_scoped3A : memref<!tpu.dma_semaphore, #tpu.memory_space<semaphore_mem>>) src(%arg12 : memref<128x128xf32, #tpu.memory_space<vmem>>) dst(%dma_wait3A_62 : memref<128x128xf32, #tpu.memory_space<hbm>>)
      tpu.yield
    }) : () -> ()
    return
  }
}

module attributes {stable_mosaic.version = 14 : i64} {
  func.func @_transform_body(%arg0: i32, %arg1: i32, %arg2: memref<1000x128xf32, #tpu.memory_space<vmem>>, %arg3: memref<1x128x128xf32, #tpu.memory_space<vmem>>, %arg4: memref<1x1000x128xf32, #tpu.memory_space<vmem>>) attributes {dimension_semantics = [#tpu.dimension_semantics<arbitrary>, #tpu.dimension_semantics<arbitrary>], iteration_bounds = array<i64: 16, 10>, scalar_prefetch = 0 : i64, scratch_operands = 0 : i64, tpu.core_type = #tpu.core_type<tc>, window_params = [{transform_indices = @transform_0, window_bounds = array<i64: 1000, 128>}, {transform_indices = @transform_1, window_bounds = array<i64: 1, 128, 128>}, {transform_indices = @transform_2, window_bounds = array<i64: 1, 1000, 128>}]} {
    %get3A = arith.constant 0 : index
    %get3A_0 = arith.constant 0 : index
    %get3A_1 = vector.load %arg2[%get3A, %get3A_0] : memref<1000x128xf32, #tpu.memory_space<vmem>>, vector<1000x128xf32>
    %get3A_2 = arith.constant 0 : index
    %get3A_3 = arith.constant 0 : index
    %get3A_4 = arith.constant 0 : index
    %get3A_5 = vector.load %arg3[%get3A_2, %get3A_3, %get3A_4] : memref<1x128x128xf32, #tpu.memory_space<vmem>>, vector<1x128x128xf32>
    %get3A_6 = vector.shape_cast %get3A_5 : vector<1x128x128xf32> to vector<128x128xf32>
    %dot_general3A = arith.constant dense<0.000000e+00> : vector<1000x128xf32>
    %dot_general3A_7 = tpu.matmul %get3A_1, %get3A_6, %dot_general3A {dimension_numbers = #tpu.dot_dimension_numbers<[1], [1], [0], [0], [0, 0, 1, 0], [], []>, transpose_lhs_hint = false} : vector<1000x128xf32>, vector<128x128xf32>, vector<1000x128xf32> -> vector<1000x128xf32>
    %swap3A = arith.constant 0 : index
    %swap3A_8 = arith.constant 0 : index
    %swap3A_9 = arith.constant 0 : index
    %swap3A_10 = vector.load %arg4[%swap3A, %swap3A_8, %swap3A_9] : memref<1x1000x128xf32, #tpu.memory_space<vmem>>, vector<1x1000x128xf32>
    %swap3A_11 = vector.shape_cast %swap3A_10 : vector<1x1000x128xf32> to vector<1000x128xf32>
    %swap3A_12 = vector.shape_cast %dot_general3A_7 : vector<1000x128xf32> to vector<1x1000x128xf32>
    tpu.vector_store %arg4[%swap3A, %swap3A_8, %swap3A_9], %swap3A_12 {strides = array<i32>} : memref<1x1000x128xf32, #tpu.memory_space<vmem>>, vector<1x1000x128xf32>,
    return
  }
  func.func @transform_0(%arg0: i32, %arg1: i32) -> (i32, i32) {
    %c0_i32 = arith.constant 0 : i32
    %c0_i32_0 = arith.constant 0 : i32
    return %arg1, %c0_i32 : i32, i32
  }
  func.func @transform_1(%arg0: i32, %arg1: i32) -> (i32, i32, i32) {
    %c0_i32 = arith.constant 0 : i32
    %c0_i32_0 = arith.constant 0 : i32
    %c0_i32_1 = arith.constant 0 : i32
    return %arg0, %c0_i32, %c0_i32_0 : i32, i32, i32
  }
  func.func @transform_2(%arg0: i32, %arg1: i32) -> (i32, i32, i32) {
    %c0_i32 = arith.constant 0 : i32
    %c0_i32_0 = arith.constant 0 : i32
    return %arg0, %arg1, %c0_i32 : i32, i32, i32
  }
}

module attributes {stable_mosaic.version = 14 : i64} {
  func.func @_score_body(%arg0: i32, %arg1: memref<5120x128xf32, #tpu.memory_space<vmem>>, %arg2: memref<5120x128xf32, #tpu.memory_space<vmem>>, %arg3: memref<1x5120xi32, #tpu.memory_space<vmem>>, %arg4: memref<1x5120xi32, #tpu.memory_space<vmem>>, %arg5: memref<16x128xf32, #tpu.memory_space<vmem>>, %arg6: memref<1x5120xf32, #tpu.memory_space<vmem>>, %arg7: memref<1x5120xf32, #tpu.memory_space<vmem>>, %arg8: memref<1x5120xi32, #tpu.memory_space<vmem>>) attributes {dimension_semantics = [#tpu.dimension_semantics<arbitrary>], iteration_bounds = array<i64: 32>, scalar_prefetch = 0 : i64, scratch_operands = 0 : i64, tpu.core_type = #tpu.core_type<tc>, window_params = [{transform_indices = @transform_0, window_bounds = array<i64: 5120, 128>}, {transform_indices = @transform_1, window_bounds = array<i64: 5120, 128>}, {transform_indices = @transform_2, window_bounds = array<i64: 1, 5120>}, {transform_indices = @transform_3, window_bounds = array<i64: 1, 5120>}, {pipeline_mode = #tpu.pipeline_mode<synchronous>, transform_indices = @transform_4, window_bounds = array<i64: 16, 128>}, {transform_indices = @transform_5, window_bounds = array<i64: 1, 5120>}, {transform_indices = @transform_6, window_bounds = array<i64: 1, 5120>}, {transform_indices = @transform_7, window_bounds = array<i64: 1, 5120>}]} {
    %get3A = arith.constant 0 : index
    %get3A_0 = arith.constant 0 : index
    %get3A_1 = vector.load %arg3[%get3A, %get3A_0] : memref<1x5120xi32, #tpu.memory_space<vmem>>, vector<1x5120xi32>
    %get3A_2 = vector.shape_cast %get3A_1 : vector<1x5120xi32> to vector<5120xi32>
    %broadcast_in_dim3A = vector.shape_cast %get3A_2 : vector<5120xi32> to vector<5120x1xi32>
    %iota3A = tpu.iota {dimensions = array<i32: 1>} : vector<1x16xi32>
    %eq3A = vector.broadcast %broadcast_in_dim3A : vector<5120x1xi32> to vector<5120x16xi32>
    %eq3A_3 = vector.broadcast %iota3A : vector<1x16xi32> to vector<5120x16xi32>
    %eq3A_4 = arith.cmpi eq, %eq3A, %eq3A_3 : vector<5120x16xi32>
    %convert_element_type3A = arith.extui %eq3A_4 : vector<5120x16xi1> to vector<5120x16xi32>
    %convert_element_type3A_5 = arith.sitofp %convert_element_type3A : vector<5120x16xi32> to vector<5120x16xf32>
    %get3A_6 = arith.constant 0 : index
    %get3A_7 = arith.constant 0 : index
    %get3A_8 = vector.load %arg5[%get3A_6, %get3A_7] : memref<16x128xf32, #tpu.memory_space<vmem>>, vector<16x128xf32>
    %dot_general3A = arith.constant dense<0.000000e+00> : vector<5120x128xf32>
    %dot_general3A_9 = tpu.matmul %convert_element_type3A_5, %get3A_8, %dot_general3A {dimension_numbers = #tpu.dot_dimension_numbers<[1], [0], [0], [1], [0, 0, 1, 1], [], []>, precision = #tpu.contract_precision<fp32>, transpose_lhs_hint = false} : vector<5120x16xf32>, vector<16x128xf32>, vector<5120x128xf32> -> vector<5120x128xf32>
    %get3A_10 = arith.constant 0 : index
    %get3A_11 = arith.constant 0 : index
    %get3A_12 = vector.load %arg1[%get3A_10, %get3A_11] : memref<5120x128xf32, #tpu.memory_space<vmem>>, vector<5120x128xf32>
    %add3A = arith.addf %get3A_12, %dot_general3A_9 : vector<5120x128xf32>
    %tanh3A = math.tanh %add3A : vector<5120x128xf32>
    %get3A_13 = arith.constant 0 : index
    %get3A_14 = arith.constant 0 : index
    %get3A_15 = vector.load %arg2[%get3A_13, %get3A_14] : memref<5120x128xf32, #tpu.memory_space<vmem>>, vector<5120x128xf32>
    %mul3A = arith.mulf %get3A_15, %tanh3A : vector<5120x128xf32>
    %reduce_sum3A = arith.constant dense<0.000000e+00> : vector<5120xf32>
    %reduce_sum3A_16 = vector.multi_reduction <add>, %mul3A, %reduce_sum3A [1] : vector<5120x128xf32> to vector<5120xf32>
    %mul3A_17 = arith.constant 5120 : i32
    %mul3A_18 = arith.muli %arg0, %mul3A_17 : i32
    %iota3A_19 = tpu.iota {dimensions = array<i32: 1>} : vector<1x5120xi32>
    %squeeze3A = vector.shape_cast %iota3A_19 : vector<1x5120xi32> to vector<5120xi32>
    %add3A_20 = vector.broadcast %mul3A_18 : i32 to vector<5120xi32>
    %add3A_21 = arith.addi %add3A_20, %squeeze3A : vector<5120xi32>
    %lt3A = arith.constant 160000 : i32
    %lt3A_22 = vector.broadcast %lt3A : i32 to vector<5120xi32>
    %lt3A_23 = arith.cmpi slt, %add3A_21, %lt3A_22 : vector<5120xi32>
    %jit3A = arith.constant -1.000000e+30 : f32
    %broadcast_in_dim3A_24 = vector.broadcast %jit3A : f32 to vector<5120xf32>
    %select_n3A = arith.select %lt3A_23, %reduce_sum3A_16, %broadcast_in_dim3A_24 : vector<5120xi1>, vector<5120xf32>
    %swap3A = arith.constant 0 : index
    %swap3A_25 = arith.constant 0 : index
    %swap3A_26 = vector.load %arg6[%swap3A, %swap3A_25] : memref<1x5120xf32, #tpu.memory_space<vmem>>, vector<1x5120xf32>
    %swap3A_27 = vector.shape_cast %swap3A_26 : vector<1x5120xf32> to vector<5120xf32>
    %swap3A_28 = vector.shape_cast %select_n3A : vector<5120xf32> to vector<1x5120xf32>
    tpu.vector_store %arg6[%swap3A, %swap3A_25], %swap3A_28 {strides = array<i32>} : memref<1x5120xf32, #tpu.memory_space<vmem>>, vector<1x5120xf32>,
    %mul3A_29 = arith.constant 1.44269502 : f32
    %mul3A_30 = vector.broadcast %mul3A_29 : f32 to vector<5120xf32>
    %mul3A_31 = arith.mulf %select_n3A, %mul3A_30 : vector<5120xf32>
    %mul3A_32 = arith.constant 3.125000e-02 : f32
    %mul3A_33 = vector.broadcast %mul3A_32 : f32 to vector<5120xf32>
    %mul3A_34 = arith.mulf %mul3A_31, %mul3A_33 : vector<5120xf32>
    %floor3A = math.floor %mul3A_34 : vector<5120xf32>
    %jit3A_35 = arith.constant -8.000000e+00 : f32
    %jit3A_36 = arith.constant 7.000000e+00 : f32
    %max3A = vector.broadcast %jit3A_35 : f32 to vector<5120xf32>
    %max3A_37 = arith.maximumf %max3A, %floor3A : vector<5120xf32>
    %min3A = vector.broadcast %jit3A_36 : f32 to vector<5120xf32>
    %min3A_38 = arith.minimumf %min3A, %max3A_37 : vector<5120xf32>
    %mul3A_39 = arith.constant 3.200000e+01 : f32
    %mul3A_40 = vector.broadcast %mul3A_39 : f32 to vector<5120xf32>
    %mul3A_41 = arith.mulf %mul3A_40, %min3A_38 : vector<5120xf32>
    %sub3A = arith.subf %mul3A_31, %mul3A_41 : vector<5120xf32>
    %exp23A = math.exp2 %sub3A : vector<5120xf32>
    %swap3A_42 = arith.constant 0 : index
    %swap3A_43 = arith.constant 0 : index
    %swap3A_44 = vector.load %arg7[%swap3A_42, %swap3A_43] : memref<1x5120xf32, #tpu.memory_space<vmem>>, vector<1x5120xf32>
    %swap3A_45 = vector.shape_cast %swap3A_44 : vector<1x5120xf32> to vector<5120xf32>
    %swap3A_46 = vector.shape_cast %exp23A : vector<5120xf32> to vector<1x5120xf32>
    tpu.vector_store %arg7[%swap3A_42, %swap3A_43], %swap3A_46 {strides = array<i32>} : memref<1x5120xf32, #tpu.memory_space<vmem>>, vector<1x5120xf32>,
    %convert_element_type3A_47 = arith.fptosi %min3A_38 : vector<5120xf32> to vector<5120xi32>
    %add3A_48 = arith.constant 8 : i32
    %add3A_49 = vector.broadcast %add3A_48 : i32 to vector<5120xi32>
    %add3A_50 = arith.addi %convert_element_type3A_47, %add3A_49 : vector<5120xi32>
    %mul3A_51 = arith.constant 10000 : i32
    %mul3A_52 = vector.broadcast %mul3A_51 : i32 to vector<5120xi32>
    %mul3A_53 = arith.muli %add3A_50, %mul3A_52 : vector<5120xi32>
    %get3A_54 = arith.constant 0 : index
    %get3A_55 = arith.constant 0 : index
    %get3A_56 = vector.load %arg4[%get3A_54, %get3A_55] : memref<1x5120xi32, #tpu.memory_space<vmem>>, vector<1x5120xi32>
    %get3A_57 = vector.shape_cast %get3A_56 : vector<1x5120xi32> to vector<5120xi32>
    %add3A_58 = arith.addi %mul3A_53, %get3A_57 : vector<5120xi32>
    %swap3A_59 = arith.constant 0 : index
    %swap3A_60 = arith.constant 0 : index
    %swap3A_61 = vector.load %arg8[%swap3A_59, %swap3A_60] : memref<1x5120xi32, #tpu.memory_space<vmem>>, vector<1x5120xi32>
    %swap3A_62 = vector.shape_cast %swap3A_61 : vector<1x5120xi32> to vector<5120xi32>
    %swap3A_63 = vector.shape_cast %add3A_58 : vector<5120xi32> to vector<1x5120xi32>
    tpu.vector_store %arg8[%swap3A_59, %swap3A_60], %swap3A_63 {strides = array<i32>} : memref<1x5120xi32, #tpu.memory_space<vmem>>, vector<1x5120xi32>,
    return
  }
  func.func @transform_0(%arg0: i32) -> (i32, i32) {
    %c0_i32 = arith.constant 0 : i32
    %c0_i32_0 = arith.constant 0 : i32
    return %arg0, %c0_i32 : i32, i32
  }
  func.func @transform_1(%arg0: i32) -> (i32, i32) {
    %c0_i32 = arith.constant 0 : i32
    %c0_i32_0 = arith.constant 0 : i32
    return %arg0, %c0_i32 : i32, i32
  }
  func.func @transform_2(%arg0: i32) -> (i32, i32) {
    %c0_i32 = arith.constant 0 : i32
    %c0_i32_0 = arith.constant 0 : i32
    return %c0_i32, %arg0 : i32, i32
  }
  func.func @transform_3(%arg0: i32) -> (i32, i32) {
    %c0_i32 = arith.constant 0 : i32
    %c0_i32_0 = arith.constant 0 : i32
    return %c0_i32, %arg0 : i32, i32
  }
  func.func @transform_4(%arg0: i32) -> (i32, i32) {
    %c0_i32 = arith.constant 0 : i32
    %c0_i32_0 = arith.constant 0 : i32
    %c0_i32_1 = arith.constant 0 : i32
    return %c0_i32, %c0_i32_0 : i32, i32
  }
  func.func @transform_5(%arg0: i32) -> (i32, i32) {
    %c0_i32 = arith.constant 0 : i32
    %c0_i32_0 = arith.constant 0 : i32
    return %c0_i32, %arg0 : i32, i32
  }
  func.func @transform_6(%arg0: i32) -> (i32, i32) {
    %c0_i32 = arith.constant 0 : i32
    %c0_i32_0 = arith.constant 0 : i32
    return %c0_i32, %arg0 : i32, i32
  }
  func.func @transform_7(%arg0: i32) -> (i32, i32) {
    %c0_i32 = arith.constant 0 : i32
    %c0_i32_0 = arith.constant 0 : i32
    return %c0_i32, %arg0 : i32, i32
  }
}

module attributes {stable_mosaic.version = 14 : i64} {
  func.func @_lse_body(%arg0: memref<2x16x10000xf32, #tpu.memory_space<vmem>>, %arg1: memref<1x10000xf32, #tpu.memory_space<vmem>>) attributes {dimension_semantics = [], scalar_prefetch = 0 : i64, scratch_operands = 0 : i64, tpu.core_type = #tpu.core_type<tc>} {
    %get3A = arith.constant 0 : index
    %get3A_0 = arith.constant 0 : index
    %get3A_1 = arith.constant 0 : index
    %get3A_2 = vector.load %arg0[%get3A, %get3A_0, %get3A_1] : memref<2x16x10000xf32, #tpu.memory_space<vmem>>, vector<1x16x10000xf32>
    %get3A_3 = vector.shape_cast %get3A_2 : vector<1x16x10000xf32> to vector<16x10000xf32>
    %get3A_4 = arith.constant 1 : index
    %get3A_5 = arith.constant 0 : index
    %get3A_6 = arith.constant 0 : index
    %get3A_7 = vector.load %arg0[%get3A_4, %get3A_5, %get3A_6] : memref<2x16x10000xf32, #tpu.memory_space<vmem>>, vector<1x16x10000xf32>
    %get3A_8 = vector.shape_cast %get3A_7 : vector<1x16x10000xf32> to vector<16x10000xf32>
    %add3A = arith.addf %get3A_3, %get3A_8 : vector<16x10000xf32>
    %iota3A = tpu.iota {dimensions = array<i32: 0>} : vector<16x10000xi32>
    %convert_element_type3A = arith.sitofp %iota3A : vector<16x10000xi32> to vector<16x10000xf32>
    %gt3A = arith.constant 0.000000e+00 : f32
    %gt3A_9 = vector.broadcast %gt3A : f32 to vector<16x10000xf32>
    %gt3A_10 = arith.cmpf ogt, %add3A, %gt3A_9 : vector<16x10000xf32>
    %jit3A = arith.constant -1.000000e+00 : f32
    %broadcast_in_dim3A = vector.broadcast %jit3A : f32 to vector<16x10000xf32>
    %select_n3A = arith.select %gt3A_10, %convert_element_type3A, %broadcast_in_dim3A : vector<16x10000xi1>, vector<16x10000xf32>
    %reduce_max3A = arith.constant dense<0xFF800000> : vector<10000xf32>
    %reduce_max3A_11 = vector.multi_reduction <maximumf>, %select_n3A, %reduce_max3A [0] : vector<16x10000xf32> to vector<10000xf32>
    %broadcast_in_dim3A_12 = vector.shape_cast %reduce_max3A_11 : vector<10000xf32> to vector<1x10000xf32>
    %sub3A = vector.broadcast %broadcast_in_dim3A_12 : vector<1x10000xf32> to vector<16x10000xf32>
    %sub3A_13 = arith.subf %convert_element_type3A, %sub3A : vector<16x10000xf32>
    %jit3A_14 = arith.constant -2.000000e+00 : f32
    %jit3A_15 = arith.constant 0.000000e+00 : f32
    %max3A = vector.broadcast %jit3A_14 : f32 to vector<16x10000xf32>
    %max3A_16 = arith.maximumf %max3A, %sub3A_13 : vector<16x10000xf32>
    %min3A = vector.broadcast %jit3A_15 : f32 to vector<16x10000xf32>
    %min3A_17 = arith.minimumf %min3A, %max3A_16 : vector<16x10000xf32>
    %mul3A = arith.constant 3.200000e+01 : f32
    %mul3A_18 = vector.broadcast %mul3A : f32 to vector<16x10000xf32>
    %mul3A_19 = arith.mulf %mul3A_18, %min3A_17 : vector<16x10000xf32>
    %exp23A = math.exp2 %mul3A_19 : vector<16x10000xf32>
    %mul3A_20 = arith.mulf %add3A, %exp23A : vector<16x10000xf32>
    %reduce_sum3A = arith.constant dense<0.000000e+00> : vector<10000xf32>
    %reduce_sum3A_21 = vector.multi_reduction <add>, %mul3A_20, %reduce_sum3A [0] : vector<16x10000xf32> to vector<10000xf32>
    %ge3A = arith.constant 0.000000e+00 : f32
    %ge3A_22 = vector.broadcast %ge3A : f32 to vector<10000xf32>
    %ge3A_23 = arith.cmpf oge, %reduce_max3A_11, %ge3A_22 : vector<10000xf32>
    %sub3A_24 = arith.constant 8.000000e+00 : f32
    %sub3A_25 = vector.broadcast %sub3A_24 : f32 to vector<10000xf32>
    %sub3A_26 = arith.subf %reduce_max3A_11, %sub3A_25 : vector<10000xf32>
    %mul3A_27 = arith.constant 22.1807098 : f32
    %mul3A_28 = vector.broadcast %mul3A_27 : f32 to vector<10000xf32>
    %mul3A_29 = arith.mulf %mul3A_28, %sub3A_26 : vector<10000xf32>
    %max3A_30 = arith.constant 9.99999935E-39 : f32
    %max3A_31 = vector.broadcast %max3A_30 : f32 to vector<10000xf32>
    %max3A_32 = arith.maximumf %reduce_sum3A_21, %max3A_31 : vector<10000xf32>
    %log3A = math.log %max3A_32 : vector<10000xf32>
    %add3A_33 = arith.addf %mul3A_29, %log3A : vector<10000xf32>
    %jit3A_34 = arith.constant 0.000000e+00 : f32
    %broadcast_in_dim3A_35 = vector.broadcast %jit3A_34 : f32 to vector<10000xf32>
    %select_n3A_36 = arith.select %ge3A_23, %add3A_33, %broadcast_in_dim3A_35 : vector<10000xi1>, vector<10000xf32>
    %swap3A = arith.constant 0 : index
    %swap3A_37 = arith.constant 0 : index
    %swap3A_38 = vector.load %arg1[%swap3A, %swap3A_37] : memref<1x10000xf32, #tpu.memory_space<vmem>>, vector<1x10000xf32>
    %swap3A_39 = vector.shape_cast %swap3A_38 : vector<1x10000xf32> to vector<10000xf32>
    %swap3A_40 = vector.shape_cast %select_n3A_36 : vector<10000xf32> to vector<1x10000xf32>
    tpu.vector_store %arg1[%swap3A, %swap3A_37], %swap3A_40 {strides = array<i32>} : memref<1x10000xf32, #tpu.memory_space<vmem>>, vector<1x10000xf32>,
    return
  }
}

module attributes {stable_mosaic.version = 14 : i64} {
  func.func @_linear_body(%arg0: i32, %arg1: memref<1x1000x128xf32, #tpu.memory_space<vmem>>, %arg2: memref<1x1000x128xf32, #tpu.memory_space<vmem>>, %arg3: memref<128x128xf32, #tpu.memory_space<vmem>>, %arg4: memref<1x128xf32, #tpu.memory_space<vmem>>, %arg5: memref<1000x128xf32, #tpu.memory_space<vmem>>) attributes {dimension_semantics = [#tpu.dimension_semantics<arbitrary>], iteration_bounds = array<i64: 10>, scalar_prefetch = 0 : i64, scratch_operands = 0 : i64, tpu.core_type = #tpu.core_type<tc>, window_params = [{transform_indices = @transform_0, window_bounds = array<i64: 1, 1000, 128>}, {transform_indices = @transform_1, window_bounds = array<i64: 1, 1000, 128>}, {pipeline_mode = #tpu.pipeline_mode<synchronous>, transform_indices = @transform_2, window_bounds = array<i64: 128, 128>}, {pipeline_mode = #tpu.pipeline_mode<synchronous>, transform_indices = @transform_3, window_bounds = array<i64: 1, 128>}, {transform_indices = @transform_4, window_bounds = array<i64: 1000, 128>}]} {
    %get3A = arith.constant 0 : index
    %get3A_0 = arith.constant 0 : index
    %get3A_1 = arith.constant 0 : index
    %get3A_2 = vector.load %arg1[%get3A, %get3A_0, %get3A_1] : memref<1x1000x128xf32, #tpu.memory_space<vmem>>, vector<1x1000x128xf32>
    %get3A_3 = vector.shape_cast %get3A_2 : vector<1x1000x128xf32> to vector<1000x128xf32>
    %get3A_4 = arith.constant 0 : index
    %get3A_5 = arith.constant 0 : index
    %get3A_6 = arith.constant 0 : index
    %get3A_7 = vector.load %arg2[%get3A_4, %get3A_5, %get3A_6] : memref<1x1000x128xf32, #tpu.memory_space<vmem>>, vector<1x1000x128xf32>
    %get3A_8 = vector.shape_cast %get3A_7 : vector<1x1000x128xf32> to vector<1000x128xf32>
    %add3A = arith.addf %get3A_3, %get3A_8 : vector<1000x128xf32>
    %get3A_9 = arith.constant 0 : index
    %get3A_10 = arith.constant 0 : index
    %get3A_11 = vector.load %arg3[%get3A_9, %get3A_10] : memref<128x128xf32, #tpu.memory_space<vmem>>, vector<128x128xf32>
    %dot_general3A = arith.constant dense<0.000000e+00> : vector<1000x128xf32>
    %dot_general3A_12 = tpu.matmul %add3A, %get3A_11, %dot_general3A {dimension_numbers = #tpu.dot_dimension_numbers<[1], [1], [0], [0], [0, 0, 1, 0], [], []>, transpose_lhs_hint = false} : vector<1000x128xf32>, vector<128x128xf32>, vector<1000x128xf32> -> vector<1000x128xf32>
    %get3A_13 = arith.constant 0 : index
    %get3A_14 = arith.constant 0 : index
    %get3A_15 = vector.load %arg4[%get3A_13, %get3A_14] : memref<1x128xf32, #tpu.memory_space<vmem>>, vector<1x128xf32>
    %add3A_16 = vector.broadcast %get3A_15 : vector<1x128xf32> to vector<1000x128xf32>
    %add3A_17 = arith.addf %dot_general3A_12, %add3A_16 : vector<1000x128xf32>
    %max3A = arith.constant 0.000000e+00 : f32
    %max3A_18 = vector.broadcast %max3A : f32 to vector<1000x128xf32>
    %max3A_19 = arith.maximumf %add3A_17, %max3A_18 : vector<1000x128xf32>
    %swap3A = arith.constant 0 : index
    %swap3A_20 = arith.constant 0 : index
    %swap3A_21 = vector.load %arg5[%swap3A, %swap3A_20] : memref<1000x128xf32, #tpu.memory_space<vmem>>, vector<1000x128xf32>
    tpu.vector_store %arg5[%swap3A, %swap3A_20], %max3A_19 {strides = array<i32>} : memref<1000x128xf32, #tpu.memory_space<vmem>>, vector<1000x128xf32>,
    return
  }
  func.func @transform_0(%arg0: i32) -> (i32, i32, i32) {
    %c0_i32 = arith.constant 0 : i32
    %c0_i32_0 = arith.constant 0 : i32
    %c0_i32_1 = arith.constant 0 : i32
    return %c0_i32, %arg0, %c0_i32_0 : i32, i32, i32
  }
  func.func @transform_1(%arg0: i32) -> (i32, i32, i32) {
    %c1_i32 = arith.constant 1 : i32
    %c0_i32 = arith.constant 0 : i32
    %c0_i32_0 = arith.constant 0 : i32
    return %c1_i32, %arg0, %c0_i32 : i32, i32, i32
  }
  func.func @transform_2(%arg0: i32) -> (i32, i32) {
    %c0_i32 = arith.constant 0 : i32
    %c0_i32_0 = arith.constant 0 : i32
    %c0_i32_1 = arith.constant 0 : i32
    return %c0_i32, %c0_i32_0 : i32, i32
  }
  func.func @transform_3(%arg0: i32) -> (i32, i32) {
    %c0_i32 = arith.constant 0 : i32
    %c0_i32_0 = arith.constant 0 : i32
    %c0_i32_1 = arith.constant 0 : i32
    return %c0_i32, %c0_i32_0 : i32, i32
  }
  func.func @transform_4(%arg0: i32) -> (i32, i32) {
    %c0_i32 = arith.constant 0 : i32
    %c0_i32_0 = arith.constant 0 : i32
    return %arg0, %c0_i32 : i32, i32
  }
}

module attributes {stable_mosaic.version = 14 : i64} {
  func.func @_head_body(%arg0: memref<10000x384xf32, #tpu.memory_space<vmem>>, %arg1: memref<1x10000xi32, #tpu.memory_space<vmem>>, %arg2: memref<1x384xf32, #tpu.memory_space<vmem>>, %arg3: memref<1x384xf32, #tpu.memory_space<vmem>>, %arg4: memref<384x384xf32, #tpu.memory_space<vmem>>, %arg5: memref<1x384xf32, #tpu.memory_space<vmem>>, %arg6: memref<384x384xf32, #tpu.memory_space<vmem>>, %arg7: memref<1x384xf32, #tpu.memory_space<vmem>>, %arg8: memref<256x384xf32, #tpu.memory_space<vmem>>) attributes {dimension_semantics = [], scalar_prefetch = 0 : i64, scratch_operands = 0 : i64, tpu.core_type = #tpu.core_type<tc>} {
    %get3A = arith.constant 0 : index
    %get3A_0 = arith.constant 0 : index
    %get3A_1 = vector.load %arg1[%get3A, %get3A_0] : memref<1x10000xi32, #tpu.memory_space<vmem>>, vector<1x10000xi32>
    %get3A_2 = vector.shape_cast %get3A_1 : vector<1x10000xi32> to vector<10000xi32>
    %broadcast_in_dim3A = vector.shape_cast %get3A_2 : vector<10000xi32> to vector<10000x1xi32>
    %iota3A = tpu.iota {dimensions = array<i32: 1>} : vector<1x256xi32>
    %eq3A = vector.broadcast %broadcast_in_dim3A : vector<10000x1xi32> to vector<10000x256xi32>
    %eq3A_3 = vector.broadcast %iota3A : vector<1x256xi32> to vector<10000x256xi32>
    %eq3A_4 = arith.cmpi eq, %eq3A, %eq3A_3 : vector<10000x256xi32>
    %convert_element_type3A = arith.extui %eq3A_4 : vector<10000x256xi1> to vector<10000x256xi32>
    %convert_element_type3A_5 = arith.sitofp %convert_element_type3A : vector<10000x256xi32> to vector<10000x256xf32>
    %get3A_6 = arith.constant 0 : index
    %get3A_7 = arith.constant 0 : index
    %get3A_8 = vector.load %arg0[%get3A_6, %get3A_7] : memref<10000x384xf32, #tpu.memory_space<vmem>>, vector<10000x384xf32>
    %dot_general3A = arith.constant dense<0.000000e+00> : vector<256x384xf32>
    %dot_general3A_9 = tpu.matmul %convert_element_type3A_5, %get3A_8, %dot_general3A {dimension_numbers = #tpu.dot_dimension_numbers<[0], [0], [1], [1], [0, 1, 1, 1], [], []>, precision = #tpu.contract_precision<fp32>, transpose_lhs_hint = false} : vector<10000x256xf32>, vector<10000x384xf32>, vector<256x384xf32> -> vector<256x384xf32>
    %reduce_sum3A = arith.constant dense<0.000000e+00> : vector<256xf32>
    %reduce_sum3A_10 = vector.multi_reduction <add>, %convert_element_type3A_5, %reduce_sum3A [0] : vector<10000x256xf32> to vector<256xf32>
    %max3A = arith.constant 1.000000e+00 : f32
    %max3A_11 = vector.broadcast %max3A : f32 to vector<256xf32>
    %max3A_12 = arith.maximumf %reduce_sum3A_10, %max3A_11 : vector<256xf32>
    %broadcast_in_dim3A_13 = vector.shape_cast %max3A_12 : vector<256xf32> to vector<256x1xf32>
    %div3A = vector.broadcast %broadcast_in_dim3A_13 : vector<256x1xf32> to vector<256x384xf32>
    %div3A_14 = arith.divf %dot_general3A_9, %div3A : vector<256x384xf32>
    %reduce_sum3A_15 = arith.constant dense<0.000000e+00> : vector<384xf32>
    %reduce_sum3A_16 = vector.multi_reduction <add>, %div3A_14, %reduce_sum3A_15 [0] : vector<256x384xf32> to vector<384xf32>
    %broadcast_in_dim3A_17 = vector.shape_cast %reduce_sum3A_16 : vector<384xf32> to vector<1x384xf32>
    %div3A_18 = arith.constant 2.560000e+02 : f32
    %div3A_19 = vector.broadcast %div3A_18 : f32 to vector<1x384xf32>
    %div3A_20 = arith.divf %broadcast_in_dim3A_17, %div3A_19 : vector<1x384xf32>
    %sub3A = vector.broadcast %div3A_20 : vector<1x384xf32> to vector<256x384xf32>
    %sub3A_21 = arith.subf %div3A_14, %sub3A : vector<256x384xf32>
    %square3A = arith.mulf %sub3A_21, %sub3A_21 : vector<256x384xf32>
    %reduce_sum3A_22 = arith.constant dense<0.000000e+00> : vector<384xf32>
    %reduce_sum3A_23 = vector.multi_reduction <add>, %square3A, %reduce_sum3A_22 [0] : vector<256x384xf32> to vector<384xf32>
    %broadcast_in_dim3A_24 = vector.shape_cast %reduce_sum3A_23 : vector<384xf32> to vector<1x384xf32>
    %div3A_25 = arith.constant 2.560000e+02 : f32
    %div3A_26 = vector.broadcast %div3A_25 : f32 to vector<1x384xf32>
    %div3A_27 = arith.divf %broadcast_in_dim3A_24, %div3A_26 : vector<1x384xf32>
    %sub3A_28 = vector.broadcast %div3A_20 : vector<1x384xf32> to vector<256x384xf32>
    %sub3A_29 = arith.subf %div3A_14, %sub3A_28 : vector<256x384xf32>
    %add3A = arith.constant 9.99999974E-6 : f32
    %add3A_30 = vector.broadcast %add3A : f32 to vector<1x384xf32>
    %add3A_31 = arith.addf %div3A_27, %add3A_30 : vector<1x384xf32>
    %rsqrt3A = math.rsqrt %add3A_31 : vector<1x384xf32>
    %mul3A = vector.broadcast %rsqrt3A : vector<1x384xf32> to vector<256x384xf32>
    %mul3A_32 = arith.mulf %sub3A_29, %mul3A : vector<256x384xf32>
    %get3A_33 = arith.constant 0 : index
    %get3A_34 = arith.constant 0 : index
    %get3A_35 = vector.load %arg2[%get3A_33, %get3A_34] : memref<1x384xf32, #tpu.memory_space<vmem>>, vector<1x384xf32>
    %mul3A_36 = vector.broadcast %get3A_35 : vector<1x384xf32> to vector<256x384xf32>
    %mul3A_37 = arith.mulf %mul3A_32, %mul3A_36 : vector<256x384xf32>
    %get3A_38 = arith.constant 0 : index
    %get3A_39 = arith.constant 0 : index
    %get3A_40 = vector.load %arg3[%get3A_38, %get3A_39] : memref<1x384xf32, #tpu.memory_space<vmem>>, vector<1x384xf32>
    %add3A_41 = vector.broadcast %get3A_40 : vector<1x384xf32> to vector<256x384xf32>
    %add3A_42 = arith.addf %mul3A_37, %add3A_41 : vector<256x384xf32>
    %get3A_43 = arith.constant 0 : index
    %get3A_44 = arith.constant 0 : index
    %get3A_45 = vector.load %arg4[%get3A_43, %get3A_44] : memref<384x384xf32, #tpu.memory_space<vmem>>, vector<384x384xf32>
    %dot_general3A_46 = arith.constant dense<0.000000e+00> : vector<256x384xf32>
    %dot_general3A_47 = tpu.matmul %add3A_42, %get3A_45, %dot_general3A_46 {dimension_numbers = #tpu.dot_dimension_numbers<[1], [1], [0], [0], [0, 0, 1, 0], [], []>, transpose_lhs_hint = false} : vector<256x384xf32>, vector<384x384xf32>, vector<256x384xf32> -> vector<256x384xf32>
    %get3A_48 = arith.constant 0 : index
    %get3A_49 = arith.constant 0 : index
    %get3A_50 = vector.load %arg5[%get3A_48, %get3A_49] : memref<1x384xf32, #tpu.memory_space<vmem>>, vector<1x384xf32>
    %add3A_51 = vector.broadcast %get3A_50 : vector<1x384xf32> to vector<256x384xf32>
    %add3A_52 = arith.addf %dot_general3A_47, %add3A_51 : vector<256x384xf32>
    %max3A_53 = arith.constant 0.000000e+00 : f32
    %max3A_54 = vector.broadcast %max3A_53 : f32 to vector<256x384xf32>
    %max3A_55 = arith.maximumf %add3A_52, %max3A_54 : vector<256x384xf32>
    %get3A_56 = arith.constant 0 : index
    %get3A_57 = arith.constant 0 : index
    %get3A_58 = vector.load %arg6[%get3A_56, %get3A_57] : memref<384x384xf32, #tpu.memory_space<vmem>>, vector<384x384xf32>
    %dot_general3A_59 = arith.constant dense<0.000000e+00> : vector<256x384xf32>
    %dot_general3A_60 = tpu.matmul %max3A_55, %get3A_58, %dot_general3A_59 {dimension_numbers = #tpu.dot_dimension_numbers<[1], [1], [0], [0], [0, 0, 1, 0], [], []>, transpose_lhs_hint = false} : vector<256x384xf32>, vector<384x384xf32>, vector<256x384xf32> -> vector<256x384xf32>
    %get3A_61 = arith.constant 0 : index
    %get3A_62 = arith.constant 0 : index
    %get3A_63 = vector.load %arg7[%get3A_61, %get3A_62] : memref<1x384xf32, #tpu.memory_space<vmem>>, vector<1x384xf32>
    %add3A_64 = vector.broadcast %get3A_63 : vector<1x384xf32> to vector<256x384xf32>
    %add3A_65 = arith.addf %dot_general3A_60, %add3A_64 : vector<256x384xf32>
    %swap3A = arith.constant 0 : index
    %swap3A_66 = arith.constant 0 : index
    %swap3A_67 = vector.load %arg8[%swap3A, %swap3A_66] : memref<256x384xf32, #tpu.memory_space<vmem>>, vector<256x384xf32>
    tpu.vector_store %arg8[%swap3A, %swap3A_66], %add3A_65 {strides = array<i32>} : memref<256x384xf32, #tpu.memory_space<vmem>>, vector<256x384xf32>,
    return
  }
}

</mosaic_0001>

<sc_bundles>
// kernel: kernel.17.cloned.1.call-start
scs
__scs_entry_jumppad:
0x0: {  	(pc) =	sbr.rel $0x88, $3  }
0x1: {  	(tag) =	ssettag $0x0;
	lr =	simm.s32 $0x1  }
0x2: {  	[smem:$0x3F8D] =	sst lr;
	_ =	strace $0xD0000000  }
0x3: {  	_ = 	snop  }
0x4: {  	_ = 	snop  }
0x5: {  	_ = 	snop  }
0x6: {  	_ = 	snop  }
0x7: {  	_ = 	snop  }
__scs_overlays_trampoline_lowered:
0x8: {  	[smem:$0x3F9C] =	sst s0  }
0x9: {  	[smem:$0x3F9D] =	sst s1  }
0xa: {  	[smem:$0x3F9E] =	sst s2  }
0xb: {  	[smem:$0x3F9F] =	sst s3  }
0xc: {  	[smem:$0x3FA0] =	sst s4  }
0xd: {  	[smem:$0x3FA1] =	sst s5  }
0xe: {  	[smem:$0x3FA2] =	sst s6  }
0xf: {  	[smem:$0x3FA3] =	sst s7  }
0x10: {  	[smem:$0x3FA4] =	sst s8  }
0x11: {  	[smem:$0x3FA5] =	sst s9;
	s0 =	simm.s32 @!p0 $0x0  }
0x12: {  	s1 =	sld [smem:$0x3F8B];
	s0 =	simm.s32 @p0 $0x1  }
0x13: {  	[smem:$0x3FA6] =	sst s0;
	s0 =	simm.s32 @!p1 $0x0  }
0x14: {  	s2 =	sld [smem:$0x3F8A];
	s0 =	simm.s32 @p1 $0x1  }
0x15: {  	[smem:$0x3FA7] =	sst s0;
	s0 =	simm.s32 @!p2 $0x0  }
0x16: {  	s3 =	sld [smem:$0x3FDB];
	s0 =	simm.s32 @p2 $0x1  }
0x17: {  	s4 =	simm.s32 $0x1BF5;
	[smem:$0x3FA9] =	sst s0  }
0x18: {  	s0 =	sld [smem:$0x3F8C];
	_ =	swait.ge [sflag:s4], $0x0  }
0x19: {  	s7 =	sld [smem:$0x3F8D]  }
0x1a: {  	s8 =	sadd.s32 $0xFFFFE003, lr  }
0x1b: {  	s9 =	sadd.s32 $0xFFFFFEF7, lr;
	s5 =	simm.s32 $0xFFFFFFFF;
	p2 =	slt.u32 s8, $0xFFFFF086  }
0x1c: {  	p1 =	slt.u32 s9, $0xF7A;
	s5 =	simm.s32 @!p2 $0x0  }
0x1d: {  	s5 =	simm.s32 @p1 $0x1;
	p0 =	seq.s32 s7, s2  }
0x1e: {  	s7 =	smul.u32 @!p0 $0xF7A, s2;
	p2 =	seq.s32 @!p0 s5, $0x0  }
0x1f: {  	s9 =	smul.u32 $0xF7A, s1;
	s8 =	simm.s32 @!p0 $0x1BF5;
	p2 =	por !p2, p0  }
0x20: {  	[sflag:s8] =	ssyncset.s32 @!p0 $0xFFFFF086;
	s6 =	sadd.s32 @!p0 s3, s7;
	s7 =	simm.s32 @!p0 $0x108  }
0x21: {  	s3 =	sadd.s32 s3, s9;
	s6 =	sadd.s32 @!p0 $0x88, s6;
	s7 =	simm.s32 @p2 $0x1082  }
0x22: {  	[simem:s7], [sflag:s8] =	dma.local @!p0 [hbm:s6], $0xF7A  }
0x23: {  	s9 =	sor.u32 $0xD0000000, s2;
	s6 =	simm.s32 $0x108;
	_ =	swait.ge @!p0 [sflag:s8], $0x0  }
0x24: {  	s3 =	sadd.s32 $0x88, s3;
	s6 =	simm.s32 @!p1 $0x1082;
	[sflag:s4] =	ssyncset.s32 $0xFFFFF086  }
0x25: {  	[simem:s6], [sflag:s4] =	dma.local [hbm:s3], $0xF7A  }
0x26: {  	[smem:$0x3F8D] =	sst s1;
	(tag) =	ssettag s2;
	_ =	strace s9  }
0x27: {  	s1 =	sld [smem:$0x3F9D]  }
0x28: {  	s2 =	sld [smem:$0x3F9E]  }
0x29: {  	s4 =	sld [smem:$0x3FA0]  }
0x2a: {  	p0 =	seq.s32 s5, $0x0;
	s5 =	sld [smem:$0x3FA1]  }
0x2b: {  	s6 =	sld [smem:$0x3FA2]  }
0x2c: {  	s7 =	sld [smem:$0x3FA3]  }
0x2d: {  	s3 =	simm.s32 $0x108;
	s8 =	sld [smem:$0x3FA4]  }
0x2e: {  	s3 =	simm.s32 @!p0 $0x1082;
	s9 =	sld [smem:$0x3FA5]  }
0x2f: {  	lr =	sadd.s32 s0, s3;
	s0 =	sld [smem:$0x3F9C]  }
0x30: {  	s3 =	sld [smem:$0x3F9F]  }
0x31: {  	[smem:$0x3FA8] =	sst s10  }
0x32: {  	s10 =	sld [smem:$0x3FA6];
	_ =	sdelay $0x3  }
0x33: {  	p0 =	seq.s32 s10, $0x1;
	s10 =	sld [smem:$0x3FA8];
	_ =	sdelay $0x3  }
0x34: {  	[smem:$0x3FA8] =	sst s10  }
0x35: {  	s10 =	sld [smem:$0x3FA7];
	_ =	sdelay $0x3  }
0x36: {  	p1 =	seq.s32 s10, $0x1;
	s10 =	sld [smem:$0x3FA8];
	_ =	sdelay $0x3  }
0x37: {  	[smem:$0x3FA8] =	sst s10  }
0x38: {  	s10 =	sld [smem:$0x3FA9]  }
0x39: {  	_ = 	snop;
	(pc) =	sbr.ind lr, $3  }
0x3a: {  	_ = 	snop  }
0x3b: {  	_ = 	snop  }
0x3c: {  	p2 =	seq.s32 s10, $0x1;
	s10 =	sld [smem:$0x3FA8]  }
0x3d: {  	_ =	shalt  }
0x3e: {  	_ =	shalt  }
0x3f: {  	_ =	shalt  }
0x40: {  	_ =	shalt  }
0x41: {  	_ =	shalt  }
0x42: {  	_ =	shalt  }
0x43: {  	_ =	shalt  }
0x44: {  	_ =	shalt  }
0x45: {  	_ =	shalt  }
0x46: {  	_ =	shalt  }
0x47: {  	_ =	shalt  }
0x48: {  	_ =	shalt  }
0x49: {  	_ =	shalt  }
0x4a: {  	_ =	shalt  }
0x4b: {  	_ =	shalt  }
0x4c: {  	_ =	shalt  }
0x4d: {  	_ =	shalt  }
0x4e: {  	_ =	shalt  }
0x4f: {  	_ =	shalt  }
0x50: {  	_ =	shalt  }
0x51: {  	_ =	shalt  }
0x52: {  	_ =	shalt  }
0x53: {  	_ =	shalt  }
0x54: {  	_ =	shalt  }
0x55: {  	_ =	shalt  }
0x56: {  	_ =	shalt  }
0x57: {  	_ =	shalt  }
0x58: {  	_ =	shalt  }
0x59: {  	_ =	shalt  }
0x5a: {  	_ =	shalt  }
0x5b: {  	_ =	shalt  }
0x5c: {  	_ =	shalt  }
0x5d: {  	_ =	shalt  }
0x5e: {  	_ =	shalt  }
0x5f: {  	_ =	shalt  }
0x60: {  	_ =	shalt  }
0x61: {  	_ =	shalt  }
0x62: {  	_ =	shalt  }
0x63: {  	_ =	shalt  }
0x64: {  	_ =	shalt  }
0x65: {  	_ =	shalt  }
0x66: {  	_ =	shalt  }
0x67: {  	_ =	shalt  }
0x68: {  	_ =	shalt  }
0x69: {  	_ =	shalt  }
0x6a: {  	_ =	shalt  }
0x6b: {  	_ =	shalt  }
0x6c: {  	_ =	shalt  }
0x6d: {  	_ =	shalt  }
0x6e: {  	_ =	shalt  }
0x6f: {  	_ =	shalt  }
0x70: {  	_ =	shalt  }
0x71: {  	_ =	shalt  }
0x72: {  	_ =	shalt  }
0x73: {  	_ =	shalt  }
0x74: {  	_ =	shalt  }
0x75: {  	_ =	shalt  }
0x76: {  	_ =	shalt  }
0x77: {  	_ =	shalt  }
0x78: {  	_ =	shalt  }
0x79: {  	_ =	shalt  }
0x7a: {  	_ =	shalt  }
0x7b: {  	_ =	shalt  }
0x7c: {  	_ =	shalt  }
0x7d: {  	_ =	shalt  }
0x7e: {  	_ =	shalt  }
0x7f: {  	_ =	shalt  }
0x80: {  	_ =	shalt  }
0x81: {  	_ =	shalt  }
0x82: {  	_ =	shalt  }
0x83: {  	_ =	shalt  }
0x84: {  	_ =	shalt  }
0x85: {  	_ =	shalt  }
0x86: {  	_ =	shalt  }
0x87: {  	_ =	shalt  }
.Lfunc_end0:
.L_simem_size_0:
called_computation_lowered:
.L_overlay_start_0:
0x88: {  	s2 =	sld [smem:$0x3FD9]  }
0x89: {  	s3 =	sld [smem:$0x3FFE];
	_ =	sdelay $0x1  }
0x8a: {  	s1 =	srdreg.scid  }
0x8b: {  	s0 =	sand.u32 $0x1, s1  }
0x8c: {  	s16 =	sshll.u32 s0, $0xA;
	s2 =	sadd.s32 s3, s2  }
0x8d: {  	s2 =	sadd.s32 s2, s16  }
0x8e: {  	[smem:$0x3FB4] =	sst s2  }
0x8f: {  	_ = 	snop  }
0x90: {  	(tm) =	ssettm $0x1  }
0x91: {  	s17 =	sld [smem:$0x3FFB];
	_ =	sdelay $0x3  }
0x92: {  	_ =	strace s17  }
0x93: {  	s2 =	sld [smem:$0x3FFC];
	_ =	sdelay $0x3  }
0x94: {  	_ =	strace s2  }
0x95: {  	s2 =	sld [smem:$0x3FFD];
	_ =	sdelay $0x3  }
0x96: {  	_ =	strace s2  }
0x97: {  	_ =	strace $0x8FFFFFFF  }
0x98: {  	s18 =	sld [smem:$0x3FDB];
	_ =	sdelay $0x1  }
0x99: {  	s19 =	simm.s32 $_scs_section_size  }
0x9a: {  	s4 =	simm.s32 $_size__tile_overlayer_lowered;
	s5 =	simm.s32 $_tile_overlayer_lowered  }
0x9b: {  	s22 =	simm.s32 $0x1BFF;
	s21 =	sshll.u32 s5, $0x1;
	s2 =	sadd.s32 s19, s18  }
0x9c: {  	s6 =	simm.s32 $0x0;
	s20 =	sshll.u32 s4, $0x1;
	s4 =	sadd.s32 s21, s2  }
0x9d: {  	[timem:s6], [sflag:s22] =	dma.local [hbm:s4], s20  }
0x9e: {  	_ =	swait.ge [sflag:s22], s20  }
0x9f: {  	s3 =	ssub.s32 $0x0, s20;
	[sflag:s22] =	ssyncset.done $0x0  }
0xa0: {  	[sflag:s22] =	ssyncadd.s32 s3;
	_ =	sdelay $0x1  }
0xa1: {  	s23 =	simm.s32 $0x1B8B  }
0xa2: {  	_ =	swait.ge [sflag:s23], $0x1  }
0xa3: {  	[sflag:s23] =	ssyncset.done $0x0  }
0xa4: {  	s25 =	simm.s32 $0x1B8E;
	s24 =	sld [smem:$0x3FFE];
	[sflag:s23] =	ssyncadd.s32 $0xFFFFFFFF  }
0xa5: {  	s26 =	simm.s32 $execute0_lowered;
	[smem:$0x3FD2] =	sst s25  }
0xa6: {  	s4 =	sshll.u32 s26, $0x1;
	_ =	strace $0x80000046;
	[dreg:$0x1] =	wrdreg $0xFFFFFFFF  }
0xa7: {  	s28 =	simm.s32 $_size_execute0_lowered;
	s2 =	sadd.s32 s2, s4;
	[dreg:$0x0] =	wrdreg $0x0  }
0xa8: {  	s4 =	sshll.u32 s28, $0x1;
	[dreg:$0x2] =	wrdreg s2  }
0xa9: {  	[dreg:$0x3] =	wrdreg s4  }
0xaa: {  	[dreg:$0x4] =	wrdreg $0xC0  }
0xab: {  	_ =	task [dreg:s6], $0x5FFFF  }
0xac: {  	[dreg:$0x1] =	wrdreg $0xFFFFFFFF  }
0xad: {  	[dreg:$0x0] =	wrdreg $0x60  }
0xae: {  	[dreg:$0x2] =	wrdreg s24  }
0xaf: {  	[dreg:$0x3] =	wrdreg $0x9  }
0xb0: {  	_ =	task.clear_ibuf [dreg:s6], $0x4FFFF;
	_ =	strace $0x90000046  }
0xb1: {  	s29 =	simm.s32 $0x9;
	_ =	strace $0x80000048  }
0xb2: {  	_ =	swait.ge [sflag:s29], $0x1  }
0xb3: {  	[sflag:s29] =	ssyncadd.s32 $0xFFFFFFFF  }
0xb4: {  	_ =	strace $0x90000048  }
0xb5: {  	_ =	sfence  }
0xb6: {  	s30 =	sld [smem:$0x0];
	_ =	sdelay $0x2  }
0xb7: {  	s31 =	sshll.u32 s1, $0xD;
	s1 =	sshrl.u32 s1, $0x2  }
0xb8: {  	s3 =	sand.u32 $0x4000, s31;
	s1 =	sadd.s32 s1, s30  }
0xb9: {  	s0 =	sor.u32 s3, s0;
	s1 =	sshll.u32 s1, $0x11  }
0xba: {  	s0 =	sor.u32 s1, s0  }
0xbb: {  	s0 =	sadd.s32 $0x8F2B, s0  }
0xbc: {  	[sflag:s0] =	ssyncadd.remote.s32 $0x1  }
0xbd: {  	_ =	sfence.sel $0xFFFF  }
0xbe: {  	[dreg:$0x0] =	wrdreg $0xFFFFFFFF;
	(pc) =	sbr.abs _section_cstart, $3  }
0xbf: {  	[dreg:$0x1] =	wrdreg $0xFFFFFFFF  }
0xc0: {  	_ =	task.clear_ibuf [dreg:s6], $0x2FFFF;
	_ =	strace $0x9FFFFFFF  }
0xc1: {  	(tm) =	ssettm $0x7FFFFFFF  }
tec
execute0_lowered:
.L_overlay_start_1:
0x0: {  	(tag) =	ssettag $0x1  }
0x1: {  	s1 =	srdreg.scid;
	s0 =	stileid.u32  }
0x2: {  	s4 =	rddreg [dreg:$0x0];
	s2 =	simm.s32 $0x0;
	s14 =	simm.s32 $0xA800  }
0x3: {  	s15 =	simm.s32 $0x6800;
	s16 =	simm.s32 $0xE800;
	s17 =	simm.s32 $0x1  }
0x4: {  	s18 =	simm.s32 $0x2;
	s19 =	simm.s32 $0x3;
	s20 =	simm.s32 $0x4  }
0x5: {  	s21 =	simm.s32 $0x0;
	s6 =	sand.u32 $0x1, s1;
	s9 =	smul.u32 $0x140000, s0  }
0x6: {  	s29 =	sshll.u32 s0, $0x1;
	s8 =	sadd.s32 $0x2AC200, s4;
	s12 =	smul.u32 $0x28000, s0  }
0x7: {  	[smem:$0x7FF] =	sst s2;
	s10 =	sadd.s32 $0x52C200, s4;
	s11 =	smul.u32 $0xA0000, s6  }
0x8: {  	s1 =	sor.u32 s6, s29;
	s7 =	ssub.s32 $0x2, s6;
	s31 =	smul.u32 $0x14000, s6  }
0x9: {  	s3 =	smul.u32 $0x1400, s1;
	s1 =	rddreg [dreg:$0x1];
	s30 =	sshrl.u32 s7, $0x1  }
0xa: {  	_ =	strace $0x80000047;
	s13 =	sadd.s32 s12, s8;
	s7 =	ssub.s32 s7, s30  }
0xb: {  	s9 =	sadd.s32 s11, s9;
	s13 =	sadd.s32 s31, s13;
	s11 =	simm.s32 $0x5  }
0xc: {  	s5 =	sshrl.u32 s3, $0x3;
	s3 =	sadd.s32 $0x3B200, s4;
	s9 =	sshrl.u32 s9, $0x3  }
0xd: {  	s6 =	smax.u32 s7, $0x1;
	s5 =	sadd.s32 s5, s4;
	s7 =	sadd.s32 s9, s10  }
0xe: {  	s10 =	sadd.s32 s12, s10;
	s8 =	sadd.s32 s9, s8;
	s9 =	sadd.s32 $0x800, s13  }
0xf: {  	s12 =	simm.s32 $0x80;
	s13 =	simm.s32 $0x2800;
	s10 =	sadd.s32 s31, s10  }
0x10: {  	s4 =	sadd.s32 $0xA000, s5;
	s5 =	sadd.s32 $0xF000, s5;
	s10 =	sadd.s32 $0x800, s10  }
.LBB2_1:
0x11: {  	[tilespmem:s2], [sflag:$0x5] =	stream.linear.gather [hbm4b:s4+s2], $0x1400, $0x38;
	[tilespmem:$0x12800] =	vst v63  }
0x12: {  	_ =	swait.ge [sflag:s11], $0x1400  }
0x13: {  	[sflag:s11] =	ssyncset.done $0x0  }
0x14: {  	s22 =	simm.s32 $0x1400;
	[sflag:s11] =	ssyncadd.s32 $0xFFFFEC00  }
0x15: {  	[tilespmem:s22], [sflag:$0x5] =	stream.linear.gather [hbm4b:s5+s2], $0x1400, $0x38;
	[tilespmem:$0x12800] =	vst v63  }
0x16: {  	_ =	swait.ge [sflag:s11], $0x1400  }
0x17: {  	[sflag:s11] =	ssyncset.done $0x0  }
0x18: {  	[sflag:s11] =	ssyncadd.s32 $0xFFFFEC00  }
0x19: {  	[tilespmem:s13], [sflag:$0x1] =	stream.indirect.gather [hbm4b:s3+s12], $0x80, s2, s12, $0xb8;
	[tilespmem:$0x12800] =	vst v63  }
0x1a: {  	_ = 	snop  }
0x1b: {  	[tilespmem:s14], [sflag:$0x2] =	stream.indirect.gather [hbm4b:s3+s12], $0x80, s22, s12, $0xb8;
	[tilespmem:$0x12800] =	vst v63  }
0x1c: {  	s23 =	simm.s32 $0x80  }
0x1d: {  	[tilespmem:s15], [sflag:$0x3] =	stream.indirect.gather [hbm4b:s3+s12], $0x80, s23, s12, $0xb8;
	[tilespmem:$0x12800] =	vst v63  }
0x1e: {  	s26 =	simm.s32 $0x1480  }
0x1f: {  	[tilespmem:s16], [sflag:$0x4] =	stream.indirect.gather [hbm4b:s3+s12], $0x80, s26, s12, $0xb8;
	[tilespmem:$0x12800] =	vst v63  }
0x20: {  	_ =	swait.ge [sflag:s17], $0x4000  }
0x21: {  	[sflag:s17] =	ssyncset.done $0x0  }
0x22: {  	[sflag:s17] =	ssyncadd.s32 $0xFFFFC000  }
0x23: {  	_ =	swait.ge [sflag:s18], $0x4000  }
0x24: {  	[sflag:s18] =	ssyncset.done $0x0  }
0x25: {  	s28 =	sadd.s32 $0x0, s8;
	[sflag:s18] =	ssyncadd.s32 $0xFFFFC000  }
0x26: {  	[hbm4b:s28+s2] =	stream.linear.scatter [tilespmem:s13], [sflag:$0x5], $0x4000, $0x38;
	[tilespmem:$0x12800] =	vst v63  }
0x27: {  	_ =	swait.ge [sflag:s11], $0x4000  }
0x28: {  	[sflag:s11] =	ssyncset.done $0x0  }
0x29: {  	s29 =	sadd.s32 $0x0, s7;
	[sflag:s11] =	ssyncadd.s32 $0xFFFFC000  }
0x2a: {  	[hbm4b:s29+s2] =	stream.linear.scatter [tilespmem:s14], [sflag:$0x5], $0x4000, $0x38;
	[tilespmem:$0x12800] =	vst v63  }
0x2b: {  	_ =	swait.ge [sflag:s11], $0x4000  }
0x2c: {  	[sflag:s11] =	ssyncset.done $0x0  }
0x2d: {  	[sflag:s11] =	ssyncadd.s32 $0xFFFFC000  }
0x2e: {  	_ =	swait.ge [sflag:s19], $0x4000  }
0x2f: {  	[sflag:s19] =	ssyncset.done $0x0  }
0x30: {  	[sflag:s19] =	ssyncadd.s32 $0xFFFFC000  }
0x31: {  	_ =	swait.ge [sflag:s20], $0x4000  }
0x32: {  	[sflag:s20] =	ssyncset.done $0x0  }
0x33: {  	s30 =	sadd.s32 $0x0, s9;
	[sflag:s20] =	ssyncadd.s32 $0xFFFFC000  }
0x34: {  	[hbm4b:s30+s2] =	stream.linear.scatter [tilespmem:s15], [sflag:$0x5], $0x4000, $0x38;
	[tilespmem:$0x12800] =	vst v63  }
0x35: {  	_ =	swait.ge [sflag:s11], $0x4000  }
0x36: {  	[sflag:s11] =	ssyncset.done $0x0  }
0x37: {  	s31 =	sadd.s32 $0x0, s10;
	[sflag:s11] =	ssyncadd.s32 $0xFFFFC000  }
0x38: {  	[hbm4b:s31+s2] =	stream.linear.scatter [tilespmem:s16], [sflag:$0x5], $0x4000, $0x38;
	[tilespmem:$0x12800] =	vst v63  }
0x39: {  	_ =	swait.ge [sflag:s11], $0x4000  }
0x3a: {  	s24 =	simm.s32 $0x0;
	s23 =	simm.s32 $0x1000;
	[sflag:s11] =	ssyncset.done $0x0  }
.LBB2_2:
0x3b: {  	[sflag:s11] =	ssyncadd.s32 $0xFFFFC000;
	s24 =	sadd.s32 $0x100, s24;
	s22 =	sadd.s32 $0x100, s22  }
0x3c: {  	[tilespmem:s13], [sflag:$0x1] =	stream.indirect.gather [hbm4b:s3+s12], $0x80, s24, s12, $0xb8;
	[tilespmem:$0x12800] =	vst v63  }
0x3d: {  	p0 =	sne.s32 s23, $0x13000;
	s25 =	smov.u32 s23;
	s23 =	sadd.s32 $0x1000, s23  }
0x3e: {  	[tilespmem:s14], [sflag:$0x2] =	stream.indirect.gather [hbm4b:s3+s12], $0x80, s22, s12, $0xb8;
	[tilespmem:$0x12800] =	vst v63  }
0x3f: {  	s26 =	sadd.s32 $0x80, s24  }
0x40: {  	[tilespmem:s15], [sflag:$0x3] =	stream.indirect.gather [hbm4b:s3+s12], $0x80, s26, s12, $0xb8;
	[tilespmem:$0x12800] =	vst v63  }
0x41: {  	s26 =	sadd.s32 $0x80, s22  }
0x42: {  	[tilespmem:s16], [sflag:$0x4] =	stream.indirect.gather [hbm4b:s3+s12], $0x80, s26, s12, $0xb8;
	[tilespmem:$0x12800] =	vst v63  }
0x43: {  	_ =	swait.ge [sflag:s17], $0x4000  }
0x44: {  	[sflag:s17] =	ssyncset.done $0x0  }
0x45: {  	[sflag:s17] =	ssyncadd.s32 $0xFFFFC000  }
0x46: {  	_ =	swait.ge [sflag:s18], $0x4000  }
0x47: {  	[sflag:s18] =	ssyncset.done $0x0  }
0x48: {  	s26 =	sadd.s32 s25, s8;
	[sflag:s18] =	ssyncadd.s32 $0xFFFFC000  }
0x49: {  	[hbm4b:s26+s2] =	stream.linear.scatter [tilespmem:s13], [sflag:$0x5], $0x4000, $0x38;
	[tilespmem:$0x12800] =	vst v63  }
0x4a: {  	_ =	swait.ge [sflag:s11], $0x4000  }
0x4b: {  	[sflag:s11] =	ssyncset.done $0x0  }
0x4c: {  	s26 =	sadd.s32 s25, s7;
	[sflag:s11] =	ssyncadd.s32 $0xFFFFC000  }
0x4d: {  	[hbm4b:s26+s2] =	stream.linear.scatter [tilespmem:s14], [sflag:$0x5], $0x4000, $0x38;
	[tilespmem:$0x12800] =	vst v63  }
0x4e: {  	_ =	swait.ge [sflag:s11], $0x4000  }
0x4f: {  	[sflag:s11] =	ssyncset.done $0x0  }
0x50: {  	[sflag:s11] =	ssyncadd.s32 $0xFFFFC000  }
0x51: {  	_ =	swait.ge [sflag:s19], $0x4000  }
0x52: {  	[sflag:s19] =	ssyncset.done $0x0  }
0x53: {  	[sflag:s19] =	ssyncadd.s32 $0xFFFFC000  }
0x54: {  	_ =	swait.ge [sflag:s20], $0x4000  }
0x55: {  	[sflag:s20] =	ssyncset.done $0x0  }
0x56: {  	s26 =	sadd.s32 s25, s9;
	[sflag:s20] =	ssyncadd.s32 $0xFFFFC000  }
0x57: {  	[hbm4b:s26+s2] =	stream.linear.scatter [tilespmem:s15], [sflag:$0x5], $0x4000, $0x38;
	[tilespmem:$0x12800] =	vst v63  }
0x58: {  	_ =	swait.ge [sflag:s11], $0x4000  }
.Ltmp0:
0x59: {  	[sflag:s11] =	ssyncset.done $0x0;
	(pc) =	sbr.rel @p0 .LBB2_2-.Ltmp0, $4  }
0x5a: {  	s25 =	sadd.s32 s25, s10;
	[sflag:s11] =	ssyncadd.s32 $0xFFFFC000  }
0x5b: {  	[hbm4b:s25+s2] =	stream.linear.scatter [tilespmem:s16], [sflag:$0x5], $0x4000, $0x38;
	[tilespmem:$0x12800] =	vst v63  }
0x5c: {  	_ =	swait.ge [sflag:s11], $0x4000  }
0x5d: {  	[sflag:s11] =	ssyncset.done $0x0  }
0x5e: {  	s21 =	sadd.s32 $0x1, s21  }
0x5f: {  	p0 =	sne.s32 s21, s6  }
.Ltmp1:
0x60: {  	_ = 	snop;
	(pc) =	sbr.rel @p0 .LBB2_1-.Ltmp1, $2  }
0x61: {  	_ =	sdelay $0x2  }
0x62: {  	[sflag:s11] =	ssyncadd.s32 $0xFFFFC000  }
0x63: {  	_ =	sfence.sel $0x180000  }
0x64: {  	[bflag:$0x0] =	sbarrier.arrive $0xFFFF  }
0x65: {  	p0 =	sne.s32 s0, $0x0;
	_ =	strace $0x90000047  }
0x66: {  	s0 =	sadd.s32 @!p0 $0x100000, s1;
	[bflag:$0x2] =	sbarrier.arrive $0xFFFF  }
0x67: {  	[sflag:s0] =	ssyncadd.tile.s32 @!p0 $0x1;
	_ =	shalt  }
.Lfunc_end2:
_tile_overlayer_lowered:
.L_overlay_start_2:
0x68: {  	(tag) =	ssettag $0x2  }
0x69: {  	s0 =	rddreg [dreg:$0x0];
	s2 =	stileid.u32  }
0x6a: {  	s1 =	rddreg [dreg:$0x1];
	p0 =	sne.s32 s2, $0x0  }
0x6b: {  	s3 =	rddreg [dreg:$0x2];
	[bflag:$0x3] =	sbarrier.arrive $0xFFFF;
	s2 =	simm.s32 @!p0 $0x1C05  }
0x6c: {  	[timem:s3], [sflag:s2] =	dma.local @!p0 [hbm:s0], s1  }
0x6d: {  	s0 =	simm.s32 @!p0 $0x5  }
0x6e: {  	_ =	swait.ge @!p0 [sflag:s0], s1  }
0x6f: {  	s1 =	ssub.s32 @!p0 $0x0, s1;
	[sflag:s0] =	ssyncset.done @!p0 $0x0  }
0x70: {  	[sflag:s0] =	ssyncadd.s32 @!p0 s1  }
0x71: {  	[bflag:$0x3] =	sbarrier.arrive $0xFFFF  }
0x72: {  	_ =	shalt  }

// kernel: kernel.20.cloned.1.call-start
scs
__scs_entry_jumppad:
0x0: {  	(pc) =	sbr.rel $0x88, $3  }
0x1: {  	(tag) =	ssettag $0x0;
	lr =	simm.s32 $0x1  }
0x2: {  	[smem:$0x3F8D] =	sst lr;
	_ =	strace $0xD0000000  }
0x3: {  	_ = 	snop  }
0x4: {  	_ = 	snop  }
0x5: {  	_ = 	snop  }
0x6: {  	_ = 	snop  }
0x7: {  	_ = 	snop  }
__scs_overlays_trampoline_lowered:
0x8: {  	[smem:$0x3F9C] =	sst s0  }
0x9: {  	[smem:$0x3F9D] =	sst s1  }
0xa: {  	[smem:$0x3F9E] =	sst s2  }
0xb: {  	[smem:$0x3F9F] =	sst s3  }
0xc: {  	[smem:$0x3FA0] =	sst s4  }
0xd: {  	[smem:$0x3FA1] =	sst s5  }
0xe: {  	[smem:$0x3FA2] =	sst s6  }
0xf: {  	[smem:$0x3FA3] =	sst s7  }
0x10: {  	[smem:$0x3FA4] =	sst s8  }
0x11: {  	[smem:$0x3FA5] =	sst s9;
	s0 =	simm.s32 @!p0 $0x0  }
0x12: {  	s1 =	sld [smem:$0x3F8B];
	s0 =	simm.s32 @p0 $0x1  }
0x13: {  	[smem:$0x3FA6] =	sst s0;
	s0 =	simm.s32 @!p1 $0x0  }
0x14: {  	s2 =	sld [smem:$0x3F8A];
	s0 =	simm.s32 @p1 $0x1  }
0x15: {  	[smem:$0x3FA7] =	sst s0;
	s0 =	simm.s32 @!p2 $0x0  }
0x16: {  	s3 =	sld [smem:$0x3FDB];
	s0 =	simm.s32 @p2 $0x1  }
0x17: {  	s4 =	simm.s32 $0x1BF5;
	[smem:$0x3FA9] =	sst s0  }
0x18: {  	s0 =	sld [smem:$0x3F8C];
	_ =	swait.ge [sflag:s4], $0x0  }
0x19: {  	s7 =	sld [smem:$0x3F8D]  }
0x1a: {  	s8 =	sadd.s32 $0xFFFFE003, lr  }
0x1b: {  	s9 =	sadd.s32 $0xFFFFFEF7, lr;
	s5 =	simm.s32 $0xFFFFFFFF;
	p2 =	slt.u32 s8, $0xFFFFF086  }
0x1c: {  	p1 =	slt.u32 s9, $0xF7A;
	s5 =	simm.s32 @!p2 $0x0  }
0x1d: {  	s5 =	simm.s32 @p1 $0x1;
	p0 =	seq.s32 s7, s2  }
0x1e: {  	s7 =	smul.u32 @!p0 $0xF7A, s2;
	p2 =	seq.s32 @!p0 s5, $0x0  }
0x1f: {  	s9 =	smul.u32 $0xF7A, s1;
	s8 =	simm.s32 @!p0 $0x1BF5;
	p2 =	por !p2, p0  }
0x20: {  	[sflag:s8] =	ssyncset.s32 @!p0 $0xFFFFF086;
	s6 =	sadd.s32 @!p0 s3, s7;
	s7 =	simm.s32 @!p0 $0x108  }
0x21: {  	s3 =	sadd.s32 s3, s9;
	s6 =	sadd.s32 @!p0 $0x88, s6;
	s7 =	simm.s32 @p2 $0x1082  }
0x22: {  	[simem:s7], [sflag:s8] =	dma.local @!p0 [hbm:s6], $0xF7A  }
0x23: {  	s9 =	sor.u32 $0xD0000000, s2;
	s6 =	simm.s32 $0x108;
	_ =	swait.ge @!p0 [sflag:s8], $0x0  }
0x24: {  	s3 =	sadd.s32 $0x88, s3;
	s6 =	simm.s32 @!p1 $0x1082;
	[sflag:s4] =	ssyncset.s32 $0xFFFFF086  }
0x25: {  	[simem:s6], [sflag:s4] =	dma.local [hbm:s3], $0xF7A  }
0x26: {  	[smem:$0x3F8D] =	sst s1;
	(tag) =	ssettag s2;
	_ =	strace s9  }
0x27: {  	s1 =	sld [smem:$0x3F9D]  }
0x28: {  	s2 =	sld [smem:$0x3F9E]  }
0x29: {  	s4 =	sld [smem:$0x3FA0]  }
0x2a: {  	p0 =	seq.s32 s5, $0x0;
	s5 =	sld [smem:$0x3FA1]  }
0x2b: {  	s6 =	sld [smem:$0x3FA2]  }
0x2c: {  	s7 =	sld [smem:$0x3FA3]  }
0x2d: {  	s3 =	simm.s32 $0x108;
	s8 =	sld [smem:$0x3FA4]  }
0x2e: {  	s3 =	simm.s32 @!p0 $0x1082;
	s9 =	sld [smem:$0x3FA5]  }
0x2f: {  	lr =	sadd.s32 s0, s3;
	s0 =	sld [smem:$0x3F9C]  }
0x30: {  	s3 =	sld [smem:$0x3F9F]  }
0x31: {  	[smem:$0x3FA8] =	sst s10  }
0x32: {  	s10 =	sld [smem:$0x3FA6];
	_ =	sdelay $0x3  }
0x33: {  	p0 =	seq.s32 s10, $0x1;
	s10 =	sld [smem:$0x3FA8];
	_ =	sdelay $0x3  }
0x34: {  	[smem:$0x3FA8] =	sst s10  }
0x35: {  	s10 =	sld [smem:$0x3FA7];
	_ =	sdelay $0x3  }
0x36: {  	p1 =	seq.s32 s10, $0x1;
	s10 =	sld [smem:$0x3FA8];
	_ =	sdelay $0x3  }
0x37: {  	[smem:$0x3FA8] =	sst s10  }
0x38: {  	s10 =	sld [smem:$0x3FA9]  }
0x39: {  	_ = 	snop;
	(pc) =	sbr.ind lr, $3  }
0x3a: {  	_ = 	snop  }
0x3b: {  	_ = 	snop  }
0x3c: {  	p2 =	seq.s32 s10, $0x1;
	s10 =	sld [smem:$0x3FA8]  }
0x3d: {  	_ =	shalt  }
0x3e: {  	_ =	shalt  }
0x3f: {  	_ =	shalt  }
0x40: {  	_ =	shalt  }
0x41: {  	_ =	shalt  }
0x42: {  	_ =	shalt  }
0x43: {  	_ =	shalt  }
0x44: {  	_ =	shalt  }
0x45: {  	_ =	shalt  }
0x46: {  	_ =	shalt  }
0x47: {  	_ =	shalt  }
0x48: {  	_ =	shalt  }
0x49: {  	_ =	shalt  }
0x4a: {  	_ =	shalt  }
0x4b: {  	_ =	shalt  }
0x4c: {  	_ =	shalt  }
0x4d: {  	_ =	shalt  }
0x4e: {  	_ =	shalt  }
0x4f: {  	_ =	shalt  }
0x50: {  	_ =	shalt  }
0x51: {  	_ =	shalt  }
0x52: {  	_ =	shalt  }
0x53: {  	_ =	shalt  }
0x54: {  	_ =	shalt  }
0x55: {  	_ =	shalt  }
0x56: {  	_ =	shalt  }
0x57: {  	_ =	shalt  }
0x58: {  	_ =	shalt  }
0x59: {  	_ =	shalt  }
0x5a: {  	_ =	shalt  }
0x5b: {  	_ =	shalt  }
0x5c: {  	_ =	shalt  }
0x5d: {  	_ =	shalt  }
0x5e: {  	_ =	shalt  }
0x5f: {  	_ =	shalt  }
0x60: {  	_ =	shalt  }
0x61: {  	_ =	shalt  }
0x62: {  	_ =	shalt  }
0x63: {  	_ =	shalt  }
0x64: {  	_ =	shalt  }
0x65: {  	_ =	shalt  }
0x66: {  	_ =	shalt  }
0x67: {  	_ =	shalt  }
0x68: {  	_ =	shalt  }
0x69: {  	_ =	shalt  }
0x6a: {  	_ =	shalt  }
0x6b: {  	_ =	shalt  }
0x6c: {  	_ =	shalt  }
0x6d: {  	_ =	shalt  }
0x6e: {  	_ =	shalt  }
0x6f: {  	_ =	shalt  }
0x70: {  	_ =	shalt  }
0x71: {  	_ =	shalt  }
0x72: {  	_ =	shalt  }
0x73: {  	_ =	shalt  }
0x74: {  	_ =	shalt  }
0x75: {  	_ =	shalt  }
0x76: {  	_ =	shalt  }
0x77: {  	_ =	shalt  }
0x78: {  	_ =	shalt  }
0x79: {  	_ =	shalt  }
0x7a: {  	_ =	shalt  }
0x7b: {  	_ =	shalt  }
0x7c: {  	_ =	shalt  }
0x7d: {  	_ =	shalt  }
0x7e: {  	_ =	shalt  }
0x7f: {  	_ =	shalt  }
0x80: {  	_ =	shalt  }
0x81: {  	_ =	shalt  }
0x82: {  	_ =	shalt  }
0x83: {  	_ =	shalt  }
0x84: {  	_ =	shalt  }
0x85: {  	_ =	shalt  }
0x86: {  	_ =	shalt  }
0x87: {  	_ =	shalt  }
.Lfunc_end0:
.L_simem_size_0:
called_computation.1_lowered:
.L_overlay_start_0:
0x88: {  	s2 =	sld [smem:$0x3FD9]  }
0x89: {  	s3 =	sld [smem:$0x3FFE];
	_ =	sdelay $0x1  }
0x8a: {  	s1 =	srdreg.scid  }
0x8b: {  	s0 =	sand.u32 $0x1, s1  }
0x8c: {  	s16 =	sshll.u32 s0, $0xA;
	s2 =	sadd.s32 s3, s2  }
0x8d: {  	s2 =	sadd.s32 s2, s16  }
0x8e: {  	[smem:$0x3FB4] =	sst s2  }
0x8f: {  	_ = 	snop  }
0x90: {  	(tm) =	ssettm $0x1  }
0x91: {  	s17 =	sld [smem:$0x3FFB];
	_ =	sdelay $0x3  }
0x92: {  	_ =	strace s17  }
0x93: {  	s2 =	sld [smem:$0x3FFC];
	_ =	sdelay $0x3  }
0x94: {  	_ =	strace s2  }
0x95: {  	s2 =	sld [smem:$0x3FFD];
	_ =	sdelay $0x3  }
0x96: {  	_ =	strace s2  }
0x97: {  	_ =	strace $0x8FFFFFFF  }
0x98: {  	s18 =	sld [smem:$0x3FDB];
	_ =	sdelay $0x1  }
0x99: {  	s19 =	simm.s32 $_scs_section_size  }
0x9a: {  	s4 =	simm.s32 $_size__tile_overlayer_lowered;
	s5 =	simm.s32 $_tile_overlayer_lowered  }
0x9b: {  	s22 =	simm.s32 $0x1BFF;
	s21 =	sshll.u32 s5, $0x1;
	s2 =	sadd.s32 s19, s18  }
0x9c: {  	s6 =	simm.s32 $0x0;
	s20 =	sshll.u32 s4, $0x1;
	s4 =	sadd.s32 s21, s2  }
0x9d: {  	[timem:s6], [sflag:s22] =	dma.local [hbm:s4], s20  }
0x9e: {  	_ =	swait.ge [sflag:s22], s20  }
0x9f: {  	s3 =	ssub.s32 $0x0, s20;
	[sflag:s22] =	ssyncset.done $0x0  }
0xa0: {  	[sflag:s22] =	ssyncadd.s32 s3;
	_ =	sdelay $0x1  }
0xa1: {  	s23 =	simm.s32 $0x1B8B  }
0xa2: {  	_ =	swait.ge [sflag:s23], $0x1  }
0xa3: {  	[sflag:s23] =	ssyncset.done $0x0  }
0xa4: {  	s25 =	simm.s32 $0x1B8E;
	s24 =	sld [smem:$0x3FFE];
	[sflag:s23] =	ssyncadd.s32 $0xFFFFFFFF  }
0xa5: {  	s26 =	simm.s32 $execute0_lowered;
	[smem:$0x3FD2] =	sst s25  }
0xa6: {  	s4 =	sshll.u32 s26, $0x1;
	_ =	strace $0x80000049;
	[dreg:$0x1] =	wrdreg $0xFFFFFFFF  }
0xa7: {  	s28 =	simm.s32 $_size_execute0_lowered;
	s2 =	sadd.s32 s2, s4;
	[dreg:$0x0] =	wrdreg $0x0  }
0xa8: {  	s4 =	sshll.u32 s28, $0x1;
	[dreg:$0x2] =	wrdreg s2  }
0xa9: {  	[dreg:$0x3] =	wrdreg s4  }
0xaa: {  	[dreg:$0x4] =	wrdreg $0xC0  }
0xab: {  	_ =	task [dreg:s6], $0x5FFFF  }
0xac: {  	[dreg:$0x1] =	wrdreg $0xFFFFFFFF  }
0xad: {  	[dreg:$0x0] =	wrdreg $0x60  }
0xae: {  	[dreg:$0x2] =	wrdreg s24  }
0xaf: {  	[dreg:$0x3] =	wrdreg $0x4F800  }
0xb0: {  	[dreg:$0x4] =	wrdreg $0x9  }
0xb1: {  	_ =	task.clear_ibuf [dreg:s6], $0x5FFFF;
	_ =	strace $0x90000049  }
0xb2: {  	s29 =	simm.s32 $0x9;
	_ =	strace $0x8000004B  }
0xb3: {  	_ =	swait.ge [sflag:s29], $0x1  }
0xb4: {  	[sflag:s29] =	ssyncadd.s32 $0xFFFFFFFF  }
0xb5: {  	_ =	strace $0x9000004B  }
0xb6: {  	_ =	sfence  }
0xb7: {  	s30 =	sld [smem:$0x0];
	_ =	sdelay $0x2  }
0xb8: {  	s31 =	sshll.u32 s1, $0xD;
	s1 =	sshrl.u32 s1, $0x2  }
0xb9: {  	s3 =	sand.u32 $0x4000, s31;
	s1 =	sadd.s32 s1, s30  }
0xba: {  	s0 =	sor.u32 s3, s0;
	s1 =	sshll.u32 s1, $0x11  }
0xbb: {  	s0 =	sor.u32 s1, s0  }
0xbc: {  	s0 =	sadd.s32 $0x8F2B, s0  }
0xbd: {  	[sflag:s0] =	ssyncadd.remote.s32 $0x1  }
0xbe: {  	_ =	sfence.sel $0xFFFF  }
0xbf: {  	[dreg:$0x0] =	wrdreg $0xFFFFFFFF;
	(pc) =	sbr.abs _section_cstart, $3  }
0xc0: {  	[dreg:$0x1] =	wrdreg $0xFFFFFFFF  }
0xc1: {  	_ =	task.clear_ibuf [dreg:s6], $0x2FFFF;
	_ =	strace $0x9FFFFFFF  }
0xc2: {  	(tm) =	ssettm $0x7FFFFFFF  }
0xc3: {  	_ =	shalt  }
tec
execute0_lowered:
.L_overlay_start_1:
0x0: {  	(tag) =	ssettag $0x1  }
0x1: {  	s4 =	rddreg [dreg:$0x0]  }
0x2: {  	s2 =	rddreg [dreg:$0x1]  }
0x3: {  	s0 =	rddreg [dreg:$0x2];
	s3 =	srdreg.scid  }
0x4: {  	s1 =	stileid.u32;
	s10 =	simm.s32 $0x1;
	s11 =	simm.s32 $0x1400  }
0x5: {  	s12 =	simm.s32 $0x80;
	s5 =	sand.u32 $0x1, s3;
	s7 =	smul.u32 $0x2710, s1  }
0x6: {  	s6 =	sshll.u32 s1, $0x1;
	s3 =	simm.s32 $0x0;
	s8 =	smul.u32 $0x27100, s5  }
0x7: {  	s13 =	simm.s32 $0x0;
	s6 =	sor.u32 s5, s6;
	[smem:$0x7FF] =	sst s3  }
0x8: {  	s5 =	ssub.s32 $0x2, s5;
	s6 =	smul.u32 $0x280, s6;
	s8 =	sadd.s32 s7, s8  }
0x9: {  	_ =	strace $0x8000004A;
	s9 =	sshrl.u32 s5, $0x1;
	s8 =	sshrl.u32 s8, $0x3  }
0xa: {  	s9 =	ssub.s32 s5, s9;
	s6 =	sadd.s32 s6, s4;
	s8 =	sadd.s32 s8, s4  }
0xb: {  	s4 =	sadd.s32 s7, s2;
	s5 =	sadd.s32 $0x3B200, s6;
	s6 =	sadd.s32 $0x40200, s6  }
0xc: {  	v0 =	vimm.f32 $0.0e+00;
	s7 =	sadd.s32 $0x4A200, s8;
	s8 =	smax.u32 s9, $0x1;
	s9 =	simm.s32 $0x2800  }
.LBB2_1:
0xd: {  	s14 =	simm.s32 $0x40;
	s15 =	simm.s32 $0x0  }
.LBB2_2:
0xe: {  	p0 =	sne.s32 s14, $0x9C00;
	[tilespmem:s15+$0x2800] =	vst v0;
	s15 =	smov.u32 s14;
	s14 =	sadd.s32 $0x40, s14  }
.Ltmp0:
0xf: {  	(pc) =	sbr.rel @p0 .LBB2_2-.Ltmp0, $2  }
0x10: {  	_ =	sdelay $0x2  }
0x11: {  	s15 =	sshra.s32 s15, $0x2  }
0x12: {  	[tilespmem:s15+$0x2800] =	vst v0  }
0x13: {  	[spmem:s4] =	stream.linear.scatter [tilespmem:s9], [sflag:$0x1], $0x2710, $0x38;
	[tilespmem:$0x7690] =	vst v63  }
0x14: {  	_ =	swait.ge [sflag:s10], $0x2710  }
0x15: {  	[sflag:s10] =	ssyncset.done $0x0  }
0x16: {  	[sflag:s10] =	ssyncadd.s32 $0xFFFFD8F0  }
0x17: {  	s14 =	simm.s32 $0x0;
	[bflag:$0x0] =	sbarrier.arrive $0xFFFF  }
0x18: {  	[tilespmem:s14], [sflag:$0x1] =	stream.linear.gather [hbm4b:s5+s14], $0x1400, $0x38;
	[tilespmem:$0x7690] =	vst v63  }
0x19: {  	_ =	swait.ge [sflag:s10], $0x1400  }
0x1a: {  	[sflag:s10] =	ssyncset.done $0x0  }
0x1b: {  	[sflag:s10] =	ssyncadd.s32 $0xFFFFEC00  }
0x1c: {  	[tilespmem:s11], [sflag:$0x1] =	stream.linear.gather [hbm4b:s6+s14], $0x1400, $0x38;
	[tilespmem:$0x7690] =	vst v63  }
0x1d: {  	_ =	swait.ge [sflag:s10], $0x1400  }
0x1e: {  	[sflag:s10] =	ssyncset.done $0x0  }
0x1f: {  	s30 =	simm.s32 $0x0;
	s31 =	simm.s32 $0x1400;
	[sflag:s10] =	ssyncadd.s32 $0xFFFFEC00  }
0x20: {  	[spmem:s2] =	stream.indirect.scatter.add.f32 [tilespmem:s30], [sflag:$0x1], $0x1, s31, s12, $0xb8;
	[tilespmem:$0x7690] =	vst v63  }
0x21: {  	s14 =	simm.s32 $0x200;
	_ =	swait.ge [sflag:s10], $0x80  }
.LBB2_4:
0x22: {  	s15 =	sshra.s32 s14, $0x2;
	[sflag:s10] =	ssyncset.done $0x0;
	p0 =	sne.s32 s14, $0x4E00  }
.Ltmp1:
0x23: {  	s16 =	sadd.s32 $0x1400, s15;
	[sflag:s10] =	ssyncadd.s32 $0xFFFFFF80;
	(pc) =	sbr.rel @p0 .LBB2_4-.Ltmp1, $3  }
0x24: {  	[spmem:s2] =	stream.indirect.scatter.add.f32 [tilespmem:s15], [sflag:$0x1], $0x1, s16, s12, $0xb8;
	[tilespmem:$0x7690] =	vst v63  }
0x25: {  	s14 =	sadd.s32 $0x200, s14;
	_ =	sdelay $0x1  }
0x26: {  	_ =	swait.ge [sflag:s10], $0x80  }
0x27: {  	[sflag:s10] =	ssyncset.done $0x0  }
0x28: {  	[sflag:s10] =	ssyncadd.s32 $0xFFFFFF80  }
0x29: {  	[bflag:$0x0] =	sbarrier.arrive $0xFFFF  }
0x2a: {  	[tilespmem:s9], [sflag:$0x1] =	stream.linear.gather [spmem:s4], $0x2710, $0x38;
	[tilespmem:$0x7690] =	vst v63  }
0x2b: {  	s13 =	sadd.s32 $0x1, s13;
	_ =	swait.ge [sflag:s10], $0x2710  }
0x2c: {  	p0 =	sne.s32 s13, s8;
	[sflag:s10] =	ssyncset.done $0x0  }
.Ltmp2:
0x2d: {  	[sflag:s10] =	ssyncadd.s32 $0xFFFFD8F0;
	(pc) =	sbr.rel @p0 .LBB2_1-.Ltmp2, $4  }
0x2e: {  	[hbm4b:s7+s3] =	stream.linear.scatter [tilespmem:s9], [sflag:$0x1], $0x2710, $0x38;
	[tilespmem:$0x7690] =	vst v63  }
0x2f: {  	_ =	swait.ge [sflag:s10], $0x2710  }
0x30: {  	[sflag:s10] =	ssyncset.done $0x0  }
0x31: {  	[sflag:s10] =	ssyncadd.s32 $0xFFFFD8F0  }
0x32: {  	_ =	sfence.sel $0x180000  }
0x33: {  	[bflag:$0x0] =	sbarrier.arrive $0xFFFF  }
0x34: {  	p0 =	sne.s32 s1, $0x0;
	_ =	strace $0x9000004A  }
0x35: {  	s0 =	sadd.s32 @!p0 $0x100000, s0;
	[bflag:$0x2] =	sbarrier.arrive $0xFFFF  }
0x36: {  	[sflag:s0] =	ssyncadd.tile.s32 @!p0 $0x1;
	_ =	shalt  }
.Lfunc_end2:
_tile_overlayer_lowered:
.L_overlay_start_2:
0x37: {  	(tag) =	ssettag $0x2  }
0x38: {  	s0 =	rddreg [dreg:$0x0];
	s2 =	stileid.u32  }
0x39: {  	s1 =	rddreg [dreg:$0x1];
	p0 =	sne.s32 s2, $0x0  }
0x3a: {  	s3 =	rddreg [dreg:$0x2];
	[bflag:$0x3] =	sbarrier.arrive $0xFFFF;
	s2 =	simm.s32 @!p0 $0x1C01  }
0x3b: {  	[timem:s3], [sflag:s2] =	dma.local @!p0 [hbm:s0], s1  }
0x3c: {  	s0 =	simm.s32 @!p0 $0x1  }
0x3d: {  	_ =	swait.ge @!p0 [sflag:s0], s1  }
0x3e: {  	s1 =	ssub.s32 @!p0 $0x0, s1;
	[sflag:s0] =	ssyncset.done @!p0 $0x0  }
0x3f: {  	[sflag:s0] =	ssyncadd.s32 @!p0 s1  }
0x40: {  	[bflag:$0x3] =	sbarrier.arrive $0xFFFF  }
0x41: {  	_ =	shalt  }

// kernel: kernel.23.cloned.1.call-start
scs
__scs_entry_jumppad:
0x0: {  	(pc) =	sbr.rel $0x88, $3  }
0x1: {  	(tag) =	ssettag $0x0;
	lr =	simm.s32 $0x1  }
0x2: {  	[smem:$0x3F8D] =	sst lr;
	_ =	strace $0xD0000000  }
0x3: {  	_ = 	snop  }
0x4: {  	_ = 	snop  }
0x5: {  	_ = 	snop  }
0x6: {  	_ = 	snop  }
0x7: {  	_ = 	snop  }
__scs_overlays_trampoline_lowered:
0x8: {  	[smem:$0x3F9C] =	sst s0  }
0x9: {  	[smem:$0x3F9D] =	sst s1  }
0xa: {  	[smem:$0x3F9E] =	sst s2  }
0xb: {  	[smem:$0x3F9F] =	sst s3  }
0xc: {  	[smem:$0x3FA0] =	sst s4  }
0xd: {  	[smem:$0x3FA1] =	sst s5  }
0xe: {  	[smem:$0x3FA2] =	sst s6  }
0xf: {  	[smem:$0x3FA3] =	sst s7  }
0x10: {  	[smem:$0x3FA4] =	sst s8  }
0x11: {  	[smem:$0x3FA5] =	sst s9;
	s0 =	simm.s32 @!p0 $0x0  }
0x12: {  	s1 =	sld [smem:$0x3F8B];
	s0 =	simm.s32 @p0 $0x1  }
0x13: {  	[smem:$0x3FA6] =	sst s0;
	s0 =	simm.s32 @!p1 $0x0  }
0x14: {  	s2 =	sld [smem:$0x3F8A];
	s0 =	simm.s32 @p1 $0x1  }
0x15: {  	[smem:$0x3FA7] =	sst s0;
	s0 =	simm.s32 @!p2 $0x0  }
0x16: {  	s3 =	sld [smem:$0x3FDB];
	s0 =	simm.s32 @p2 $0x1  }
0x17: {  	s4 =	simm.s32 $0x1BF5;
	[smem:$0x3FA9] =	sst s0  }
0x18: {  	s0 =	sld [smem:$0x3F8C];
	_ =	swait.ge [sflag:s4], $0x0  }
0x19: {  	s7 =	sld [smem:$0x3F8D]  }
0x1a: {  	s8 =	sadd.s32 $0xFFFFE003, lr  }
0x1b: {  	s9 =	sadd.s32 $0xFFFFFEF7, lr;
	s5 =	simm.s32 $0xFFFFFFFF;
	p2 =	slt.u32 s8, $0xFFFFF086  }
0x1c: {  	p1 =	slt.u32 s9, $0xF7A;
	s5 =	simm.s32 @!p2 $0x0  }
0x1d: {  	s5 =	simm.s32 @p1 $0x1;
	p0 =	seq.s32 s7, s2  }
0x1e: {  	s7 =	smul.u32 @!p0 $0xF7A, s2;
	p2 =	seq.s32 @!p0 s5, $0x0  }
0x1f: {  	s9 =	smul.u32 $0xF7A, s1;
	s8 =	simm.s32 @!p0 $0x1BF5;
	p2 =	por !p2, p0  }
0x20: {  	[sflag:s8] =	ssyncset.s32 @!p0 $0xFFFFF086;
	s6 =	sadd.s32 @!p0 s3, s7;
	s7 =	simm.s32 @!p0 $0x108  }
0x21: {  	s3 =	sadd.s32 s3, s9;
	s6 =	sadd.s32 @!p0 $0x88, s6;
	s7 =	simm.s32 @p2 $0x1082  }
0x22: {  	[simem:s7], [sflag:s8] =	dma.local @!p0 [hbm:s6], $0xF7A  }
0x23: {  	s9 =	sor.u32 $0xD0000000, s2;
	s6 =	simm.s32 $0x108;
	_ =	swait.ge @!p0 [sflag:s8], $0x0  }
0x24: {  	s3 =	sadd.s32 $0x88, s3;
	s6 =	simm.s32 @!p1 $0x1082;
	[sflag:s4] =	ssyncset.s32 $0xFFFFF086  }
0x25: {  	[simem:s6], [sflag:s4] =	dma.local [hbm:s3], $0xF7A  }
0x26: {  	[smem:$0x3F8D] =	sst s1;
	(tag) =	ssettag s2;
	_ =	strace s9  }
0x27: {  	s1 =	sld [smem:$0x3F9D]  }
0x28: {  	s2 =	sld [smem:$0x3F9E]  }
0x29: {  	s4 =	sld [smem:$0x3FA0]  }
0x2a: {  	p0 =	seq.s32 s5, $0x0;
	s5 =	sld [smem:$0x3FA1]  }
0x2b: {  	s6 =	sld [smem:$0x3FA2]  }
0x2c: {  	s7 =	sld [smem:$0x3FA3]  }
0x2d: {  	s3 =	simm.s32 $0x108;
	s8 =	sld [smem:$0x3FA4]  }
0x2e: {  	s3 =	simm.s32 @!p0 $0x1082;
	s9 =	sld [smem:$0x3FA5]  }
0x2f: {  	lr =	sadd.s32 s0, s3;
	s0 =	sld [smem:$0x3F9C]  }
0x30: {  	s3 =	sld [smem:$0x3F9F]  }
0x31: {  	[smem:$0x3FA8] =	sst s10  }
0x32: {  	s10 =	sld [smem:$0x3FA6];
	_ =	sdelay $0x3  }
0x33: {  	p0 =	seq.s32 s10, $0x1;
	s10 =	sld [smem:$0x3FA8];
	_ =	sdelay $0x3  }
0x34: {  	[smem:$0x3FA8] =	sst s10  }
0x35: {  	s10 =	sld [smem:$0x3FA7];
	_ =	sdelay $0x3  }
0x36: {  	p1 =	seq.s32 s10, $0x1;
	s10 =	sld [smem:$0x3FA8];
	_ =	sdelay $0x3  }
0x37: {  	[smem:$0x3FA8] =	sst s10  }
0x38: {  	s10 =	sld [smem:$0x3FA9]  }
0x39: {  	_ = 	snop;
	(pc) =	sbr.ind lr, $3  }
0x3a: {  	_ = 	snop  }
0x3b: {  	_ = 	snop  }
0x3c: {  	p2 =	seq.s32 s10, $0x1;
	s10 =	sld [smem:$0x3FA8]  }
0x3d: {  	_ =	shalt  }
0x3e: {  	_ =	shalt  }
0x3f: {  	_ =	shalt  }
0x40: {  	_ =	shalt  }
0x41: {  	_ =	shalt  }
0x42: {  	_ =	shalt  }
0x43: {  	_ =	shalt  }
0x44: {  	_ =	shalt  }
0x45: {  	_ =	shalt  }
0x46: {  	_ =	shalt  }
0x47: {  	_ =	shalt  }
0x48: {  	_ =	shalt  }
0x49: {  	_ =	shalt  }
0x4a: {  	_ =	shalt  }
0x4b: {  	_ =	shalt  }
0x4c: {  	_ =	shalt  }
0x4d: {  	_ =	shalt  }
0x4e: {  	_ =	shalt  }
0x4f: {  	_ =	shalt  }
0x50: {  	_ =	shalt  }
0x51: {  	_ =	shalt  }
0x52: {  	_ =	shalt  }
0x53: {  	_ =	shalt  }
0x54: {  	_ =	shalt  }
0x55: {  	_ =	shalt  }
0x56: {  	_ =	shalt  }
0x57: {  	_ =	shalt  }
0x58: {  	_ =	shalt  }
0x59: {  	_ =	shalt  }
0x5a: {  	_ =	shalt  }
0x5b: {  	_ =	shalt  }
0x5c: {  	_ =	shalt  }
0x5d: {  	_ =	shalt  }
0x5e: {  	_ =	shalt  }
0x5f: {  	_ =	shalt  }
0x60: {  	_ =	shalt  }
0x61: {  	_ =	shalt  }
0x62: {  	_ =	shalt  }
0x63: {  	_ =	shalt  }
0x64: {  	_ =	shalt  }
0x65: {  	_ =	shalt  }
0x66: {  	_ =	shalt  }
0x67: {  	_ =	shalt  }
0x68: {  	_ =	shalt  }
0x69: {  	_ =	shalt  }
0x6a: {  	_ =	shalt  }
0x6b: {  	_ =	shalt  }
0x6c: {  	_ =	shalt  }
0x6d: {  	_ =	shalt  }
0x6e: {  	_ =	shalt  }
0x6f: {  	_ =	shalt  }
0x70: {  	_ =	shalt  }
0x71: {  	_ =	shalt  }
0x72: {  	_ =	shalt  }
0x73: {  	_ =	shalt  }
0x74: {  	_ =	shalt  }
0x75: {  	_ =	shalt  }
0x76: {  	_ =	shalt  }
0x77: {  	_ =	shalt  }
0x78: {  	_ =	shalt  }
0x79: {  	_ =	shalt  }
0x7a: {  	_ =	shalt  }
0x7b: {  	_ =	shalt  }
0x7c: {  	_ =	shalt  }
0x7d: {  	_ =	shalt  }
0x7e: {  	_ =	shalt  }
0x7f: {  	_ =	shalt  }
0x80: {  	_ =	shalt  }
0x81: {  	_ =	shalt  }
0x82: {  	_ =	shalt  }
0x83: {  	_ =	shalt  }
0x84: {  	_ =	shalt  }
0x85: {  	_ =	shalt  }
0x86: {  	_ =	shalt  }
0x87: {  	_ =	shalt  }
.Lfunc_end0:
.L_simem_size_0:
called_computation.2_lowered:
.L_overlay_start_0:
0x88: {  	s2 =	sld [smem:$0x3FD9]  }
0x89: {  	s3 =	sld [smem:$0x3FFE];
	_ =	sdelay $0x1  }
0x8a: {  	s1 =	srdreg.scid  }
0x8b: {  	s0 =	sand.u32 $0x1, s1  }
0x8c: {  	s17 =	sshll.u32 s0, $0xA;
	s2 =	sadd.s32 s3, s2  }
0x8d: {  	s2 =	sadd.s32 s2, s17  }
0x8e: {  	[smem:$0x3FB4] =	sst s2  }
0x8f: {  	_ = 	snop  }
0x90: {  	s2 =	sld [smem:$0x3FD0];
	(tm) =	ssettm $0x1  }
0x91: {  	s18 =	sld [smem:$0x3FFB];
	_ =	sdelay $0x3  }
0x92: {  	_ =	strace s18  }
0x93: {  	s3 =	sld [smem:$0x3FFC];
	_ =	sdelay $0x3  }
0x94: {  	_ =	strace s3  }
0x95: {  	s3 =	sld [smem:$0x3FFD];
	_ =	sdelay $0x3  }
0x96: {  	_ =	strace s3  }
0x97: {  	_ =	strace $0x8FFFFFFF  }
0x98: {  	s19 =	sld [smem:$0x3FDB];
	_ =	sdelay $0x1  }
0x99: {  	s4 =	simm.s32 $_scs_section_size  }
0x9a: {  	s5 =	simm.s32 $_size__tile_overlayer_lowered;
	s6 =	simm.s32 $_tile_overlayer_lowered  }
0x9b: {  	s22 =	simm.s32 $0x1BFF;
	s21 =	sshll.u32 s6, $0x1;
	s3 =	sadd.s32 s4, s19  }
0x9c: {  	s7 =	simm.s32 $0x0;
	s20 =	sshll.u32 s5, $0x1;
	s5 =	sadd.s32 s21, s3  }
0x9d: {  	[timem:s7], [sflag:s22] =	dma.local [hbm:s5], s20  }
0x9e: {  	_ =	swait.ge [sflag:s22], s20  }
0x9f: {  	s4 =	ssub.s32 $0x0, s20;
	[sflag:s22] =	ssyncset.done $0x0  }
0xa0: {  	[sflag:s22] =	ssyncadd.s32 s4;
	_ =	sdelay $0x1  }
0xa1: {  	s23 =	simm.s32 $0x1B8B  }
0xa2: {  	_ =	swait.ge [sflag:s23], $0x1  }
0xa3: {  	[sflag:s23] =	ssyncset.done $0x0  }
0xa4: {  	s25 =	simm.s32 $0x1B8E;
	s24 =	sld [smem:$0x3FFE];
	[sflag:s23] =	ssyncadd.s32 $0xFFFFFFFF  }
0xa5: {  	s26 =	simm.s32 $execute0_lowered;
	[smem:$0x3FD2] =	sst s25  }
0xa6: {  	s5 =	sshll.u32 s26, $0x1;
	_ =	strace $0x8000004C;
	[dreg:$0x1] =	wrdreg $0xFFFFFFFF  }
0xa7: {  	s28 =	simm.s32 $_size_execute0_lowered;
	s3 =	sadd.s32 s3, s5;
	[dreg:$0x0] =	wrdreg $0x0  }
0xa8: {  	s5 =	sshll.u32 s28, $0x1;
	[dreg:$0x2] =	wrdreg s3  }
0xa9: {  	[dreg:$0x3] =	wrdreg s5  }
0xaa: {  	[dreg:$0x4] =	wrdreg $0xC0  }
0xab: {  	_ =	task [dreg:s7], $0x5FFFF  }
0xac: {  	[dreg:$0x1] =	wrdreg $0xFFFFFFFF  }
0xad: {  	[dreg:$0x0] =	wrdreg $0x60  }
0xae: {  	[dreg:$0x2] =	wrdreg s24  }
0xaf: {  	[dreg:$0x3] =	wrdreg s2  }
0xb0: {  	[dreg:$0x4] =	wrdreg $0x69800  }
0xb1: {  	[dreg:$0x5] =	wrdreg $0x9  }
0xb2: {  	_ =	task.clear_ibuf [dreg:s7], $0x6FFFF;
	_ =	strace $0x9000004C  }
0xb3: {  	s29 =	simm.s32 $0x9;
	_ =	strace $0x8000004E  }
0xb4: {  	_ =	swait.ge [sflag:s29], $0x1  }
0xb5: {  	[sflag:s29] =	ssyncadd.s32 $0xFFFFFFFF  }
0xb6: {  	_ =	strace $0x9000004E  }
0xb7: {  	_ =	sfence  }
0xb8: {  	s30 =	sld [smem:$0x0];
	_ =	sdelay $0x2  }
0xb9: {  	s31 =	sshll.u32 s1, $0xD;
	s1 =	sshrl.u32 s1, $0x2  }
0xba: {  	s3 =	sand.u32 $0x4000, s31;
	s1 =	sadd.s32 s1, s30  }
0xbb: {  	s0 =	sor.u32 s3, s0;
	s1 =	sshll.u32 s1, $0x11  }
0xbc: {  	s0 =	sor.u32 s1, s0  }
0xbd: {  	s0 =	sadd.s32 $0x8F2B, s0  }
0xbe: {  	[sflag:s0] =	ssyncadd.remote.s32 $0x1  }
0xbf: {  	_ =	sfence.sel $0xFFFF  }
0xc0: {  	[dreg:$0x0] =	wrdreg $0xFFFFFFFF;
	(pc) =	sbr.abs _section_cstart, $3  }
0xc1: {  	[dreg:$0x1] =	wrdreg $0xFFFFFFFF  }
0xc2: {  	_ =	task.clear_ibuf [dreg:s7], $0x2FFFF;
	_ =	strace $0x9FFFFFFF  }
0xc3: {  	(tm) =	ssettm $0x7FFFFFFF  }
tec
execute0_lowered:
.L_overlay_start_1:
0x0: {  	(tag) =	ssettag $0x1  }
0x1: {  	s0 =	rddreg [dreg:$0x0]  }
0x2: {  	s2 =	rddreg [dreg:$0x2];
	s3 =	simm.s32 $0x0;
	s1 =	srdreg.scid  }
0x3: {  	s11 =	stileid.u32;
	s21 =	simm.s32 $0x2900;
	s22 =	simm.s32 $0x2  }
0x4: {  	s23 =	simm.s32 $0x180;
	s24 =	simm.s32 $0x80;
	s25 =	simm.s32 $0x100  }
0x5: {  	s28 =	simm.s32 $0x6900;
	s29 =	simm.s32 $0x0;
	s30 =	simm.s32 $0x0  }
0x6: {  	[smem:$0x7FF] =	sst s3;
	s5 =	sadd.s32 $0x45200, s0;
	s6 =	sadd.s32 $0x54000, s0  }
0x7: {  	s7 =	sadd.s32 $0x7AC200, s0;
	s1 =	sand.u32 $0x1, s1;
	s9 =	smul.u32 $0x50000, s11  }
0x8: {  	s8 =	sadd.s32 $0x14000, s0;
	s0 =	sadd.s32 $0x59000, s0;
	s13 =	smul.u32 $0x14000, s11  }
0x9: {  	s26 =	sshll.u32 s11, $0x1;
	_ =	strace $0x8000004D;
	s4 =	ssub.s32 $0x2, s1  }
0xa: {  	s14 =	sor.u32 s1, s26;
	s1 =	smul.u32 $0x140000, s1;
	s26 =	simm.s32 $0x1  }
0xb: {  	s10 =	sshrl.u32 s4, $0x1;
	s9 =	sshrl.u32 s9, $0x2;
	s15 =	sadd.s32 $0x4000, s13  }
0xc: {  	s17 =	sadd.s32 $0x8000, s13;
	s18 =	sadd.s32 $0xC000, s13;
	s19 =	sadd.s32 $0x10000, s13  }
0xd: {  	s14 =	smul.u32 $0x1400, s14;
	s4 =	ssub.s32 s4, s10;
	s9 =	sadd.s32 s9, s2  }
0xe: {  	s10 =	sadd.s32 s15, s2;
	s11 =	sadd.s32 s17, s2;
	s12 =	sadd.s32 s18, s2  }
0xf: {  	s16 =	sadd.s32 s13, s1;
	s15 =	sadd.s32 s1, s15;
	s13 =	sadd.s32 s19, s2  }
0x10: {  	s17 =	sadd.s32 s1, s17;
	s18 =	sadd.s32 s1, s18;
	s1 =	sadd.s32 s1, s19  }
0x11: {  	s16 =	sshrl.u32 s16, $0x3;
	s20 =	sshrl.u32 s15, $0x3;
	s17 =	sshrl.u32 s17, $0x3  }
0x12: {  	s18 =	sshrl.u32 s18, $0x3;
	s1 =	sshrl.u32 s1, $0x3;
	s31 =	sadd.s32 s0, s16  }
0x13: {  	s16 =	sadd.s32 s0, s20;
	s17 =	sadd.s32 s0, s17;
	s18 =	sadd.s32 s0, s18  }
0x14: {  	v0 =	vimm.f32 $0.0e+00;
	s19 =	sadd.s32 s0, s1;
	s20 =	smax.u32 s4, $0x1;
	[dreg:$0x4] =	wrdreg s31  }
.LBB2_1:
0x15: {  	s0 =	simm.s32 $0x0;
	s1 =	simm.s32 $0x200  }
.LBB2_2:
0x16: {  	p0 =	sne.s32 s1, $0xFE00;
	[tilespmem:s0+$0x2970] =	vst v0  }
0x17: {  	[tilespmem:s0+$0x2900] =	vst v0  }
0x18: {  	[tilespmem:s0+$0x2910] =	vst v0  }
.Ltmp0:
0x19: {  	[tilespmem:s0+$0x2920] =	vst v0;
	(pc) =	sbr.rel @p0 .LBB2_2-.Ltmp0, $4  }
0x1a: {  	[tilespmem:s0+$0x2930] =	vst v0  }
0x1b: {  	[tilespmem:s0+$0x2940] =	vst v0  }
0x1c: {  	[tilespmem:s0+$0x2950] =	vst v0  }
0x1d: {  	[tilespmem:s0+$0x2960] =	vst v0;
	s0 =	sshra.s32 s1, $0x2;
	s1 =	sadd.s32 $0x200, s1  }
0x1e: {  	[tilespmem:s0+$0x2970] =	vst v0  }
0x1f: {  	[tilespmem:s0+$0x2900] =	vst v0  }
0x20: {  	[tilespmem:s0+$0x2910] =	vst v0  }
0x21: {  	[tilespmem:s0+$0x2920] =	vst v0  }
0x22: {  	[tilespmem:s0+$0x2930] =	vst v0  }
0x23: {  	[tilespmem:s0+$0x2940] =	vst v0  }
0x24: {  	[tilespmem:s0+$0x2950] =	vst v0  }
0x25: {  	[tilespmem:s0+$0x2960] =	vst v0  }
0x26: {  	[spmem:s9] =	stream.linear.scatter [tilespmem:s21], [sflag:$0x2], $0x4000, $0x38;
	[tilespmem:$0x1A980] =	vst v63  }
0x27: {  	_ =	swait.ge [sflag:s22], $0x4000  }
0x28: {  	[sflag:s22] =	ssyncset.done $0x0  }
0x29: {  	[sflag:s22] =	ssyncadd.s32 $0xFFFFC000  }
0x2a: {  	[spmem:s10] =	stream.linear.scatter [tilespmem:s21], [sflag:$0x2], $0x4000, $0x38;
	[tilespmem:$0x1A980] =	vst v63  }
0x2b: {  	_ =	swait.ge [sflag:s22], $0x4000  }
0x2c: {  	[sflag:s22] =	ssyncset.done $0x0  }
0x2d: {  	[sflag:s22] =	ssyncadd.s32 $0xFFFFC000  }
0x2e: {  	[spmem:s11] =	stream.linear.scatter [tilespmem:s21], [sflag:$0x2], $0x4000, $0x38;
	[tilespmem:$0x1A980] =	vst v63  }
0x2f: {  	_ =	swait.ge [sflag:s22], $0x4000  }
0x30: {  	[sflag:s22] =	ssyncset.done $0x0  }
0x31: {  	[sflag:s22] =	ssyncadd.s32 $0xFFFFC000  }
0x32: {  	[spmem:s12] =	stream.linear.scatter [tilespmem:s21], [sflag:$0x2], $0x4000, $0x38;
	[tilespmem:$0x1A980] =	vst v63  }
0x33: {  	_ =	swait.ge [sflag:s22], $0x4000  }
0x34: {  	[sflag:s22] =	ssyncset.done $0x0  }
0x35: {  	[sflag:s22] =	ssyncadd.s32 $0xFFFFC000  }
0x36: {  	[spmem:s13] =	stream.linear.scatter [tilespmem:s21], [sflag:$0x2], $0x4000, $0x38;
	[tilespmem:$0x1A980] =	vst v63  }
0x37: {  	_ =	swait.ge [sflag:s22], $0x4000  }
0x38: {  	[sflag:s22] =	ssyncset.done $0x0  }
0x39: {  	[sflag:s22] =	ssyncadd.s32 $0xFFFFC000  }
0x3a: {  	[bflag:$0x0] =	sbarrier.arrive $0xFFFF  }
0x3b: {  	s15 =	rddreg [dreg:$0x1]  }
0x3c: {  	[tilespmem:s23], [sflag:$0x2] =	stream.linear.gather [hbm4b:s15+s30], $0x2780, $0x38;
	[tilespmem:$0x1A980] =	vst v63  }
0x3d: {  	_ =	swait.ge [sflag:s22], $0x2780  }
0x3e: {  	[sflag:s22] =	ssyncset.done $0x0  }
0x3f: {  	s31 =	simm.s32 $0x0;
	[sflag:s22] =	ssyncadd.s32 $0xFFFFD880  }
.LBB2_4:
0x40: {  	s0 =	sshll.u32 s31, $0x7  }
0x41: {  	s1 =	sand.u32 $0x1C00, s0  }
0x42: {  	s0 =	sand.u32 $0x380, s0;
	s1 =	sadd.s32 s14, s1  }
0x43: {  	s0 =	sor.u32 s0, s1  }
0x44: {  	s0 =	sshrl.u32 s0, $0x3  }
0x45: {  	s4 =	sadd.s32 s5, s0  }
0x46: {  	[tilespmem:s30], [sflag:$0x2] =	stream.linear.gather [hbm4b:s4+s30], $0x80, $0x38;
	[tilespmem:$0x1A980] =	vst v63  }
0x47: {  	_ =	swait.ge [sflag:s22], $0x80  }
0x48: {  	[sflag:s22] =	ssyncset.done $0x0  }
0x49: {  	s15 =	sadd.s32 s6, s0;
	[sflag:s22] =	ssyncadd.s32 $0xFFFFFF80  }
0x4a: {  	[tilespmem:s24], [sflag:$0x2] =	stream.linear.gather [hbm4b:s15+s30], $0x80, $0x38;
	[tilespmem:$0x1A980] =	vst v63  }
0x4b: {  	_ =	swait.ge [sflag:s22], $0x80  }
0x4c: {  	[sflag:s22] =	ssyncset.done $0x0  }
0x4d: {  	s0 =	sadd.s32 s7, s0;
	[sflag:s22] =	ssyncadd.s32 $0xFFFFFF80  }
0x4e: {  	[tilespmem:s25], [sflag:$0x2] =	stream.linear.gather [hbm4b:s0+s30], $0x80, $0x38;
	[tilespmem:$0x1A980] =	vst v63  }
0x4f: {  	_ =	swait.ge [sflag:s22], $0x80  }
0x50: {  	[sflag:s22] =	ssyncset.done $0x0  }
0x51: {  	[sflag:s22] =	ssyncadd.s32 $0xFFFFFF80  }
0x52: {  	[tilespmem:s21], [sflag:$0x1] =	stream.indirect.gather [hbm4b:s8+s24], $0x80, s24, s24, $0xb8;
	[tilespmem:$0x1A980] =	vst v63  }
0x53: {  	_ =	swait.ge [sflag:s26], $0x4000  }
0x54: {  	[sflag:s26] =	ssyncset.done $0x0  }
0x55: {  	[sflag:s26] =	ssyncadd.s32 $0xFFFFC000  }
0x56: {  	v1 =	vld [tilespmem:$0x100];
	_ =	sdelay $0x6  }
0x57: {  	v2 =	vld [tilespmem:$0x0]  }
0x58: {  	v1 =	vld.idx.msk [tilespmem:v1+s23+$0x0], $0xffff;
	_ =	sdelay $0x4  }
0x59: {  	v1 =	vsub.f32 v2, v1;
	_ =	sdelay $0x1  }
0x5a: {  	v1 =	vmul.f32 $1.442695020e+00, v1;
	_ =	sdelay $0x1  }
0x5b: {  	(erf) = vpow2.f32 v1;
	_ =	sdelay $0x2  }
0x5c: {  	v1 =	vld [tilespmem:$0x110];
	_ =	sdelay $0x5  }
0x5d: {  	v2 =	vpop (erf)  }
0x5e: {  	[tilespmem:$0x6900] =	vst v2;
	v2 =	vld [tilespmem:$0x10]  }
0x5f: {  	v1 =	vld.idx.msk [tilespmem:v1+s23+$0x0], $0xffff;
	_ =	sdelay $0x4  }
0x60: {  	v1 =	vsub.f32 v2, v1;
	_ =	sdelay $0x1  }
0x61: {  	v1 =	vmul.f32 $1.442695020e+00, v1;
	_ =	sdelay $0x1  }
0x62: {  	(erf) = vpow2.f32 v1;
	_ =	sdelay $0x2  }
0x63: {  	v1 =	vld [tilespmem:$0x120];
	_ =	sdelay $0x5  }
0x64: {  	v2 =	vpop (erf)  }
0x65: {  	[tilespmem:$0x6910] =	vst v2;
	v2 =	vld [tilespmem:$0x20]  }
0x66: {  	v1 =	vld.idx.msk [tilespmem:v1+s23+$0x0], $0xffff;
	_ =	sdelay $0x4  }
0x67: {  	v1 =	vsub.f32 v2, v1;
	_ =	sdelay $0x1  }
0x68: {  	v1 =	vmul.f32 $1.442695020e+00, v1;
	_ =	sdelay $0x1  }
0x69: {  	(erf) = vpow2.f32 v1;
	_ =	sdelay $0x2  }
0x6a: {  	v1 =	vld [tilespmem:$0x130];
	_ =	sdelay $0x5  }
0x6b: {  	v2 =	vpop (erf)  }
0x6c: {  	[tilespmem:$0x6920] =	vst v2;
	v2 =	vld [tilespmem:$0x30]  }
0x6d: {  	v1 =	vld.idx.msk [tilespmem:v1+s23+$0x0], $0xffff;
	_ =	sdelay $0x4  }
0x6e: {  	v1 =	vsub.f32 v2, v1;
	_ =	sdelay $0x1  }
0x6f: {  	v1 =	vmul.f32 $1.442695020e+00, v1;
	_ =	sdelay $0x1  }
0x70: {  	(erf) = vpow2.f32 v1;
	_ =	sdelay $0x2  }
0x71: {  	v1 =	vld [tilespmem:$0x140];
	_ =	sdelay $0x5  }
0x72: {  	v2 =	vpop (erf)  }
0x73: {  	[tilespmem:$0x6930] =	vst v2;
	v2 =	vld [tilespmem:$0x40]  }
0x74: {  	v1 =	vld.idx.msk [tilespmem:v1+s23+$0x0], $0xffff;
	_ =	sdelay $0x4  }
0x75: {  	v1 =	vsub.f32 v2, v1;
	_ =	sdelay $0x1  }
0x76: {  	v1 =	vmul.f32 $1.442695020e+00, v1;
	_ =	sdelay $0x1  }
0x77: {  	(erf) = vpow2.f32 v1;
	_ =	sdelay $0x2  }
0x78: {  	v1 =	vld [tilespmem:$0x150];
	_ =	sdelay $0x5  }
0x79: {  	v2 =	vpop (erf)  }
0x7a: {  	[tilespmem:$0x6940] =	vst v2;
	v2 =	vld [tilespmem:$0x50]  }
0x7b: {  	v1 =	vld.idx.msk [tilespmem:v1+s23+$0x0], $0xffff;
	_ =	sdelay $0x4  }
0x7c: {  	v1 =	vsub.f32 v2, v1;
	_ =	sdelay $0x1  }
0x7d: {  	v1 =	vmul.f32 $1.442695020e+00, v1;
	_ =	sdelay $0x1  }
0x7e: {  	(erf) = vpow2.f32 v1;
	_ =	sdelay $0x2  }
0x7f: {  	v1 =	vld [tilespmem:$0x160];
	_ =	sdelay $0x5  }
0x80: {  	v2 =	vpop (erf)  }
0x81: {  	[tilespmem:$0x6950] =	vst v2;
	v2 =	vld [tilespmem:$0x60]  }
0x82: {  	v1 =	vld.idx.msk [tilespmem:v1+s23+$0x0], $0xffff;
	_ =	sdelay $0x4  }
0x83: {  	v1 =	vsub.f32 v2, v1;
	_ =	sdelay $0x1  }
0x84: {  	v1 =	vmul.f32 $1.442695020e+00, v1;
	_ =	sdelay $0x1  }
0x85: {  	(erf) = vpow2.f32 v1;
	_ =	sdelay $0x2  }
0x86: {  	v1 =	vld [tilespmem:$0x170];
	_ =	sdelay $0x5  }
0x87: {  	v2 =	vpop (erf)  }
0x88: {  	[tilespmem:$0x6960] =	vst v2;
	v2 =	vld [tilespmem:$0x70]  }
0x89: {  	v1 =	vld.idx.msk [tilespmem:v1+s23+$0x0], $0xffff;
	_ =	sdelay $0x4  }
0x8a: {  	v1 =	vsub.f32 v2, v1;
	_ =	sdelay $0x1  }
0x8b: {  	v1 =	vmul.f32 $1.442695020e+00, v1;
	_ =	sdelay $0x1  }
0x8c: {  	(erf) = vpow2.f32 v1;
	_ =	sdelay $0x8  }
0x8d: {  	v2 =	vmov s30;
	v1 =	vpop (erf)  }
0x8e: {  	s0 =	simm.s32 $0x2940;
	[tilespmem:$0x6970] =	vst v1  }
0x8f: {  	v5 =	vld [tilespmem:s0+$0x30]  }
0x90: {  	v8 =	vld [tilespmem:s0+$0x10]  }
0x91: {  	v6 =	vld [tilespmem:s0+$0xFFFFFFC0]  }
0x92: {  	v2 =	vld.idx.msk [tilespmem:v2+s28+$0x0], $0xffff  }
0x93: {  	v10 =	vld [tilespmem:s0+$0xFFFFFFE0]  }
0x94: {  	v1 =	vld [tilespmem:s0+$0xFFFFFFF0]  }
0x95: {  	v3 =	vld [tilespmem:s0+$0x20]  }
0x96: {  	v4 =	vld [tilespmem:s0+$0xFFFFFFD0]  }
0x97: {  	v9 =	vmul.f32 v5, v2;
	v5 =	vld [tilespmem:s0+$0x0]  }
0x98: {  	v7 =	vmul.f32 v6, v2  }
0x99: {  	s1 =	simm.s32 $0x2940;
	s4 =	simm.s32 $0x1;
	v6 =	vmul.f32 v10, v2;
	v8 =	vmul.f32 v8, v2  }
.LBB2_5:
0x9a: {  	p0 =	sne.s32 s4, $0x7F  }
0x9b: {  	v4 =	vmul.f32 v4, v2;
	v3 =	vmul.f32 v3, v2;
	[tilespmem:s0+$0x30] =	vst v9;
	s1 =	sadd.s32 $0x80, s1;
	s15 =	smov.u32 s4;
	s4 =	sadd.s32 $0x1, s4  }
0x9c: {  	[tilespmem:s0+$0xFFFFFFC0] =	vst v7;
	v7 =	vmul.f32 v1, v2;
	v2 =	vmul.f32 v5, v2  }
0x9d: {  	[tilespmem:s0+$0x10] =	vst v8  }
0x9e: {  	v5 =	vmov s15;
	[tilespmem:s0+$0xFFFFFFE0] =	vst v6  }
0x9f: {  	v1 =	vld [tilespmem:s1+$0xFFFFFFF0];
	[tilespmem:s0+$0xFFFFFFF0] =	vst v7  }
0xa0: {  	v6 =	vld [tilespmem:s1+$0x30];
	[tilespmem:s0+$0x0] =	vst v2  }
0xa1: {  	v8 =	vld [tilespmem:s1+$0x10];
	[tilespmem:s0+$0x20] =	vst v3  }
0xa2: {  	v7 =	vld [tilespmem:s1+$0xFFFFFFC0];
	[tilespmem:s0+$0xFFFFFFD0] =	vst v4;
	s0 =	smov.u32 s1  }
0xa3: {  	v2 =	vld.idx.msk [tilespmem:v5+s28+$0x0], $0xffff  }
0xa4: {  	v10 =	vld [tilespmem:s1+$0xFFFFFFE0]  }
0xa5: {  	v3 =	vld [tilespmem:s1+$0x20]  }
.Ltmp1:
0xa6: {  	v4 =	vld [tilespmem:s1+$0xFFFFFFD0];
	(pc) =	sbr.rel @p0 .LBB2_5-.Ltmp1, $3  }
0xa7: {  	v5 =	vld [tilespmem:s1+$0x0];
	_ =	sdelay $0x1  }
0xa8: {  	v7 =	vmul.f32 v7, v2;
	v9 =	vmul.f32 v6, v2  }
0xa9: {  	v8 =	vmul.f32 v8, v2;
	v6 =	vmul.f32 v10, v2  }
0xaa: {  	[tilespmem:s0+$0x30] =	vst v9  }
0xab: {  	[tilespmem:s0+$0xFFFFFFC0] =	vst v7  }
0xac: {  	v1 =	vmul.f32 v1, v2;
	[tilespmem:s0+$0x10] =	vst v8  }
0xad: {  	v3 =	vmul.f32 v3, v2;
	[tilespmem:s0+$0xFFFFFFE0] =	vst v6  }
0xae: {  	v5 =	vmul.f32 v5, v2;
	[tilespmem:s0+$0xFFFFFFF0] =	vst v1  }
0xaf: {  	s31 =	sadd.s32 $0x1, s31;
	v1 =	vmul.f32 v4, v2;
	[tilespmem:s0+$0x20] =	vst v3  }
0xb0: {  	p0 =	sne.s32 s31, $0x28;
	[tilespmem:s0+$0x0] =	vst v5  }
.Ltmp2:
0xb1: {  	[tilespmem:s0+$0xFFFFFFD0] =	vst v1;
	(pc) =	sbr.rel @p0 .LBB2_4-.Ltmp2, $4  }
0xb2: {  	[spmem:s2] =	stream.indirect.scatter.add.f32 [tilespmem:s21], [sflag:$0x2], $0x80, s25, s24, $0xb8;
	[tilespmem:$0x1A980] =	vst v63  }
0xb3: {  	_ =	swait.ge [sflag:s22], $0x4000  }
0xb4: {  	[sflag:s22] =	ssyncset.done $0x0  }
0xb5: {  	[sflag:s22] =	ssyncadd.s32 $0xFFFFC000  }
0xb6: {  	[bflag:$0x0] =	sbarrier.arrive $0xFFFF  }
0xb7: {  	[tilespmem:s21], [sflag:$0x2] =	stream.linear.gather [spmem:s9], $0x4000, $0x38;
	[tilespmem:$0x1A980] =	vst v63  }
0xb8: {  	_ =	swait.ge [sflag:s22], $0x4000  }
0xb9: {  	[sflag:s22] =	ssyncset.done $0x0  }
0xba: {  	s0 =	rddreg [dreg:$0x4];
	[sflag:s22] =	ssyncadd.s32 $0xFFFFC000  }
0xbb: {  	[hbm4b:s0+s3] =	stream.linear.scatter [tilespmem:s21], [sflag:$0x2], $0x4000, $0x38;
	[tilespmem:$0x1A980] =	vst v63  }
0xbc: {  	_ =	swait.ge [sflag:s22], $0x4000  }
0xbd: {  	[sflag:s22] =	ssyncset.done $0x0  }
0xbe: {  	[sflag:s22] =	ssyncadd.s32 $0xFFFFC000  }
0xbf: {  	[tilespmem:s21], [sflag:$0x2] =	stream.linear.gather [spmem:s10], $0x4000, $0x38;
	[tilespmem:$0x1A980] =	vst v63  }
0xc0: {  	_ =	swait.ge [sflag:s22], $0x4000  }
0xc1: {  	[sflag:s22] =	ssyncset.done $0x0  }
0xc2: {  	[sflag:s22] =	ssyncadd.s32 $0xFFFFC000  }
0xc3: {  	[hbm4b:s16+s3] =	stream.linear.scatter [tilespmem:s21], [sflag:$0x2], $0x4000, $0x38;
	[tilespmem:$0x1A980] =	vst v63  }
0xc4: {  	_ =	swait.ge [sflag:s22], $0x4000  }
0xc5: {  	[sflag:s22] =	ssyncset.done $0x0  }
0xc6: {  	[sflag:s22] =	ssyncadd.s32 $0xFFFFC000  }
0xc7: {  	[tilespmem:s21], [sflag:$0x2] =	stream.linear.gather [spmem:s11], $0x4000, $0x38;
	[tilespmem:$0x1A980] =	vst v63  }
0xc8: {  	_ =	swait.ge [sflag:s22], $0x4000  }
0xc9: {  	[sflag:s22] =	ssyncset.done $0x0  }
0xca: {  	[sflag:s22] =	ssyncadd.s32 $0xFFFFC000  }
0xcb: {  	[hbm4b:s17+s3] =	stream.linear.scatter [tilespmem:s21], [sflag:$0x2], $0x4000, $0x38;
	[tilespmem:$0x1A980] =	vst v63  }
0xcc: {  	_ =	swait.ge [sflag:s22], $0x4000  }
0xcd: {  	[sflag:s22] =	ssyncset.done $0x0  }
0xce: {  	[sflag:s22] =	ssyncadd.s32 $0xFFFFC000  }
0xcf: {  	[tilespmem:s21], [sflag:$0x2] =	stream.linear.gather [spmem:s12], $0x4000, $0x38;
	[tilespmem:$0x1A980] =	vst v63  }
0xd0: {  	_ =	swait.ge [sflag:s22], $0x4000  }
0xd1: {  	[sflag:s22] =	ssyncset.done $0x0  }
0xd2: {  	[sflag:s22] =	ssyncadd.s32 $0xFFFFC000  }
0xd3: {  	[hbm4b:s18+s3] =	stream.linear.scatter [tilespmem:s21], [sflag:$0x2], $0x4000, $0x38;
	[tilespmem:$0x1A980] =	vst v63  }
0xd4: {  	_ =	swait.ge [sflag:s22], $0x4000  }
0xd5: {  	[sflag:s22] =	ssyncset.done $0x0  }
0xd6: {  	[sflag:s22] =	ssyncadd.s32 $0xFFFFC000  }
0xd7: {  	[tilespmem:s21], [sflag:$0x2] =	stream.linear.gather [spmem:s13], $0x4000, $0x38;
	[tilespmem:$0x1A980] =	vst v63  }
0xd8: {  	s29 =	sadd.s32 $0x1, s29;
	_ =	swait.ge [sflag:s22], $0x4000  }
0xd9: {  	p0 =	sne.s32 s29, s20;
	[sflag:s22] =	ssyncset.done $0x0  }
.Ltmp3:
0xda: {  	[sflag:s22] =	ssyncadd.s32 $0xFFFFC000;
	(pc) =	sbr.rel @p0 .LBB2_1-.Ltmp3, $4  }
0xdb: {  	[hbm4b:s19+s3] =	stream.linear.scatter [tilespmem:s21], [sflag:$0x2], $0x4000, $0x38;
	[tilespmem:$0x1A980] =	vst v63  }
0xdc: {  	_ =	swait.ge [sflag:s22], $0x4000  }
0xdd: {  	[sflag:s22] =	ssyncset.done $0x0  }
0xde: {  	[sflag:s22] =	ssyncadd.s32 $0xFFFFC000  }
0xdf: {  	_ =	sfence.sel $0x180000  }
0xe0: {  	[bflag:$0x0] =	sbarrier.arrive $0xFFFF  }
0xe1: {  	_ =	strace $0x9000004D  }
0xe2: {  	s0 =	stileid.u32;
	[bflag:$0x2] =	sbarrier.arrive $0xFFFF  }
0xe3: {  	p0 =	sne.s32 s0, $0x0;
	s0 =	rddreg [dreg:$0x3]  }
0xe4: {  	s0 =	sadd.s32 @!p0 $0x100000, s0  }
0xe5: {  	[sflag:s0] =	ssyncadd.tile.s32 @!p0 $0x1;
	_ =	shalt  }
.Lfunc_end2:
_tile_overlayer_lowered:
.L_overlay_start_2:
0xe6: {  	(tag) =	ssettag $0x2  }
0xe7: {  	s0 =	rddreg [dreg:$0x0];
	s2 =	stileid.u32  }
0xe8: {  	s1 =	rddreg [dreg:$0x1];
	p0 =	sne.s32 s2, $0x0  }
0xe9: {  	s3 =	rddreg [dreg:$0x2];
	[bflag:$0x3] =	sbarrier.arrive $0xFFFF;
	s2 =	simm.s32 @!p0 $0x1C02  }
0xea: {  	[timem:s3], [sflag:s2] =	dma.local @!p0 [hbm:s0], s1  }
0xeb: {  	s0 =	simm.s32 @!p0 $0x2  }
0xec: {  	_ =	swait.ge @!p0 [sflag:s0], s1  }
0xed: {  	s1 =	ssub.s32 @!p0 $0x0, s1;
	[sflag:s0] =	ssyncset.done @!p0 $0x0  }
0xee: {  	[sflag:s0] =	ssyncadd.s32 @!p0 s1  }
0xef: {  	[bflag:$0x3] =	sbarrier.arrive $0xFFFF  }
0xf0: {  	_ =	shalt  }

// kernel: kernel.26.cloned.1.call-start
scs
__scs_entry_jumppad:
0x0: {  	(pc) =	sbr.rel $0x88, $3  }
0x1: {  	(tag) =	ssettag $0x0;
	lr =	simm.s32 $0x1  }
0x2: {  	[smem:$0x3F8D] =	sst lr;
	_ =	strace $0xD0000000  }
0x3: {  	_ = 	snop  }
0x4: {  	_ = 	snop  }
0x5: {  	_ = 	snop  }
0x6: {  	_ = 	snop  }
0x7: {  	_ = 	snop  }
__scs_overlays_trampoline_lowered:
0x8: {  	[smem:$0x3F9C] =	sst s0  }
0x9: {  	[smem:$0x3F9D] =	sst s1  }
0xa: {  	[smem:$0x3F9E] =	sst s2  }
0xb: {  	[smem:$0x3F9F] =	sst s3  }
0xc: {  	[smem:$0x3FA0] =	sst s4  }
0xd: {  	[smem:$0x3FA1] =	sst s5  }
0xe: {  	[smem:$0x3FA2] =	sst s6  }
0xf: {  	[smem:$0x3FA3] =	sst s7  }
0x10: {  	[smem:$0x3FA4] =	sst s8  }
0x11: {  	[smem:$0x3FA5] =	sst s9;
	s0 =	simm.s32 @!p0 $0x0  }
0x12: {  	s1 =	sld [smem:$0x3F8B];
	s0 =	simm.s32 @p0 $0x1  }
0x13: {  	[smem:$0x3FA6] =	sst s0;
	s0 =	simm.s32 @!p1 $0x0  }
0x14: {  	s2 =	sld [smem:$0x3F8A];
	s0 =	simm.s32 @p1 $0x1  }
0x15: {  	[smem:$0x3FA7] =	sst s0;
	s0 =	simm.s32 @!p2 $0x0  }
0x16: {  	s3 =	sld [smem:$0x3FDB];
	s0 =	simm.s32 @p2 $0x1  }
0x17: {  	s4 =	simm.s32 $0x1BF5;
	[smem:$0x3FA9] =	sst s0  }
0x18: {  	s0 =	sld [smem:$0x3F8C];
	_ =	swait.ge [sflag:s4], $0x0  }
0x19: {  	s7 =	sld [smem:$0x3F8D]  }
0x1a: {  	s8 =	sadd.s32 $0xFFFFE003, lr  }
0x1b: {  	s9 =	sadd.s32 $0xFFFFFEF7, lr;
	s5 =	simm.s32 $0xFFFFFFFF;
	p2 =	slt.u32 s8, $0xFFFFF086  }
0x1c: {  	p1 =	slt.u32 s9, $0xF7A;
	s5 =	simm.s32 @!p2 $0x0  }
0x1d: {  	s5 =	simm.s32 @p1 $0x1;
	p0 =	seq.s32 s7, s2  }
0x1e: {  	s7 =	smul.u32 @!p0 $0xF7A, s2;
	p2 =	seq.s32 @!p0 s5, $0x0  }
0x1f: {  	s9 =	smul.u32 $0xF7A, s1;
	s8 =	simm.s32 @!p0 $0x1BF5;
	p2 =	por !p2, p0  }
0x20: {  	[sflag:s8] =	ssyncset.s32 @!p0 $0xFFFFF086;
	s6 =	sadd.s32 @!p0 s3, s7;
	s7 =	simm.s32 @!p0 $0x108  }
0x21: {  	s3 =	sadd.s32 s3, s9;
	s6 =	sadd.s32 @!p0 $0x88, s6;
	s7 =	simm.s32 @p2 $0x1082  }
0x22: {  	[simem:s7], [sflag:s8] =	dma.local @!p0 [hbm:s6], $0xF7A  }
0x23: {  	s9 =	sor.u32 $0xD0000000, s2;
	s6 =	simm.s32 $0x108;
	_ =	swait.ge @!p0 [sflag:s8], $0x0  }
0x24: {  	s3 =	sadd.s32 $0x88, s3;
	s6 =	simm.s32 @!p1 $0x1082;
	[sflag:s4] =	ssyncset.s32 $0xFFFFF086  }
0x25: {  	[simem:s6], [sflag:s4] =	dma.local [hbm:s3], $0xF7A  }
0x26: {  	[smem:$0x3F8D] =	sst s1;
	(tag) =	ssettag s2;
	_ =	strace s9  }
0x27: {  	s1 =	sld [smem:$0x3F9D]  }
0x28: {  	s2 =	sld [smem:$0x3F9E]  }
0x29: {  	s4 =	sld [smem:$0x3FA0]  }
0x2a: {  	p0 =	seq.s32 s5, $0x0;
	s5 =	sld [smem:$0x3FA1]  }
0x2b: {  	s6 =	sld [smem:$0x3FA2]  }
0x2c: {  	s7 =	sld [smem:$0x3FA3]  }
0x2d: {  	s3 =	simm.s32 $0x108;
	s8 =	sld [smem:$0x3FA4]  }
0x2e: {  	s3 =	simm.s32 @!p0 $0x1082;
	s9 =	sld [smem:$0x3FA5]  }
0x2f: {  	lr =	sadd.s32 s0, s3;
	s0 =	sld [smem:$0x3F9C]  }
0x30: {  	s3 =	sld [smem:$0x3F9F]  }
0x31: {  	[smem:$0x3FA8] =	sst s10  }
0x32: {  	s10 =	sld [smem:$0x3FA6];
	_ =	sdelay $0x3  }
0x33: {  	p0 =	seq.s32 s10, $0x1;
	s10 =	sld [smem:$0x3FA8];
	_ =	sdelay $0x3  }
0x34: {  	[smem:$0x3FA8] =	sst s10  }
0x35: {  	s10 =	sld [smem:$0x3FA7];
	_ =	sdelay $0x3  }
0x36: {  	p1 =	seq.s32 s10, $0x1;
	s10 =	sld [smem:$0x3FA8];
	_ =	sdelay $0x3  }
0x37: {  	[smem:$0x3FA8] =	sst s10  }
0x38: {  	s10 =	sld [smem:$0x3FA9]  }
0x39: {  	_ = 	snop;
	(pc) =	sbr.ind lr, $3  }
0x3a: {  	_ = 	snop  }
0x3b: {  	_ = 	snop  }
0x3c: {  	p2 =	seq.s32 s10, $0x1;
	s10 =	sld [smem:$0x3FA8]  }
0x3d: {  	_ =	shalt  }
0x3e: {  	_ =	shalt  }
0x3f: {  	_ =	shalt  }
0x40: {  	_ =	shalt  }
0x41: {  	_ =	shalt  }
0x42: {  	_ =	shalt  }
0x43: {  	_ =	shalt  }
0x44: {  	_ =	shalt  }
0x45: {  	_ =	shalt  }
0x46: {  	_ =	shalt  }
0x47: {  	_ =	shalt  }
0x48: {  	_ =	shalt  }
0x49: {  	_ =	shalt  }
0x4a: {  	_ =	shalt  }
0x4b: {  	_ =	shalt  }
0x4c: {  	_ =	shalt  }
0x4d: {  	_ =	shalt  }
0x4e: {  	_ =	shalt  }
0x4f: {  	_ =	shalt  }
0x50: {  	_ =	shalt  }
0x51: {  	_ =	shalt  }
0x52: {  	_ =	shalt  }
0x53: {  	_ =	shalt  }
0x54: {  	_ =	shalt  }
0x55: {  	_ =	shalt  }
0x56: {  	_ =	shalt  }
0x57: {  	_ =	shalt  }
0x58: {  	_ =	shalt  }
0x59: {  	_ =	shalt  }
0x5a: {  	_ =	shalt  }
0x5b: {  	_ =	shalt  }
0x5c: {  	_ =	shalt  }
0x5d: {  	_ =	shalt  }
0x5e: {  	_ =	shalt  }
0x5f: {  	_ =	shalt  }
0x60: {  	_ =	shalt  }
0x61: {  	_ =	shalt  }
0x62: {  	_ =	shalt  }
0x63: {  	_ =	shalt  }
0x64: {  	_ =	shalt  }
0x65: {  	_ =	shalt  }
0x66: {  	_ =	shalt  }
0x67: {  	_ =	shalt  }
0x68: {  	_ =	shalt  }
0x69: {  	_ =	shalt  }
0x6a: {  	_ =	shalt  }
0x6b: {  	_ =	shalt  }
0x6c: {  	_ =	shalt  }
0x6d: {  	_ =	shalt  }
0x6e: {  	_ =	shalt  }
0x6f: {  	_ =	shalt  }
0x70: {  	_ =	shalt  }
0x71: {  	_ =	shalt  }
0x72: {  	_ =	shalt  }
0x73: {  	_ =	shalt  }
0x74: {  	_ =	shalt  }
0x75: {  	_ =	shalt  }
0x76: {  	_ =	shalt  }
0x77: {  	_ =	shalt  }
0x78: {  	_ =	shalt  }
0x79: {  	_ =	shalt  }
0x7a: {  	_ =	shalt  }
0x7b: {  	_ =	shalt  }
0x7c: {  	_ =	shalt  }
0x7d: {  	_ =	shalt  }
0x7e: {  	_ =	shalt  }
0x7f: {  	_ =	shalt  }
0x80: {  	_ =	shalt  }
0x81: {  	_ =	shalt  }
0x82: {  	_ =	shalt  }
0x83: {  	_ =	shalt  }
0x84: {  	_ =	shalt  }
0x85: {  	_ =	shalt  }
0x86: {  	_ =	shalt  }
0x87: {  	_ =	shalt  }
.Lfunc_end0:
.L_simem_size_0:
called_computation.3_lowered:
.L_overlay_start_0:
0x88: {  	s2 =	sld [smem:$0x3FD9]  }
0x89: {  	s3 =	sld [smem:$0x3FFE];
	_ =	sdelay $0x1  }
0x8a: {  	s1 =	srdreg.scid  }
0x8b: {  	s0 =	sand.u32 $0x1, s1  }
0x8c: {  	s16 =	sshll.u32 s0, $0xA;
	s2 =	sadd.s32 s3, s2  }
0x8d: {  	s2 =	sadd.s32 s2, s16  }
0x8e: {  	[smem:$0x3FB4] =	sst s2  }
0x8f: {  	_ = 	snop  }
0x90: {  	(tm) =	ssettm $0x1  }
0x91: {  	s17 =	sld [smem:$0x3FFB];
	_ =	sdelay $0x3  }
0x92: {  	_ =	strace s17  }
0x93: {  	s2 =	sld [smem:$0x3FFC];
	_ =	sdelay $0x3  }
0x94: {  	_ =	strace s2  }
0x95: {  	s2 =	sld [smem:$0x3FFD];
	_ =	sdelay $0x3  }
0x96: {  	_ =	strace s2  }
0x97: {  	_ =	strace $0x8FFFFFFF  }
0x98: {  	s18 =	sld [smem:$0x3FDB];
	_ =	sdelay $0x1  }
0x99: {  	s19 =	simm.s32 $_scs_section_size  }
0x9a: {  	s4 =	simm.s32 $_size__tile_overlayer_lowered;
	s5 =	simm.s32 $_tile_overlayer_lowered  }
0x9b: {  	s22 =	simm.s32 $0x1BFF;
	s21 =	sshll.u32 s5, $0x1;
	s2 =	sadd.s32 s19, s18  }
0x9c: {  	s6 =	simm.s32 $0x0;
	s20 =	sshll.u32 s4, $0x1;
	s4 =	sadd.s32 s21, s2  }
0x9d: {  	[timem:s6], [sflag:s22] =	dma.local [hbm:s4], s20  }
0x9e: {  	_ =	swait.ge [sflag:s22], s20  }
0x9f: {  	s3 =	ssub.s32 $0x0, s20;
	[sflag:s22] =	ssyncset.done $0x0  }
0xa0: {  	[sflag:s22] =	ssyncadd.s32 s3;
	_ =	sdelay $0x1  }
0xa1: {  	s23 =	simm.s32 $0x1B8B  }
0xa2: {  	_ =	swait.ge [sflag:s23], $0x1  }
0xa3: {  	[sflag:s23] =	ssyncset.done $0x0  }
0xa4: {  	s25 =	simm.s32 $0x1B8E;
	s24 =	sld [smem:$0x3FFE];
	[sflag:s23] =	ssyncadd.s32 $0xFFFFFFFF  }
0xa5: {  	s26 =	simm.s32 $execute0_lowered;
	[smem:$0x3FD2] =	sst s25  }
0xa6: {  	s4 =	sshll.u32 s26, $0x1;
	_ =	strace $0x8000004F;
	[dreg:$0x1] =	wrdreg $0xFFFFFFFF  }
0xa7: {  	s28 =	simm.s32 $_size_execute0_lowered;
	s2 =	sadd.s32 s2, s4;
	[dreg:$0x0] =	wrdreg $0x0  }
0xa8: {  	s4 =	sshll.u32 s28, $0x1;
	[dreg:$0x2] =	wrdreg s2  }
0xa9: {  	[dreg:$0x3] =	wrdreg s4  }
0xaa: {  	[dreg:$0x4] =	wrdreg $0xC0  }
0xab: {  	_ =	task [dreg:s6], $0x5FFFF  }
0xac: {  	[dreg:$0x1] =	wrdreg $0xFFFFFFFF  }
0xad: {  	[dreg:$0x0] =	wrdreg $0x60  }
0xae: {  	[dreg:$0x2] =	wrdreg s24  }
0xaf: {  	[dreg:$0x3] =	wrdreg $0x9  }
0xb0: {  	_ =	task.clear_ibuf [dreg:s6], $0x4FFFF;
	_ =	strace $0x9000004F  }
0xb1: {  	s29 =	simm.s32 $0x9;
	_ =	strace $0x80000051  }
0xb2: {  	_ =	swait.ge [sflag:s29], $0x1  }
0xb3: {  	[sflag:s29] =	ssyncadd.s32 $0xFFFFFFFF  }
0xb4: {  	_ =	strace $0x90000051  }
0xb5: {  	_ =	sfence  }
0xb6: {  	s30 =	sld [smem:$0x0];
	_ =	sdelay $0x2  }
0xb7: {  	s31 =	sshll.u32 s1, $0xD;
	s1 =	sshrl.u32 s1, $0x2  }
0xb8: {  	s3 =	sand.u32 $0x4000, s31;
	s1 =	sadd.s32 s1, s30  }
0xb9: {  	s0 =	sor.u32 s3, s0;
	s1 =	sshll.u32 s1, $0x11  }
0xba: {  	s0 =	sor.u32 s1, s0  }
0xbb: {  	s0 =	sadd.s32 $0x8F2B, s0  }
0xbc: {  	[sflag:s0] =	ssyncadd.remote.s32 $0x1  }
0xbd: {  	_ =	sfence.sel $0xFFFF  }
0xbe: {  	[dreg:$0x0] =	wrdreg $0xFFFFFFFF;
	(pc) =	sbr.abs _section_cstart, $3  }
0xbf: {  	[dreg:$0x1] =	wrdreg $0xFFFFFFFF  }
0xc0: {  	_ =	task.clear_ibuf [dreg:s6], $0x2FFFF;
	_ =	strace $0x9FFFFFFF  }
0xc1: {  	(tm) =	ssettm $0x7FFFFFFF  }
tec
execute0_lowered:
.L_overlay_start_1:
0x0: {  	(tag) =	ssettag $0x1  }
0x1: {  	s1 =	srdreg.scid;
	s0 =	stileid.u32  }
0x2: {  	s4 =	rddreg [dreg:$0x0];
	s2 =	simm.s32 $0x0;
	s14 =	simm.s32 $0xA800  }
0x3: {  	s15 =	simm.s32 $0x6800;
	s16 =	simm.s32 $0xE800;
	s17 =	simm.s32 $0x1  }
0x4: {  	s18 =	simm.s32 $0x2;
	s19 =	simm.s32 $0x3;
	s20 =	simm.s32 $0x4  }
0x5: {  	s21 =	simm.s32 $0x0;
	s6 =	sand.u32 $0x1, s1;
	s9 =	smul.u32 $0x140000, s0  }
0x6: {  	s29 =	sshll.u32 s0, $0x1;
	s8 =	sadd.s32 $0x2F1200, s4;
	s12 =	smul.u32 $0x28000, s0  }
0x7: {  	[smem:$0x7FF] =	sst s2;
	s10 =	sadd.s32 $0x7B1200, s4;
	s11 =	smul.u32 $0xA0000, s6  }
0x8: {  	s1 =	sor.u32 s6, s29;
	s7 =	ssub.s32 $0x2, s6;
	s31 =	smul.u32 $0x14000, s6  }
0x9: {  	s3 =	smul.u32 $0x1400, s1;
	s1 =	rddreg [dreg:$0x1];
	s30 =	sshrl.u32 s7, $0x1  }
0xa: {  	_ =	strace $0x80000050;
	s13 =	sadd.s32 s12, s8;
	s7 =	ssub.s32 s7, s30  }
0xb: {  	s9 =	sadd.s32 s11, s9;
	s13 =	sadd.s32 s31, s13;
	s11 =	simm.s32 $0x5  }
0xc: {  	s5 =	sshrl.u32 s3, $0x3;
	s3 =	sadd.s32 $0x80200, s4;
	s9 =	sshrl.u32 s9, $0x3  }
0xd: {  	s6 =	smax.u32 s7, $0x1;
	s5 =	sadd.s32 s5, s4;
	s7 =	sadd.s32 s9, s10  }
0xe: {  	s10 =	sadd.s32 s12, s10;
	s8 =	sadd.s32 s9, s8;
	s9 =	sadd.s32 $0x800, s13  }
0xf: {  	s12 =	simm.s32 $0x80;
	s13 =	simm.s32 $0x2800;
	s10 =	sadd.s32 s31, s10  }
0x10: {  	s4 =	sadd.s32 $0xA000, s5;
	s5 =	sadd.s32 $0xF000, s5;
	s10 =	sadd.s32 $0x800, s10  }
.LBB2_1:
0x11: {  	[tilespmem:s2], [sflag:$0x5] =	stream.linear.gather [hbm4b:s4+s2], $0x1400, $0x38;
	[tilespmem:$0x12800] =	vst v63  }
0x12: {  	_ =	swait.ge [sflag:s11], $0x1400  }
0x13: {  	[sflag:s11] =	ssyncset.done $0x0  }
0x14: {  	s22 =	simm.s32 $0x1400;
	[sflag:s11] =	ssyncadd.s32 $0xFFFFEC00  }
0x15: {  	[tilespmem:s22], [sflag:$0x5] =	stream.linear.gather [hbm4b:s5+s2], $0x1400, $0x38;
	[tilespmem:$0x12800] =	vst v63  }
0x16: {  	_ =	swait.ge [sflag:s11], $0x1400  }
0x17: {  	[sflag:s11] =	ssyncset.done $0x0  }
0x18: {  	[sflag:s11] =	ssyncadd.s32 $0xFFFFEC00  }
0x19: {  	[tilespmem:s13], [sflag:$0x1] =	stream.indirect.gather [hbm4b:s3+s12], $0x80, s2, s12, $0xb8;
	[tilespmem:$0x12800] =	vst v63  }
0x1a: {  	_ = 	snop  }
0x1b: {  	[tilespmem:s14], [sflag:$0x2] =	stream.indirect.gather [hbm4b:s3+s12], $0x80, s22, s12, $0xb8;
	[tilespmem:$0x12800] =	vst v63  }
0x1c: {  	s23 =	simm.s32 $0x80  }
0x1d: {  	[tilespmem:s15], [sflag:$0x3] =	stream.indirect.gather [hbm4b:s3+s12], $0x80, s23, s12, $0xb8;
	[tilespmem:$0x12800] =	vst v63  }
0x1e: {  	s26 =	simm.s32 $0x1480  }
0x1f: {  	[tilespmem:s16], [sflag:$0x4] =	stream.indirect.gather [hbm4b:s3+s12], $0x80, s26, s12, $0xb8;
	[tilespmem:$0x12800] =	vst v63  }
0x20: {  	_ =	swait.ge [sflag:s17], $0x4000  }
0x21: {  	[sflag:s17] =	ssyncset.done $0x0  }
0x22: {  	[sflag:s17] =	ssyncadd.s32 $0xFFFFC000  }
0x23: {  	_ =	swait.ge [sflag:s18], $0x4000  }
0x24: {  	[sflag:s18] =	ssyncset.done $0x0  }
0x25: {  	s28 =	sadd.s32 $0x0, s8;
	[sflag:s18] =	ssyncadd.s32 $0xFFFFC000  }
0x26: {  	[hbm4b:s28+s2] =	stream.linear.scatter [tilespmem:s13], [sflag:$0x5], $0x4000, $0x38;
	[tilespmem:$0x12800] =	vst v63  }
0x27: {  	_ =	swait.ge [sflag:s11], $0x4000  }
0x28: {  	[sflag:s11] =	ssyncset.done $0x0  }
0x29: {  	s29 =	sadd.s32 $0x0, s7;
	[sflag:s11] =	ssyncadd.s32 $0xFFFFC000  }
0x2a: {  	[hbm4b:s29+s2] =	stream.linear.scatter [tilespmem:s14], [sflag:$0x5], $0x4000, $0x38;
	[tilespmem:$0x12800] =	vst v63  }
0x2b: {  	_ =	swait.ge [sflag:s11], $0x4000  }
0x2c: {  	[sflag:s11] =	ssyncset.done $0x0  }
0x2d: {  	[sflag:s11] =	ssyncadd.s32 $0xFFFFC000  }
0x2e: {  	_ =	swait.ge [sflag:s19], $0x4000  }
0x2f: {  	[sflag:s19] =	ssyncset.done $0x0  }
0x30: {  	[sflag:s19] =	ssyncadd.s32 $0xFFFFC000  }
0x31: {  	_ =	swait.ge [sflag:s20], $0x4000  }
0x32: {  	[sflag:s20] =	ssyncset.done $0x0  }
0x33: {  	s30 =	sadd.s32 $0x0, s9;
	[sflag:s20] =	ssyncadd.s32 $0xFFFFC000  }
0x34: {  	[hbm4b:s30+s2] =	stream.linear.scatter [tilespmem:s15], [sflag:$0x5], $0x4000, $0x38;
	[tilespmem:$0x12800] =	vst v63  }
0x35: {  	_ =	swait.ge [sflag:s11], $0x4000  }
0x36: {  	[sflag:s11] =	ssyncset.done $0x0  }
0x37: {  	s31 =	sadd.s32 $0x0, s10;
	[sflag:s11] =	ssyncadd.s32 $0xFFFFC000  }
0x38: {  	[hbm4b:s31+s2] =	stream.linear.scatter [tilespmem:s16], [sflag:$0x5], $0x4000, $0x38;
	[tilespmem:$0x12800] =	vst v63  }
0x39: {  	_ =	swait.ge [sflag:s11], $0x4000  }
0x3a: {  	s24 =	simm.s32 $0x0;
	s23 =	simm.s32 $0x1000;
	[sflag:s11] =	ssyncset.done $0x0  }
.LBB2_2:
0x3b: {  	[sflag:s11] =	ssyncadd.s32 $0xFFFFC000;
	s24 =	sadd.s32 $0x100, s24;
	s22 =	sadd.s32 $0x100, s22  }
0x3c: {  	[tilespmem:s13], [sflag:$0x1] =	stream.indirect.gather [hbm4b:s3+s12], $0x80, s24, s12, $0xb8;
	[tilespmem:$0x12800] =	vst v63  }
0x3d: {  	p0 =	sne.s32 s23, $0x13000;
	s25 =	smov.u32 s23;
	s23 =	sadd.s32 $0x1000, s23  }
0x3e: {  	[tilespmem:s14], [sflag:$0x2] =	stream.indirect.gather [hbm4b:s3+s12], $0x80, s22, s12, $0xb8;
	[tilespmem:$0x12800] =	vst v63  }
0x3f: {  	s26 =	sadd.s32 $0x80, s24  }
0x40: {  	[tilespmem:s15], [sflag:$0x3] =	stream.indirect.gather [hbm4b:s3+s12], $0x80, s26, s12, $0xb8;
	[tilespmem:$0x12800] =	vst v63  }
0x41: {  	s26 =	sadd.s32 $0x80, s22  }
0x42: {  	[tilespmem:s16], [sflag:$0x4] =	stream.indirect.gather [hbm4b:s3+s12], $0x80, s26, s12, $0xb8;
	[tilespmem:$0x12800] =	vst v63  }
0x43: {  	_ =	swait.ge [sflag:s17], $0x4000  }
0x44: {  	[sflag:s17] =	ssyncset.done $0x0  }
0x45: {  	[sflag:s17] =	ssyncadd.s32 $0xFFFFC000  }
0x46: {  	_ =	swait.ge [sflag:s18], $0x4000  }
0x47: {  	[sflag:s18] =	ssyncset.done $0x0  }
0x48: {  	s26 =	sadd.s32 s25, s8;
	[sflag:s18] =	ssyncadd.s32 $0xFFFFC000  }
0x49: {  	[hbm4b:s26+s2] =	stream.linear.scatter [tilespmem:s13], [sflag:$0x5], $0x4000, $0x38;
	[tilespmem:$0x12800] =	vst v63  }
0x4a: {  	_ =	swait.ge [sflag:s11], $0x4000  }
0x4b: {  	[sflag:s11] =	ssyncset.done $0x0  }
0x4c: {  	s26 =	sadd.s32 s25, s7;
	[sflag:s11] =	ssyncadd.s32 $0xFFFFC000  }
0x4d: {  	[hbm4b:s26+s2] =	stream.linear.scatter [tilespmem:s14], [sflag:$0x5], $0x4000, $0x38;
	[tilespmem:$0x12800] =	vst v63  }
0x4e: {  	_ =	swait.ge [sflag:s11], $0x4000  }
0x4f: {  	[sflag:s11] =	ssyncset.done $0x0  }
0x50: {  	[sflag:s11] =	ssyncadd.s32 $0xFFFFC000  }
0x51: {  	_ =	swait.ge [sflag:s19], $0x4000  }
0x52: {  	[sflag:s19] =	ssyncset.done $0x0  }
0x53: {  	[sflag:s19] =	ssyncadd.s32 $0xFFFFC000  }
0x54: {  	_ =	swait.ge [sflag:s20], $0x4000  }
0x55: {  	[sflag:s20] =	ssyncset.done $0x0  }
0x56: {  	s26 =	sadd.s32 s25, s9;
	[sflag:s20] =	ssyncadd.s32 $0xFFFFC000  }
0x57: {  	[hbm4b:s26+s2] =	stream.linear.scatter [tilespmem:s15], [sflag:$0x5], $0x4000, $0x38;
	[tilespmem:$0x12800] =	vst v63  }
0x58: {  	_ =	swait.ge [sflag:s11], $0x4000  }
.Ltmp0:
0x59: {  	[sflag:s11] =	ssyncset.done $0x0;
	(pc) =	sbr.rel @p0 .LBB2_2-.Ltmp0, $4  }
0x5a: {  	s25 =	sadd.s32 s25, s10;
	[sflag:s11] =	ssyncadd.s32 $0xFFFFC000  }
0x5b: {  	[hbm4b:s25+s2] =	stream.linear.scatter [tilespmem:s16], [sflag:$0x5], $0x4000, $0x38;
	[tilespmem:$0x12800] =	vst v63  }
0x5c: {  	_ =	swait.ge [sflag:s11], $0x4000  }
0x5d: {  	[sflag:s11] =	ssyncset.done $0x0  }
0x5e: {  	s21 =	sadd.s32 $0x1, s21  }
0x5f: {  	p0 =	sne.s32 s21, s6  }
.Ltmp1:
0x60: {  	_ = 	snop;
	(pc) =	sbr.rel @p0 .LBB2_1-.Ltmp1, $2  }
0x61: {  	_ =	sdelay $0x2  }
0x62: {  	[sflag:s11] =	ssyncadd.s32 $0xFFFFC000  }
0x63: {  	_ =	sfence.sel $0x180000  }
0x64: {  	[bflag:$0x0] =	sbarrier.arrive $0xFFFF  }
0x65: {  	p0 =	sne.s32 s0, $0x0;
	_ =	strace $0x90000050  }
0x66: {  	s0 =	sadd.s32 @!p0 $0x100000, s1;
	[bflag:$0x2] =	sbarrier.arrive $0xFFFF  }
0x67: {  	[sflag:s0] =	ssyncadd.tile.s32 @!p0 $0x1;
	_ =	shalt  }
.Lfunc_end2:
_tile_overlayer_lowered:
.L_overlay_start_2:
0x68: {  	(tag) =	ssettag $0x2  }
0x69: {  	s0 =	rddreg [dreg:$0x0];
	s2 =	stileid.u32  }
0x6a: {  	s1 =	rddreg [dreg:$0x1];
	p0 =	sne.s32 s2, $0x0  }
0x6b: {  	s3 =	rddreg [dreg:$0x2];
	[bflag:$0x3] =	sbarrier.arrive $0xFFFF;
	s2 =	simm.s32 @!p0 $0x1C05  }
0x6c: {  	[timem:s3], [sflag:s2] =	dma.local @!p0 [hbm:s0], s1  }
0x6d: {  	s0 =	simm.s32 @!p0 $0x5  }
0x6e: {  	_ =	swait.ge @!p0 [sflag:s0], s1  }
0x6f: {  	s1 =	ssub.s32 @!p0 $0x0, s1;
	[sflag:s0] =	ssyncset.done @!p0 $0x0  }
0x70: {  	[sflag:s0] =	ssyncadd.s32 @!p0 s1  }
0x71: {  	[bflag:$0x3] =	sbarrier.arrive $0xFFFF  }
0x72: {  	_ =	shalt  }

// kernel: kernel.29.cloned.1.call-start
scs
__scs_entry_jumppad:
0x0: {  	(pc) =	sbr.rel $0x88, $3  }
0x1: {  	(tag) =	ssettag $0x0;
	lr =	simm.s32 $0x1  }
0x2: {  	[smem:$0x3F8D] =	sst lr;
	_ =	strace $0xD0000000  }
0x3: {  	_ = 	snop  }
0x4: {  	_ = 	snop  }
0x5: {  	_ = 	snop  }
0x6: {  	_ = 	snop  }
0x7: {  	_ = 	snop  }
__scs_overlays_trampoline_lowered:
0x8: {  	[smem:$0x3F9C] =	sst s0  }
0x9: {  	[smem:$0x3F9D] =	sst s1  }
0xa: {  	[smem:$0x3F9E] =	sst s2  }
0xb: {  	[smem:$0x3F9F] =	sst s3  }
0xc: {  	[smem:$0x3FA0] =	sst s4  }
0xd: {  	[smem:$0x3FA1] =	sst s5  }
0xe: {  	[smem:$0x3FA2] =	sst s6  }
0xf: {  	[smem:$0x3FA3] =	sst s7  }
0x10: {  	[smem:$0x3FA4] =	sst s8  }
0x11: {  	[smem:$0x3FA5] =	sst s9;
	s0 =	simm.s32 @!p0 $0x0  }
0x12: {  	s1 =	sld [smem:$0x3F8B];
	s0 =	simm.s32 @p0 $0x1  }
0x13: {  	[smem:$0x3FA6] =	sst s0;
	s0 =	simm.s32 @!p1 $0x0  }
0x14: {  	s2 =	sld [smem:$0x3F8A];
	s0 =	simm.s32 @p1 $0x1  }
0x15: {  	[smem:$0x3FA7] =	sst s0;
	s0 =	simm.s32 @!p2 $0x0  }
0x16: {  	s3 =	sld [smem:$0x3FDB];
	s0 =	simm.s32 @p2 $0x1  }
0x17: {  	s4 =	simm.s32 $0x1BF5;
	[smem:$0x3FA9] =	sst s0  }
0x18: {  	s0 =	sld [smem:$0x3F8C];
	_ =	swait.ge [sflag:s4], $0x0  }
0x19: {  	s7 =	sld [smem:$0x3F8D]  }
0x1a: {  	s8 =	sadd.s32 $0xFFFFE003, lr  }
0x1b: {  	s9 =	sadd.s32 $0xFFFFFEF7, lr;
	s5 =	simm.s32 $0xFFFFFFFF;
	p2 =	slt.u32 s8, $0xFFFFF086  }
0x1c: {  	p1 =	slt.u32 s9, $0xF7A;
	s5 =	simm.s32 @!p2 $0x0  }
0x1d: {  	s5 =	simm.s32 @p1 $0x1;
	p0 =	seq.s32 s7, s2  }
0x1e: {  	s7 =	smul.u32 @!p0 $0xF7A, s2;
	p2 =	seq.s32 @!p0 s5, $0x0  }
0x1f: {  	s9 =	smul.u32 $0xF7A, s1;
	s8 =	simm.s32 @!p0 $0x1BF5;
	p2 =	por !p2, p0  }
0x20: {  	[sflag:s8] =	ssyncset.s32 @!p0 $0xFFFFF086;
	s6 =	sadd.s32 @!p0 s3, s7;
	s7 =	simm.s32 @!p0 $0x108  }
0x21: {  	s3 =	sadd.s32 s3, s9;
	s6 =	sadd.s32 @!p0 $0x88, s6;
	s7 =	simm.s32 @p2 $0x1082  }
0x22: {  	[simem:s7], [sflag:s8] =	dma.local @!p0 [hbm:s6], $0xF7A  }
0x23: {  	s9 =	sor.u32 $0xD0000000, s2;
	s6 =	simm.s32 $0x108;
	_ =	swait.ge @!p0 [sflag:s8], $0x0  }
0x24: {  	s3 =	sadd.s32 $0x88, s3;
	s6 =	simm.s32 @!p1 $0x1082;
	[sflag:s4] =	ssyncset.s32 $0xFFFFF086  }
0x25: {  	[simem:s6], [sflag:s4] =	dma.local [hbm:s3], $0xF7A  }
0x26: {  	[smem:$0x3F8D] =	sst s1;
	(tag) =	ssettag s2;
	_ =	strace s9  }
0x27: {  	s1 =	sld [smem:$0x3F9D]  }
0x28: {  	s2 =	sld [smem:$0x3F9E]  }
0x29: {  	s4 =	sld [smem:$0x3FA0]  }
0x2a: {  	p0 =	seq.s32 s5, $0x0;
	s5 =	sld [smem:$0x3FA1]  }
0x2b: {  	s6 =	sld [smem:$0x3FA2]  }
0x2c: {  	s7 =	sld [smem:$0x3FA3]  }
0x2d: {  	s3 =	simm.s32 $0x108;
	s8 =	sld [smem:$0x3FA4]  }
0x2e: {  	s3 =	simm.s32 @!p0 $0x1082;
	s9 =	sld [smem:$0x3FA5]  }
0x2f: {  	lr =	sadd.s32 s0, s3;
	s0 =	sld [smem:$0x3F9C]  }
0x30: {  	s3 =	sld [smem:$0x3F9F]  }
0x31: {  	[smem:$0x3FA8] =	sst s10  }
0x32: {  	s10 =	sld [smem:$0x3FA6];
	_ =	sdelay $0x3  }
0x33: {  	p0 =	seq.s32 s10, $0x1;
	s10 =	sld [smem:$0x3FA8];
	_ =	sdelay $0x3  }
0x34: {  	[smem:$0x3FA8] =	sst s10  }
0x35: {  	s10 =	sld [smem:$0x3FA7];
	_ =	sdelay $0x3  }
0x36: {  	p1 =	seq.s32 s10, $0x1;
	s10 =	sld [smem:$0x3FA8];
	_ =	sdelay $0x3  }
0x37: {  	[smem:$0x3FA8] =	sst s10  }
0x38: {  	s10 =	sld [smem:$0x3FA9]  }
0x39: {  	_ = 	snop;
	(pc) =	sbr.ind lr, $3  }
0x3a: {  	_ = 	snop  }
0x3b: {  	_ = 	snop  }
0x3c: {  	p2 =	seq.s32 s10, $0x1;
	s10 =	sld [smem:$0x3FA8]  }
0x3d: {  	_ =	shalt  }
0x3e: {  	_ =	shalt  }
0x3f: {  	_ =	shalt  }
0x40: {  	_ =	shalt  }
0x41: {  	_ =	shalt  }
0x42: {  	_ =	shalt  }
0x43: {  	_ =	shalt  }
0x44: {  	_ =	shalt  }
0x45: {  	_ =	shalt  }
0x46: {  	_ =	shalt  }
0x47: {  	_ =	shalt  }
0x48: {  	_ =	shalt  }
0x49: {  	_ =	shalt  }
0x4a: {  	_ =	shalt  }
0x4b: {  	_ =	shalt  }
0x4c: {  	_ =	shalt  }
0x4d: {  	_ =	shalt  }
0x4e: {  	_ =	shalt  }
0x4f: {  	_ =	shalt  }
0x50: {  	_ =	shalt  }
0x51: {  	_ =	shalt  }
0x52: {  	_ =	shalt  }
0x53: {  	_ =	shalt  }
0x54: {  	_ =	shalt  }
0x55: {  	_ =	shalt  }
0x56: {  	_ =	shalt  }
0x57: {  	_ =	shalt  }
0x58: {  	_ =	shalt  }
0x59: {  	_ =	shalt  }
0x5a: {  	_ =	shalt  }
0x5b: {  	_ =	shalt  }
0x5c: {  	_ =	shalt  }
0x5d: {  	_ =	shalt  }
0x5e: {  	_ =	shalt  }
0x5f: {  	_ =	shalt  }
0x60: {  	_ =	shalt  }
0x61: {  	_ =	shalt  }
0x62: {  	_ =	shalt  }
0x63: {  	_ =	shalt  }
0x64: {  	_ =	shalt  }
0x65: {  	_ =	shalt  }
0x66: {  	_ =	shalt  }
0x67: {  	_ =	shalt  }
0x68: {  	_ =	shalt  }
0x69: {  	_ =	shalt  }
0x6a: {  	_ =	shalt  }
0x6b: {  	_ =	shalt  }
0x6c: {  	_ =	shalt  }
0x6d: {  	_ =	shalt  }
0x6e: {  	_ =	shalt  }
0x6f: {  	_ =	shalt  }
0x70: {  	_ =	shalt  }
0x71: {  	_ =	shalt  }
0x72: {  	_ =	shalt  }
0x73: {  	_ =	shalt  }
0x74: {  	_ =	shalt  }
0x75: {  	_ =	shalt  }
0x76: {  	_ =	shalt  }
0x77: {  	_ =	shalt  }
0x78: {  	_ =	shalt  }
0x79: {  	_ =	shalt  }
0x7a: {  	_ =	shalt  }
0x7b: {  	_ =	shalt  }
0x7c: {  	_ =	shalt  }
0x7d: {  	_ =	shalt  }
0x7e: {  	_ =	shalt  }
0x7f: {  	_ =	shalt  }
0x80: {  	_ =	shalt  }
0x81: {  	_ =	shalt  }
0x82: {  	_ =	shalt  }
0x83: {  	_ =	shalt  }
0x84: {  	_ =	shalt  }
0x85: {  	_ =	shalt  }
0x86: {  	_ =	shalt  }
0x87: {  	_ =	shalt  }
.Lfunc_end0:
.L_simem_size_0:
called_computation.4_lowered:
.L_overlay_start_0:
0x88: {  	s2 =	sld [smem:$0x3FD9]  }
0x89: {  	s3 =	sld [smem:$0x3FFE];
	_ =	sdelay $0x1  }
0x8a: {  	s1 =	srdreg.scid  }
0x8b: {  	s0 =	sand.u32 $0x1, s1  }
0x8c: {  	s16 =	sshll.u32 s0, $0xA;
	s2 =	sadd.s32 s3, s2  }
0x8d: {  	s2 =	sadd.s32 s2, s16  }
0x8e: {  	[smem:$0x3FB4] =	sst s2  }
0x8f: {  	_ = 	snop  }
0x90: {  	(tm) =	ssettm $0x1  }
0x91: {  	s17 =	sld [smem:$0x3FFB];
	_ =	sdelay $0x3  }
0x92: {  	_ =	strace s17  }
0x93: {  	s2 =	sld [smem:$0x3FFC];
	_ =	sdelay $0x3  }
0x94: {  	_ =	strace s2  }
0x95: {  	s2 =	sld [smem:$0x3FFD];
	_ =	sdelay $0x3  }
0x96: {  	_ =	strace s2  }
0x97: {  	_ =	strace $0x8FFFFFFF  }
0x98: {  	s18 =	sld [smem:$0x3FDB];
	_ =	sdelay $0x1  }
0x99: {  	s19 =	simm.s32 $_scs_section_size  }
0x9a: {  	s4 =	simm.s32 $_size__tile_overlayer_lowered;
	s5 =	simm.s32 $_tile_overlayer_lowered  }
0x9b: {  	s22 =	simm.s32 $0x1BFF;
	s21 =	sshll.u32 s5, $0x1;
	s2 =	sadd.s32 s19, s18  }
0x9c: {  	s6 =	simm.s32 $0x0;
	s20 =	sshll.u32 s4, $0x1;
	s4 =	sadd.s32 s21, s2  }
0x9d: {  	[timem:s6], [sflag:s22] =	dma.local [hbm:s4], s20  }
0x9e: {  	_ =	swait.ge [sflag:s22], s20  }
0x9f: {  	s3 =	ssub.s32 $0x0, s20;
	[sflag:s22] =	ssyncset.done $0x0  }
0xa0: {  	[sflag:s22] =	ssyncadd.s32 s3;
	_ =	sdelay $0x1  }
0xa1: {  	s23 =	simm.s32 $0x1B8B  }
0xa2: {  	_ =	swait.ge [sflag:s23], $0x1  }
0xa3: {  	[sflag:s23] =	ssyncset.done $0x0  }
0xa4: {  	s25 =	simm.s32 $0x1B8E;
	s24 =	sld [smem:$0x3FFE];
	[sflag:s23] =	ssyncadd.s32 $0xFFFFFFFF  }
0xa5: {  	s26 =	simm.s32 $execute0_lowered;
	[smem:$0x3FD2] =	sst s25  }
0xa6: {  	s4 =	sshll.u32 s26, $0x1;
	_ =	strace $0x80000052;
	[dreg:$0x1] =	wrdreg $0xFFFFFFFF  }
0xa7: {  	s28 =	simm.s32 $_size_execute0_lowered;
	s2 =	sadd.s32 s2, s4;
	[dreg:$0x0] =	wrdreg $0x0  }
0xa8: {  	s4 =	sshll.u32 s28, $0x1;
	[dreg:$0x2] =	wrdreg s2  }
0xa9: {  	[dreg:$0x3] =	wrdreg s4  }
0xaa: {  	[dreg:$0x4] =	wrdreg $0xC0  }
0xab: {  	_ =	task [dreg:s6], $0x5FFFF  }
0xac: {  	[dreg:$0x1] =	wrdreg $0xFFFFFFFF  }
0xad: {  	[dreg:$0x0] =	wrdreg $0x60  }
0xae: {  	[dreg:$0x2] =	wrdreg s24  }
0xaf: {  	[dreg:$0x3] =	wrdreg $0x4F800  }
0xb0: {  	[dreg:$0x4] =	wrdreg $0x9  }
0xb1: {  	_ =	task.clear_ibuf [dreg:s6], $0x5FFFF;
	_ =	strace $0x90000052  }
0xb2: {  	s29 =	simm.s32 $0x9;
	_ =	strace $0x80000054  }
0xb3: {  	_ =	swait.ge [sflag:s29], $0x1  }
0xb4: {  	[sflag:s29] =	ssyncadd.s32 $0xFFFFFFFF  }
0xb5: {  	_ =	strace $0x90000054  }
0xb6: {  	_ =	sfence  }
0xb7: {  	s30 =	sld [smem:$0x0];
	_ =	sdelay $0x2  }
0xb8: {  	s31 =	sshll.u32 s1, $0xD;
	s1 =	sshrl.u32 s1, $0x2  }
0xb9: {  	s3 =	sand.u32 $0x4000, s31;
	s1 =	sadd.s32 s1, s30  }
0xba: {  	s0 =	sor.u32 s3, s0;
	s1 =	sshll.u32 s1, $0x11  }
0xbb: {  	s0 =	sor.u32 s1, s0  }
0xbc: {  	s0 =	sadd.s32 $0x8F2B, s0  }
0xbd: {  	[sflag:s0] =	ssyncadd.remote.s32 $0x1  }
0xbe: {  	_ =	sfence.sel $0xFFFF  }
0xbf: {  	[dreg:$0x0] =	wrdreg $0xFFFFFFFF;
	(pc) =	sbr.abs _section_cstart, $3  }
0xc0: {  	[dreg:$0x1] =	wrdreg $0xFFFFFFFF  }
0xc1: {  	_ =	task.clear_ibuf [dreg:s6], $0x2FFFF;
	_ =	strace $0x9FFFFFFF  }
0xc2: {  	(tm) =	ssettm $0x7FFFFFFF  }
0xc3: {  	_ =	shalt  }
tec
execute0_lowered:
.L_overlay_start_1:
0x0: {  	(tag) =	ssettag $0x1  }
0x1: {  	s4 =	rddreg [dreg:$0x0]  }
0x2: {  	s2 =	rddreg [dreg:$0x1]  }
0x3: {  	s0 =	rddreg [dreg:$0x2];
	s3 =	srdreg.scid  }
0x4: {  	s1 =	stileid.u32;
	s10 =	simm.s32 $0x1;
	s11 =	simm.s32 $0x1400  }
0x5: {  	s12 =	simm.s32 $0x80;
	s5 =	sand.u32 $0x1, s3;
	s7 =	smul.u32 $0x2710, s1  }
0x6: {  	s6 =	sshll.u32 s1, $0x1;
	s3 =	simm.s32 $0x0;
	s8 =	smul.u32 $0x27100, s5  }
0x7: {  	s13 =	simm.s32 $0x0;
	s6 =	sor.u32 s5, s6;
	[smem:$0x7FF] =	sst s3  }
0x8: {  	s5 =	ssub.s32 $0x2, s5;
	s6 =	smul.u32 $0x280, s6;
	s8 =	sadd.s32 s7, s8  }
0x9: {  	_ =	strace $0x80000053;
	s9 =	sshrl.u32 s5, $0x1;
	s8 =	sshrl.u32 s8, $0x3  }
0xa: {  	s9 =	ssub.s32 s5, s9;
	s6 =	sadd.s32 s6, s4;
	s8 =	sadd.s32 s8, s4  }
0xb: {  	s4 =	sadd.s32 s7, s2;
	s5 =	sadd.s32 $0xA000, s6;
	s6 =	sadd.s32 $0xF000, s6  }
0xc: {  	v0 =	vimm.f32 $0.0e+00;
	s7 =	sadd.s32 $0x3B200, s8;
	s8 =	smax.u32 s9, $0x1;
	s9 =	simm.s32 $0x2800  }
.LBB2_1:
0xd: {  	s14 =	simm.s32 $0x40;
	s15 =	simm.s32 $0x0  }
.LBB2_2:
0xe: {  	p0 =	sne.s32 s14, $0x9C00;
	[tilespmem:s15+$0x2800] =	vst v0;
	s15 =	smov.u32 s14;
	s14 =	sadd.s32 $0x40, s14  }
.Ltmp0:
0xf: {  	(pc) =	sbr.rel @p0 .LBB2_2-.Ltmp0, $2  }
0x10: {  	_ =	sdelay $0x2  }
0x11: {  	s15 =	sshra.s32 s15, $0x2  }
0x12: {  	[tilespmem:s15+$0x2800] =	vst v0  }
0x13: {  	[spmem:s4] =	stream.linear.scatter [tilespmem:s9], [sflag:$0x1], $0x2710, $0x38;
	[tilespmem:$0x7690] =	vst v63  }
0x14: {  	_ =	swait.ge [sflag:s10], $0x2710  }
0x15: {  	[sflag:s10] =	ssyncset.done $0x0  }
0x16: {  	[sflag:s10] =	ssyncadd.s32 $0xFFFFD8F0  }
0x17: {  	s14 =	simm.s32 $0x0;
	[bflag:$0x0] =	sbarrier.arrive $0xFFFF  }
0x18: {  	[tilespmem:s14], [sflag:$0x1] =	stream.linear.gather [hbm4b:s5+s14], $0x1400, $0x38;
	[tilespmem:$0x7690] =	vst v63  }
0x19: {  	_ =	swait.ge [sflag:s10], $0x1400  }
0x1a: {  	[sflag:s10] =	ssyncset.done $0x0  }
0x1b: {  	[sflag:s10] =	ssyncadd.s32 $0xFFFFEC00  }
0x1c: {  	[tilespmem:s11], [sflag:$0x1] =	stream.linear.gather [hbm4b:s6+s14], $0x1400, $0x38;
	[tilespmem:$0x7690] =	vst v63  }
0x1d: {  	_ =	swait.ge [sflag:s10], $0x1400  }
0x1e: {  	[sflag:s10] =	ssyncset.done $0x0  }
0x1f: {  	s30 =	simm.s32 $0x0;
	s31 =	simm.s32 $0x1400;
	[sflag:s10] =	ssyncadd.s32 $0xFFFFEC00  }
0x20: {  	[spmem:s2] =	stream.indirect.scatter.add.f32 [tilespmem:s30], [sflag:$0x1], $0x1, s31, s12, $0xb8;
	[tilespmem:$0x7690] =	vst v63  }
0x21: {  	s14 =	simm.s32 $0x200;
	_ =	swait.ge [sflag:s10], $0x80  }
.LBB2_4:
0x22: {  	s15 =	sshra.s32 s14, $0x2;
	[sflag:s10] =	ssyncset.done $0x0;
	p0 =	sne.s32 s14, $0x4E00  }
.Ltmp1:
0x23: {  	s16 =	sadd.s32 $0x1400, s15;
	[sflag:s10] =	ssyncadd.s32 $0xFFFFFF80;
	(pc) =	sbr.rel @p0 .LBB2_4-.Ltmp1, $3  }
0x24: {  	[spmem:s2] =	stream.indirect.scatter.add.f32 [tilespmem:s15], [sflag:$0x1], $0x1, s16, s12, $0xb8;
	[tilespmem:$0x7690] =	vst v63  }
0x25: {  	s14 =	sadd.s32 $0x200, s14;
	_ =	sdelay $0x1  }
0x26: {  	_ =	swait.ge [sflag:s10], $0x80  }
0x27: {  	[sflag:s10] =	ssyncset.done $0x0  }
0x28: {  	[sflag:s10] =	ssyncadd.s32 $0xFFFFFF80  }
0x29: {  	[bflag:$0x0] =	sbarrier.arrive $0xFFFF  }
0x2a: {  	[tilespmem:s9], [sflag:$0x1] =	stream.linear.gather [spmem:s4], $0x2710, $0x38;
	[tilespmem:$0x7690] =	vst v63  }
0x2b: {  	s13 =	sadd.s32 $0x1, s13;
	_ =	swait.ge [sflag:s10], $0x2710  }
0x2c: {  	p0 =	sne.s32 s13, s8;
	[sflag:s10] =	ssyncset.done $0x0  }
.Ltmp2:
0x2d: {  	[sflag:s10] =	ssyncadd.s32 $0xFFFFD8F0;
	(pc) =	sbr.rel @p0 .LBB2_1-.Ltmp2, $4  }
0x2e: {  	[hbm4b:s7+s3] =	stream.linear.scatter [tilespmem:s9], [sflag:$0x1], $0x2710, $0x38;
	[tilespmem:$0x7690] =	vst v63  }
0x2f: {  	_ =	swait.ge [sflag:s10], $0x2710  }
0x30: {  	[sflag:s10] =	ssyncset.done $0x0  }
0x31: {  	[sflag:s10] =	ssyncadd.s32 $0xFFFFD8F0  }
0x32: {  	_ =	sfence.sel $0x180000  }
0x33: {  	[bflag:$0x0] =	sbarrier.arrive $0xFFFF  }
0x34: {  	p0 =	sne.s32 s1, $0x0;
	_ =	strace $0x90000053  }
0x35: {  	s0 =	sadd.s32 @!p0 $0x100000, s0;
	[bflag:$0x2] =	sbarrier.arrive $0xFFFF  }
0x36: {  	[sflag:s0] =	ssyncadd.tile.s32 @!p0 $0x1;
	_ =	shalt  }
.Lfunc_end2:
_tile_overlayer_lowered:
.L_overlay_start_2:
0x37: {  	(tag) =	ssettag $0x2  }
0x38: {  	s0 =	rddreg [dreg:$0x0];
	s2 =	stileid.u32  }
0x39: {  	s1 =	rddreg [dreg:$0x1];
	p0 =	sne.s32 s2, $0x0  }
0x3a: {  	s3 =	rddreg [dreg:$0x2];
	[bflag:$0x3] =	sbarrier.arrive $0xFFFF;
	s2 =	simm.s32 @!p0 $0x1C01  }
0x3b: {  	[timem:s3], [sflag:s2] =	dma.local @!p0 [hbm:s0], s1  }
0x3c: {  	s0 =	simm.s32 @!p0 $0x1  }
0x3d: {  	_ =	swait.ge @!p0 [sflag:s0], s1  }
0x3e: {  	s1 =	ssub.s32 @!p0 $0x0, s1;
	[sflag:s0] =	ssyncset.done @!p0 $0x0  }
0x3f: {  	[sflag:s0] =	ssyncadd.s32 @!p0 s1  }
0x40: {  	[bflag:$0x3] =	sbarrier.arrive $0xFFFF  }
0x41: {  	_ =	shalt  }

// kernel: kernel.32.cloned.1.call-start
scs
__scs_entry_jumppad:
0x0: {  	(pc) =	sbr.rel $0x88, $3  }
0x1: {  	(tag) =	ssettag $0x0;
	lr =	simm.s32 $0x1  }
0x2: {  	[smem:$0x3F8D] =	sst lr;
	_ =	strace $0xD0000000  }
0x3: {  	_ = 	snop  }
0x4: {  	_ = 	snop  }
0x5: {  	_ = 	snop  }
0x6: {  	_ = 	snop  }
0x7: {  	_ = 	snop  }
__scs_overlays_trampoline_lowered:
0x8: {  	[smem:$0x3F9C] =	sst s0  }
0x9: {  	[smem:$0x3F9D] =	sst s1  }
0xa: {  	[smem:$0x3F9E] =	sst s2  }
0xb: {  	[smem:$0x3F9F] =	sst s3  }
0xc: {  	[smem:$0x3FA0] =	sst s4  }
0xd: {  	[smem:$0x3FA1] =	sst s5  }
0xe: {  	[smem:$0x3FA2] =	sst s6  }
0xf: {  	[smem:$0x3FA3] =	sst s7  }
0x10: {  	[smem:$0x3FA4] =	sst s8  }
0x11: {  	[smem:$0x3FA5] =	sst s9;
	s0 =	simm.s32 @!p0 $0x0  }
0x12: {  	s1 =	sld [smem:$0x3F8B];
	s0 =	simm.s32 @p0 $0x1  }
0x13: {  	[smem:$0x3FA6] =	sst s0;
	s0 =	simm.s32 @!p1 $0x0  }
0x14: {  	s2 =	sld [smem:$0x3F8A];
	s0 =	simm.s32 @p1 $0x1  }
0x15: {  	[smem:$0x3FA7] =	sst s0;
	s0 =	simm.s32 @!p2 $0x0  }
0x16: {  	s3 =	sld [smem:$0x3FDB];
	s0 =	simm.s32 @p2 $0x1  }
0x17: {  	s4 =	simm.s32 $0x1BF5;
	[smem:$0x3FA9] =	sst s0  }
0x18: {  	s0 =	sld [smem:$0x3F8C];
	_ =	swait.ge [sflag:s4], $0x0  }
0x19: {  	s7 =	sld [smem:$0x3F8D]  }
0x1a: {  	s8 =	sadd.s32 $0xFFFFE003, lr  }
0x1b: {  	s9 =	sadd.s32 $0xFFFFFEF7, lr;
	s5 =	simm.s32 $0xFFFFFFFF;
	p2 =	slt.u32 s8, $0xFFFFF086  }
0x1c: {  	p1 =	slt.u32 s9, $0xF7A;
	s5 =	simm.s32 @!p2 $0x0  }
0x1d: {  	s5 =	simm.s32 @p1 $0x1;
	p0 =	seq.s32 s7, s2  }
0x1e: {  	s7 =	smul.u32 @!p0 $0xF7A, s2;
	p2 =	seq.s32 @!p0 s5, $0x0  }
0x1f: {  	s9 =	smul.u32 $0xF7A, s1;
	s8 =	simm.s32 @!p0 $0x1BF5;
	p2 =	por !p2, p0  }
0x20: {  	[sflag:s8] =	ssyncset.s32 @!p0 $0xFFFFF086;
	s6 =	sadd.s32 @!p0 s3, s7;
	s7 =	simm.s32 @!p0 $0x108  }
0x21: {  	s3 =	sadd.s32 s3, s9;
	s6 =	sadd.s32 @!p0 $0x88, s6;
	s7 =	simm.s32 @p2 $0x1082  }
0x22: {  	[simem:s7], [sflag:s8] =	dma.local @!p0 [hbm:s6], $0xF7A  }
0x23: {  	s9 =	sor.u32 $0xD0000000, s2;
	s6 =	simm.s32 $0x108;
	_ =	swait.ge @!p0 [sflag:s8], $0x0  }
0x24: {  	s3 =	sadd.s32 $0x88, s3;
	s6 =	simm.s32 @!p1 $0x1082;
	[sflag:s4] =	ssyncset.s32 $0xFFFFF086  }
0x25: {  	[simem:s6], [sflag:s4] =	dma.local [hbm:s3], $0xF7A  }
0x26: {  	[smem:$0x3F8D] =	sst s1;
	(tag) =	ssettag s2;
	_ =	strace s9  }
0x27: {  	s1 =	sld [smem:$0x3F9D]  }
0x28: {  	s2 =	sld [smem:$0x3F9E]  }
0x29: {  	s4 =	sld [smem:$0x3FA0]  }
0x2a: {  	p0 =	seq.s32 s5, $0x0;
	s5 =	sld [smem:$0x3FA1]  }
0x2b: {  	s6 =	sld [smem:$0x3FA2]  }
0x2c: {  	s7 =	sld [smem:$0x3FA3]  }
0x2d: {  	s3 =	simm.s32 $0x108;
	s8 =	sld [smem:$0x3FA4]  }
0x2e: {  	s3 =	simm.s32 @!p0 $0x1082;
	s9 =	sld [smem:$0x3FA5]  }
0x2f: {  	lr =	sadd.s32 s0, s3;
	s0 =	sld [smem:$0x3F9C]  }
0x30: {  	s3 =	sld [smem:$0x3F9F]  }
0x31: {  	[smem:$0x3FA8] =	sst s10  }
0x32: {  	s10 =	sld [smem:$0x3FA6];
	_ =	sdelay $0x3  }
0x33: {  	p0 =	seq.s32 s10, $0x1;
	s10 =	sld [smem:$0x3FA8];
	_ =	sdelay $0x3  }
0x34: {  	[smem:$0x3FA8] =	sst s10  }
0x35: {  	s10 =	sld [smem:$0x3FA7];
	_ =	sdelay $0x3  }
0x36: {  	p1 =	seq.s32 s10, $0x1;
	s10 =	sld [smem:$0x3FA8];
	_ =	sdelay $0x3  }
0x37: {  	[smem:$0x3FA8] =	sst s10  }
0x38: {  	s10 =	sld [smem:$0x3FA9]  }
0x39: {  	_ = 	snop;
	(pc) =	sbr.ind lr, $3  }
0x3a: {  	_ = 	snop  }
0x3b: {  	_ = 	snop  }
0x3c: {  	p2 =	seq.s32 s10, $0x1;
	s10 =	sld [smem:$0x3FA8]  }
0x3d: {  	_ =	shalt  }
0x3e: {  	_ =	shalt  }
0x3f: {  	_ =	shalt  }
0x40: {  	_ =	shalt  }
0x41: {  	_ =	shalt  }
0x42: {  	_ =	shalt  }
0x43: {  	_ =	shalt  }
0x44: {  	_ =	shalt  }
0x45: {  	_ =	shalt  }
0x46: {  	_ =	shalt  }
0x47: {  	_ =	shalt  }
0x48: {  	_ =	shalt  }
0x49: {  	_ =	shalt  }
0x4a: {  	_ =	shalt  }
0x4b: {  	_ =	shalt  }
0x4c: {  	_ =	shalt  }
0x4d: {  	_ =	shalt  }
0x4e: {  	_ =	shalt  }
0x4f: {  	_ =	shalt  }
0x50: {  	_ =	shalt  }
0x51: {  	_ =	shalt  }
0x52: {  	_ =	shalt  }
0x53: {  	_ =	shalt  }
0x54: {  	_ =	shalt  }
0x55: {  	_ =	shalt  }
0x56: {  	_ =	shalt  }
0x57: {  	_ =	shalt  }
0x58: {  	_ =	shalt  }
0x59: {  	_ =	shalt  }
0x5a: {  	_ =	shalt  }
0x5b: {  	_ =	shalt  }
0x5c: {  	_ =	shalt  }
0x5d: {  	_ =	shalt  }
0x5e: {  	_ =	shalt  }
0x5f: {  	_ =	shalt  }
0x60: {  	_ =	shalt  }
0x61: {  	_ =	shalt  }
0x62: {  	_ =	shalt  }
0x63: {  	_ =	shalt  }
0x64: {  	_ =	shalt  }
0x65: {  	_ =	shalt  }
0x66: {  	_ =	shalt  }
0x67: {  	_ =	shalt  }
0x68: {  	_ =	shalt  }
0x69: {  	_ =	shalt  }
0x6a: {  	_ =	shalt  }
0x6b: {  	_ =	shalt  }
0x6c: {  	_ =	shalt  }
0x6d: {  	_ =	shalt  }
0x6e: {  	_ =	shalt  }
0x6f: {  	_ =	shalt  }
0x70: {  	_ =	shalt  }
0x71: {  	_ =	shalt  }
0x72: {  	_ =	shalt  }
0x73: {  	_ =	shalt  }
0x74: {  	_ =	shalt  }
0x75: {  	_ =	shalt  }
0x76: {  	_ =	shalt  }
0x77: {  	_ =	shalt  }
0x78: {  	_ =	shalt  }
0x79: {  	_ =	shalt  }
0x7a: {  	_ =	shalt  }
0x7b: {  	_ =	shalt  }
0x7c: {  	_ =	shalt  }
0x7d: {  	_ =	shalt  }
0x7e: {  	_ =	shalt  }
0x7f: {  	_ =	shalt  }
0x80: {  	_ =	shalt  }
0x81: {  	_ =	shalt  }
0x82: {  	_ =	shalt  }
0x83: {  	_ =	shalt  }
0x84: {  	_ =	shalt  }
0x85: {  	_ =	shalt  }
0x86: {  	_ =	shalt  }
0x87: {  	_ =	shalt  }
.Lfunc_end0:
.L_simem_size_0:
called_computation.5_lowered:
.L_overlay_start_0:
0x88: {  	s2 =	sld [smem:$0x3FD9]  }
0x89: {  	s3 =	sld [smem:$0x3FFE];
	_ =	sdelay $0x1  }
0x8a: {  	s1 =	srdreg.scid  }
0x8b: {  	s0 =	sand.u32 $0x1, s1  }
0x8c: {  	s17 =	sshll.u32 s0, $0xA;
	s2 =	sadd.s32 s3, s2  }
0x8d: {  	s2 =	sadd.s32 s2, s17  }
0x8e: {  	[smem:$0x3FB4] =	sst s2  }
0x8f: {  	_ = 	snop  }
0x90: {  	s2 =	sld [smem:$0x3FD0];
	(tm) =	ssettm $0x1  }
0x91: {  	s18 =	sld [smem:$0x3FFB];
	_ =	sdelay $0x3  }
0x92: {  	_ =	strace s18  }
0x93: {  	s3 =	sld [smem:$0x3FFC];
	_ =	sdelay $0x3  }
0x94: {  	_ =	strace s3  }
0x95: {  	s3 =	sld [smem:$0x3FFD];
	_ =	sdelay $0x3  }
0x96: {  	_ =	strace s3  }
0x97: {  	_ =	strace $0x8FFFFFFF  }
0x98: {  	s19 =	sld [smem:$0x3FDB];
	_ =	sdelay $0x1  }
0x99: {  	s4 =	simm.s32 $_scs_section_size  }
0x9a: {  	s5 =	simm.s32 $_size__tile_overlayer_lowered;
	s6 =	simm.s32 $_tile_overlayer_lowered  }
0x9b: {  	s22 =	simm.s32 $0x1BFF;
	s21 =	sshll.u32 s6, $0x1;
	s3 =	sadd.s32 s4, s19  }
0x9c: {  	s7 =	simm.s32 $0x0;
	s20 =	sshll.u32 s5, $0x1;
	s5 =	sadd.s32 s21, s3  }
0x9d: {  	[timem:s7], [sflag:s22] =	dma.local [hbm:s5], s20  }
0x9e: {  	_ =	swait.ge [sflag:s22], s20  }
0x9f: {  	s4 =	ssub.s32 $0x0, s20;
	[sflag:s22] =	ssyncset.done $0x0  }
0xa0: {  	[sflag:s22] =	ssyncadd.s32 s4;
	_ =	sdelay $0x1  }
0xa1: {  	s23 =	simm.s32 $0x1B8B  }
0xa2: {  	_ =	swait.ge [sflag:s23], $0x1  }
0xa3: {  	[sflag:s23] =	ssyncset.done $0x0  }
0xa4: {  	s25 =	simm.s32 $0x1B8E;
	s24 =	sld [smem:$0x3FFE];
	[sflag:s23] =	ssyncadd.s32 $0xFFFFFFFF  }
0xa5: {  	s26 =	simm.s32 $execute0_lowered;
	[smem:$0x3FD2] =	sst s25  }
0xa6: {  	s5 =	sshll.u32 s26, $0x1;
	_ =	strace $0x80000055;
	[dreg:$0x1] =	wrdreg $0xFFFFFFFF  }
0xa7: {  	s28 =	simm.s32 $_size_execute0_lowered;
	s3 =	sadd.s32 s3, s5;
	[dreg:$0x0] =	wrdreg $0x0  }
0xa8: {  	s5 =	sshll.u32 s28, $0x1;
	[dreg:$0x2] =	wrdreg s3  }
0xa9: {  	[dreg:$0x3] =	wrdreg s5  }
0xaa: {  	[dreg:$0x4] =	wrdreg $0xC0  }
0xab: {  	_ =	task [dreg:s7], $0x5FFFF  }
0xac: {  	[dreg:$0x1] =	wrdreg $0xFFFFFFFF  }
0xad: {  	[dreg:$0x0] =	wrdreg $0x60  }
0xae: {  	[dreg:$0x2] =	wrdreg s24  }
0xaf: {  	[dreg:$0x3] =	wrdreg s2  }
0xb0: {  	[dreg:$0x4] =	wrdreg $0x69800  }
0xb1: {  	[dreg:$0x5] =	wrdreg $0x9  }
0xb2: {  	_ =	task.clear_ibuf [dreg:s7], $0x6FFFF;
	_ =	strace $0x90000055  }
0xb3: {  	s29 =	simm.s32 $0x9;
	_ =	strace $0x80000057  }
0xb4: {  	_ =	swait.ge [sflag:s29], $0x1  }
0xb5: {  	[sflag:s29] =	ssyncadd.s32 $0xFFFFFFFF  }
0xb6: {  	_ =	strace $0x90000057  }
0xb7: {  	_ =	sfence  }
0xb8: {  	s30 =	sld [smem:$0x0];
	_ =	sdelay $0x2  }
0xb9: {  	s31 =	sshll.u32 s1, $0xD;
	s1 =	sshrl.u32 s1, $0x2  }
0xba: {  	s3 =	sand.u32 $0x4000, s31;
	s1 =	sadd.s32 s1, s30  }
0xbb: {  	s0 =	sor.u32 s3, s0;
	s1 =	sshll.u32 s1, $0x11  }
0xbc: {  	s0 =	sor.u32 s1, s0  }
0xbd: {  	s0 =	sadd.s32 $0x8F2B, s0  }
0xbe: {  	[sflag:s0] =	ssyncadd.remote.s32 $0x1  }
0xbf: {  	_ =	sfence.sel $0xFFFF  }
0xc0: {  	[dreg:$0x0] =	wrdreg $0xFFFFFFFF;
	(pc) =	sbr.abs _section_cstart, $3  }
0xc1: {  	[dreg:$0x1] =	wrdreg $0xFFFFFFFF  }
0xc2: {  	_ =	task.clear_ibuf [dreg:s7], $0x2FFFF;
	_ =	strace $0x9FFFFFFF  }
0xc3: {  	(tm) =	ssettm $0x7FFFFFFF  }
tec
execute0_lowered:
.L_overlay_start_1:
0x0: {  	(tag) =	ssettag $0x1  }
0x1: {  	s0 =	rddreg [dreg:$0x0]  }
0x2: {  	s2 =	rddreg [dreg:$0x2];
	s3 =	simm.s32 $0x0;
	s1 =	srdreg.scid  }
0x3: {  	s11 =	stileid.u32;
	s21 =	simm.s32 $0x2900;
	s22 =	simm.s32 $0x2  }
0x4: {  	s23 =	simm.s32 $0x180;
	s24 =	simm.s32 $0x80;
	s25 =	simm.s32 $0x100  }
0x5: {  	s28 =	simm.s32 $0x6900;
	s29 =	simm.s32 $0x0;
	s30 =	simm.s32 $0x0  }
0x6: {  	[smem:$0x7FF] =	sst s3;
	s5 =	sadd.s32 $0x5000, s0;
	s6 =	sadd.s32 $0x54000, s0  }
0x7: {  	s7 =	sadd.s32 $0x7AC200, s0;
	s1 =	sand.u32 $0x1, s1;
	s9 =	smul.u32 $0x50000, s11  }
0x8: {  	s8 =	sadd.s32 $0x59000, s0;
	s0 =	sadd.s32 $0x80200, s0;
	s13 =	smul.u32 $0x14000, s11  }
0x9: {  	s26 =	sshll.u32 s11, $0x1;
	_ =	strace $0x80000056;
	s4 =	ssub.s32 $0x2, s1  }
0xa: {  	s14 =	sor.u32 s1, s26;
	s1 =	smul.u32 $0x140000, s1;
	s26 =	simm.s32 $0x1  }
0xb: {  	s10 =	sshrl.u32 s4, $0x1;
	s9 =	sshrl.u32 s9, $0x2;
	s15 =	sadd.s32 $0x4000, s13  }
0xc: {  	s17 =	sadd.s32 $0x8000, s13;
	s18 =	sadd.s32 $0xC000, s13;
	s19 =	sadd.s32 $0x10000, s13  }
0xd: {  	s14 =	smul.u32 $0x1400, s14;
	s4 =	ssub.s32 s4, s10;
	s9 =	sadd.s32 s9, s2  }
0xe: {  	s10 =	sadd.s32 s15, s2;
	s11 =	sadd.s32 s17, s2;
	s12 =	sadd.s32 s18, s2  }
0xf: {  	s16 =	sadd.s32 s13, s1;
	s15 =	sadd.s32 s1, s15;
	s13 =	sadd.s32 s19, s2  }
0x10: {  	s17 =	sadd.s32 s1, s17;
	s18 =	sadd.s32 s1, s18;
	s1 =	sadd.s32 s1, s19  }
0x11: {  	s16 =	sshrl.u32 s16, $0x3;
	s20 =	sshrl.u32 s15, $0x3;
	s17 =	sshrl.u32 s17, $0x3  }
0x12: {  	s18 =	sshrl.u32 s18, $0x3;
	s1 =	sshrl.u32 s1, $0x3;
	s31 =	sadd.s32 s0, s16  }
0x13: {  	s16 =	sadd.s32 s0, s20;
	s17 =	sadd.s32 s0, s17;
	s18 =	sadd.s32 s0, s18  }
0x14: {  	v0 =	vimm.f32 $0.0e+00;
	s19 =	sadd.s32 s0, s1;
	s20 =	smax.u32 s4, $0x1;
	[dreg:$0x4] =	wrdreg s31  }
.LBB2_1:
0x15: {  	s0 =	simm.s32 $0x0;
	s1 =	simm.s32 $0x200  }
.LBB2_2:
0x16: {  	p0 =	sne.s32 s1, $0xFE00;
	[tilespmem:s0+$0x2970] =	vst v0  }
0x17: {  	[tilespmem:s0+$0x2900] =	vst v0  }
0x18: {  	[tilespmem:s0+$0x2910] =	vst v0  }
.Ltmp0:
0x19: {  	[tilespmem:s0+$0x2920] =	vst v0;
	(pc) =	sbr.rel @p0 .LBB2_2-.Ltmp0, $4  }
0x1a: {  	[tilespmem:s0+$0x2930] =	vst v0  }
0x1b: {  	[tilespmem:s0+$0x2940] =	vst v0  }
0x1c: {  	[tilespmem:s0+$0x2950] =	vst v0  }
0x1d: {  	[tilespmem:s0+$0x2960] =	vst v0;
	s0 =	sshra.s32 s1, $0x2;
	s1 =	sadd.s32 $0x200, s1  }
0x1e: {  	[tilespmem:s0+$0x2970] =	vst v0  }
0x1f: {  	[tilespmem:s0+$0x2900] =	vst v0  }
0x20: {  	[tilespmem:s0+$0x2910] =	vst v0  }
0x21: {  	[tilespmem:s0+$0x2920] =	vst v0  }
0x22: {  	[tilespmem:s0+$0x2930] =	vst v0  }
0x23: {  	[tilespmem:s0+$0x2940] =	vst v0  }
0x24: {  	[tilespmem:s0+$0x2950] =	vst v0  }
0x25: {  	[tilespmem:s0+$0x2960] =	vst v0  }
0x26: {  	[spmem:s9] =	stream.linear.scatter [tilespmem:s21], [sflag:$0x2], $0x4000, $0x38;
	[tilespmem:$0x1A980] =	vst v63  }
0x27: {  	_ =	swait.ge [sflag:s22], $0x4000  }
0x28: {  	[sflag:s22] =	ssyncset.done $0x0  }
0x29: {  	[sflag:s22] =	ssyncadd.s32 $0xFFFFC000  }
0x2a: {  	[spmem:s10] =	stream.linear.scatter [tilespmem:s21], [sflag:$0x2], $0x4000, $0x38;
	[tilespmem:$0x1A980] =	vst v63  }
0x2b: {  	_ =	swait.ge [sflag:s22], $0x4000  }
0x2c: {  	[sflag:s22] =	ssyncset.done $0x0  }
0x2d: {  	[sflag:s22] =	ssyncadd.s32 $0xFFFFC000  }
0x2e: {  	[spmem:s11] =	stream.linear.scatter [tilespmem:s21], [sflag:$0x2], $0x4000, $0x38;
	[tilespmem:$0x1A980] =	vst v63  }
0x2f: {  	_ =	swait.ge [sflag:s22], $0x4000  }
0x30: {  	[sflag:s22] =	ssyncset.done $0x0  }
0x31: {  	[sflag:s22] =	ssyncadd.s32 $0xFFFFC000  }
0x32: {  	[spmem:s12] =	stream.linear.scatter [tilespmem:s21], [sflag:$0x2], $0x4000, $0x38;
	[tilespmem:$0x1A980] =	vst v63  }
0x33: {  	_ =	swait.ge [sflag:s22], $0x4000  }
0x34: {  	[sflag:s22] =	ssyncset.done $0x0  }
0x35: {  	[sflag:s22] =	ssyncadd.s32 $0xFFFFC000  }
0x36: {  	[spmem:s13] =	stream.linear.scatter [tilespmem:s21], [sflag:$0x2], $0x4000, $0x38;
	[tilespmem:$0x1A980] =	vst v63  }
0x37: {  	_ =	swait.ge [sflag:s22], $0x4000  }
0x38: {  	[sflag:s22] =	ssyncset.done $0x0  }
0x39: {  	[sflag:s22] =	ssyncadd.s32 $0xFFFFC000  }
0x3a: {  	[bflag:$0x0] =	sbarrier.arrive $0xFFFF  }
0x3b: {  	s15 =	rddreg [dreg:$0x1]  }
0x3c: {  	[tilespmem:s23], [sflag:$0x2] =	stream.linear.gather [hbm4b:s15+s30], $0x2780, $0x38;
	[tilespmem:$0x1A980] =	vst v63  }
0x3d: {  	_ =	swait.ge [sflag:s22], $0x2780  }
0x3e: {  	[sflag:s22] =	ssyncset.done $0x0  }
0x3f: {  	s31 =	simm.s32 $0x0;
	[sflag:s22] =	ssyncadd.s32 $0xFFFFD880  }
.LBB2_4:
0x40: {  	s0 =	sshll.u32 s31, $0x7  }
0x41: {  	s1 =	sand.u32 $0x1C00, s0  }
0x42: {  	s0 =	sand.u32 $0x380, s0;
	s1 =	sadd.s32 s14, s1  }
0x43: {  	s0 =	sor.u32 s0, s1  }
0x44: {  	s0 =	sshrl.u32 s0, $0x3  }
0x45: {  	s4 =	sadd.s32 s5, s0  }
0x46: {  	[tilespmem:s30], [sflag:$0x2] =	stream.linear.gather [hbm4b:s4+s30], $0x80, $0x38;
	[tilespmem:$0x1A980] =	vst v63  }
0x47: {  	_ =	swait.ge [sflag:s22], $0x80  }
0x48: {  	[sflag:s22] =	ssyncset.done $0x0  }
0x49: {  	s15 =	sadd.s32 s6, s0;
	[sflag:s22] =	ssyncadd.s32 $0xFFFFFF80  }
0x4a: {  	[tilespmem:s24], [sflag:$0x2] =	stream.linear.gather [hbm4b:s15+s30], $0x80, $0x38;
	[tilespmem:$0x1A980] =	vst v63  }
0x4b: {  	_ =	swait.ge [sflag:s22], $0x80  }
0x4c: {  	[sflag:s22] =	ssyncset.done $0x0  }
0x4d: {  	s0 =	sadd.s32 s7, s0;
	[sflag:s22] =	ssyncadd.s32 $0xFFFFFF80  }
0x4e: {  	[tilespmem:s25], [sflag:$0x2] =	stream.linear.gather [hbm4b:s0+s30], $0x80, $0x38;
	[tilespmem:$0x1A980] =	vst v63  }
0x4f: {  	_ =	swait.ge [sflag:s22], $0x80  }
0x50: {  	[sflag:s22] =	ssyncset.done $0x0  }
0x51: {  	[sflag:s22] =	ssyncadd.s32 $0xFFFFFF80  }
0x52: {  	[tilespmem:s21], [sflag:$0x1] =	stream.indirect.gather [hbm4b:s8+s24], $0x80, s24, s24, $0xb8;
	[tilespmem:$0x1A980] =	vst v63  }
0x53: {  	_ =	swait.ge [sflag:s26], $0x4000  }
0x54: {  	[sflag:s26] =	ssyncset.done $0x0  }
0x55: {  	[sflag:s26] =	ssyncadd.s32 $0xFFFFC000  }
0x56: {  	v1 =	vld [tilespmem:$0x100];
	_ =	sdelay $0x6  }
0x57: {  	v2 =	vld [tilespmem:$0x0]  }
0x58: {  	v1 =	vld.idx.msk [tilespmem:v1+s23+$0x0], $0xffff;
	_ =	sdelay $0x4  }
0x59: {  	v1 =	vsub.f32 v2, v1;
	_ =	sdelay $0x1  }
0x5a: {  	v1 =	vmul.f32 $1.442695020e+00, v1;
	_ =	sdelay $0x1  }
0x5b: {  	(erf) = vpow2.f32 v1;
	_ =	sdelay $0x2  }
0x5c: {  	v1 =	vld [tilespmem:$0x110];
	_ =	sdelay $0x5  }
0x5d: {  	v2 =	vpop (erf)  }
0x5e: {  	[tilespmem:$0x6900] =	vst v2;
	v2 =	vld [tilespmem:$0x10]  }
0x5f: {  	v1 =	vld.idx.msk [tilespmem:v1+s23+$0x0], $0xffff;
	_ =	sdelay $0x4  }
0x60: {  	v1 =	vsub.f32 v2, v1;
	_ =	sdelay $0x1  }
0x61: {  	v1 =	vmul.f32 $1.442695020e+00, v1;
	_ =	sdelay $0x1  }
0x62: {  	(erf) = vpow2.f32 v1;
	_ =	sdelay $0x2  }
0x63: {  	v1 =	vld [tilespmem:$0x120];
	_ =	sdelay $0x5  }
0x64: {  	v2 =	vpop (erf)  }
0x65: {  	[tilespmem:$0x6910] =	vst v2;
	v2 =	vld [tilespmem:$0x20]  }
0x66: {  	v1 =	vld.idx.msk [tilespmem:v1+s23+$0x0], $0xffff;
	_ =	sdelay $0x4  }
0x67: {  	v1 =	vsub.f32 v2, v1;
	_ =	sdelay $0x1  }
0x68: {  	v1 =	vmul.f32 $1.442695020e+00, v1;
	_ =	sdelay $0x1  }
0x69: {  	(erf) = vpow2.f32 v1;
	_ =	sdelay $0x2  }
0x6a: {  	v1 =	vld [tilespmem:$0x130];
	_ =	sdelay $0x5  }
0x6b: {  	v2 =	vpop (erf)  }
0x6c: {  	[tilespmem:$0x6920] =	vst v2;
	v2 =	vld [tilespmem:$0x30]  }
0x6d: {  	v1 =	vld.idx.msk [tilespmem:v1+s23+$0x0], $0xffff;
	_ =	sdelay $0x4  }
0x6e: {  	v1 =	vsub.f32 v2, v1;
	_ =	sdelay $0x1  }
0x6f: {  	v1 =	vmul.f32 $1.442695020e+00, v1;
	_ =	sdelay $0x1  }
0x70: {  	(erf) = vpow2.f32 v1;
	_ =	sdelay $0x2  }
0x71: {  	v1 =	vld [tilespmem:$0x140];
	_ =	sdelay $0x5  }
0x72: {  	v2 =	vpop (erf)  }
0x73: {  	[tilespmem:$0x6930] =	vst v2;
	v2 =	vld [tilespmem:$0x40]  }
0x74: {  	v1 =	vld.idx.msk [tilespmem:v1+s23+$0x0], $0xffff;
	_ =	sdelay $0x4  }
0x75: {  	v1 =	vsub.f32 v2, v1;
	_ =	sdelay $0x1  }
0x76: {  	v1 =	vmul.f32 $1.442695020e+00, v1;
	_ =	sdelay $0x1  }
0x77: {  	(erf) = vpow2.f32 v1;
	_ =	sdelay $0x2  }
0x78: {  	v1 =	vld [tilespmem:$0x150];
	_ =	sdelay $0x5  }
0x79: {  	v2 =	vpop (erf)  }
0x7a: {  	[tilespmem:$0x6940] =	vst v2;
	v2 =	vld [tilespmem:$0x50]  }
0x7b: {  	v1 =	vld.idx.msk [tilespmem:v1+s23+$0x0], $0xffff;
	_ =	sdelay $0x4  }
0x7c: {  	v1 =	vsub.f32 v2, v1;
	_ =	sdelay $0x1  }
0x7d: {  	v1 =	vmul.f32 $1.442695020e+00, v1;
	_ =	sdelay $0x1  }
0x7e: {  	(erf) = vpow2.f32 v1;
	_ =	sdelay $0x2  }
0x7f: {  	v1 =	vld [tilespmem:$0x160];
	_ =	sdelay $0x5  }
0x80: {  	v2 =	vpop (erf)  }
0x81: {  	[tilespmem:$0x6950] =	vst v2;
	v2 =	vld [tilespmem:$0x60]  }
0x82: {  	v1 =	vld.idx.msk [tilespmem:v1+s23+$0x0], $0xffff;
	_ =	sdelay $0x4  }
0x83: {  	v1 =	vsub.f32 v2, v1;
	_ =	sdelay $0x1  }
0x84: {  	v1 =	vmul.f32 $1.442695020e+00, v1;
	_ =	sdelay $0x1  }
0x85: {  	(erf) = vpow2.f32 v1;
	_ =	sdelay $0x2  }
0x86: {  	v1 =	vld [tilespmem:$0x170];
	_ =	sdelay $0x5  }
0x87: {  	v2 =	vpop (erf)  }
0x88: {  	[tilespmem:$0x6960] =	vst v2;
	v2 =	vld [tilespmem:$0x70]  }
0x89: {  	v1 =	vld.idx.msk [tilespmem:v1+s23+$0x0], $0xffff;
	_ =	sdelay $0x4  }
0x8a: {  	v1 =	vsub.f32 v2, v1;
	_ =	sdelay $0x1  }
0x8b: {  	v1 =	vmul.f32 $1.442695020e+00, v1;
	_ =	sdelay $0x1  }
0x8c: {  	(erf) = vpow2.f32 v1;
	_ =	sdelay $0x8  }
0x8d: {  	v2 =	vmov s30;
	v1 =	vpop (erf)  }
0x8e: {  	s0 =	simm.s32 $0x2940;
	[tilespmem:$0x6970] =	vst v1  }
0x8f: {  	v5 =	vld [tilespmem:s0+$0x30]  }
0x90: {  	v8 =	vld [tilespmem:s0+$0x10]  }
0x91: {  	v6 =	vld [tilespmem:s0+$0xFFFFFFC0]  }
0x92: {  	v2 =	vld.idx.msk [tilespmem:v2+s28+$0x0], $0xffff  }
0x93: {  	v10 =	vld [tilespmem:s0+$0xFFFFFFE0]  }
0x94: {  	v1 =	vld [tilespmem:s0+$0xFFFFFFF0]  }
0x95: {  	v3 =	vld [tilespmem:s0+$0x20]  }
0x96: {  	v4 =	vld [tilespmem:s0+$0xFFFFFFD0]  }
0x97: {  	v9 =	vmul.f32 v5, v2;
	v5 =	vld [tilespmem:s0+$0x0]  }
0x98: {  	v7 =	vmul.f32 v6, v2  }
0x99: {  	s1 =	simm.s32 $0x2940;
	s4 =	simm.s32 $0x1;
	v6 =	vmul.f32 v10, v2;
	v8 =	vmul.f32 v8, v2  }
.LBB2_5:
0x9a: {  	p0 =	sne.s32 s4, $0x7F  }
0x9b: {  	v4 =	vmul.f32 v4, v2;
	v3 =	vmul.f32 v3, v2;
	[tilespmem:s0+$0x30] =	vst v9;
	s1 =	sadd.s32 $0x80, s1;
	s15 =	smov.u32 s4;
	s4 =	sadd.s32 $0x1, s4  }
0x9c: {  	[tilespmem:s0+$0xFFFFFFC0] =	vst v7;
	v7 =	vmul.f32 v1, v2;
	v2 =	vmul.f32 v5, v2  }
0x9d: {  	[tilespmem:s0+$0x10] =	vst v8  }
0x9e: {  	v5 =	vmov s15;
	[tilespmem:s0+$0xFFFFFFE0] =	vst v6  }
0x9f: {  	v1 =	vld [tilespmem:s1+$0xFFFFFFF0];
	[tilespmem:s0+$0xFFFFFFF0] =	vst v7  }
0xa0: {  	v6 =	vld [tilespmem:s1+$0x30];
	[tilespmem:s0+$0x0] =	vst v2  }
0xa1: {  	v8 =	vld [tilespmem:s1+$0x10];
	[tilespmem:s0+$0x20] =	vst v3  }
0xa2: {  	v7 =	vld [tilespmem:s1+$0xFFFFFFC0];
	[tilespmem:s0+$0xFFFFFFD0] =	vst v4;
	s0 =	smov.u32 s1  }
0xa3: {  	v2 =	vld.idx.msk [tilespmem:v5+s28+$0x0], $0xffff  }
0xa4: {  	v10 =	vld [tilespmem:s1+$0xFFFFFFE0]  }
0xa5: {  	v3 =	vld [tilespmem:s1+$0x20]  }
.Ltmp1:
0xa6: {  	v4 =	vld [tilespmem:s1+$0xFFFFFFD0];
	(pc) =	sbr.rel @p0 .LBB2_5-.Ltmp1, $3  }
0xa7: {  	v5 =	vld [tilespmem:s1+$0x0];
	_ =	sdelay $0x1  }
0xa8: {  	v7 =	vmul.f32 v7, v2;
	v9 =	vmul.f32 v6, v2  }
0xa9: {  	v8 =	vmul.f32 v8, v2;
	v6 =	vmul.f32 v10, v2  }
0xaa: {  	[tilespmem:s0+$0x30] =	vst v9  }
0xab: {  	[tilespmem:s0+$0xFFFFFFC0] =	vst v7  }
0xac: {  	v1 =	vmul.f32 v1, v2;
	[tilespmem:s0+$0x10] =	vst v8  }
0xad: {  	v3 =	vmul.f32 v3, v2;
	[tilespmem:s0+$0xFFFFFFE0] =	vst v6  }
0xae: {  	v5 =	vmul.f32 v5, v2;
	[tilespmem:s0+$0xFFFFFFF0] =	vst v1  }
0xaf: {  	s31 =	sadd.s32 $0x1, s31;
	v1 =	vmul.f32 v4, v2;
	[tilespmem:s0+$0x20] =	vst v3  }
0xb0: {  	p0 =	sne.s32 s31, $0x28;
	[tilespmem:s0+$0x0] =	vst v5  }
.Ltmp2:
0xb1: {  	[tilespmem:s0+$0xFFFFFFD0] =	vst v1;
	(pc) =	sbr.rel @p0 .LBB2_4-.Ltmp2, $4  }
0xb2: {  	[spmem:s2] =	stream.indirect.scatter.add.f32 [tilespmem:s21], [sflag:$0x2], $0x80, s25, s24, $0xb8;
	[tilespmem:$0x1A980] =	vst v63  }
0xb3: {  	_ =	swait.ge [sflag:s22], $0x4000  }
0xb4: {  	[sflag:s22] =	ssyncset.done $0x0  }
0xb5: {  	[sflag:s22] =	ssyncadd.s32 $0xFFFFC000  }
0xb6: {  	[bflag:$0x0] =	sbarrier.arrive $0xFFFF  }
0xb7: {  	[tilespmem:s21], [sflag:$0x2] =	stream.linear.gather [spmem:s9], $0x4000, $0x38;
	[tilespmem:$0x1A980] =	vst v63  }
0xb8: {  	_ =	swait.ge [sflag:s22], $0x4000  }
0xb9: {  	[sflag:s22] =	ssyncset.done $0x0  }
0xba: {  	s0 =	rddreg [dreg:$0x4];
	[sflag:s22] =	ssyncadd.s32 $0xFFFFC000  }
0xbb: {  	[hbm4b:s0+s3] =	stream.linear.scatter [tilespmem:s21], [sflag:$0x2], $0x4000, $0x38;
	[tilespmem:$0x1A980] =	vst v63  }
0xbc: {  	_ =	swait.ge [sflag:s22], $0x4000  }
0xbd: {  	[sflag:s22] =	ssyncset.done $0x0  }
0xbe: {  	[sflag:s22] =	ssyncadd.s32 $0xFFFFC000  }
0xbf: {  	[tilespmem:s21], [sflag:$0x2] =	stream.linear.gather [spmem:s10], $0x4000, $0x38;
	[tilespmem:$0x1A980] =	vst v63  }
0xc0: {  	_ =	swait.ge [sflag:s22], $0x4000  }
0xc1: {  	[sflag:s22] =	ssyncset.done $0x0  }
0xc2: {  	[sflag:s22] =	ssyncadd.s32 $0xFFFFC000  }
0xc3: {  	[hbm4b:s16+s3] =	stream.linear.scatter [tilespmem:s21], [sflag:$0x2], $0x4000, $0x38;
	[tilespmem:$0x1A980] =	vst v63  }
0xc4: {  	_ =	swait.ge [sflag:s22], $0x4000  }
0xc5: {  	[sflag:s22] =	ssyncset.done $0x0  }
0xc6: {  	[sflag:s22] =	ssyncadd.s32 $0xFFFFC000  }
0xc7: {  	[tilespmem:s21], [sflag:$0x2] =	stream.linear.gather [spmem:s11], $0x4000, $0x38;
	[tilespmem:$0x1A980] =	vst v63  }
0xc8: {  	_ =	swait.ge [sflag:s22], $0x4000  }
0xc9: {  	[sflag:s22] =	ssyncset.done $0x0  }
0xca: {  	[sflag:s22] =	ssyncadd.s32 $0xFFFFC000  }
0xcb: {  	[hbm4b:s17+s3] =	stream.linear.scatter [tilespmem:s21], [sflag:$0x2], $0x4000, $0x38;
	[tilespmem:$0x1A980] =	vst v63  }
0xcc: {  	_ =	swait.ge [sflag:s22], $0x4000  }
0xcd: {  	[sflag:s22] =	ssyncset.done $0x0  }
0xce: {  	[sflag:s22] =	ssyncadd.s32 $0xFFFFC000  }
0xcf: {  	[tilespmem:s21], [sflag:$0x2] =	stream.linear.gather [spmem:s12], $0x4000, $0x38;
	[tilespmem:$0x1A980] =	vst v63  }
0xd0: {  	_ =	swait.ge [sflag:s22], $0x4000  }
0xd1: {  	[sflag:s22] =	ssyncset.done $0x0  }
0xd2: {  	[sflag:s22] =	ssyncadd.s32 $0xFFFFC000  }
0xd3: {  	[hbm4b:s18+s3] =	stream.linear.scatter [tilespmem:s21], [sflag:$0x2], $0x4000, $0x38;
	[tilespmem:$0x1A980] =	vst v63  }
0xd4: {  	_ =	swait.ge [sflag:s22], $0x4000  }
0xd5: {  	[sflag:s22] =	ssyncset.done $0x0  }
0xd6: {  	[sflag:s22] =	ssyncadd.s32 $0xFFFFC000  }
0xd7: {  	[tilespmem:s21], [sflag:$0x2] =	stream.linear.gather [spmem:s13], $0x4000, $0x38;
	[tilespmem:$0x1A980] =	vst v63  }
0xd8: {  	s29 =	sadd.s32 $0x1, s29;
	_ =	swait.ge [sflag:s22], $0x4000  }
0xd9: {  	p0 =	sne.s32 s29, s20;
	[sflag:s22] =	ssyncset.done $0x0  }
.Ltmp3:
0xda: {  	[sflag:s22] =	ssyncadd.s32 $0xFFFFC000;
	(pc) =	sbr.rel @p0 .LBB2_1-.Ltmp3, $4  }
0xdb: {  	[hbm4b:s19+s3] =	stream.linear.scatter [tilespmem:s21], [sflag:$0x2], $0x4000, $0x38;
	[tilespmem:$0x1A980] =	vst v63  }
0xdc: {  	_ =	swait.ge [sflag:s22], $0x4000  }
0xdd: {  	[sflag:s22] =	ssyncset.done $0x0  }
0xde: {  	[sflag:s22] =	ssyncadd.s32 $0xFFFFC000  }
0xdf: {  	_ =	sfence.sel $0x180000  }
0xe0: {  	[bflag:$0x0] =	sbarrier.arrive $0xFFFF  }
0xe1: {  	_ =	strace $0x90000056  }
0xe2: {  	s0 =	stileid.u32;
	[bflag:$0x2] =	sbarrier.arrive $0xFFFF  }
0xe3: {  	p0 =	sne.s32 s0, $0x0;
	s0 =	rddreg [dreg:$0x3]  }
0xe4: {  	s0 =	sadd.s32 @!p0 $0x100000, s0  }
0xe5: {  	[sflag:s0] =	ssyncadd.tile.s32 @!p0 $0x1;
	_ =	shalt  }
.Lfunc_end2:
_tile_overlayer_lowered:
.L_overlay_start_2:
0xe6: {  	(tag) =	ssettag $0x2  }
0xe7: {  	s0 =	rddreg [dreg:$0x0];
	s2 =	stileid.u32  }
0xe8: {  	s1 =	rddreg [dreg:$0x1];
	p0 =	sne.s32 s2, $0x0  }
0xe9: {  	s3 =	rddreg [dreg:$0x2];
	[bflag:$0x3] =	sbarrier.arrive $0xFFFF;
	s2 =	simm.s32 @!p0 $0x1C02  }
0xea: {  	[timem:s3], [sflag:s2] =	dma.local @!p0 [hbm:s0], s1  }
0xeb: {  	s0 =	simm.s32 @!p0 $0x2  }
0xec: {  	_ =	swait.ge @!p0 [sflag:s0], s1  }
0xed: {  	s1 =	ssub.s32 @!p0 $0x0, s1;
	[sflag:s0] =	ssyncset.done @!p0 $0x0  }
0xee: {  	[sflag:s0] =	ssyncadd.s32 @!p0 s1  }
0xef: {  	[bflag:$0x3] =	sbarrier.arrive $0xFFFF  }
0xf0: {  	_ =	shalt  }

</sc_bundles>
